<compile_context>
chip_gen: v7x
topology: tpu7x:2x2x1
jax: 0.10.2.dev20260603
libtpu: 0.0.44.dev20260713+nightly
codegen_flags: <defaults>
</compile_context>

<pallas_src>
import functools

import jax
import jax.numpy as jnp
from jax import lax
from jax.experimental import pallas as pl
from jax.experimental.pallas import tpu as pltpu
from jax.experimental.pallas import tpu_sc as plsc

_VOCAB = 100000
_EMBED = 128
_BATCH = 4096
_SEQ = 200

_NC = 2
_NS = 16
_NW = _NC * _NS

_NCHUNK = 8
_CB = _BATCH // _NCHUNK
_IDX_CHUNK = _CB * _SEQ
_PER_W = _IDX_CHUNK // _NW
_ROWS = 128
_GATHERS = _PER_W // _ROWS

_BB = 64
_STEPS = _CB // _BB


def _sc_gather(x3d, W):
    mesh = plsc.VectorSubcoreMesh(core_axis_name="c", subcore_axis_name="s")

    @functools.partial(
        pl.kernel,
        mesh=mesh,
        out_type=jax.ShapeDtypeStruct((_IDX_CHUNK, _EMBED), jnp.float32),
        scratch_types=[
            pltpu.VMEM((_GATHERS, _ROWS), jnp.int32),
            pltpu.VMEM((2, _ROWS, _EMBED), jnp.float32),
            pltpu.SemaphoreType.DMA,
            pltpu.SemaphoreType.DMA,
        ],
    )
    def k(x_hbm, w_hbm, out_hbm, idx_v, rows_v, sem0, sem1):
        wid = lax.axis_index("s") * _NC + lax.axis_index("c")
        pltpu.sync_copy(x_hbm.at[wid], idx_v)
        base = wid * _PER_W

        def _out(j):
            return out_hbm.at[pl.ds(base + j * _ROWS, _ROWS)]

        pltpu.async_copy(w_hbm.at[idx_v.at[0]], rows_v.at[0], sem0)

        def body(i, carry):
            j0 = 2 * i
            pltpu.async_copy(w_hbm.at[idx_v.at[j0 + 1]], rows_v.at[1], sem1)
            pltpu.make_async_copy(
                w_hbm.at[idx_v.at[j0]], rows_v.at[0], sem0
            ).wait()
            pltpu.sync_copy(rows_v.at[0], _out(j0))
            pltpu.async_copy(w_hbm.at[idx_v.at[j0 + 2]], rows_v.at[0], sem0)
            pltpu.make_async_copy(
                w_hbm.at[idx_v.at[j0 + 1]], rows_v.at[1], sem1
            ).wait()
            pltpu.sync_copy(rows_v.at[1], _out(j0 + 1))
            return carry

        lax.fori_loop(0, (_GATHERS - 1) // 2, body, 0)
        pltpu.make_async_copy(
            w_hbm.at[idx_v.at[_GATHERS - 1]], rows_v.at[0], sem0
        ).wait()
        pltpu.sync_copy(rows_v.at[0], _out(_GATHERS - 1))

    return k(x3d, W)


def _tc_transpose_chunk(acc, G, kidx):

    if acc is None:
        def body0(g_ref, o_ref):
            o_ref[...] = jnp.swapaxes(g_ref[...], 1, 2)

        return pl.pallas_call(
            body0,
            grid=(_STEPS,),
            in_specs=[
                pl.BlockSpec((_BB, _SEQ, _EMBED), lambda i: (i, 0, 0)),
            ],
            out_specs=pl.BlockSpec(
                (_BB, _EMBED, _SEQ), lambda i, k=kidx: (k * _STEPS + i, 0, 0)
            ),
            out_shape=jax.ShapeDtypeStruct((_BATCH, _EMBED, _SEQ), jnp.float32),
        )(G)

    def body(_, g_ref, o_ref):
        o_ref[...] = jnp.swapaxes(g_ref[...], 1, 2)

    return pl.pallas_call(
        body,
        grid=(_STEPS,),
        in_specs=[
            pl.BlockSpec(memory_space=pl.ANY),
            pl.BlockSpec((_BB, _SEQ, _EMBED), lambda i: (i, 0, 0)),
        ],
        out_specs=pl.BlockSpec(
            (_BB, _EMBED, _SEQ), lambda i, k=kidx: (k * _STEPS + i, 0, 0)
        ),
        out_shape=jax.ShapeDtypeStruct((_BATCH, _EMBED, _SEQ), jnp.float32),
        input_output_aliases={0: 0},
    )(acc, G)


def kernel(x, W):
    x3 = x.reshape(_NCHUNK, _NW, _GATHERS, _ROWS)
    acc = None
    for k in range(_NCHUNK):
        G = _sc_gather(x3[k], W)
        acc = _tc_transpose_chunk(acc, G.reshape(_CB, _SEQ, _EMBED), k)
    return acc

# --- scband reference (transcript-rebuilt; emitter-appended) ---
"""Pipeline reference for scband-multi-channel-embedding-28286654611845 (READ-ONLY COPY).

The authoritative reference and input builder live on the scoring server;
editing this copy changes nothing except your own understanding.
"""

import jax, jax.numpy as jnp
import numpy as np

VOCAB = 100000
EMBED = 128
BATCH = 4096
SEQ = 200
PAD_INDEX = 0

def setup_inputs(seed: int = 0) -> dict:
    key = jax.random.key(seed)
    k1, k2 = jax.random.split(key)
    x = jax.random.randint(k1, (BATCH, SEQ), 0, VOCAB, dtype=jnp.int64 if jax.config.jax_enable_x64 else jnp.int32).astype(jnp.int32)
    # nn.Embedding default init: N(0,1); padding_idx row zeroed
    W = jax.random.normal(k2, (VOCAB, EMBED), dtype=jnp.float32)
    W = W.at[PAD_INDEX].set(0.0)
    return {"x": x, "W": W}

def reference(x, W):
    # static = Embedding(x) -> [B, L, D]; permute(0, 2, 1) -> [B, D, L]; .float()
    emb = jnp.take(W, x, axis=0)
    static = jnp.transpose(emb, (0, 2, 1)).astype(jnp.float32)
    return static

if __name__ == "__main__":
    import jax
    _d = setup_inputs()
    print(jax.jit(kernel)(*tuple(_d.values())))

</pallas_src>

<mosaic_0001>
#map = affine_map<(d0, d1) -> (0, 0, 0)>
#map1 = affine_map<(d0, d1) -> (0, 0)>
module attributes {stable_mosaic.version = 14 : i64} {
  func.func @k(%arg0: i32, %arg1: i32, %arg2: memref<32x25x128xi32, #tpu.memory_space<hbm>>, %arg3: memref<100000x128xf32, #tpu.memory_space<hbm>>, %arg4: memref<102400x128xf32, #tpu.memory_space<hbm>>, %arg5: memref<25x128xi32, #tpu.memory_space<vmem>>, %arg6: memref<2x128x128xf32, #tpu.memory_space<vmem>>, %arg7: memref<!tpu.dma_semaphore, #tpu.memory_space<semaphore_mem>>, %arg8: memref<!tpu.dma_semaphore, #tpu.memory_space<semaphore_mem>>) attributes {dimension_semantics = [#tpu.dimension_semantics<core_parallel>, #tpu.dimension_semantics<subcore_parallel>], iteration_bounds = array<i64: 2, 16>, scalar_prefetch = 0 : i64, scratch_operands = 4 : i64, tpu.core_type = #tpu.core_type<sc_vector_subcore>, window_params = [{transform_indices = #map}, {transform_indices = #map1}, {transform_indices = #map1}]} {
    %mul3A = arith.constant 2 : i32
    %mul3A_0 = arith.muli %arg1, %mul3A : i32
    %add3A = arith.addi %mul3A_0, %arg0 : i32
    "tpu.region"() ({
      %run_scoped3A_32 = tpu.sem_alloc : memref<!tpu.dma_semaphore, #tpu.memory_space<semaphore_mem>>
      %dma_start3A_33 = arith.constant 0 : i32
      %dma_start3A_34 = arith.constant 0 : i32
      %dma_start3A_35 = tpu.memref_slice %arg2[%add3A, %dma_start3A_33, %dma_start3A_34] : memref<32x25x128xi32, #tpu.memory_space<hbm>> -> memref<1x25x128xi32, #tpu.memory_space<hbm>>
      %dma_start3A_36 = tpu.memref_squeeze %dma_start3A_35 : memref<1x25x128xi32, #tpu.memory_space<hbm>> -> memref<25x128xi32, #tpu.memory_space<hbm>>
      %dma_start3A_37 = arith.constant 0 : i32
      %dma_start3A_38 = arith.constant 0 : i32
      %dma_start3A_39 = tpu.memref_slice %arg2[%add3A, %dma_start3A_37, %dma_start3A_38] : memref<32x25x128xi32, #tpu.memory_space<hbm>> -> memref<1x25x128xi32, #tpu.memory_space<hbm>>
      %dma_start3A_40 = tpu.memref_squeeze %dma_start3A_39 : memref<1x25x128xi32, #tpu.memory_space<hbm>> -> memref<25x128xi32, #tpu.memory_space<hbm>>
      tpu.enqueue_dma source(%dma_start3A_40 : memref<25x128xi32, #tpu.memory_space<hbm>>) target(%arg5 : memref<25x128xi32, #tpu.memory_space<vmem>>) target_semaphore(%run_scoped3A_32 : memref<!tpu.dma_semaphore, #tpu.memory_space<semaphore_mem>>)
      %dma_wait3A_41 = arith.constant 0 : i32
      %dma_wait3A_42 = arith.constant 0 : i32
      %dma_wait3A_43 = tpu.memref_slice %arg2[%add3A, %dma_wait3A_41, %dma_wait3A_42] : memref<32x25x128xi32, #tpu.memory_space<hbm>> -> memref<1x25x128xi32, #tpu.memory_space<hbm>>
      %dma_wait3A_44 = tpu.memref_squeeze %dma_wait3A_43 : memref<1x25x128xi32, #tpu.memory_space<hbm>> -> memref<25x128xi32, #tpu.memory_space<hbm>>
      %dma_wait3A_45 = arith.constant 0 : i32
      %dma_wait3A_46 = arith.constant 0 : i32
      %dma_wait3A_47 = tpu.memref_slice %arg2[%add3A, %dma_wait3A_45, %dma_wait3A_46] : memref<32x25x128xi32, #tpu.memory_space<hbm>> -> memref<1x25x128xi32, #tpu.memory_space<hbm>>
      %dma_wait3A_48 = tpu.memref_squeeze %dma_wait3A_47 : memref<1x25x128xi32, #tpu.memory_space<hbm>> -> memref<25x128xi32, #tpu.memory_space<hbm>>
      tpu.wait_dma2 semaphore(%run_scoped3A_32 : memref<!tpu.dma_semaphore, #tpu.memory_space<semaphore_mem>>) src(%dma_wait3A_48 : memref<25x128xi32, #tpu.memory_space<hbm>>) dst(%arg5 : memref<25x128xi32, #tpu.memory_space<vmem>>)
      tpu.yield
    }) : () -> ()
    %mul3A_1 = arith.constant 3200 : i32
    %mul3A_2 = arith.muli %add3A, %mul3A_1 : i32
    %dma_start3A = arith.constant 0 : i32
    %dma_start3A_3 = arith.constant 0 : i32
    %dma_start3A_4 = arith.constant 0 : i32
    %dma_start3A_5 = arith.constant 0 : i32
    %dma_start3A_6 = tpu.memref_slice %arg6[%dma_start3A_3, %dma_start3A_4, %dma_start3A_5] : memref<2x128x128xf32, #tpu.memory_space<vmem>> -> memref<1x128x128xf32, #tpu.memory_space<vmem>>
    %dma_start3A_7 = tpu.memref_squeeze %dma_start3A_6 : memref<1x128x128xf32, #tpu.memory_space<vmem>> -> memref<128x128xf32, #tpu.memory_space<vmem>>
    %dma_start3A_8 = arith.constant 0 : i32
    %dma_start3A_9 = tpu.memref_slice %arg5[%dma_start3A, %dma_start3A_8] : memref<25x128xi32, #tpu.memory_space<vmem>> -> memref<1x128xi32, #tpu.memory_space<vmem>>
    %dma_start3A_10 = tpu.memref_squeeze %dma_start3A_9 : memref<1x128xi32, #tpu.memory_space<vmem>> -> memref<128xi32, #tpu.memory_space<vmem>>
    %dma_start3A_11 = arith.constant 0 : i32
    %dma_start3A_12 = arith.constant 0 : i32
    %dma_start3A_13 = tpu.memref_slice %arg3[%dma_start3A_11, %dma_start3A_12] : memref<100000x128xf32, #tpu.memory_space<hbm>> -> memref<100000x128xf32, #tpu.memory_space<hbm>>
    tpu.enqueue_indirect_dma source(%dma_start3A_13 : memref<100000x128xf32, #tpu.memory_space<hbm>>) target(%dma_start3A_7 : memref<128x128xf32, #tpu.memory_space<vmem>>) offsets(%dma_start3A_10 : memref<128xi32, #tpu.memory_space<vmem>>) semaphore(%arg7 : memref<!tpu.dma_semaphore, #tpu.memory_space<semaphore_mem>>)
    %scan3A = arith.constant 0 : i32
    %scan3A_14 = arith.constant 0 : i32
    %scan3A_15 = arith.constant 12 : i32
    %scan3A_16 = arith.addi %scan3A_14, %scan3A_15 : i32
    %scan3A_17 = arith.constant 1 : i32
    scf.for %scan3A_32 = %scan3A_14 to %scan3A_16 step %scan3A_17  : i32 {
      %mul3A_33 = arith.constant 2 : i32
      %mul3A_34 = arith.muli %mul3A_33, %scan3A_32 : i32
      %add3A_35 = arith.constant 1 : i32
      %add3A_36 = arith.addi %mul3A_34, %add3A_35 : i32
      %dma_start3A_37 = arith.constant 1 : i32
      %dma_start3A_38 = arith.constant 0 : i32
      %dma_start3A_39 = arith.constant 0 : i32
      %dma_start3A_40 = tpu.memref_slice %arg6[%dma_start3A_37, %dma_start3A_38, %dma_start3A_39] : memref<2x128x128xf32, #tpu.memory_space<vmem>> -> memref<1x128x128xf32, #tpu.memory_space<vmem>>
      %dma_start3A_41 = tpu.memref_squeeze %dma_start3A_40 : memref<1x128x128xf32, #tpu.memory_space<vmem>> -> memref<128x128xf32, #tpu.memory_space<vmem>>
      %dma_start3A_42 = arith.constant 0 : i32
      %dma_start3A_43 = tpu.memref_slice %arg5[%add3A_36, %dma_start3A_42] : memref<25x128xi32, #tpu.memory_space<vmem>> -> memref<1x128xi32, #tpu.memory_space<vmem>>
      %dma_start3A_44 = tpu.memref_squeeze %dma_start3A_43 : memref<1x128xi32, #tpu.memory_space<vmem>> -> memref<128xi32, #tpu.memory_space<vmem>>
      %dma_start3A_45 = arith.constant 0 : i32
      %dma_start3A_46 = arith.constant 0 : i32
      %dma_start3A_47 = tpu.memref_slice %arg3[%dma_start3A_45, %dma_start3A_46] : memref<100000x128xf32, #tpu.memory_space<hbm>> -> memref<100000x128xf32, #tpu.memory_space<hbm>>
      tpu.enqueue_indirect_dma source(%dma_start3A_47 : memref<100000x128xf32, #tpu.memory_space<hbm>>) target(%dma_start3A_41 : memref<128x128xf32, #tpu.memory_space<vmem>>) offsets(%dma_start3A_44 : memref<128xi32, #tpu.memory_space<vmem>>) semaphore(%arg8 : memref<!tpu.dma_semaphore, #tpu.memory_space<semaphore_mem>>)
      %dma_wait3A_48 = arith.constant 0 : i32
      %dma_wait3A_49 = arith.constant 0 : i32
      %dma_wait3A_50 = arith.constant 0 : i32
      %dma_wait3A_51 = tpu.memref_slice %arg6[%dma_wait3A_48, %dma_wait3A_49, %dma_wait3A_50] : memref<2x128x128xf32, #tpu.memory_space<vmem>> -> memref<1x128x128xf32, #tpu.memory_space<vmem>>
      %dma_wait3A_52 = tpu.memref_squeeze %dma_wait3A_51 : memref<1x128x128xf32, #tpu.memory_space<vmem>> -> memref<128x128xf32, #tpu.memory_space<vmem>>
      %dma_wait3A_53 = arith.constant 0 : i32
      %dma_wait3A_54 = tpu.memref_slice %arg5[%mul3A_34, %dma_wait3A_53] : memref<25x128xi32, #tpu.memory_space<vmem>> -> memref<1x128xi32, #tpu.memory_space<vmem>>
      %dma_wait3A_55 = tpu.memref_squeeze %dma_wait3A_54 : memref<1x128xi32, #tpu.memory_space<vmem>> -> memref<128xi32, #tpu.memory_space<vmem>>
      %dma_wait3A_56 = arith.constant 0 : i32
      %dma_wait3A_57 = arith.constant 0 : i32
      %dma_wait3A_58 = tpu.memref_slice %arg3[%dma_wait3A_56, %dma_wait3A_57] : memref<100000x128xf32, #tpu.memory_space<hbm>> -> memref<100000x128xf32, #tpu.memory_space<hbm>>
      tpu.wait_indirect_dma semaphore(%arg7 : memref<!tpu.dma_semaphore, #tpu.memory_space<semaphore_mem>>) src(%dma_wait3A_58 : memref<100000x128xf32, #tpu.memory_space<hbm>>) dst(%dma_wait3A_52 : memref<128x128xf32, #tpu.memory_space<vmem>>)
      %mul3A_59 = arith.constant 128 : i32
      %mul3A_60 = arith.muli %mul3A_34, %mul3A_59 : i32
      %add3A_61 = arith.addi %mul3A_2, %mul3A_60 : i32
      %run_scoped3A_62 = arith.constant 0 : i32
      "tpu.region"() ({
        %run_scoped3A_95 = tpu.sem_alloc : memref<!tpu.dma_semaphore, #tpu.memory_space<semaphore_mem>>
        %dma_start3A_96 = arith.constant 0 : i32
        %dma_start3A_97 = arith.constant 0 : i32
        %dma_start3A_98 = tpu.memref_slice %arg6[%run_scoped3A_62, %dma_start3A_96, %dma_start3A_97] : memref<2x128x128xf32, #tpu.memory_space<vmem>> -> memref<1x128x128xf32, #tpu.memory_space<vmem>>
        %dma_start3A_99 = tpu.memref_squeeze %dma_start3A_98 : memref<1x128x128xf32, #tpu.memory_space<vmem>> -> memref<128x128xf32, #tpu.memory_space<vmem>>
        %dma_start3A_100 = arith.constant 0 : i32
        %dma_start3A_101 = tpu.memref_slice %arg4[%add3A_61, %dma_start3A_100] : memref<102400x128xf32, #tpu.memory_space<hbm>> -> memref<128x128xf32, #tpu.memory_space<hbm>>
        %dma_start3A_102 = arith.constant 0 : i32
        %dma_start3A_103 = tpu.memref_slice %arg4[%add3A_61, %dma_start3A_102] : memref<102400x128xf32, #tpu.memory_space<hbm>> -> memref<128x128xf32, #tpu.memory_space<hbm>>
        %dma_start3A_104 = arith.constant 0 : i32
        %dma_start3A_105 = arith.constant 0 : i32
        %dma_start3A_106 = tpu.memref_slice %arg6[%run_scoped3A_62, %dma_start3A_104, %dma_start3A_105] : memref<2x128x128xf32, #tpu.memory_space<vmem>> -> memref<1x128x128xf32, #tpu.memory_space<vmem>>
        %dma_start3A_107 = tpu.memref_squeeze %dma_start3A_106 : memref<1x128x128xf32, #tpu.memory_space<vmem>> -> memref<128x128xf32, #tpu.memory_space<vmem>>
        tpu.enqueue_dma source(%dma_start3A_107 : memref<128x128xf32, #tpu.memory_space<vmem>>) target(%dma_start3A_103 : memref<128x128xf32, #tpu.memory_space<hbm>>) target_semaphore(%run_scoped3A_95 : memref<!tpu.dma_semaphore, #tpu.memory_space<semaphore_mem>>)
        %dma_wait3A_108 = arith.constant 0 : i32
        %dma_wait3A_109 = arith.constant 0 : i32
        %dma_wait3A_110 = tpu.memref_slice %arg6[%run_scoped3A_62, %dma_wait3A_108, %dma_wait3A_109] : memref<2x128x128xf32, #tpu.memory_space<vmem>> -> memref<1x128x128xf32, #tpu.memory_space<vmem>>
        %dma_wait3A_111 = tpu.memref_squeeze %dma_wait3A_110 : memref<1x128x128xf32, #tpu.memory_space<vmem>> -> memref<128x128xf32, #tpu.memory_space<vmem>>
        %dma_wait3A_112 = arith.constant 0 : i32
        %dma_wait3A_113 = tpu.memref_slice %arg4[%add3A_61, %dma_wait3A_112] : memref<102400x128xf32, #tpu.memory_space<hbm>> -> memref<128x128xf32, #tpu.memory_space<hbm>>
        %dma_wait3A_114 = arith.constant 0 : i32
        %dma_wait3A_115 = tpu.memref_slice %arg4[%add3A_61, %dma_wait3A_114] : memref<102400x128xf32, #tpu.memory_space<hbm>> -> memref<128x128xf32, #tpu.memory_space<hbm>>
        %dma_wait3A_116 = arith.constant 0 : i32
        %dma_wait3A_117 = arith.constant 0 : i32
        %dma_wait3A_118 = tpu.memref_slice %arg6[%run_scoped3A_62, %dma_wait3A_116, %dma_wait3A_117] : memref<2x128x128xf32, #tpu.memory_space<vmem>> -> memref<1x128x128xf32, #tpu.memory_space<vmem>>
        %dma_wait3A_119 = tpu.memref_squeeze %dma_wait3A_118 : memref<1x128x128xf32, #tpu.memory_space<vmem>> -> memref<128x128xf32, #tpu.memory_space<vmem>>
        tpu.wait_dma2 semaphore(%run_scoped3A_95 : memref<!tpu.dma_semaphore, #tpu.memory_space<semaphore_mem>>) src(%dma_wait3A_119 : memref<128x128xf32, #tpu.memory_space<vmem>>) dst(%dma_wait3A_115 : memref<128x128xf32, #tpu.memory_space<hbm>>)
        tpu.yield
      }) : () -> ()
      %add3A_63 = arith.constant 2 : i32
      %add3A_64 = arith.addi %mul3A_34, %add3A_63 : i32
      %dma_start3A_65 = arith.constant 0 : i32
      %dma_start3A_66 = arith.constant 0 : i32
      %dma_start3A_67 = arith.constant 0 : i32
      %dma_start3A_68 = tpu.memref_slice %arg6[%dma_start3A_65, %dma_start3A_66, %dma_start3A_67] : memref<2x128x128xf32, #tpu.memory_space<vmem>> -> memref<1x128x128xf32, #tpu.memory_space<vmem>>
      %dma_start3A_69 = tpu.memref_squeeze %dma_start3A_68 : memref<1x128x128xf32, #tpu.memory_space<vmem>> -> memref<128x128xf32, #tpu.memory_space<vmem>>
      %dma_start3A_70 = arith.constant 0 : i32
      %dma_start3A_71 = tpu.memref_slice %arg5[%add3A_64, %dma_start3A_70] : memref<25x128xi32, #tpu.memory_space<vmem>> -> memref<1x128xi32, #tpu.memory_space<vmem>>
      %dma_start3A_72 = tpu.memref_squeeze %dma_start3A_71 : memref<1x128xi32, #tpu.memory_space<vmem>> -> memref<128xi32, #tpu.memory_space<vmem>>
      %dma_start3A_73 = arith.constant 0 : i32
      %dma_start3A_74 = arith.constant 0 : i32
      %dma_start3A_75 = tpu.memref_slice %arg3[%dma_start3A_73, %dma_start3A_74] : memref<100000x128xf32, #tpu.memory_space<hbm>> -> memref<100000x128xf32, #tpu.memory_space<hbm>>
      tpu.enqueue_indirect_dma source(%dma_start3A_75 : memref<100000x128xf32, #tpu.memory_space<hbm>>) target(%dma_start3A_69 : memref<128x128xf32, #tpu.memory_space<vmem>>) offsets(%dma_start3A_72 : memref<128xi32, #tpu.memory_space<vmem>>) semaphore(%arg7 : memref<!tpu.dma_semaphore, #tpu.memory_space<semaphore_mem>>)
      %add3A_76 = arith.constant 1 : i32
      %add3A_77 = arith.addi %mul3A_34, %add3A_76 : i32
      %dma_wait3A_78 = arith.constant 1 : i32
      %dma_wait3A_79 = arith.constant 0 : i32
      %dma_wait3A_80 = arith.constant 0 : i32
      %dma_wait3A_81 = tpu.memref_slice %arg6[%dma_wait3A_78, %dma_wait3A_79, %dma_wait3A_80] : memref<2x128x128xf32, #tpu.memory_space<vmem>> -> memref<1x128x128xf32, #tpu.memory_space<vmem>>
      %dma_wait3A_82 = tpu.memref_squeeze %dma_wait3A_81 : memref<1x128x128xf32, #tpu.memory_space<vmem>> -> memref<128x128xf32, #tpu.memory_space<vmem>>
      %dma_wait3A_83 = arith.constant 0 : i32
      %dma_wait3A_84 = tpu.memref_slice %arg5[%add3A_77, %dma_wait3A_83] : memref<25x128xi32, #tpu.memory_space<vmem>> -> memref<1x128xi32, #tpu.memory_space<vmem>>
      %dma_wait3A_85 = tpu.memref_squeeze %dma_wait3A_84 : memref<1x128xi32, #tpu.memory_space<vmem>> -> memref<128xi32, #tpu.memory_space<vmem>>
      %dma_wait3A_86 = arith.constant 0 : i32
      %dma_wait3A_87 = arith.constant 0 : i32
      %dma_wait3A_88 = tpu.memref_slice %arg3[%dma_wait3A_86, %dma_wait3A_87] : memref<100000x128xf32, #tpu.memory_space<hbm>> -> memref<100000x128xf32, #tpu.memory_space<hbm>>
      tpu.wait_indirect_dma semaphore(%arg8 : memref<!tpu.dma_semaphore, #tpu.memory_space<semaphore_mem>>) src(%dma_wait3A_88 : memref<100000x128xf32, #tpu.memory_space<hbm>>) dst(%dma_wait3A_82 : memref<128x128xf32, #tpu.memory_space<vmem>>)
      %add3A_89 = arith.constant 1 : i32
      %add3A_90 = arith.addi %mul3A_34, %add3A_89 : i32
      %mul3A_91 = arith.constant 128 : i32
      %mul3A_92 = arith.muli %add3A_90, %mul3A_91 : i32
      %add3A_93 = arith.addi %mul3A_2, %mul3A_92 : i32
      %run_scoped3A_94 = arith.constant 1 : i32
      "tpu.region"() ({
        %run_scoped3A_95 = tpu.sem_alloc : memref<!tpu.dma_semaphore, #tpu.memory_space<semaphore_mem>>
        %dma_start3A_96 = arith.constant 0 : i32
        %dma_start3A_97 = arith.constant 0 : i32
        %dma_start3A_98 = tpu.memref_slice %arg6[%run_scoped3A_94, %dma_start3A_96, %dma_start3A_97] : memref<2x128x128xf32, #tpu.memory_space<vmem>> -> memref<1x128x128xf32, #tpu.memory_space<vmem>>
        %dma_start3A_99 = tpu.memref_squeeze %dma_start3A_98 : memref<1x128x128xf32, #tpu.memory_space<vmem>> -> memref<128x128xf32, #tpu.memory_space<vmem>>
        %dma_start3A_100 = arith.constant 0 : i32
        %dma_start3A_101 = tpu.memref_slice %arg4[%add3A_93, %dma_start3A_100] : memref<102400x128xf32, #tpu.memory_space<hbm>> -> memref<128x128xf32, #tpu.memory_space<hbm>>
        %dma_start3A_102 = arith.constant 0 : i32
        %dma_start3A_103 = tpu.memref_slice %arg4[%add3A_93, %dma_start3A_102] : memref<102400x128xf32, #tpu.memory_space<hbm>> -> memref<128x128xf32, #tpu.memory_space<hbm>>
        %dma_start3A_104 = arith.constant 0 : i32
        %dma_start3A_105 = arith.constant 0 : i32
        %dma_start3A_106 = tpu.memref_slice %arg6[%run_scoped3A_94, %dma_start3A_104, %dma_start3A_105] : memref<2x128x128xf32, #tpu.memory_space<vmem>> -> memref<1x128x128xf32, #tpu.memory_space<vmem>>
        %dma_start3A_107 = tpu.memref_squeeze %dma_start3A_106 : memref<1x128x128xf32, #tpu.memory_space<vmem>> -> memref<128x128xf32, #tpu.memory_space<vmem>>
        tpu.enqueue_dma source(%dma_start3A_107 : memref<128x128xf32, #tpu.memory_space<vmem>>) target(%dma_start3A_103 : memref<128x128xf32, #tpu.memory_space<hbm>>) target_semaphore(%run_scoped3A_95 : memref<!tpu.dma_semaphore, #tpu.memory_space<semaphore_mem>>)
        %dma_wait3A_108 = arith.constant 0 : i32
        %dma_wait3A_109 = arith.constant 0 : i32
        %dma_wait3A_110 = tpu.memref_slice %arg6[%run_scoped3A_94, %dma_wait3A_108, %dma_wait3A_109] : memref<2x128x128xf32, #tpu.memory_space<vmem>> -> memref<1x128x128xf32, #tpu.memory_space<vmem>>
        %dma_wait3A_111 = tpu.memref_squeeze %dma_wait3A_110 : memref<1x128x128xf32, #tpu.memory_space<vmem>> -> memref<128x128xf32, #tpu.memory_space<vmem>>
        %dma_wait3A_112 = arith.constant 0 : i32
        %dma_wait3A_113 = tpu.memref_slice %arg4[%add3A_93, %dma_wait3A_112] : memref<102400x128xf32, #tpu.memory_space<hbm>> -> memref<128x128xf32, #tpu.memory_space<hbm>>
        %dma_wait3A_114 = arith.constant 0 : i32
        %dma_wait3A_115 = tpu.memref_slice %arg4[%add3A_93, %dma_wait3A_114] : memref<102400x128xf32, #tpu.memory_space<hbm>> -> memref<128x128xf32, #tpu.memory_space<hbm>>
        %dma_wait3A_116 = arith.constant 0 : i32
        %dma_wait3A_117 = arith.constant 0 : i32
        %dma_wait3A_118 = tpu.memref_slice %arg6[%run_scoped3A_94, %dma_wait3A_116, %dma_wait3A_117] : memref<2x128x128xf32, #tpu.memory_space<vmem>> -> memref<1x128x128xf32, #tpu.memory_space<vmem>>
        %dma_wait3A_119 = tpu.memref_squeeze %dma_wait3A_118 : memref<1x128x128xf32, #tpu.memory_space<vmem>> -> memref<128x128xf32, #tpu.memory_space<vmem>>
        tpu.wait_dma2 semaphore(%run_scoped3A_95 : memref<!tpu.dma_semaphore, #tpu.memory_space<semaphore_mem>>) src(%dma_wait3A_119 : memref<128x128xf32, #tpu.memory_space<vmem>>) dst(%dma_wait3A_115 : memref<128x128xf32, #tpu.memory_space<hbm>>)
        tpu.yield
      }) : () -> ()
    }
    %scan3A_18 = arith.constant 12 : i32
    %dma_wait3A = arith.constant 24 : i32
    %dma_wait3A_19 = arith.constant 0 : i32
    %dma_wait3A_20 = arith.constant 0 : i32
    %dma_wait3A_21 = arith.constant 0 : i32
    %dma_wait3A_22 = tpu.memref_slice %arg6[%dma_wait3A_19, %dma_wait3A_20, %dma_wait3A_21] : memref<2x128x128xf32, #tpu.memory_space<vmem>> -> memref<1x128x128xf32, #tpu.memory_space<vmem>>
    %dma_wait3A_23 = tpu.memref_squeeze %dma_wait3A_22 : memref<1x128x128xf32, #tpu.memory_space<vmem>> -> memref<128x128xf32, #tpu.memory_space<vmem>>
    %dma_wait3A_24 = arith.constant 0 : i32
    %dma_wait3A_25 = tpu.memref_slice %arg5[%dma_wait3A, %dma_wait3A_24] : memref<25x128xi32, #tpu.memory_space<vmem>> -> memref<1x128xi32, #tpu.memory_space<vmem>>
    %dma_wait3A_26 = tpu.memref_squeeze %dma_wait3A_25 : memref<1x128xi32, #tpu.memory_space<vmem>> -> memref<128xi32, #tpu.memory_space<vmem>>
    %dma_wait3A_27 = arith.constant 0 : i32
    %dma_wait3A_28 = arith.constant 0 : i32
    %dma_wait3A_29 = tpu.memref_slice %arg3[%dma_wait3A_27, %dma_wait3A_28] : memref<100000x128xf32, #tpu.memory_space<hbm>> -> memref<100000x128xf32, #tpu.memory_space<hbm>>
    tpu.wait_indirect_dma semaphore(%arg7 : memref<!tpu.dma_semaphore, #tpu.memory_space<semaphore_mem>>) src(%dma_wait3A_29 : memref<100000x128xf32, #tpu.memory_space<hbm>>) dst(%dma_wait3A_23 : memref<128x128xf32, #tpu.memory_space<vmem>>)
    %add3A_30 = arith.constant 3072 : i32
    %add3A_31 = arith.addi %mul3A_2, %add3A_30 : i32
    %run_scoped3A = arith.constant 0 : i32
    "tpu.region"() ({
      %run_scoped3A_32 = tpu.sem_alloc : memref<!tpu.dma_semaphore, #tpu.memory_space<semaphore_mem>>
      %dma_start3A_33 = arith.constant 0 : i32
      %dma_start3A_34 = arith.constant 0 : i32
      %dma_start3A_35 = tpu.memref_slice %arg6[%run_scoped3A, %dma_start3A_33, %dma_start3A_34] : memref<2x128x128xf32, #tpu.memory_space<vmem>> -> memref<1x128x128xf32, #tpu.memory_space<vmem>>
      %dma_start3A_36 = tpu.memref_squeeze %dma_start3A_35 : memref<1x128x128xf32, #tpu.memory_space<vmem>> -> memref<128x128xf32, #tpu.memory_space<vmem>>
      %dma_start3A_37 = arith.constant 0 : i32
      %dma_start3A_38 = tpu.memref_slice %arg4[%add3A_31, %dma_start3A_37] : memref<102400x128xf32, #tpu.memory_space<hbm>> -> memref<128x128xf32, #tpu.memory_space<hbm>>
      %dma_start3A_39 = arith.constant 0 : i32
      %dma_start3A_40 = tpu.memref_slice %arg4[%add3A_31, %dma_start3A_39] : memref<102400x128xf32, #tpu.memory_space<hbm>> -> memref<128x128xf32, #tpu.memory_space<hbm>>
      %dma_start3A_41 = arith.constant 0 : i32
      %dma_start3A_42 = arith.constant 0 : i32
      %dma_start3A_43 = tpu.memref_slice %arg6[%run_scoped3A, %dma_start3A_41, %dma_start3A_42] : memref<2x128x128xf32, #tpu.memory_space<vmem>> -> memref<1x128x128xf32, #tpu.memory_space<vmem>>
      %dma_start3A_44 = tpu.memref_squeeze %dma_start3A_43 : memref<1x128x128xf32, #tpu.memory_space<vmem>> -> memref<128x128xf32, #tpu.memory_space<vmem>>
      tpu.enqueue_dma source(%dma_start3A_44 : memref<128x128xf32, #tpu.memory_space<vmem>>) target(%dma_start3A_40 : memref<128x128xf32, #tpu.memory_space<hbm>>) target_semaphore(%run_scoped3A_32 : memref<!tpu.dma_semaphore, #tpu.memory_space<semaphore_mem>>)
      %dma_wait3A_45 = arith.constant 0 : i32
      %dma_wait3A_46 = arith.constant 0 : i32
      %dma_wait3A_47 = tpu.memref_slice %arg6[%run_scoped3A, %dma_wait3A_45, %dma_wait3A_46] : memref<2x128x128xf32, #tpu.memory_space<vmem>> -> memref<1x128x128xf32, #tpu.memory_space<vmem>>
      %dma_wait3A_48 = tpu.memref_squeeze %dma_wait3A_47 : memref<1x128x128xf32, #tpu.memory_space<vmem>> -> memref<128x128xf32, #tpu.memory_space<vmem>>
      %dma_wait3A_49 = arith.constant 0 : i32
      %dma_wait3A_50 = tpu.memref_slice %arg4[%add3A_31, %dma_wait3A_49] : memref<102400x128xf32, #tpu.memory_space<hbm>> -> memref<128x128xf32, #tpu.memory_space<hbm>>
      %dma_wait3A_51 = arith.constant 0 : i32
      %dma_wait3A_52 = tpu.memref_slice %arg4[%add3A_31, %dma_wait3A_51] : memref<102400x128xf32, #tpu.memory_space<hbm>> -> memref<128x128xf32, #tpu.memory_space<hbm>>
      %dma_wait3A_53 = arith.constant 0 : i32
      %dma_wait3A_54 = arith.constant 0 : i32
      %dma_wait3A_55 = tpu.memref_slice %arg6[%run_scoped3A, %dma_wait3A_53, %dma_wait3A_54] : memref<2x128x128xf32, #tpu.memory_space<vmem>> -> memref<1x128x128xf32, #tpu.memory_space<vmem>>
      %dma_wait3A_56 = tpu.memref_squeeze %dma_wait3A_55 : memref<1x128x128xf32, #tpu.memory_space<vmem>> -> memref<128x128xf32, #tpu.memory_space<vmem>>
      tpu.wait_dma2 semaphore(%run_scoped3A_32 : memref<!tpu.dma_semaphore, #tpu.memory_space<semaphore_mem>>) src(%dma_wait3A_56 : memref<128x128xf32, #tpu.memory_space<vmem>>) dst(%dma_wait3A_52 : memref<128x128xf32, #tpu.memory_space<hbm>>)
      tpu.yield
    }) : () -> ()
    return
  }
}

#map = affine_map<(d0, d1) -> (0, 0, 0)>
#map1 = affine_map<(d0, d1) -> (0, 0)>
module attributes {stable_mosaic.version = 14 : i64} {
  func.func @k(%arg0: i32, %arg1: i32, %arg2: memref<32x25x128xi32, #tpu.memory_space<hbm>>, %arg3: memref<100000x128xf32, #tpu.memory_space<hbm>>, %arg4: memref<102400x128xf32, #tpu.memory_space<hbm>>, %arg5: memref<25x128xi32, #tpu.memory_space<vmem>>, %arg6: memref<2x128x128xf32, #tpu.memory_space<vmem>>, %arg7: memref<!tpu.dma_semaphore, #tpu.memory_space<semaphore_mem>>, %arg8: memref<!tpu.dma_semaphore, #tpu.memory_space<semaphore_mem>>) attributes {dimension_semantics = [#tpu.dimension_semantics<core_parallel>, #tpu.dimension_semantics<subcore_parallel>], iteration_bounds = array<i64: 2, 16>, scalar_prefetch = 0 : i64, scratch_operands = 4 : i64, tpu.core_type = #tpu.core_type<sc_vector_subcore>, window_params = [{transform_indices = #map}, {transform_indices = #map1}, {transform_indices = #map1}]} {
    %mul3A = arith.constant 2 : i32
    %mul3A_0 = arith.muli %arg1, %mul3A : i32
    %add3A = arith.addi %mul3A_0, %arg0 : i32
    "tpu.region"() ({
      %run_scoped3A_32 = tpu.sem_alloc : memref<!tpu.dma_semaphore, #tpu.memory_space<semaphore_mem>>
      %dma_start3A_33 = arith.constant 0 : i32
      %dma_start3A_34 = arith.constant 0 : i32
      %dma_start3A_35 = tpu.memref_slice %arg2[%add3A, %dma_start3A_33, %dma_start3A_34] : memref<32x25x128xi32, #tpu.memory_space<hbm>> -> memref<1x25x128xi32, #tpu.memory_space<hbm>>
      %dma_start3A_36 = tpu.memref_squeeze %dma_start3A_35 : memref<1x25x128xi32, #tpu.memory_space<hbm>> -> memref<25x128xi32, #tpu.memory_space<hbm>>
      %dma_start3A_37 = arith.constant 0 : i32
      %dma_start3A_38 = arith.constant 0 : i32
      %dma_start3A_39 = tpu.memref_slice %arg2[%add3A, %dma_start3A_37, %dma_start3A_38] : memref<32x25x128xi32, #tpu.memory_space<hbm>> -> memref<1x25x128xi32, #tpu.memory_space<hbm>>
      %dma_start3A_40 = tpu.memref_squeeze %dma_start3A_39 : memref<1x25x128xi32, #tpu.memory_space<hbm>> -> memref<25x128xi32, #tpu.memory_space<hbm>>
      tpu.enqueue_dma source(%dma_start3A_40 : memref<25x128xi32, #tpu.memory_space<hbm>>) target(%arg5 : memref<25x128xi32, #tpu.memory_space<vmem>>) target_semaphore(%run_scoped3A_32 : memref<!tpu.dma_semaphore, #tpu.memory_space<semaphore_mem>>)
      %dma_wait3A_41 = arith.constant 0 : i32
      %dma_wait3A_42 = arith.constant 0 : i32
      %dma_wait3A_43 = tpu.memref_slice %arg2[%add3A, %dma_wait3A_41, %dma_wait3A_42] : memref<32x25x128xi32, #tpu.memory_space<hbm>> -> memref<1x25x128xi32, #tpu.memory_space<hbm>>
      %dma_wait3A_44 = tpu.memref_squeeze %dma_wait3A_43 : memref<1x25x128xi32, #tpu.memory_space<hbm>> -> memref<25x128xi32, #tpu.memory_space<hbm>>
      %dma_wait3A_45 = arith.constant 0 : i32
      %dma_wait3A_46 = arith.constant 0 : i32
      %dma_wait3A_47 = tpu.memref_slice %arg2[%add3A, %dma_wait3A_45, %dma_wait3A_46] : memref<32x25x128xi32, #tpu.memory_space<hbm>> -> memref<1x25x128xi32, #tpu.memory_space<hbm>>
      %dma_wait3A_48 = tpu.memref_squeeze %dma_wait3A_47 : memref<1x25x128xi32, #tpu.memory_space<hbm>> -> memref<25x128xi32, #tpu.memory_space<hbm>>
      tpu.wait_dma2 semaphore(%run_scoped3A_32 : memref<!tpu.dma_semaphore, #tpu.memory_space<semaphore_mem>>) src(%dma_wait3A_48 : memref<25x128xi32, #tpu.memory_space<hbm>>) dst(%arg5 : memref<25x128xi32, #tpu.memory_space<vmem>>)
      tpu.yield
    }) : () -> ()
    %mul3A_1 = arith.constant 3200 : i32
    %mul3A_2 = arith.muli %add3A, %mul3A_1 : i32
    %dma_start3A = arith.constant 0 : i32
    %dma_start3A_3 = arith.constant 0 : i32
    %dma_start3A_4 = arith.constant 0 : i32
    %dma_start3A_5 = arith.constant 0 : i32
    %dma_start3A_6 = tpu.memref_slice %arg6[%dma_start3A_3, %dma_start3A_4, %dma_start3A_5] : memref<2x128x128xf32, #tpu.memory_space<vmem>> -> memref<1x128x128xf32, #tpu.memory_space<vmem>>
    %dma_start3A_7 = tpu.memref_squeeze %dma_start3A_6 : memref<1x128x128xf32, #tpu.memory_space<vmem>> -> memref<128x128xf32, #tpu.memory_space<vmem>>
    %dma_start3A_8 = arith.constant 0 : i32
    %dma_start3A_9 = tpu.memref_slice %arg5[%dma_start3A, %dma_start3A_8] : memref<25x128xi32, #tpu.memory_space<vmem>> -> memref<1x128xi32, #tpu.memory_space<vmem>>
    %dma_start3A_10 = tpu.memref_squeeze %dma_start3A_9 : memref<1x128xi32, #tpu.memory_space<vmem>> -> memref<128xi32, #tpu.memory_space<vmem>>
    %dma_start3A_11 = arith.constant 0 : i32
    %dma_start3A_12 = arith.constant 0 : i32
    %dma_start3A_13 = tpu.memref_slice %arg3[%dma_start3A_11, %dma_start3A_12] : memref<100000x128xf32, #tpu.memory_space<hbm>> -> memref<100000x128xf32, #tpu.memory_space<hbm>>
    tpu.enqueue_indirect_dma source(%dma_start3A_13 : memref<100000x128xf32, #tpu.memory_space<hbm>>) target(%dma_start3A_7 : memref<128x128xf32, #tpu.memory_space<vmem>>) offsets(%dma_start3A_10 : memref<128xi32, #tpu.memory_space<vmem>>) semaphore(%arg7 : memref<!tpu.dma_semaphore, #tpu.memory_space<semaphore_mem>>)
    %scan3A = arith.constant 0 : i32
    %scan3A_14 = arith.constant 0 : i32
    %scan3A_15 = arith.constant 12 : i32
    %scan3A_16 = arith.addi %scan3A_14, %scan3A_15 : i32
    %scan3A_17 = arith.constant 1 : i32
    scf.for %scan3A_32 = %scan3A_14 to %scan3A_16 step %scan3A_17  : i32 {
      %mul3A_33 = arith.constant 2 : i32
      %mul3A_34 = arith.muli %mul3A_33, %scan3A_32 : i32
      %add3A_35 = arith.constant 1 : i32
      %add3A_36 = arith.addi %mul3A_34, %add3A_35 : i32
      %dma_start3A_37 = arith.constant 1 : i32
      %dma_start3A_38 = arith.constant 0 : i32
      %dma_start3A_39 = arith.constant 0 : i32
      %dma_start3A_40 = tpu.memref_slice %arg6[%dma_start3A_37, %dma_start3A_38, %dma_start3A_39] : memref<2x128x128xf32, #tpu.memory_space<vmem>> -> memref<1x128x128xf32, #tpu.memory_space<vmem>>
      %dma_start3A_41 = tpu.memref_squeeze %dma_start3A_40 : memref<1x128x128xf32, #tpu.memory_space<vmem>> -> memref<128x128xf32, #tpu.memory_space<vmem>>
      %dma_start3A_42 = arith.constant 0 : i32
      %dma_start3A_43 = tpu.memref_slice %arg5[%add3A_36, %dma_start3A_42] : memref<25x128xi32, #tpu.memory_space<vmem>> -> memref<1x128xi32, #tpu.memory_space<vmem>>
      %dma_start3A_44 = tpu.memref_squeeze %dma_start3A_43 : memref<1x128xi32, #tpu.memory_space<vmem>> -> memref<128xi32, #tpu.memory_space<vmem>>
      %dma_start3A_45 = arith.constant 0 : i32
      %dma_start3A_46 = arith.constant 0 : i32
      %dma_start3A_47 = tpu.memref_slice %arg3[%dma_start3A_45, %dma_start3A_46] : memref<100000x128xf32, #tpu.memory_space<hbm>> -> memref<100000x128xf32, #tpu.memory_space<hbm>>
      tpu.enqueue_indirect_dma source(%dma_start3A_47 : memref<100000x128xf32, #tpu.memory_space<hbm>>) target(%dma_start3A_41 : memref<128x128xf32, #tpu.memory_space<vmem>>) offsets(%dma_start3A_44 : memref<128xi32, #tpu.memory_space<vmem>>) semaphore(%arg8 : memref<!tpu.dma_semaphore, #tpu.memory_space<semaphore_mem>>)
      %dma_wait3A_48 = arith.constant 0 : i32
      %dma_wait3A_49 = arith.constant 0 : i32
      %dma_wait3A_50 = arith.constant 0 : i32
      %dma_wait3A_51 = tpu.memref_slice %arg6[%dma_wait3A_48, %dma_wait3A_49, %dma_wait3A_50] : memref<2x128x128xf32, #tpu.memory_space<vmem>> -> memref<1x128x128xf32, #tpu.memory_space<vmem>>
      %dma_wait3A_52 = tpu.memref_squeeze %dma_wait3A_51 : memref<1x128x128xf32, #tpu.memory_space<vmem>> -> memref<128x128xf32, #tpu.memory_space<vmem>>
      %dma_wait3A_53 = arith.constant 0 : i32
      %dma_wait3A_54 = tpu.memref_slice %arg5[%mul3A_34, %dma_wait3A_53] : memref<25x128xi32, #tpu.memory_space<vmem>> -> memref<1x128xi32, #tpu.memory_space<vmem>>
      %dma_wait3A_55 = tpu.memref_squeeze %dma_wait3A_54 : memref<1x128xi32, #tpu.memory_space<vmem>> -> memref<128xi32, #tpu.memory_space<vmem>>
      %dma_wait3A_56 = arith.constant 0 : i32
      %dma_wait3A_57 = arith.constant 0 : i32
      %dma_wait3A_58 = tpu.memref_slice %arg3[%dma_wait3A_56, %dma_wait3A_57] : memref<100000x128xf32, #tpu.memory_space<hbm>> -> memref<100000x128xf32, #tpu.memory_space<hbm>>
      tpu.wait_indirect_dma semaphore(%arg7 : memref<!tpu.dma_semaphore, #tpu.memory_space<semaphore_mem>>) src(%dma_wait3A_58 : memref<100000x128xf32, #tpu.memory_space<hbm>>) dst(%dma_wait3A_52 : memref<128x128xf32, #tpu.memory_space<vmem>>)
      %mul3A_59 = arith.constant 128 : i32
      %mul3A_60 = arith.muli %mul3A_34, %mul3A_59 : i32
      %add3A_61 = arith.addi %mul3A_2, %mul3A_60 : i32
      %run_scoped3A_62 = arith.constant 0 : i32
      "tpu.region"() ({
        %run_scoped3A_95 = tpu.sem_alloc : memref<!tpu.dma_semaphore, #tpu.memory_space<semaphore_mem>>
        %dma_start3A_96 = arith.constant 0 : i32
        %dma_start3A_97 = arith.constant 0 : i32
        %dma_start3A_98 = tpu.memref_slice %arg6[%run_scoped3A_62, %dma_start3A_96, %dma_start3A_97] : memref<2x128x128xf32, #tpu.memory_space<vmem>> -> memref<1x128x128xf32, #tpu.memory_space<vmem>>
        %dma_start3A_99 = tpu.memref_squeeze %dma_start3A_98 : memref<1x128x128xf32, #tpu.memory_space<vmem>> -> memref<128x128xf32, #tpu.memory_space<vmem>>
        %dma_start3A_100 = arith.constant 0 : i32
        %dma_start3A_101 = tpu.memref_slice %arg4[%add3A_61, %dma_start3A_100] : memref<102400x128xf32, #tpu.memory_space<hbm>> -> memref<128x128xf32, #tpu.memory_space<hbm>>
        %dma_start3A_102 = arith.constant 0 : i32
        %dma_start3A_103 = tpu.memref_slice %arg4[%add3A_61, %dma_start3A_102] : memref<102400x128xf32, #tpu.memory_space<hbm>> -> memref<128x128xf32, #tpu.memory_space<hbm>>
        %dma_start3A_104 = arith.constant 0 : i32
        %dma_start3A_105 = arith.constant 0 : i32
        %dma_start3A_106 = tpu.memref_slice %arg6[%run_scoped3A_62, %dma_start3A_104, %dma_start3A_105] : memref<2x128x128xf32, #tpu.memory_space<vmem>> -> memref<1x128x128xf32, #tpu.memory_space<vmem>>
        %dma_start3A_107 = tpu.memref_squeeze %dma_start3A_106 : memref<1x128x128xf32, #tpu.memory_space<vmem>> -> memref<128x128xf32, #tpu.memory_space<vmem>>
        tpu.enqueue_dma source(%dma_start3A_107 : memref<128x128xf32, #tpu.memory_space<vmem>>) target(%dma_start3A_103 : memref<128x128xf32, #tpu.memory_space<hbm>>) target_semaphore(%run_scoped3A_95 : memref<!tpu.dma_semaphore, #tpu.memory_space<semaphore_mem>>)
        %dma_wait3A_108 = arith.constant 0 : i32
        %dma_wait3A_109 = arith.constant 0 : i32
        %dma_wait3A_110 = tpu.memref_slice %arg6[%run_scoped3A_62, %dma_wait3A_108, %dma_wait3A_109] : memref<2x128x128xf32, #tpu.memory_space<vmem>> -> memref<1x128x128xf32, #tpu.memory_space<vmem>>
        %dma_wait3A_111 = tpu.memref_squeeze %dma_wait3A_110 : memref<1x128x128xf32, #tpu.memory_space<vmem>> -> memref<128x128xf32, #tpu.memory_space<vmem>>
        %dma_wait3A_112 = arith.constant 0 : i32
        %dma_wait3A_113 = tpu.memref_slice %arg4[%add3A_61, %dma_wait3A_112] : memref<102400x128xf32, #tpu.memory_space<hbm>> -> memref<128x128xf32, #tpu.memory_space<hbm>>
        %dma_wait3A_114 = arith.constant 0 : i32
        %dma_wait3A_115 = tpu.memref_slice %arg4[%add3A_61, %dma_wait3A_114] : memref<102400x128xf32, #tpu.memory_space<hbm>> -> memref<128x128xf32, #tpu.memory_space<hbm>>
        %dma_wait3A_116 = arith.constant 0 : i32
        %dma_wait3A_117 = arith.constant 0 : i32
        %dma_wait3A_118 = tpu.memref_slice %arg6[%run_scoped3A_62, %dma_wait3A_116, %dma_wait3A_117] : memref<2x128x128xf32, #tpu.memory_space<vmem>> -> memref<1x128x128xf32, #tpu.memory_space<vmem>>
        %dma_wait3A_119 = tpu.memref_squeeze %dma_wait3A_118 : memref<1x128x128xf32, #tpu.memory_space<vmem>> -> memref<128x128xf32, #tpu.memory_space<vmem>>
        tpu.wait_dma2 semaphore(%run_scoped3A_95 : memref<!tpu.dma_semaphore, #tpu.memory_space<semaphore_mem>>) src(%dma_wait3A_119 : memref<128x128xf32, #tpu.memory_space<vmem>>) dst(%dma_wait3A_115 : memref<128x128xf32, #tpu.memory_space<hbm>>)
        tpu.yield
      }) : () -> ()
      %add3A_63 = arith.constant 2 : i32
      %add3A_64 = arith.addi %mul3A_34, %add3A_63 : i32
      %dma_start3A_65 = arith.constant 0 : i32
      %dma_start3A_66 = arith.constant 0 : i32
      %dma_start3A_67 = arith.constant 0 : i32
      %dma_start3A_68 = tpu.memref_slice %arg6[%dma_start3A_65, %dma_start3A_66, %dma_start3A_67] : memref<2x128x128xf32, #tpu.memory_space<vmem>> -> memref<1x128x128xf32, #tpu.memory_space<vmem>>
      %dma_start3A_69 = tpu.memref_squeeze %dma_start3A_68 : memref<1x128x128xf32, #tpu.memory_space<vmem>> -> memref<128x128xf32, #tpu.memory_space<vmem>>
      %dma_start3A_70 = arith.constant 0 : i32
      %dma_start3A_71 = tpu.memref_slice %arg5[%add3A_64, %dma_start3A_70] : memref<25x128xi32, #tpu.memory_space<vmem>> -> memref<1x128xi32, #tpu.memory_space<vmem>>
      %dma_start3A_72 = tpu.memref_squeeze %dma_start3A_71 : memref<1x128xi32, #tpu.memory_space<vmem>> -> memref<128xi32, #tpu.memory_space<vmem>>
      %dma_start3A_73 = arith.constant 0 : i32
      %dma_start3A_74 = arith.constant 0 : i32
      %dma_start3A_75 = tpu.memref_slice %arg3[%dma_start3A_73, %dma_start3A_74] : memref<100000x128xf32, #tpu.memory_space<hbm>> -> memref<100000x128xf32, #tpu.memory_space<hbm>>
      tpu.enqueue_indirect_dma source(%dma_start3A_75 : memref<100000x128xf32, #tpu.memory_space<hbm>>) target(%dma_start3A_69 : memref<128x128xf32, #tpu.memory_space<vmem>>) offsets(%dma_start3A_72 : memref<128xi32, #tpu.memory_space<vmem>>) semaphore(%arg7 : memref<!tpu.dma_semaphore, #tpu.memory_space<semaphore_mem>>)
      %add3A_76 = arith.constant 1 : i32
      %add3A_77 = arith.addi %mul3A_34, %add3A_76 : i32
      %dma_wait3A_78 = arith.constant 1 : i32
      %dma_wait3A_79 = arith.constant 0 : i32
      %dma_wait3A_80 = arith.constant 0 : i32
      %dma_wait3A_81 = tpu.memref_slice %arg6[%dma_wait3A_78, %dma_wait3A_79, %dma_wait3A_80] : memref<2x128x128xf32, #tpu.memory_space<vmem>> -> memref<1x128x128xf32, #tpu.memory_space<vmem>>
      %dma_wait3A_82 = tpu.memref_squeeze %dma_wait3A_81 : memref<1x128x128xf32, #tpu.memory_space<vmem>> -> memref<128x128xf32, #tpu.memory_space<vmem>>
      %dma_wait3A_83 = arith.constant 0 : i32
      %dma_wait3A_84 = tpu.memref_slice %arg5[%add3A_77, %dma_wait3A_83] : memref<25x128xi32, #tpu.memory_space<vmem>> -> memref<1x128xi32, #tpu.memory_space<vmem>>
      %dma_wait3A_85 = tpu.memref_squeeze %dma_wait3A_84 : memref<1x128xi32, #tpu.memory_space<vmem>> -> memref<128xi32, #tpu.memory_space<vmem>>
      %dma_wait3A_86 = arith.constant 0 : i32
      %dma_wait3A_87 = arith.constant 0 : i32
      %dma_wait3A_88 = tpu.memref_slice %arg3[%dma_wait3A_86, %dma_wait3A_87] : memref<100000x128xf32, #tpu.memory_space<hbm>> -> memref<100000x128xf32, #tpu.memory_space<hbm>>
      tpu.wait_indirect_dma semaphore(%arg8 : memref<!tpu.dma_semaphore, #tpu.memory_space<semaphore_mem>>) src(%dma_wait3A_88 : memref<100000x128xf32, #tpu.memory_space<hbm>>) dst(%dma_wait3A_82 : memref<128x128xf32, #tpu.memory_space<vmem>>)
      %add3A_89 = arith.constant 1 : i32
      %add3A_90 = arith.addi %mul3A_34, %add3A_89 : i32
      %mul3A_91 = arith.constant 128 : i32
      %mul3A_92 = arith.muli %add3A_90, %mul3A_91 : i32
      %add3A_93 = arith.addi %mul3A_2, %mul3A_92 : i32
      %run_scoped3A_94 = arith.constant 1 : i32
      "tpu.region"() ({
        %run_scoped3A_95 = tpu.sem_alloc : memref<!tpu.dma_semaphore, #tpu.memory_space<semaphore_mem>>
        %dma_start3A_96 = arith.constant 0 : i32
        %dma_start3A_97 = arith.constant 0 : i32
        %dma_start3A_98 = tpu.memref_slice %arg6[%run_scoped3A_94, %dma_start3A_96, %dma_start3A_97] : memref<2x128x128xf32, #tpu.memory_space<vmem>> -> memref<1x128x128xf32, #tpu.memory_space<vmem>>
        %dma_start3A_99 = tpu.memref_squeeze %dma_start3A_98 : memref<1x128x128xf32, #tpu.memory_space<vmem>> -> memref<128x128xf32, #tpu.memory_space<vmem>>
        %dma_start3A_100 = arith.constant 0 : i32
        %dma_start3A_101 = tpu.memref_slice %arg4[%add3A_93, %dma_start3A_100] : memref<102400x128xf32, #tpu.memory_space<hbm>> -> memref<128x128xf32, #tpu.memory_space<hbm>>
        %dma_start3A_102 = arith.constant 0 : i32
        %dma_start3A_103 = tpu.memref_slice %arg4[%add3A_93, %dma_start3A_102] : memref<102400x128xf32, #tpu.memory_space<hbm>> -> memref<128x128xf32, #tpu.memory_space<hbm>>
        %dma_start3A_104 = arith.constant 0 : i32
        %dma_start3A_105 = arith.constant 0 : i32
        %dma_start3A_106 = tpu.memref_slice %arg6[%run_scoped3A_94, %dma_start3A_104, %dma_start3A_105] : memref<2x128x128xf32, #tpu.memory_space<vmem>> -> memref<1x128x128xf32, #tpu.memory_space<vmem>>
        %dma_start3A_107 = tpu.memref_squeeze %dma_start3A_106 : memref<1x128x128xf32, #tpu.memory_space<vmem>> -> memref<128x128xf32, #tpu.memory_space<vmem>>
        tpu.enqueue_dma source(%dma_start3A_107 : memref<128x128xf32, #tpu.memory_space<vmem>>) target(%dma_start3A_103 : memref<128x128xf32, #tpu.memory_space<hbm>>) target_semaphore(%run_scoped3A_95 : memref<!tpu.dma_semaphore, #tpu.memory_space<semaphore_mem>>)
        %dma_wait3A_108 = arith.constant 0 : i32
        %dma_wait3A_109 = arith.constant 0 : i32
        %dma_wait3A_110 = tpu.memref_slice %arg6[%run_scoped3A_94, %dma_wait3A_108, %dma_wait3A_109] : memref<2x128x128xf32, #tpu.memory_space<vmem>> -> memref<1x128x128xf32, #tpu.memory_space<vmem>>
        %dma_wait3A_111 = tpu.memref_squeeze %dma_wait3A_110 : memref<1x128x128xf32, #tpu.memory_space<vmem>> -> memref<128x128xf32, #tpu.memory_space<vmem>>
        %dma_wait3A_112 = arith.constant 0 : i32
        %dma_wait3A_113 = tpu.memref_slice %arg4[%add3A_93, %dma_wait3A_112] : memref<102400x128xf32, #tpu.memory_space<hbm>> -> memref<128x128xf32, #tpu.memory_space<hbm>>
        %dma_wait3A_114 = arith.constant 0 : i32
        %dma_wait3A_115 = tpu.memref_slice %arg4[%add3A_93, %dma_wait3A_114] : memref<102400x128xf32, #tpu.memory_space<hbm>> -> memref<128x128xf32, #tpu.memory_space<hbm>>
        %dma_wait3A_116 = arith.constant 0 : i32
        %dma_wait3A_117 = arith.constant 0 : i32
        %dma_wait3A_118 = tpu.memref_slice %arg6[%run_scoped3A_94, %dma_wait3A_116, %dma_wait3A_117] : memref<2x128x128xf32, #tpu.memory_space<vmem>> -> memref<1x128x128xf32, #tpu.memory_space<vmem>>
        %dma_wait3A_119 = tpu.memref_squeeze %dma_wait3A_118 : memref<1x128x128xf32, #tpu.memory_space<vmem>> -> memref<128x128xf32, #tpu.memory_space<vmem>>
        tpu.wait_dma2 semaphore(%run_scoped3A_95 : memref<!tpu.dma_semaphore, #tpu.memory_space<semaphore_mem>>) src(%dma_wait3A_119 : memref<128x128xf32, #tpu.memory_space<vmem>>) dst(%dma_wait3A_115 : memref<128x128xf32, #tpu.memory_space<hbm>>)
        tpu.yield
      }) : () -> ()
    }
    %scan3A_18 = arith.constant 12 : i32
    %dma_wait3A = arith.constant 24 : i32
    %dma_wait3A_19 = arith.constant 0 : i32
    %dma_wait3A_20 = arith.constant 0 : i32
    %dma_wait3A_21 = arith.constant 0 : i32
    %dma_wait3A_22 = tpu.memref_slice %arg6[%dma_wait3A_19, %dma_wait3A_20, %dma_wait3A_21] : memref<2x128x128xf32, #tpu.memory_space<vmem>> -> memref<1x128x128xf32, #tpu.memory_space<vmem>>
    %dma_wait3A_23 = tpu.memref_squeeze %dma_wait3A_22 : memref<1x128x128xf32, #tpu.memory_space<vmem>> -> memref<128x128xf32, #tpu.memory_space<vmem>>
    %dma_wait3A_24 = arith.constant 0 : i32
    %dma_wait3A_25 = tpu.memref_slice %arg5[%dma_wait3A, %dma_wait3A_24] : memref<25x128xi32, #tpu.memory_space<vmem>> -> memref<1x128xi32, #tpu.memory_space<vmem>>
    %dma_wait3A_26 = tpu.memref_squeeze %dma_wait3A_25 : memref<1x128xi32, #tpu.memory_space<vmem>> -> memref<128xi32, #tpu.memory_space<vmem>>
    %dma_wait3A_27 = arith.constant 0 : i32
    %dma_wait3A_28 = arith.constant 0 : i32
    %dma_wait3A_29 = tpu.memref_slice %arg3[%dma_wait3A_27, %dma_wait3A_28] : memref<100000x128xf32, #tpu.memory_space<hbm>> -> memref<100000x128xf32, #tpu.memory_space<hbm>>
    tpu.wait_indirect_dma semaphore(%arg7 : memref<!tpu.dma_semaphore, #tpu.memory_space<semaphore_mem>>) src(%dma_wait3A_29 : memref<100000x128xf32, #tpu.memory_space<hbm>>) dst(%dma_wait3A_23 : memref<128x128xf32, #tpu.memory_space<vmem>>)
    %add3A_30 = arith.constant 3072 : i32
    %add3A_31 = arith.addi %mul3A_2, %add3A_30 : i32
    %run_scoped3A = arith.constant 0 : i32
    "tpu.region"() ({
      %run_scoped3A_32 = tpu.sem_alloc : memref<!tpu.dma_semaphore, #tpu.memory_space<semaphore_mem>>
      %dma_start3A_33 = arith.constant 0 : i32
      %dma_start3A_34 = arith.constant 0 : i32
      %dma_start3A_35 = tpu.memref_slice %arg6[%run_scoped3A, %dma_start3A_33, %dma_start3A_34] : memref<2x128x128xf32, #tpu.memory_space<vmem>> -> memref<1x128x128xf32, #tpu.memory_space<vmem>>
      %dma_start3A_36 = tpu.memref_squeeze %dma_start3A_35 : memref<1x128x128xf32, #tpu.memory_space<vmem>> -> memref<128x128xf32, #tpu.memory_space<vmem>>
      %dma_start3A_37 = arith.constant 0 : i32
      %dma_start3A_38 = tpu.memref_slice %arg4[%add3A_31, %dma_start3A_37] : memref<102400x128xf32, #tpu.memory_space<hbm>> -> memref<128x128xf32, #tpu.memory_space<hbm>>
      %dma_start3A_39 = arith.constant 0 : i32
      %dma_start3A_40 = tpu.memref_slice %arg4[%add3A_31, %dma_start3A_39] : memref<102400x128xf32, #tpu.memory_space<hbm>> -> memref<128x128xf32, #tpu.memory_space<hbm>>
      %dma_start3A_41 = arith.constant 0 : i32
      %dma_start3A_42 = arith.constant 0 : i32
      %dma_start3A_43 = tpu.memref_slice %arg6[%run_scoped3A, %dma_start3A_41, %dma_start3A_42] : memref<2x128x128xf32, #tpu.memory_space<vmem>> -> memref<1x128x128xf32, #tpu.memory_space<vmem>>
      %dma_start3A_44 = tpu.memref_squeeze %dma_start3A_43 : memref<1x128x128xf32, #tpu.memory_space<vmem>> -> memref<128x128xf32, #tpu.memory_space<vmem>>
      tpu.enqueue_dma source(%dma_start3A_44 : memref<128x128xf32, #tpu.memory_space<vmem>>) target(%dma_start3A_40 : memref<128x128xf32, #tpu.memory_space<hbm>>) target_semaphore(%run_scoped3A_32 : memref<!tpu.dma_semaphore, #tpu.memory_space<semaphore_mem>>)
      %dma_wait3A_45 = arith.constant 0 : i32
      %dma_wait3A_46 = arith.constant 0 : i32
      %dma_wait3A_47 = tpu.memref_slice %arg6[%run_scoped3A, %dma_wait3A_45, %dma_wait3A_46] : memref<2x128x128xf32, #tpu.memory_space<vmem>> -> memref<1x128x128xf32, #tpu.memory_space<vmem>>
      %dma_wait3A_48 = tpu.memref_squeeze %dma_wait3A_47 : memref<1x128x128xf32, #tpu.memory_space<vmem>> -> memref<128x128xf32, #tpu.memory_space<vmem>>
      %dma_wait3A_49 = arith.constant 0 : i32
      %dma_wait3A_50 = tpu.memref_slice %arg4[%add3A_31, %dma_wait3A_49] : memref<102400x128xf32, #tpu.memory_space<hbm>> -> memref<128x128xf32, #tpu.memory_space<hbm>>
      %dma_wait3A_51 = arith.constant 0 : i32
      %dma_wait3A_52 = tpu.memref_slice %arg4[%add3A_31, %dma_wait3A_51] : memref<102400x128xf32, #tpu.memory_space<hbm>> -> memref<128x128xf32, #tpu.memory_space<hbm>>
      %dma_wait3A_53 = arith.constant 0 : i32
      %dma_wait3A_54 = arith.constant 0 : i32
      %dma_wait3A_55 = tpu.memref_slice %arg6[%run_scoped3A, %dma_wait3A_53, %dma_wait3A_54] : memref<2x128x128xf32, #tpu.memory_space<vmem>> -> memref<1x128x128xf32, #tpu.memory_space<vmem>>
      %dma_wait3A_56 = tpu.memref_squeeze %dma_wait3A_55 : memref<1x128x128xf32, #tpu.memory_space<vmem>> -> memref<128x128xf32, #tpu.memory_space<vmem>>
      tpu.wait_dma2 semaphore(%run_scoped3A_32 : memref<!tpu.dma_semaphore, #tpu.memory_space<semaphore_mem>>) src(%dma_wait3A_56 : memref<128x128xf32, #tpu.memory_space<vmem>>) dst(%dma_wait3A_52 : memref<128x128xf32, #tpu.memory_space<hbm>>)
      tpu.yield
    }) : () -> ()
    return
  }
}

#map = affine_map<(d0, d1) -> (0, 0, 0)>
#map1 = affine_map<(d0, d1) -> (0, 0)>
module attributes {stable_mosaic.version = 14 : i64} {
  func.func @k(%arg0: i32, %arg1: i32, %arg2: memref<32x25x128xi32, #tpu.memory_space<hbm>>, %arg3: memref<100000x128xf32, #tpu.memory_space<hbm>>, %arg4: memref<102400x128xf32, #tpu.memory_space<hbm>>, %arg5: memref<25x128xi32, #tpu.memory_space<vmem>>, %arg6: memref<2x128x128xf32, #tpu.memory_space<vmem>>, %arg7: memref<!tpu.dma_semaphore, #tpu.memory_space<semaphore_mem>>, %arg8: memref<!tpu.dma_semaphore, #tpu.memory_space<semaphore_mem>>) attributes {dimension_semantics = [#tpu.dimension_semantics<core_parallel>, #tpu.dimension_semantics<subcore_parallel>], iteration_bounds = array<i64: 2, 16>, scalar_prefetch = 0 : i64, scratch_operands = 4 : i64, tpu.core_type = #tpu.core_type<sc_vector_subcore>, window_params = [{transform_indices = #map}, {transform_indices = #map1}, {transform_indices = #map1}]} {
    %mul3A = arith.constant 2 : i32
    %mul3A_0 = arith.muli %arg1, %mul3A : i32
    %add3A = arith.addi %mul3A_0, %arg0 : i32
    "tpu.region"() ({
      %run_scoped3A_32 = tpu.sem_alloc : memref<!tpu.dma_semaphore, #tpu.memory_space<semaphore_mem>>
      %dma_start3A_33 = arith.constant 0 : i32
      %dma_start3A_34 = arith.constant 0 : i32
      %dma_start3A_35 = tpu.memref_slice %arg2[%add3A, %dma_start3A_33, %dma_start3A_34] : memref<32x25x128xi32, #tpu.memory_space<hbm>> -> memref<1x25x128xi32, #tpu.memory_space<hbm>>
      %dma_start3A_36 = tpu.memref_squeeze %dma_start3A_35 : memref<1x25x128xi32, #tpu.memory_space<hbm>> -> memref<25x128xi32, #tpu.memory_space<hbm>>
      %dma_start3A_37 = arith.constant 0 : i32
      %dma_start3A_38 = arith.constant 0 : i32
      %dma_start3A_39 = tpu.memref_slice %arg2[%add3A, %dma_start3A_37, %dma_start3A_38] : memref<32x25x128xi32, #tpu.memory_space<hbm>> -> memref<1x25x128xi32, #tpu.memory_space<hbm>>
      %dma_start3A_40 = tpu.memref_squeeze %dma_start3A_39 : memref<1x25x128xi32, #tpu.memory_space<hbm>> -> memref<25x128xi32, #tpu.memory_space<hbm>>
      tpu.enqueue_dma source(%dma_start3A_40 : memref<25x128xi32, #tpu.memory_space<hbm>>) target(%arg5 : memref<25x128xi32, #tpu.memory_space<vmem>>) target_semaphore(%run_scoped3A_32 : memref<!tpu.dma_semaphore, #tpu.memory_space<semaphore_mem>>)
      %dma_wait3A_41 = arith.constant 0 : i32
      %dma_wait3A_42 = arith.constant 0 : i32
      %dma_wait3A_43 = tpu.memref_slice %arg2[%add3A, %dma_wait3A_41, %dma_wait3A_42] : memref<32x25x128xi32, #tpu.memory_space<hbm>> -> memref<1x25x128xi32, #tpu.memory_space<hbm>>
      %dma_wait3A_44 = tpu.memref_squeeze %dma_wait3A_43 : memref<1x25x128xi32, #tpu.memory_space<hbm>> -> memref<25x128xi32, #tpu.memory_space<hbm>>
      %dma_wait3A_45 = arith.constant 0 : i32
      %dma_wait3A_46 = arith.constant 0 : i32
      %dma_wait3A_47 = tpu.memref_slice %arg2[%add3A, %dma_wait3A_45, %dma_wait3A_46] : memref<32x25x128xi32, #tpu.memory_space<hbm>> -> memref<1x25x128xi32, #tpu.memory_space<hbm>>
      %dma_wait3A_48 = tpu.memref_squeeze %dma_wait3A_47 : memref<1x25x128xi32, #tpu.memory_space<hbm>> -> memref<25x128xi32, #tpu.memory_space<hbm>>
      tpu.wait_dma2 semaphore(%run_scoped3A_32 : memref<!tpu.dma_semaphore, #tpu.memory_space<semaphore_mem>>) src(%dma_wait3A_48 : memref<25x128xi32, #tpu.memory_space<hbm>>) dst(%arg5 : memref<25x128xi32, #tpu.memory_space<vmem>>)
      tpu.yield
    }) : () -> ()
    %mul3A_1 = arith.constant 3200 : i32
    %mul3A_2 = arith.muli %add3A, %mul3A_1 : i32
    %dma_start3A = arith.constant 0 : i32
    %dma_start3A_3 = arith.constant 0 : i32
    %dma_start3A_4 = arith.constant 0 : i32
    %dma_start3A_5 = arith.constant 0 : i32
    %dma_start3A_6 = tpu.memref_slice %arg6[%dma_start3A_3, %dma_start3A_4, %dma_start3A_5] : memref<2x128x128xf32, #tpu.memory_space<vmem>> -> memref<1x128x128xf32, #tpu.memory_space<vmem>>
    %dma_start3A_7 = tpu.memref_squeeze %dma_start3A_6 : memref<1x128x128xf32, #tpu.memory_space<vmem>> -> memref<128x128xf32, #tpu.memory_space<vmem>>
    %dma_start3A_8 = arith.constant 0 : i32
    %dma_start3A_9 = tpu.memref_slice %arg5[%dma_start3A, %dma_start3A_8] : memref<25x128xi32, #tpu.memory_space<vmem>> -> memref<1x128xi32, #tpu.memory_space<vmem>>
    %dma_start3A_10 = tpu.memref_squeeze %dma_start3A_9 : memref<1x128xi32, #tpu.memory_space<vmem>> -> memref<128xi32, #tpu.memory_space<vmem>>
    %dma_start3A_11 = arith.constant 0 : i32
    %dma_start3A_12 = arith.constant 0 : i32
    %dma_start3A_13 = tpu.memref_slice %arg3[%dma_start3A_11, %dma_start3A_12] : memref<100000x128xf32, #tpu.memory_space<hbm>> -> memref<100000x128xf32, #tpu.memory_space<hbm>>
    tpu.enqueue_indirect_dma source(%dma_start3A_13 : memref<100000x128xf32, #tpu.memory_space<hbm>>) target(%dma_start3A_7 : memref<128x128xf32, #tpu.memory_space<vmem>>) offsets(%dma_start3A_10 : memref<128xi32, #tpu.memory_space<vmem>>) semaphore(%arg7 : memref<!tpu.dma_semaphore, #tpu.memory_space<semaphore_mem>>)
    %scan3A = arith.constant 0 : i32
    %scan3A_14 = arith.constant 0 : i32
    %scan3A_15 = arith.constant 12 : i32
    %scan3A_16 = arith.addi %scan3A_14, %scan3A_15 : i32
    %scan3A_17 = arith.constant 1 : i32
    scf.for %scan3A_32 = %scan3A_14 to %scan3A_16 step %scan3A_17  : i32 {
      %mul3A_33 = arith.constant 2 : i32
      %mul3A_34 = arith.muli %mul3A_33, %scan3A_32 : i32
      %add3A_35 = arith.constant 1 : i32
      %add3A_36 = arith.addi %mul3A_34, %add3A_35 : i32
      %dma_start3A_37 = arith.constant 1 : i32
      %dma_start3A_38 = arith.constant 0 : i32
      %dma_start3A_39 = arith.constant 0 : i32
      %dma_start3A_40 = tpu.memref_slice %arg6[%dma_start3A_37, %dma_start3A_38, %dma_start3A_39] : memref<2x128x128xf32, #tpu.memory_space<vmem>> -> memref<1x128x128xf32, #tpu.memory_space<vmem>>
      %dma_start3A_41 = tpu.memref_squeeze %dma_start3A_40 : memref<1x128x128xf32, #tpu.memory_space<vmem>> -> memref<128x128xf32, #tpu.memory_space<vmem>>
      %dma_start3A_42 = arith.constant 0 : i32
      %dma_start3A_43 = tpu.memref_slice %arg5[%add3A_36, %dma_start3A_42] : memref<25x128xi32, #tpu.memory_space<vmem>> -> memref<1x128xi32, #tpu.memory_space<vmem>>
      %dma_start3A_44 = tpu.memref_squeeze %dma_start3A_43 : memref<1x128xi32, #tpu.memory_space<vmem>> -> memref<128xi32, #tpu.memory_space<vmem>>
      %dma_start3A_45 = arith.constant 0 : i32
      %dma_start3A_46 = arith.constant 0 : i32
      %dma_start3A_47 = tpu.memref_slice %arg3[%dma_start3A_45, %dma_start3A_46] : memref<100000x128xf32, #tpu.memory_space<hbm>> -> memref<100000x128xf32, #tpu.memory_space<hbm>>
      tpu.enqueue_indirect_dma source(%dma_start3A_47 : memref<100000x128xf32, #tpu.memory_space<hbm>>) target(%dma_start3A_41 : memref<128x128xf32, #tpu.memory_space<vmem>>) offsets(%dma_start3A_44 : memref<128xi32, #tpu.memory_space<vmem>>) semaphore(%arg8 : memref<!tpu.dma_semaphore, #tpu.memory_space<semaphore_mem>>)
      %dma_wait3A_48 = arith.constant 0 : i32
      %dma_wait3A_49 = arith.constant 0 : i32
      %dma_wait3A_50 = arith.constant 0 : i32
      %dma_wait3A_51 = tpu.memref_slice %arg6[%dma_wait3A_48, %dma_wait3A_49, %dma_wait3A_50] : memref<2x128x128xf32, #tpu.memory_space<vmem>> -> memref<1x128x128xf32, #tpu.memory_space<vmem>>
      %dma_wait3A_52 = tpu.memref_squeeze %dma_wait3A_51 : memref<1x128x128xf32, #tpu.memory_space<vmem>> -> memref<128x128xf32, #tpu.memory_space<vmem>>
      %dma_wait3A_53 = arith.constant 0 : i32
      %dma_wait3A_54 = tpu.memref_slice %arg5[%mul3A_34, %dma_wait3A_53] : memref<25x128xi32, #tpu.memory_space<vmem>> -> memref<1x128xi32, #tpu.memory_space<vmem>>
      %dma_wait3A_55 = tpu.memref_squeeze %dma_wait3A_54 : memref<1x128xi32, #tpu.memory_space<vmem>> -> memref<128xi32, #tpu.memory_space<vmem>>
      %dma_wait3A_56 = arith.constant 0 : i32
      %dma_wait3A_57 = arith.constant 0 : i32
      %dma_wait3A_58 = tpu.memref_slice %arg3[%dma_wait3A_56, %dma_wait3A_57] : memref<100000x128xf32, #tpu.memory_space<hbm>> -> memref<100000x128xf32, #tpu.memory_space<hbm>>
      tpu.wait_indirect_dma semaphore(%arg7 : memref<!tpu.dma_semaphore, #tpu.memory_space<semaphore_mem>>) src(%dma_wait3A_58 : memref<100000x128xf32, #tpu.memory_space<hbm>>) dst(%dma_wait3A_52 : memref<128x128xf32, #tpu.memory_space<vmem>>)
      %mul3A_59 = arith.constant 128 : i32
      %mul3A_60 = arith.muli %mul3A_34, %mul3A_59 : i32
      %add3A_61 = arith.addi %mul3A_2, %mul3A_60 : i32
      %run_scoped3A_62 = arith.constant 0 : i32
      "tpu.region"() ({
        %run_scoped3A_95 = tpu.sem_alloc : memref<!tpu.dma_semaphore, #tpu.memory_space<semaphore_mem>>
        %dma_start3A_96 = arith.constant 0 : i32
        %dma_start3A_97 = arith.constant 0 : i32
        %dma_start3A_98 = tpu.memref_slice %arg6[%run_scoped3A_62, %dma_start3A_96, %dma_start3A_97] : memref<2x128x128xf32, #tpu.memory_space<vmem>> -> memref<1x128x128xf32, #tpu.memory_space<vmem>>
        %dma_start3A_99 = tpu.memref_squeeze %dma_start3A_98 : memref<1x128x128xf32, #tpu.memory_space<vmem>> -> memref<128x128xf32, #tpu.memory_space<vmem>>
        %dma_start3A_100 = arith.constant 0 : i32
        %dma_start3A_101 = tpu.memref_slice %arg4[%add3A_61, %dma_start3A_100] : memref<102400x128xf32, #tpu.memory_space<hbm>> -> memref<128x128xf32, #tpu.memory_space<hbm>>
        %dma_start3A_102 = arith.constant 0 : i32
        %dma_start3A_103 = tpu.memref_slice %arg4[%add3A_61, %dma_start3A_102] : memref<102400x128xf32, #tpu.memory_space<hbm>> -> memref<128x128xf32, #tpu.memory_space<hbm>>
        %dma_start3A_104 = arith.constant 0 : i32
        %dma_start3A_105 = arith.constant 0 : i32
        %dma_start3A_106 = tpu.memref_slice %arg6[%run_scoped3A_62, %dma_start3A_104, %dma_start3A_105] : memref<2x128x128xf32, #tpu.memory_space<vmem>> -> memref<1x128x128xf32, #tpu.memory_space<vmem>>
        %dma_start3A_107 = tpu.memref_squeeze %dma_start3A_106 : memref<1x128x128xf32, #tpu.memory_space<vmem>> -> memref<128x128xf32, #tpu.memory_space<vmem>>
        tpu.enqueue_dma source(%dma_start3A_107 : memref<128x128xf32, #tpu.memory_space<vmem>>) target(%dma_start3A_103 : memref<128x128xf32, #tpu.memory_space<hbm>>) target_semaphore(%run_scoped3A_95 : memref<!tpu.dma_semaphore, #tpu.memory_space<semaphore_mem>>)
        %dma_wait3A_108 = arith.constant 0 : i32
        %dma_wait3A_109 = arith.constant 0 : i32
        %dma_wait3A_110 = tpu.memref_slice %arg6[%run_scoped3A_62, %dma_wait3A_108, %dma_wait3A_109] : memref<2x128x128xf32, #tpu.memory_space<vmem>> -> memref<1x128x128xf32, #tpu.memory_space<vmem>>
        %dma_wait3A_111 = tpu.memref_squeeze %dma_wait3A_110 : memref<1x128x128xf32, #tpu.memory_space<vmem>> -> memref<128x128xf32, #tpu.memory_space<vmem>>
        %dma_wait3A_112 = arith.constant 0 : i32
        %dma_wait3A_113 = tpu.memref_slice %arg4[%add3A_61, %dma_wait3A_112] : memref<102400x128xf32, #tpu.memory_space<hbm>> -> memref<128x128xf32, #tpu.memory_space<hbm>>
        %dma_wait3A_114 = arith.constant 0 : i32
        %dma_wait3A_115 = tpu.memref_slice %arg4[%add3A_61, %dma_wait3A_114] : memref<102400x128xf32, #tpu.memory_space<hbm>> -> memref<128x128xf32, #tpu.memory_space<hbm>>
        %dma_wait3A_116 = arith.constant 0 : i32
        %dma_wait3A_117 = arith.constant 0 : i32
        %dma_wait3A_118 = tpu.memref_slice %arg6[%run_scoped3A_62, %dma_wait3A_116, %dma_wait3A_117] : memref<2x128x128xf32, #tpu.memory_space<vmem>> -> memref<1x128x128xf32, #tpu.memory_space<vmem>>
        %dma_wait3A_119 = tpu.memref_squeeze %dma_wait3A_118 : memref<1x128x128xf32, #tpu.memory_space<vmem>> -> memref<128x128xf32, #tpu.memory_space<vmem>>
        tpu.wait_dma2 semaphore(%run_scoped3A_95 : memref<!tpu.dma_semaphore, #tpu.memory_space<semaphore_mem>>) src(%dma_wait3A_119 : memref<128x128xf32, #tpu.memory_space<vmem>>) dst(%dma_wait3A_115 : memref<128x128xf32, #tpu.memory_space<hbm>>)
        tpu.yield
      }) : () -> ()
      %add3A_63 = arith.constant 2 : i32
      %add3A_64 = arith.addi %mul3A_34, %add3A_63 : i32
      %dma_start3A_65 = arith.constant 0 : i32
      %dma_start3A_66 = arith.constant 0 : i32
      %dma_start3A_67 = arith.constant 0 : i32
      %dma_start3A_68 = tpu.memref_slice %arg6[%dma_start3A_65, %dma_start3A_66, %dma_start3A_67] : memref<2x128x128xf32, #tpu.memory_space<vmem>> -> memref<1x128x128xf32, #tpu.memory_space<vmem>>
      %dma_start3A_69 = tpu.memref_squeeze %dma_start3A_68 : memref<1x128x128xf32, #tpu.memory_space<vmem>> -> memref<128x128xf32, #tpu.memory_space<vmem>>
      %dma_start3A_70 = arith.constant 0 : i32
      %dma_start3A_71 = tpu.memref_slice %arg5[%add3A_64, %dma_start3A_70] : memref<25x128xi32, #tpu.memory_space<vmem>> -> memref<1x128xi32, #tpu.memory_space<vmem>>
      %dma_start3A_72 = tpu.memref_squeeze %dma_start3A_71 : memref<1x128xi32, #tpu.memory_space<vmem>> -> memref<128xi32, #tpu.memory_space<vmem>>
      %dma_start3A_73 = arith.constant 0 : i32
      %dma_start3A_74 = arith.constant 0 : i32
      %dma_start3A_75 = tpu.memref_slice %arg3[%dma_start3A_73, %dma_start3A_74] : memref<100000x128xf32, #tpu.memory_space<hbm>> -> memref<100000x128xf32, #tpu.memory_space<hbm>>
      tpu.enqueue_indirect_dma source(%dma_start3A_75 : memref<100000x128xf32, #tpu.memory_space<hbm>>) target(%dma_start3A_69 : memref<128x128xf32, #tpu.memory_space<vmem>>) offsets(%dma_start3A_72 : memref<128xi32, #tpu.memory_space<vmem>>) semaphore(%arg7 : memref<!tpu.dma_semaphore, #tpu.memory_space<semaphore_mem>>)
      %add3A_76 = arith.constant 1 : i32
      %add3A_77 = arith.addi %mul3A_34, %add3A_76 : i32
      %dma_wait3A_78 = arith.constant 1 : i32
      %dma_wait3A_79 = arith.constant 0 : i32
      %dma_wait3A_80 = arith.constant 0 : i32
      %dma_wait3A_81 = tpu.memref_slice %arg6[%dma_wait3A_78, %dma_wait3A_79, %dma_wait3A_80] : memref<2x128x128xf32, #tpu.memory_space<vmem>> -> memref<1x128x128xf32, #tpu.memory_space<vmem>>
      %dma_wait3A_82 = tpu.memref_squeeze %dma_wait3A_81 : memref<1x128x128xf32, #tpu.memory_space<vmem>> -> memref<128x128xf32, #tpu.memory_space<vmem>>
      %dma_wait3A_83 = arith.constant 0 : i32
      %dma_wait3A_84 = tpu.memref_slice %arg5[%add3A_77, %dma_wait3A_83] : memref<25x128xi32, #tpu.memory_space<vmem>> -> memref<1x128xi32, #tpu.memory_space<vmem>>
      %dma_wait3A_85 = tpu.memref_squeeze %dma_wait3A_84 : memref<1x128xi32, #tpu.memory_space<vmem>> -> memref<128xi32, #tpu.memory_space<vmem>>
      %dma_wait3A_86 = arith.constant 0 : i32
      %dma_wait3A_87 = arith.constant 0 : i32
      %dma_wait3A_88 = tpu.memref_slice %arg3[%dma_wait3A_86, %dma_wait3A_87] : memref<100000x128xf32, #tpu.memory_space<hbm>> -> memref<100000x128xf32, #tpu.memory_space<hbm>>
      tpu.wait_indirect_dma semaphore(%arg8 : memref<!tpu.dma_semaphore, #tpu.memory_space<semaphore_mem>>) src(%dma_wait3A_88 : memref<100000x128xf32, #tpu.memory_space<hbm>>) dst(%dma_wait3A_82 : memref<128x128xf32, #tpu.memory_space<vmem>>)
      %add3A_89 = arith.constant 1 : i32
      %add3A_90 = arith.addi %mul3A_34, %add3A_89 : i32
      %mul3A_91 = arith.constant 128 : i32
      %mul3A_92 = arith.muli %add3A_90, %mul3A_91 : i32
      %add3A_93 = arith.addi %mul3A_2, %mul3A_92 : i32
      %run_scoped3A_94 = arith.constant 1 : i32
      "tpu.region"() ({
        %run_scoped3A_95 = tpu.sem_alloc : memref<!tpu.dma_semaphore, #tpu.memory_space<semaphore_mem>>
        %dma_start3A_96 = arith.constant 0 : i32
        %dma_start3A_97 = arith.constant 0 : i32
        %dma_start3A_98 = tpu.memref_slice %arg6[%run_scoped3A_94, %dma_start3A_96, %dma_start3A_97] : memref<2x128x128xf32, #tpu.memory_space<vmem>> -> memref<1x128x128xf32, #tpu.memory_space<vmem>>
        %dma_start3A_99 = tpu.memref_squeeze %dma_start3A_98 : memref<1x128x128xf32, #tpu.memory_space<vmem>> -> memref<128x128xf32, #tpu.memory_space<vmem>>
        %dma_start3A_100 = arith.constant 0 : i32
        %dma_start3A_101 = tpu.memref_slice %arg4[%add3A_93, %dma_start3A_100] : memref<102400x128xf32, #tpu.memory_space<hbm>> -> memref<128x128xf32, #tpu.memory_space<hbm>>
        %dma_start3A_102 = arith.constant 0 : i32
        %dma_start3A_103 = tpu.memref_slice %arg4[%add3A_93, %dma_start3A_102] : memref<102400x128xf32, #tpu.memory_space<hbm>> -> memref<128x128xf32, #tpu.memory_space<hbm>>
        %dma_start3A_104 = arith.constant 0 : i32
        %dma_start3A_105 = arith.constant 0 : i32
        %dma_start3A_106 = tpu.memref_slice %arg6[%run_scoped3A_94, %dma_start3A_104, %dma_start3A_105] : memref<2x128x128xf32, #tpu.memory_space<vmem>> -> memref<1x128x128xf32, #tpu.memory_space<vmem>>
        %dma_start3A_107 = tpu.memref_squeeze %dma_start3A_106 : memref<1x128x128xf32, #tpu.memory_space<vmem>> -> memref<128x128xf32, #tpu.memory_space<vmem>>
        tpu.enqueue_dma source(%dma_start3A_107 : memref<128x128xf32, #tpu.memory_space<vmem>>) target(%dma_start3A_103 : memref<128x128xf32, #tpu.memory_space<hbm>>) target_semaphore(%run_scoped3A_95 : memref<!tpu.dma_semaphore, #tpu.memory_space<semaphore_mem>>)
        %dma_wait3A_108 = arith.constant 0 : i32
        %dma_wait3A_109 = arith.constant 0 : i32
        %dma_wait3A_110 = tpu.memref_slice %arg6[%run_scoped3A_94, %dma_wait3A_108, %dma_wait3A_109] : memref<2x128x128xf32, #tpu.memory_space<vmem>> -> memref<1x128x128xf32, #tpu.memory_space<vmem>>
        %dma_wait3A_111 = tpu.memref_squeeze %dma_wait3A_110 : memref<1x128x128xf32, #tpu.memory_space<vmem>> -> memref<128x128xf32, #tpu.memory_space<vmem>>
        %dma_wait3A_112 = arith.constant 0 : i32
        %dma_wait3A_113 = tpu.memref_slice %arg4[%add3A_93, %dma_wait3A_112] : memref<102400x128xf32, #tpu.memory_space<hbm>> -> memref<128x128xf32, #tpu.memory_space<hbm>>
        %dma_wait3A_114 = arith.constant 0 : i32
        %dma_wait3A_115 = tpu.memref_slice %arg4[%add3A_93, %dma_wait3A_114] : memref<102400x128xf32, #tpu.memory_space<hbm>> -> memref<128x128xf32, #tpu.memory_space<hbm>>
        %dma_wait3A_116 = arith.constant 0 : i32
        %dma_wait3A_117 = arith.constant 0 : i32
        %dma_wait3A_118 = tpu.memref_slice %arg6[%run_scoped3A_94, %dma_wait3A_116, %dma_wait3A_117] : memref<2x128x128xf32, #tpu.memory_space<vmem>> -> memref<1x128x128xf32, #tpu.memory_space<vmem>>
        %dma_wait3A_119 = tpu.memref_squeeze %dma_wait3A_118 : memref<1x128x128xf32, #tpu.memory_space<vmem>> -> memref<128x128xf32, #tpu.memory_space<vmem>>
        tpu.wait_dma2 semaphore(%run_scoped3A_95 : memref<!tpu.dma_semaphore, #tpu.memory_space<semaphore_mem>>) src(%dma_wait3A_119 : memref<128x128xf32, #tpu.memory_space<vmem>>) dst(%dma_wait3A_115 : memref<128x128xf32, #tpu.memory_space<hbm>>)
        tpu.yield
      }) : () -> ()
    }
    %scan3A_18 = arith.constant 12 : i32
    %dma_wait3A = arith.constant 24 : i32
    %dma_wait3A_19 = arith.constant 0 : i32
    %dma_wait3A_20 = arith.constant 0 : i32
    %dma_wait3A_21 = arith.constant 0 : i32
    %dma_wait3A_22 = tpu.memref_slice %arg6[%dma_wait3A_19, %dma_wait3A_20, %dma_wait3A_21] : memref<2x128x128xf32, #tpu.memory_space<vmem>> -> memref<1x128x128xf32, #tpu.memory_space<vmem>>
    %dma_wait3A_23 = tpu.memref_squeeze %dma_wait3A_22 : memref<1x128x128xf32, #tpu.memory_space<vmem>> -> memref<128x128xf32, #tpu.memory_space<vmem>>
    %dma_wait3A_24 = arith.constant 0 : i32
    %dma_wait3A_25 = tpu.memref_slice %arg5[%dma_wait3A, %dma_wait3A_24] : memref<25x128xi32, #tpu.memory_space<vmem>> -> memref<1x128xi32, #tpu.memory_space<vmem>>
    %dma_wait3A_26 = tpu.memref_squeeze %dma_wait3A_25 : memref<1x128xi32, #tpu.memory_space<vmem>> -> memref<128xi32, #tpu.memory_space<vmem>>
    %dma_wait3A_27 = arith.constant 0 : i32
    %dma_wait3A_28 = arith.constant 0 : i32
    %dma_wait3A_29 = tpu.memref_slice %arg3[%dma_wait3A_27, %dma_wait3A_28] : memref<100000x128xf32, #tpu.memory_space<hbm>> -> memref<100000x128xf32, #tpu.memory_space<hbm>>
    tpu.wait_indirect_dma semaphore(%arg7 : memref<!tpu.dma_semaphore, #tpu.memory_space<semaphore_mem>>) src(%dma_wait3A_29 : memref<100000x128xf32, #tpu.memory_space<hbm>>) dst(%dma_wait3A_23 : memref<128x128xf32, #tpu.memory_space<vmem>>)
    %add3A_30 = arith.constant 3072 : i32
    %add3A_31 = arith.addi %mul3A_2, %add3A_30 : i32
    %run_scoped3A = arith.constant 0 : i32
    "tpu.region"() ({
      %run_scoped3A_32 = tpu.sem_alloc : memref<!tpu.dma_semaphore, #tpu.memory_space<semaphore_mem>>
      %dma_start3A_33 = arith.constant 0 : i32
      %dma_start3A_34 = arith.constant 0 : i32
      %dma_start3A_35 = tpu.memref_slice %arg6[%run_scoped3A, %dma_start3A_33, %dma_start3A_34] : memref<2x128x128xf32, #tpu.memory_space<vmem>> -> memref<1x128x128xf32, #tpu.memory_space<vmem>>
      %dma_start3A_36 = tpu.memref_squeeze %dma_start3A_35 : memref<1x128x128xf32, #tpu.memory_space<vmem>> -> memref<128x128xf32, #tpu.memory_space<vmem>>
      %dma_start3A_37 = arith.constant 0 : i32
      %dma_start3A_38 = tpu.memref_slice %arg4[%add3A_31, %dma_start3A_37] : memref<102400x128xf32, #tpu.memory_space<hbm>> -> memref<128x128xf32, #tpu.memory_space<hbm>>
      %dma_start3A_39 = arith.constant 0 : i32
      %dma_start3A_40 = tpu.memref_slice %arg4[%add3A_31, %dma_start3A_39] : memref<102400x128xf32, #tpu.memory_space<hbm>> -> memref<128x128xf32, #tpu.memory_space<hbm>>
      %dma_start3A_41 = arith.constant 0 : i32
      %dma_start3A_42 = arith.constant 0 : i32
      %dma_start3A_43 = tpu.memref_slice %arg6[%run_scoped3A, %dma_start3A_41, %dma_start3A_42] : memref<2x128x128xf32, #tpu.memory_space<vmem>> -> memref<1x128x128xf32, #tpu.memory_space<vmem>>
      %dma_start3A_44 = tpu.memref_squeeze %dma_start3A_43 : memref<1x128x128xf32, #tpu.memory_space<vmem>> -> memref<128x128xf32, #tpu.memory_space<vmem>>
      tpu.enqueue_dma source(%dma_start3A_44 : memref<128x128xf32, #tpu.memory_space<vmem>>) target(%dma_start3A_40 : memref<128x128xf32, #tpu.memory_space<hbm>>) target_semaphore(%run_scoped3A_32 : memref<!tpu.dma_semaphore, #tpu.memory_space<semaphore_mem>>)
      %dma_wait3A_45 = arith.constant 0 : i32
      %dma_wait3A_46 = arith.constant 0 : i32
      %dma_wait3A_47 = tpu.memref_slice %arg6[%run_scoped3A, %dma_wait3A_45, %dma_wait3A_46] : memref<2x128x128xf32, #tpu.memory_space<vmem>> -> memref<1x128x128xf32, #tpu.memory_space<vmem>>
      %dma_wait3A_48 = tpu.memref_squeeze %dma_wait3A_47 : memref<1x128x128xf32, #tpu.memory_space<vmem>> -> memref<128x128xf32, #tpu.memory_space<vmem>>
      %dma_wait3A_49 = arith.constant 0 : i32
      %dma_wait3A_50 = tpu.memref_slice %arg4[%add3A_31, %dma_wait3A_49] : memref<102400x128xf32, #tpu.memory_space<hbm>> -> memref<128x128xf32, #tpu.memory_space<hbm>>
      %dma_wait3A_51 = arith.constant 0 : i32
      %dma_wait3A_52 = tpu.memref_slice %arg4[%add3A_31, %dma_wait3A_51] : memref<102400x128xf32, #tpu.memory_space<hbm>> -> memref<128x128xf32, #tpu.memory_space<hbm>>
      %dma_wait3A_53 = arith.constant 0 : i32
      %dma_wait3A_54 = arith.constant 0 : i32
      %dma_wait3A_55 = tpu.memref_slice %arg6[%run_scoped3A, %dma_wait3A_53, %dma_wait3A_54] : memref<2x128x128xf32, #tpu.memory_space<vmem>> -> memref<1x128x128xf32, #tpu.memory_space<vmem>>
      %dma_wait3A_56 = tpu.memref_squeeze %dma_wait3A_55 : memref<1x128x128xf32, #tpu.memory_space<vmem>> -> memref<128x128xf32, #tpu.memory_space<vmem>>
      tpu.wait_dma2 semaphore(%run_scoped3A_32 : memref<!tpu.dma_semaphore, #tpu.memory_space<semaphore_mem>>) src(%dma_wait3A_56 : memref<128x128xf32, #tpu.memory_space<vmem>>) dst(%dma_wait3A_52 : memref<128x128xf32, #tpu.memory_space<hbm>>)
      tpu.yield
    }) : () -> ()
    return
  }
}

#map = affine_map<(d0, d1) -> (0, 0, 0)>
#map1 = affine_map<(d0, d1) -> (0, 0)>
module attributes {stable_mosaic.version = 14 : i64} {
  func.func @k(%arg0: i32, %arg1: i32, %arg2: memref<32x25x128xi32, #tpu.memory_space<hbm>>, %arg3: memref<100000x128xf32, #tpu.memory_space<hbm>>, %arg4: memref<102400x128xf32, #tpu.memory_space<hbm>>, %arg5: memref<25x128xi32, #tpu.memory_space<vmem>>, %arg6: memref<2x128x128xf32, #tpu.memory_space<vmem>>, %arg7: memref<!tpu.dma_semaphore, #tpu.memory_space<semaphore_mem>>, %arg8: memref<!tpu.dma_semaphore, #tpu.memory_space<semaphore_mem>>) attributes {dimension_semantics = [#tpu.dimension_semantics<core_parallel>, #tpu.dimension_semantics<subcore_parallel>], iteration_bounds = array<i64: 2, 16>, scalar_prefetch = 0 : i64, scratch_operands = 4 : i64, tpu.core_type = #tpu.core_type<sc_vector_subcore>, window_params = [{transform_indices = #map}, {transform_indices = #map1}, {transform_indices = #map1}]} {
    %mul3A = arith.constant 2 : i32
    %mul3A_0 = arith.muli %arg1, %mul3A : i32
    %add3A = arith.addi %mul3A_0, %arg0 : i32
    "tpu.region"() ({
      %run_scoped3A_32 = tpu.sem_alloc : memref<!tpu.dma_semaphore, #tpu.memory_space<semaphore_mem>>
      %dma_start3A_33 = arith.constant 0 : i32
      %dma_start3A_34 = arith.constant 0 : i32
      %dma_start3A_35 = tpu.memref_slice %arg2[%add3A, %dma_start3A_33, %dma_start3A_34] : memref<32x25x128xi32, #tpu.memory_space<hbm>> -> memref<1x25x128xi32, #tpu.memory_space<hbm>>
      %dma_start3A_36 = tpu.memref_squeeze %dma_start3A_35 : memref<1x25x128xi32, #tpu.memory_space<hbm>> -> memref<25x128xi32, #tpu.memory_space<hbm>>
      %dma_start3A_37 = arith.constant 0 : i32
      %dma_start3A_38 = arith.constant 0 : i32
      %dma_start3A_39 = tpu.memref_slice %arg2[%add3A, %dma_start3A_37, %dma_start3A_38] : memref<32x25x128xi32, #tpu.memory_space<hbm>> -> memref<1x25x128xi32, #tpu.memory_space<hbm>>
      %dma_start3A_40 = tpu.memref_squeeze %dma_start3A_39 : memref<1x25x128xi32, #tpu.memory_space<hbm>> -> memref<25x128xi32, #tpu.memory_space<hbm>>
      tpu.enqueue_dma source(%dma_start3A_40 : memref<25x128xi32, #tpu.memory_space<hbm>>) target(%arg5 : memref<25x128xi32, #tpu.memory_space<vmem>>) target_semaphore(%run_scoped3A_32 : memref<!tpu.dma_semaphore, #tpu.memory_space<semaphore_mem>>)
      %dma_wait3A_41 = arith.constant 0 : i32
      %dma_wait3A_42 = arith.constant 0 : i32
      %dma_wait3A_43 = tpu.memref_slice %arg2[%add3A, %dma_wait3A_41, %dma_wait3A_42] : memref<32x25x128xi32, #tpu.memory_space<hbm>> -> memref<1x25x128xi32, #tpu.memory_space<hbm>>
      %dma_wait3A_44 = tpu.memref_squeeze %dma_wait3A_43 : memref<1x25x128xi32, #tpu.memory_space<hbm>> -> memref<25x128xi32, #tpu.memory_space<hbm>>
      %dma_wait3A_45 = arith.constant 0 : i32
      %dma_wait3A_46 = arith.constant 0 : i32
      %dma_wait3A_47 = tpu.memref_slice %arg2[%add3A, %dma_wait3A_45, %dma_wait3A_46] : memref<32x25x128xi32, #tpu.memory_space<hbm>> -> memref<1x25x128xi32, #tpu.memory_space<hbm>>
      %dma_wait3A_48 = tpu.memref_squeeze %dma_wait3A_47 : memref<1x25x128xi32, #tpu.memory_space<hbm>> -> memref<25x128xi32, #tpu.memory_space<hbm>>
      tpu.wait_dma2 semaphore(%run_scoped3A_32 : memref<!tpu.dma_semaphore, #tpu.memory_space<semaphore_mem>>) src(%dma_wait3A_48 : memref<25x128xi32, #tpu.memory_space<hbm>>) dst(%arg5 : memref<25x128xi32, #tpu.memory_space<vmem>>)
      tpu.yield
    }) : () -> ()
    %mul3A_1 = arith.constant 3200 : i32
    %mul3A_2 = arith.muli %add3A, %mul3A_1 : i32
    %dma_start3A = arith.constant 0 : i32
    %dma_start3A_3 = arith.constant 0 : i32
    %dma_start3A_4 = arith.constant 0 : i32
    %dma_start3A_5 = arith.constant 0 : i32
    %dma_start3A_6 = tpu.memref_slice %arg6[%dma_start3A_3, %dma_start3A_4, %dma_start3A_5] : memref<2x128x128xf32, #tpu.memory_space<vmem>> -> memref<1x128x128xf32, #tpu.memory_space<vmem>>
    %dma_start3A_7 = tpu.memref_squeeze %dma_start3A_6 : memref<1x128x128xf32, #tpu.memory_space<vmem>> -> memref<128x128xf32, #tpu.memory_space<vmem>>
    %dma_start3A_8 = arith.constant 0 : i32
    %dma_start3A_9 = tpu.memref_slice %arg5[%dma_start3A, %dma_start3A_8] : memref<25x128xi32, #tpu.memory_space<vmem>> -> memref<1x128xi32, #tpu.memory_space<vmem>>
    %dma_start3A_10 = tpu.memref_squeeze %dma_start3A_9 : memref<1x128xi32, #tpu.memory_space<vmem>> -> memref<128xi32, #tpu.memory_space<vmem>>
    %dma_start3A_11 = arith.constant 0 : i32
    %dma_start3A_12 = arith.constant 0 : i32
    %dma_start3A_13 = tpu.memref_slice %arg3[%dma_start3A_11, %dma_start3A_12] : memref<100000x128xf32, #tpu.memory_space<hbm>> -> memref<100000x128xf32, #tpu.memory_space<hbm>>
    tpu.enqueue_indirect_dma source(%dma_start3A_13 : memref<100000x128xf32, #tpu.memory_space<hbm>>) target(%dma_start3A_7 : memref<128x128xf32, #tpu.memory_space<vmem>>) offsets(%dma_start3A_10 : memref<128xi32, #tpu.memory_space<vmem>>) semaphore(%arg7 : memref<!tpu.dma_semaphore, #tpu.memory_space<semaphore_mem>>)
    %scan3A = arith.constant 0 : i32
    %scan3A_14 = arith.constant 0 : i32
    %scan3A_15 = arith.constant 12 : i32
    %scan3A_16 = arith.addi %scan3A_14, %scan3A_15 : i32
    %scan3A_17 = arith.constant 1 : i32
    scf.for %scan3A_32 = %scan3A_14 to %scan3A_16 step %scan3A_17  : i32 {
      %mul3A_33 = arith.constant 2 : i32
      %mul3A_34 = arith.muli %mul3A_33, %scan3A_32 : i32
      %add3A_35 = arith.constant 1 : i32
      %add3A_36 = arith.addi %mul3A_34, %add3A_35 : i32
      %dma_start3A_37 = arith.constant 1 : i32
      %dma_start3A_38 = arith.constant 0 : i32
      %dma_start3A_39 = arith.constant 0 : i32
      %dma_start3A_40 = tpu.memref_slice %arg6[%dma_start3A_37, %dma_start3A_38, %dma_start3A_39] : memref<2x128x128xf32, #tpu.memory_space<vmem>> -> memref<1x128x128xf32, #tpu.memory_space<vmem>>
      %dma_start3A_41 = tpu.memref_squeeze %dma_start3A_40 : memref<1x128x128xf32, #tpu.memory_space<vmem>> -> memref<128x128xf32, #tpu.memory_space<vmem>>
      %dma_start3A_42 = arith.constant 0 : i32
      %dma_start3A_43 = tpu.memref_slice %arg5[%add3A_36, %dma_start3A_42] : memref<25x128xi32, #tpu.memory_space<vmem>> -> memref<1x128xi32, #tpu.memory_space<vmem>>
      %dma_start3A_44 = tpu.memref_squeeze %dma_start3A_43 : memref<1x128xi32, #tpu.memory_space<vmem>> -> memref<128xi32, #tpu.memory_space<vmem>>
      %dma_start3A_45 = arith.constant 0 : i32
      %dma_start3A_46 = arith.constant 0 : i32
      %dma_start3A_47 = tpu.memref_slice %arg3[%dma_start3A_45, %dma_start3A_46] : memref<100000x128xf32, #tpu.memory_space<hbm>> -> memref<100000x128xf32, #tpu.memory_space<hbm>>
      tpu.enqueue_indirect_dma source(%dma_start3A_47 : memref<100000x128xf32, #tpu.memory_space<hbm>>) target(%dma_start3A_41 : memref<128x128xf32, #tpu.memory_space<vmem>>) offsets(%dma_start3A_44 : memref<128xi32, #tpu.memory_space<vmem>>) semaphore(%arg8 : memref<!tpu.dma_semaphore, #tpu.memory_space<semaphore_mem>>)
      %dma_wait3A_48 = arith.constant 0 : i32
      %dma_wait3A_49 = arith.constant 0 : i32
      %dma_wait3A_50 = arith.constant 0 : i32
      %dma_wait3A_51 = tpu.memref_slice %arg6[%dma_wait3A_48, %dma_wait3A_49, %dma_wait3A_50] : memref<2x128x128xf32, #tpu.memory_space<vmem>> -> memref<1x128x128xf32, #tpu.memory_space<vmem>>
      %dma_wait3A_52 = tpu.memref_squeeze %dma_wait3A_51 : memref<1x128x128xf32, #tpu.memory_space<vmem>> -> memref<128x128xf32, #tpu.memory_space<vmem>>
      %dma_wait3A_53 = arith.constant 0 : i32
      %dma_wait3A_54 = tpu.memref_slice %arg5[%mul3A_34, %dma_wait3A_53] : memref<25x128xi32, #tpu.memory_space<vmem>> -> memref<1x128xi32, #tpu.memory_space<vmem>>
      %dma_wait3A_55 = tpu.memref_squeeze %dma_wait3A_54 : memref<1x128xi32, #tpu.memory_space<vmem>> -> memref<128xi32, #tpu.memory_space<vmem>>
      %dma_wait3A_56 = arith.constant 0 : i32
      %dma_wait3A_57 = arith.constant 0 : i32
      %dma_wait3A_58 = tpu.memref_slice %arg3[%dma_wait3A_56, %dma_wait3A_57] : memref<100000x128xf32, #tpu.memory_space<hbm>> -> memref<100000x128xf32, #tpu.memory_space<hbm>>
      tpu.wait_indirect_dma semaphore(%arg7 : memref<!tpu.dma_semaphore, #tpu.memory_space<semaphore_mem>>) src(%dma_wait3A_58 : memref<100000x128xf32, #tpu.memory_space<hbm>>) dst(%dma_wait3A_52 : memref<128x128xf32, #tpu.memory_space<vmem>>)
      %mul3A_59 = arith.constant 128 : i32
      %mul3A_60 = arith.muli %mul3A_34, %mul3A_59 : i32
      %add3A_61 = arith.addi %mul3A_2, %mul3A_60 : i32
      %run_scoped3A_62 = arith.constant 0 : i32
      "tpu.region"() ({
        %run_scoped3A_95 = tpu.sem_alloc : memref<!tpu.dma_semaphore, #tpu.memory_space<semaphore_mem>>
        %dma_start3A_96 = arith.constant 0 : i32
        %dma_start3A_97 = arith.constant 0 : i32
        %dma_start3A_98 = tpu.memref_slice %arg6[%run_scoped3A_62, %dma_start3A_96, %dma_start3A_97] : memref<2x128x128xf32, #tpu.memory_space<vmem>> -> memref<1x128x128xf32, #tpu.memory_space<vmem>>
        %dma_start3A_99 = tpu.memref_squeeze %dma_start3A_98 : memref<1x128x128xf32, #tpu.memory_space<vmem>> -> memref<128x128xf32, #tpu.memory_space<vmem>>
        %dma_start3A_100 = arith.constant 0 : i32
        %dma_start3A_101 = tpu.memref_slice %arg4[%add3A_61, %dma_start3A_100] : memref<102400x128xf32, #tpu.memory_space<hbm>> -> memref<128x128xf32, #tpu.memory_space<hbm>>
        %dma_start3A_102 = arith.constant 0 : i32
        %dma_start3A_103 = tpu.memref_slice %arg4[%add3A_61, %dma_start3A_102] : memref<102400x128xf32, #tpu.memory_space<hbm>> -> memref<128x128xf32, #tpu.memory_space<hbm>>
        %dma_start3A_104 = arith.constant 0 : i32
        %dma_start3A_105 = arith.constant 0 : i32
        %dma_start3A_106 = tpu.memref_slice %arg6[%run_scoped3A_62, %dma_start3A_104, %dma_start3A_105] : memref<2x128x128xf32, #tpu.memory_space<vmem>> -> memref<1x128x128xf32, #tpu.memory_space<vmem>>
        %dma_start3A_107 = tpu.memref_squeeze %dma_start3A_106 : memref<1x128x128xf32, #tpu.memory_space<vmem>> -> memref<128x128xf32, #tpu.memory_space<vmem>>
        tpu.enqueue_dma source(%dma_start3A_107 : memref<128x128xf32, #tpu.memory_space<vmem>>) target(%dma_start3A_103 : memref<128x128xf32, #tpu.memory_space<hbm>>) target_semaphore(%run_scoped3A_95 : memref<!tpu.dma_semaphore, #tpu.memory_space<semaphore_mem>>)
        %dma_wait3A_108 = arith.constant 0 : i32
        %dma_wait3A_109 = arith.constant 0 : i32
        %dma_wait3A_110 = tpu.memref_slice %arg6[%run_scoped3A_62, %dma_wait3A_108, %dma_wait3A_109] : memref<2x128x128xf32, #tpu.memory_space<vmem>> -> memref<1x128x128xf32, #tpu.memory_space<vmem>>
        %dma_wait3A_111 = tpu.memref_squeeze %dma_wait3A_110 : memref<1x128x128xf32, #tpu.memory_space<vmem>> -> memref<128x128xf32, #tpu.memory_space<vmem>>
        %dma_wait3A_112 = arith.constant 0 : i32
        %dma_wait3A_113 = tpu.memref_slice %arg4[%add3A_61, %dma_wait3A_112] : memref<102400x128xf32, #tpu.memory_space<hbm>> -> memref<128x128xf32, #tpu.memory_space<hbm>>
        %dma_wait3A_114 = arith.constant 0 : i32
        %dma_wait3A_115 = tpu.memref_slice %arg4[%add3A_61, %dma_wait3A_114] : memref<102400x128xf32, #tpu.memory_space<hbm>> -> memref<128x128xf32, #tpu.memory_space<hbm>>
        %dma_wait3A_116 = arith.constant 0 : i32
        %dma_wait3A_117 = arith.constant 0 : i32
        %dma_wait3A_118 = tpu.memref_slice %arg6[%run_scoped3A_62, %dma_wait3A_116, %dma_wait3A_117] : memref<2x128x128xf32, #tpu.memory_space<vmem>> -> memref<1x128x128xf32, #tpu.memory_space<vmem>>
        %dma_wait3A_119 = tpu.memref_squeeze %dma_wait3A_118 : memref<1x128x128xf32, #tpu.memory_space<vmem>> -> memref<128x128xf32, #tpu.memory_space<vmem>>
        tpu.wait_dma2 semaphore(%run_scoped3A_95 : memref<!tpu.dma_semaphore, #tpu.memory_space<semaphore_mem>>) src(%dma_wait3A_119 : memref<128x128xf32, #tpu.memory_space<vmem>>) dst(%dma_wait3A_115 : memref<128x128xf32, #tpu.memory_space<hbm>>)
        tpu.yield
      }) : () -> ()
      %add3A_63 = arith.constant 2 : i32
      %add3A_64 = arith.addi %mul3A_34, %add3A_63 : i32
      %dma_start3A_65 = arith.constant 0 : i32
      %dma_start3A_66 = arith.constant 0 : i32
      %dma_start3A_67 = arith.constant 0 : i32
      %dma_start3A_68 = tpu.memref_slice %arg6[%dma_start3A_65, %dma_start3A_66, %dma_start3A_67] : memref<2x128x128xf32, #tpu.memory_space<vmem>> -> memref<1x128x128xf32, #tpu.memory_space<vmem>>
      %dma_start3A_69 = tpu.memref_squeeze %dma_start3A_68 : memref<1x128x128xf32, #tpu.memory_space<vmem>> -> memref<128x128xf32, #tpu.memory_space<vmem>>
      %dma_start3A_70 = arith.constant 0 : i32
      %dma_start3A_71 = tpu.memref_slice %arg5[%add3A_64, %dma_start3A_70] : memref<25x128xi32, #tpu.memory_space<vmem>> -> memref<1x128xi32, #tpu.memory_space<vmem>>
      %dma_start3A_72 = tpu.memref_squeeze %dma_start3A_71 : memref<1x128xi32, #tpu.memory_space<vmem>> -> memref<128xi32, #tpu.memory_space<vmem>>
      %dma_start3A_73 = arith.constant 0 : i32
      %dma_start3A_74 = arith.constant 0 : i32
      %dma_start3A_75 = tpu.memref_slice %arg3[%dma_start3A_73, %dma_start3A_74] : memref<100000x128xf32, #tpu.memory_space<hbm>> -> memref<100000x128xf32, #tpu.memory_space<hbm>>
      tpu.enqueue_indirect_dma source(%dma_start3A_75 : memref<100000x128xf32, #tpu.memory_space<hbm>>) target(%dma_start3A_69 : memref<128x128xf32, #tpu.memory_space<vmem>>) offsets(%dma_start3A_72 : memref<128xi32, #tpu.memory_space<vmem>>) semaphore(%arg7 : memref<!tpu.dma_semaphore, #tpu.memory_space<semaphore_mem>>)
      %add3A_76 = arith.constant 1 : i32
      %add3A_77 = arith.addi %mul3A_34, %add3A_76 : i32
      %dma_wait3A_78 = arith.constant 1 : i32
      %dma_wait3A_79 = arith.constant 0 : i32
      %dma_wait3A_80 = arith.constant 0 : i32
      %dma_wait3A_81 = tpu.memref_slice %arg6[%dma_wait3A_78, %dma_wait3A_79, %dma_wait3A_80] : memref<2x128x128xf32, #tpu.memory_space<vmem>> -> memref<1x128x128xf32, #tpu.memory_space<vmem>>
      %dma_wait3A_82 = tpu.memref_squeeze %dma_wait3A_81 : memref<1x128x128xf32, #tpu.memory_space<vmem>> -> memref<128x128xf32, #tpu.memory_space<vmem>>
      %dma_wait3A_83 = arith.constant 0 : i32
      %dma_wait3A_84 = tpu.memref_slice %arg5[%add3A_77, %dma_wait3A_83] : memref<25x128xi32, #tpu.memory_space<vmem>> -> memref<1x128xi32, #tpu.memory_space<vmem>>
      %dma_wait3A_85 = tpu.memref_squeeze %dma_wait3A_84 : memref<1x128xi32, #tpu.memory_space<vmem>> -> memref<128xi32, #tpu.memory_space<vmem>>
      %dma_wait3A_86 = arith.constant 0 : i32
      %dma_wait3A_87 = arith.constant 0 : i32
      %dma_wait3A_88 = tpu.memref_slice %arg3[%dma_wait3A_86, %dma_wait3A_87] : memref<100000x128xf32, #tpu.memory_space<hbm>> -> memref<100000x128xf32, #tpu.memory_space<hbm>>
      tpu.wait_indirect_dma semaphore(%arg8 : memref<!tpu.dma_semaphore, #tpu.memory_space<semaphore_mem>>) src(%dma_wait3A_88 : memref<100000x128xf32, #tpu.memory_space<hbm>>) dst(%dma_wait3A_82 : memref<128x128xf32, #tpu.memory_space<vmem>>)
      %add3A_89 = arith.constant 1 : i32
      %add3A_90 = arith.addi %mul3A_34, %add3A_89 : i32
      %mul3A_91 = arith.constant 128 : i32
      %mul3A_92 = arith.muli %add3A_90, %mul3A_91 : i32
      %add3A_93 = arith.addi %mul3A_2, %mul3A_92 : i32
      %run_scoped3A_94 = arith.constant 1 : i32
      "tpu.region"() ({
        %run_scoped3A_95 = tpu.sem_alloc : memref<!tpu.dma_semaphore, #tpu.memory_space<semaphore_mem>>
        %dma_start3A_96 = arith.constant 0 : i32
        %dma_start3A_97 = arith.constant 0 : i32
        %dma_start3A_98 = tpu.memref_slice %arg6[%run_scoped3A_94, %dma_start3A_96, %dma_start3A_97] : memref<2x128x128xf32, #tpu.memory_space<vmem>> -> memref<1x128x128xf32, #tpu.memory_space<vmem>>
        %dma_start3A_99 = tpu.memref_squeeze %dma_start3A_98 : memref<1x128x128xf32, #tpu.memory_space<vmem>> -> memref<128x128xf32, #tpu.memory_space<vmem>>
        %dma_start3A_100 = arith.constant 0 : i32
        %dma_start3A_101 = tpu.memref_slice %arg4[%add3A_93, %dma_start3A_100] : memref<102400x128xf32, #tpu.memory_space<hbm>> -> memref<128x128xf32, #tpu.memory_space<hbm>>
        %dma_start3A_102 = arith.constant 0 : i32
        %dma_start3A_103 = tpu.memref_slice %arg4[%add3A_93, %dma_start3A_102] : memref<102400x128xf32, #tpu.memory_space<hbm>> -> memref<128x128xf32, #tpu.memory_space<hbm>>
        %dma_start3A_104 = arith.constant 0 : i32
        %dma_start3A_105 = arith.constant 0 : i32
        %dma_start3A_106 = tpu.memref_slice %arg6[%run_scoped3A_94, %dma_start3A_104, %dma_start3A_105] : memref<2x128x128xf32, #tpu.memory_space<vmem>> -> memref<1x128x128xf32, #tpu.memory_space<vmem>>
        %dma_start3A_107 = tpu.memref_squeeze %dma_start3A_106 : memref<1x128x128xf32, #tpu.memory_space<vmem>> -> memref<128x128xf32, #tpu.memory_space<vmem>>
        tpu.enqueue_dma source(%dma_start3A_107 : memref<128x128xf32, #tpu.memory_space<vmem>>) target(%dma_start3A_103 : memref<128x128xf32, #tpu.memory_space<hbm>>) target_semaphore(%run_scoped3A_95 : memref<!tpu.dma_semaphore, #tpu.memory_space<semaphore_mem>>)
        %dma_wait3A_108 = arith.constant 0 : i32
        %dma_wait3A_109 = arith.constant 0 : i32
        %dma_wait3A_110 = tpu.memref_slice %arg6[%run_scoped3A_94, %dma_wait3A_108, %dma_wait3A_109] : memref<2x128x128xf32, #tpu.memory_space<vmem>> -> memref<1x128x128xf32, #tpu.memory_space<vmem>>
        %dma_wait3A_111 = tpu.memref_squeeze %dma_wait3A_110 : memref<1x128x128xf32, #tpu.memory_space<vmem>> -> memref<128x128xf32, #tpu.memory_space<vmem>>
        %dma_wait3A_112 = arith.constant 0 : i32
        %dma_wait3A_113 = tpu.memref_slice %arg4[%add3A_93, %dma_wait3A_112] : memref<102400x128xf32, #tpu.memory_space<hbm>> -> memref<128x128xf32, #tpu.memory_space<hbm>>
        %dma_wait3A_114 = arith.constant 0 : i32
        %dma_wait3A_115 = tpu.memref_slice %arg4[%add3A_93, %dma_wait3A_114] : memref<102400x128xf32, #tpu.memory_space<hbm>> -> memref<128x128xf32, #tpu.memory_space<hbm>>
        %dma_wait3A_116 = arith.constant 0 : i32
        %dma_wait3A_117 = arith.constant 0 : i32
        %dma_wait3A_118 = tpu.memref_slice %arg6[%run_scoped3A_94, %dma_wait3A_116, %dma_wait3A_117] : memref<2x128x128xf32, #tpu.memory_space<vmem>> -> memref<1x128x128xf32, #tpu.memory_space<vmem>>
        %dma_wait3A_119 = tpu.memref_squeeze %dma_wait3A_118 : memref<1x128x128xf32, #tpu.memory_space<vmem>> -> memref<128x128xf32, #tpu.memory_space<vmem>>
        tpu.wait_dma2 semaphore(%run_scoped3A_95 : memref<!tpu.dma_semaphore, #tpu.memory_space<semaphore_mem>>) src(%dma_wait3A_119 : memref<128x128xf32, #tpu.memory_space<vmem>>) dst(%dma_wait3A_115 : memref<128x128xf32, #tpu.memory_space<hbm>>)
        tpu.yield
      }) : () -> ()
    }
    %scan3A_18 = arith.constant 12 : i32
    %dma_wait3A = arith.constant 24 : i32
    %dma_wait3A_19 = arith.constant 0 : i32
    %dma_wait3A_20 = arith.constant 0 : i32
    %dma_wait3A_21 = arith.constant 0 : i32
    %dma_wait3A_22 = tpu.memref_slice %arg6[%dma_wait3A_19, %dma_wait3A_20, %dma_wait3A_21] : memref<2x128x128xf32, #tpu.memory_space<vmem>> -> memref<1x128x128xf32, #tpu.memory_space<vmem>>
    %dma_wait3A_23 = tpu.memref_squeeze %dma_wait3A_22 : memref<1x128x128xf32, #tpu.memory_space<vmem>> -> memref<128x128xf32, #tpu.memory_space<vmem>>
    %dma_wait3A_24 = arith.constant 0 : i32
    %dma_wait3A_25 = tpu.memref_slice %arg5[%dma_wait3A, %dma_wait3A_24] : memref<25x128xi32, #tpu.memory_space<vmem>> -> memref<1x128xi32, #tpu.memory_space<vmem>>
    %dma_wait3A_26 = tpu.memref_squeeze %dma_wait3A_25 : memref<1x128xi32, #tpu.memory_space<vmem>> -> memref<128xi32, #tpu.memory_space<vmem>>
    %dma_wait3A_27 = arith.constant 0 : i32
    %dma_wait3A_28 = arith.constant 0 : i32
    %dma_wait3A_29 = tpu.memref_slice %arg3[%dma_wait3A_27, %dma_wait3A_28] : memref<100000x128xf32, #tpu.memory_space<hbm>> -> memref<100000x128xf32, #tpu.memory_space<hbm>>
    tpu.wait_indirect_dma semaphore(%arg7 : memref<!tpu.dma_semaphore, #tpu.memory_space<semaphore_mem>>) src(%dma_wait3A_29 : memref<100000x128xf32, #tpu.memory_space<hbm>>) dst(%dma_wait3A_23 : memref<128x128xf32, #tpu.memory_space<vmem>>)
    %add3A_30 = arith.constant 3072 : i32
    %add3A_31 = arith.addi %mul3A_2, %add3A_30 : i32
    %run_scoped3A = arith.constant 0 : i32
    "tpu.region"() ({
      %run_scoped3A_32 = tpu.sem_alloc : memref<!tpu.dma_semaphore, #tpu.memory_space<semaphore_mem>>
      %dma_start3A_33 = arith.constant 0 : i32
      %dma_start3A_34 = arith.constant 0 : i32
      %dma_start3A_35 = tpu.memref_slice %arg6[%run_scoped3A, %dma_start3A_33, %dma_start3A_34] : memref<2x128x128xf32, #tpu.memory_space<vmem>> -> memref<1x128x128xf32, #tpu.memory_space<vmem>>
      %dma_start3A_36 = tpu.memref_squeeze %dma_start3A_35 : memref<1x128x128xf32, #tpu.memory_space<vmem>> -> memref<128x128xf32, #tpu.memory_space<vmem>>
      %dma_start3A_37 = arith.constant 0 : i32
      %dma_start3A_38 = tpu.memref_slice %arg4[%add3A_31, %dma_start3A_37] : memref<102400x128xf32, #tpu.memory_space<hbm>> -> memref<128x128xf32, #tpu.memory_space<hbm>>
      %dma_start3A_39 = arith.constant 0 : i32
      %dma_start3A_40 = tpu.memref_slice %arg4[%add3A_31, %dma_start3A_39] : memref<102400x128xf32, #tpu.memory_space<hbm>> -> memref<128x128xf32, #tpu.memory_space<hbm>>
      %dma_start3A_41 = arith.constant 0 : i32
      %dma_start3A_42 = arith.constant 0 : i32
      %dma_start3A_43 = tpu.memref_slice %arg6[%run_scoped3A, %dma_start3A_41, %dma_start3A_42] : memref<2x128x128xf32, #tpu.memory_space<vmem>> -> memref<1x128x128xf32, #tpu.memory_space<vmem>>
      %dma_start3A_44 = tpu.memref_squeeze %dma_start3A_43 : memref<1x128x128xf32, #tpu.memory_space<vmem>> -> memref<128x128xf32, #tpu.memory_space<vmem>>
      tpu.enqueue_dma source(%dma_start3A_44 : memref<128x128xf32, #tpu.memory_space<vmem>>) target(%dma_start3A_40 : memref<128x128xf32, #tpu.memory_space<hbm>>) target_semaphore(%run_scoped3A_32 : memref<!tpu.dma_semaphore, #tpu.memory_space<semaphore_mem>>)
      %dma_wait3A_45 = arith.constant 0 : i32
      %dma_wait3A_46 = arith.constant 0 : i32
      %dma_wait3A_47 = tpu.memref_slice %arg6[%run_scoped3A, %dma_wait3A_45, %dma_wait3A_46] : memref<2x128x128xf32, #tpu.memory_space<vmem>> -> memref<1x128x128xf32, #tpu.memory_space<vmem>>
      %dma_wait3A_48 = tpu.memref_squeeze %dma_wait3A_47 : memref<1x128x128xf32, #tpu.memory_space<vmem>> -> memref<128x128xf32, #tpu.memory_space<vmem>>
      %dma_wait3A_49 = arith.constant 0 : i32
      %dma_wait3A_50 = tpu.memref_slice %arg4[%add3A_31, %dma_wait3A_49] : memref<102400x128xf32, #tpu.memory_space<hbm>> -> memref<128x128xf32, #tpu.memory_space<hbm>>
      %dma_wait3A_51 = arith.constant 0 : i32
      %dma_wait3A_52 = tpu.memref_slice %arg4[%add3A_31, %dma_wait3A_51] : memref<102400x128xf32, #tpu.memory_space<hbm>> -> memref<128x128xf32, #tpu.memory_space<hbm>>
      %dma_wait3A_53 = arith.constant 0 : i32
      %dma_wait3A_54 = arith.constant 0 : i32
      %dma_wait3A_55 = tpu.memref_slice %arg6[%run_scoped3A, %dma_wait3A_53, %dma_wait3A_54] : memref<2x128x128xf32, #tpu.memory_space<vmem>> -> memref<1x128x128xf32, #tpu.memory_space<vmem>>
      %dma_wait3A_56 = tpu.memref_squeeze %dma_wait3A_55 : memref<1x128x128xf32, #tpu.memory_space<vmem>> -> memref<128x128xf32, #tpu.memory_space<vmem>>
      tpu.wait_dma2 semaphore(%run_scoped3A_32 : memref<!tpu.dma_semaphore, #tpu.memory_space<semaphore_mem>>) src(%dma_wait3A_56 : memref<128x128xf32, #tpu.memory_space<vmem>>) dst(%dma_wait3A_52 : memref<128x128xf32, #tpu.memory_space<hbm>>)
      tpu.yield
    }) : () -> ()
    return
  }
}

#map = affine_map<(d0, d1) -> (0, 0, 0)>
#map1 = affine_map<(d0, d1) -> (0, 0)>
module attributes {stable_mosaic.version = 14 : i64} {
  func.func @k(%arg0: i32, %arg1: i32, %arg2: memref<32x25x128xi32, #tpu.memory_space<hbm>>, %arg3: memref<100000x128xf32, #tpu.memory_space<hbm>>, %arg4: memref<102400x128xf32, #tpu.memory_space<hbm>>, %arg5: memref<25x128xi32, #tpu.memory_space<vmem>>, %arg6: memref<2x128x128xf32, #tpu.memory_space<vmem>>, %arg7: memref<!tpu.dma_semaphore, #tpu.memory_space<semaphore_mem>>, %arg8: memref<!tpu.dma_semaphore, #tpu.memory_space<semaphore_mem>>) attributes {dimension_semantics = [#tpu.dimension_semantics<core_parallel>, #tpu.dimension_semantics<subcore_parallel>], iteration_bounds = array<i64: 2, 16>, scalar_prefetch = 0 : i64, scratch_operands = 4 : i64, tpu.core_type = #tpu.core_type<sc_vector_subcore>, window_params = [{transform_indices = #map}, {transform_indices = #map1}, {transform_indices = #map1}]} {
    %mul3A = arith.constant 2 : i32
    %mul3A_0 = arith.muli %arg1, %mul3A : i32
    %add3A = arith.addi %mul3A_0, %arg0 : i32
    "tpu.region"() ({
      %run_scoped3A_32 = tpu.sem_alloc : memref<!tpu.dma_semaphore, #tpu.memory_space<semaphore_mem>>
      %dma_start3A_33 = arith.constant 0 : i32
      %dma_start3A_34 = arith.constant 0 : i32
      %dma_start3A_35 = tpu.memref_slice %arg2[%add3A, %dma_start3A_33, %dma_start3A_34] : memref<32x25x128xi32, #tpu.memory_space<hbm>> -> memref<1x25x128xi32, #tpu.memory_space<hbm>>
      %dma_start3A_36 = tpu.memref_squeeze %dma_start3A_35 : memref<1x25x128xi32, #tpu.memory_space<hbm>> -> memref<25x128xi32, #tpu.memory_space<hbm>>
      %dma_start3A_37 = arith.constant 0 : i32
      %dma_start3A_38 = arith.constant 0 : i32
      %dma_start3A_39 = tpu.memref_slice %arg2[%add3A, %dma_start3A_37, %dma_start3A_38] : memref<32x25x128xi32, #tpu.memory_space<hbm>> -> memref<1x25x128xi32, #tpu.memory_space<hbm>>
      %dma_start3A_40 = tpu.memref_squeeze %dma_start3A_39 : memref<1x25x128xi32, #tpu.memory_space<hbm>> -> memref<25x128xi32, #tpu.memory_space<hbm>>
      tpu.enqueue_dma source(%dma_start3A_40 : memref<25x128xi32, #tpu.memory_space<hbm>>) target(%arg5 : memref<25x128xi32, #tpu.memory_space<vmem>>) target_semaphore(%run_scoped3A_32 : memref<!tpu.dma_semaphore, #tpu.memory_space<semaphore_mem>>)
      %dma_wait3A_41 = arith.constant 0 : i32
      %dma_wait3A_42 = arith.constant 0 : i32
      %dma_wait3A_43 = tpu.memref_slice %arg2[%add3A, %dma_wait3A_41, %dma_wait3A_42] : memref<32x25x128xi32, #tpu.memory_space<hbm>> -> memref<1x25x128xi32, #tpu.memory_space<hbm>>
      %dma_wait3A_44 = tpu.memref_squeeze %dma_wait3A_43 : memref<1x25x128xi32, #tpu.memory_space<hbm>> -> memref<25x128xi32, #tpu.memory_space<hbm>>
      %dma_wait3A_45 = arith.constant 0 : i32
      %dma_wait3A_46 = arith.constant 0 : i32
      %dma_wait3A_47 = tpu.memref_slice %arg2[%add3A, %dma_wait3A_45, %dma_wait3A_46] : memref<32x25x128xi32, #tpu.memory_space<hbm>> -> memref<1x25x128xi32, #tpu.memory_space<hbm>>
      %dma_wait3A_48 = tpu.memref_squeeze %dma_wait3A_47 : memref<1x25x128xi32, #tpu.memory_space<hbm>> -> memref<25x128xi32, #tpu.memory_space<hbm>>
      tpu.wait_dma2 semaphore(%run_scoped3A_32 : memref<!tpu.dma_semaphore, #tpu.memory_space<semaphore_mem>>) src(%dma_wait3A_48 : memref<25x128xi32, #tpu.memory_space<hbm>>) dst(%arg5 : memref<25x128xi32, #tpu.memory_space<vmem>>)
      tpu.yield
    }) : () -> ()
    %mul3A_1 = arith.constant 3200 : i32
    %mul3A_2 = arith.muli %add3A, %mul3A_1 : i32
    %dma_start3A = arith.constant 0 : i32
    %dma_start3A_3 = arith.constant 0 : i32
    %dma_start3A_4 = arith.constant 0 : i32
    %dma_start3A_5 = arith.constant 0 : i32
    %dma_start3A_6 = tpu.memref_slice %arg6[%dma_start3A_3, %dma_start3A_4, %dma_start3A_5] : memref<2x128x128xf32, #tpu.memory_space<vmem>> -> memref<1x128x128xf32, #tpu.memory_space<vmem>>
    %dma_start3A_7 = tpu.memref_squeeze %dma_start3A_6 : memref<1x128x128xf32, #tpu.memory_space<vmem>> -> memref<128x128xf32, #tpu.memory_space<vmem>>
    %dma_start3A_8 = arith.constant 0 : i32
    %dma_start3A_9 = tpu.memref_slice %arg5[%dma_start3A, %dma_start3A_8] : memref<25x128xi32, #tpu.memory_space<vmem>> -> memref<1x128xi32, #tpu.memory_space<vmem>>
    %dma_start3A_10 = tpu.memref_squeeze %dma_start3A_9 : memref<1x128xi32, #tpu.memory_space<vmem>> -> memref<128xi32, #tpu.memory_space<vmem>>
    %dma_start3A_11 = arith.constant 0 : i32
    %dma_start3A_12 = arith.constant 0 : i32
    %dma_start3A_13 = tpu.memref_slice %arg3[%dma_start3A_11, %dma_start3A_12] : memref<100000x128xf32, #tpu.memory_space<hbm>> -> memref<100000x128xf32, #tpu.memory_space<hbm>>
    tpu.enqueue_indirect_dma source(%dma_start3A_13 : memref<100000x128xf32, #tpu.memory_space<hbm>>) target(%dma_start3A_7 : memref<128x128xf32, #tpu.memory_space<vmem>>) offsets(%dma_start3A_10 : memref<128xi32, #tpu.memory_space<vmem>>) semaphore(%arg7 : memref<!tpu.dma_semaphore, #tpu.memory_space<semaphore_mem>>)
    %scan3A = arith.constant 0 : i32
    %scan3A_14 = arith.constant 0 : i32
    %scan3A_15 = arith.constant 12 : i32
    %scan3A_16 = arith.addi %scan3A_14, %scan3A_15 : i32
    %scan3A_17 = arith.constant 1 : i32
    scf.for %scan3A_32 = %scan3A_14 to %scan3A_16 step %scan3A_17  : i32 {
      %mul3A_33 = arith.constant 2 : i32
      %mul3A_34 = arith.muli %mul3A_33, %scan3A_32 : i32
      %add3A_35 = arith.constant 1 : i32
      %add3A_36 = arith.addi %mul3A_34, %add3A_35 : i32
      %dma_start3A_37 = arith.constant 1 : i32
      %dma_start3A_38 = arith.constant 0 : i32
      %dma_start3A_39 = arith.constant 0 : i32
      %dma_start3A_40 = tpu.memref_slice %arg6[%dma_start3A_37, %dma_start3A_38, %dma_start3A_39] : memref<2x128x128xf32, #tpu.memory_space<vmem>> -> memref<1x128x128xf32, #tpu.memory_space<vmem>>
      %dma_start3A_41 = tpu.memref_squeeze %dma_start3A_40 : memref<1x128x128xf32, #tpu.memory_space<vmem>> -> memref<128x128xf32, #tpu.memory_space<vmem>>
      %dma_start3A_42 = arith.constant 0 : i32
      %dma_start3A_43 = tpu.memref_slice %arg5[%add3A_36, %dma_start3A_42] : memref<25x128xi32, #tpu.memory_space<vmem>> -> memref<1x128xi32, #tpu.memory_space<vmem>>
      %dma_start3A_44 = tpu.memref_squeeze %dma_start3A_43 : memref<1x128xi32, #tpu.memory_space<vmem>> -> memref<128xi32, #tpu.memory_space<vmem>>
      %dma_start3A_45 = arith.constant 0 : i32
      %dma_start3A_46 = arith.constant 0 : i32
      %dma_start3A_47 = tpu.memref_slice %arg3[%dma_start3A_45, %dma_start3A_46] : memref<100000x128xf32, #tpu.memory_space<hbm>> -> memref<100000x128xf32, #tpu.memory_space<hbm>>
      tpu.enqueue_indirect_dma source(%dma_start3A_47 : memref<100000x128xf32, #tpu.memory_space<hbm>>) target(%dma_start3A_41 : memref<128x128xf32, #tpu.memory_space<vmem>>) offsets(%dma_start3A_44 : memref<128xi32, #tpu.memory_space<vmem>>) semaphore(%arg8 : memref<!tpu.dma_semaphore, #tpu.memory_space<semaphore_mem>>)
      %dma_wait3A_48 = arith.constant 0 : i32
      %dma_wait3A_49 = arith.constant 0 : i32
      %dma_wait3A_50 = arith.constant 0 : i32
      %dma_wait3A_51 = tpu.memref_slice %arg6[%dma_wait3A_48, %dma_wait3A_49, %dma_wait3A_50] : memref<2x128x128xf32, #tpu.memory_space<vmem>> -> memref<1x128x128xf32, #tpu.memory_space<vmem>>
      %dma_wait3A_52 = tpu.memref_squeeze %dma_wait3A_51 : memref<1x128x128xf32, #tpu.memory_space<vmem>> -> memref<128x128xf32, #tpu.memory_space<vmem>>
      %dma_wait3A_53 = arith.constant 0 : i32
      %dma_wait3A_54 = tpu.memref_slice %arg5[%mul3A_34, %dma_wait3A_53] : memref<25x128xi32, #tpu.memory_space<vmem>> -> memref<1x128xi32, #tpu.memory_space<vmem>>
      %dma_wait3A_55 = tpu.memref_squeeze %dma_wait3A_54 : memref<1x128xi32, #tpu.memory_space<vmem>> -> memref<128xi32, #tpu.memory_space<vmem>>
      %dma_wait3A_56 = arith.constant 0 : i32
      %dma_wait3A_57 = arith.constant 0 : i32
      %dma_wait3A_58 = tpu.memref_slice %arg3[%dma_wait3A_56, %dma_wait3A_57] : memref<100000x128xf32, #tpu.memory_space<hbm>> -> memref<100000x128xf32, #tpu.memory_space<hbm>>
      tpu.wait_indirect_dma semaphore(%arg7 : memref<!tpu.dma_semaphore, #tpu.memory_space<semaphore_mem>>) src(%dma_wait3A_58 : memref<100000x128xf32, #tpu.memory_space<hbm>>) dst(%dma_wait3A_52 : memref<128x128xf32, #tpu.memory_space<vmem>>)
      %mul3A_59 = arith.constant 128 : i32
      %mul3A_60 = arith.muli %mul3A_34, %mul3A_59 : i32
      %add3A_61 = arith.addi %mul3A_2, %mul3A_60 : i32
      %run_scoped3A_62 = arith.constant 0 : i32
      "tpu.region"() ({
        %run_scoped3A_95 = tpu.sem_alloc : memref<!tpu.dma_semaphore, #tpu.memory_space<semaphore_mem>>
        %dma_start3A_96 = arith.constant 0 : i32
        %dma_start3A_97 = arith.constant 0 : i32
        %dma_start3A_98 = tpu.memref_slice %arg6[%run_scoped3A_62, %dma_start3A_96, %dma_start3A_97] : memref<2x128x128xf32, #tpu.memory_space<vmem>> -> memref<1x128x128xf32, #tpu.memory_space<vmem>>
        %dma_start3A_99 = tpu.memref_squeeze %dma_start3A_98 : memref<1x128x128xf32, #tpu.memory_space<vmem>> -> memref<128x128xf32, #tpu.memory_space<vmem>>
        %dma_start3A_100 = arith.constant 0 : i32
        %dma_start3A_101 = tpu.memref_slice %arg4[%add3A_61, %dma_start3A_100] : memref<102400x128xf32, #tpu.memory_space<hbm>> -> memref<128x128xf32, #tpu.memory_space<hbm>>
        %dma_start3A_102 = arith.constant 0 : i32
        %dma_start3A_103 = tpu.memref_slice %arg4[%add3A_61, %dma_start3A_102] : memref<102400x128xf32, #tpu.memory_space<hbm>> -> memref<128x128xf32, #tpu.memory_space<hbm>>
        %dma_start3A_104 = arith.constant 0 : i32
        %dma_start3A_105 = arith.constant 0 : i32
        %dma_start3A_106 = tpu.memref_slice %arg6[%run_scoped3A_62, %dma_start3A_104, %dma_start3A_105] : memref<2x128x128xf32, #tpu.memory_space<vmem>> -> memref<1x128x128xf32, #tpu.memory_space<vmem>>
        %dma_start3A_107 = tpu.memref_squeeze %dma_start3A_106 : memref<1x128x128xf32, #tpu.memory_space<vmem>> -> memref<128x128xf32, #tpu.memory_space<vmem>>
        tpu.enqueue_dma source(%dma_start3A_107 : memref<128x128xf32, #tpu.memory_space<vmem>>) target(%dma_start3A_103 : memref<128x128xf32, #tpu.memory_space<hbm>>) target_semaphore(%run_scoped3A_95 : memref<!tpu.dma_semaphore, #tpu.memory_space<semaphore_mem>>)
        %dma_wait3A_108 = arith.constant 0 : i32
        %dma_wait3A_109 = arith.constant 0 : i32
        %dma_wait3A_110 = tpu.memref_slice %arg6[%run_scoped3A_62, %dma_wait3A_108, %dma_wait3A_109] : memref<2x128x128xf32, #tpu.memory_space<vmem>> -> memref<1x128x128xf32, #tpu.memory_space<vmem>>
        %dma_wait3A_111 = tpu.memref_squeeze %dma_wait3A_110 : memref<1x128x128xf32, #tpu.memory_space<vmem>> -> memref<128x128xf32, #tpu.memory_space<vmem>>
        %dma_wait3A_112 = arith.constant 0 : i32
        %dma_wait3A_113 = tpu.memref_slice %arg4[%add3A_61, %dma_wait3A_112] : memref<102400x128xf32, #tpu.memory_space<hbm>> -> memref<128x128xf32, #tpu.memory_space<hbm>>
        %dma_wait3A_114 = arith.constant 0 : i32
        %dma_wait3A_115 = tpu.memref_slice %arg4[%add3A_61, %dma_wait3A_114] : memref<102400x128xf32, #tpu.memory_space<hbm>> -> memref<128x128xf32, #tpu.memory_space<hbm>>
        %dma_wait3A_116 = arith.constant 0 : i32
        %dma_wait3A_117 = arith.constant 0 : i32
        %dma_wait3A_118 = tpu.memref_slice %arg6[%run_scoped3A_62, %dma_wait3A_116, %dma_wait3A_117] : memref<2x128x128xf32, #tpu.memory_space<vmem>> -> memref<1x128x128xf32, #tpu.memory_space<vmem>>
        %dma_wait3A_119 = tpu.memref_squeeze %dma_wait3A_118 : memref<1x128x128xf32, #tpu.memory_space<vmem>> -> memref<128x128xf32, #tpu.memory_space<vmem>>
        tpu.wait_dma2 semaphore(%run_scoped3A_95 : memref<!tpu.dma_semaphore, #tpu.memory_space<semaphore_mem>>) src(%dma_wait3A_119 : memref<128x128xf32, #tpu.memory_space<vmem>>) dst(%dma_wait3A_115 : memref<128x128xf32, #tpu.memory_space<hbm>>)
        tpu.yield
      }) : () -> ()
      %add3A_63 = arith.constant 2 : i32
      %add3A_64 = arith.addi %mul3A_34, %add3A_63 : i32
      %dma_start3A_65 = arith.constant 0 : i32
      %dma_start3A_66 = arith.constant 0 : i32
      %dma_start3A_67 = arith.constant 0 : i32
      %dma_start3A_68 = tpu.memref_slice %arg6[%dma_start3A_65, %dma_start3A_66, %dma_start3A_67] : memref<2x128x128xf32, #tpu.memory_space<vmem>> -> memref<1x128x128xf32, #tpu.memory_space<vmem>>
      %dma_start3A_69 = tpu.memref_squeeze %dma_start3A_68 : memref<1x128x128xf32, #tpu.memory_space<vmem>> -> memref<128x128xf32, #tpu.memory_space<vmem>>
      %dma_start3A_70 = arith.constant 0 : i32
      %dma_start3A_71 = tpu.memref_slice %arg5[%add3A_64, %dma_start3A_70] : memref<25x128xi32, #tpu.memory_space<vmem>> -> memref<1x128xi32, #tpu.memory_space<vmem>>
      %dma_start3A_72 = tpu.memref_squeeze %dma_start3A_71 : memref<1x128xi32, #tpu.memory_space<vmem>> -> memref<128xi32, #tpu.memory_space<vmem>>
      %dma_start3A_73 = arith.constant 0 : i32
      %dma_start3A_74 = arith.constant 0 : i32
      %dma_start3A_75 = tpu.memref_slice %arg3[%dma_start3A_73, %dma_start3A_74] : memref<100000x128xf32, #tpu.memory_space<hbm>> -> memref<100000x128xf32, #tpu.memory_space<hbm>>
      tpu.enqueue_indirect_dma source(%dma_start3A_75 : memref<100000x128xf32, #tpu.memory_space<hbm>>) target(%dma_start3A_69 : memref<128x128xf32, #tpu.memory_space<vmem>>) offsets(%dma_start3A_72 : memref<128xi32, #tpu.memory_space<vmem>>) semaphore(%arg7 : memref<!tpu.dma_semaphore, #tpu.memory_space<semaphore_mem>>)
      %add3A_76 = arith.constant 1 : i32
      %add3A_77 = arith.addi %mul3A_34, %add3A_76 : i32
      %dma_wait3A_78 = arith.constant 1 : i32
      %dma_wait3A_79 = arith.constant 0 : i32
      %dma_wait3A_80 = arith.constant 0 : i32
      %dma_wait3A_81 = tpu.memref_slice %arg6[%dma_wait3A_78, %dma_wait3A_79, %dma_wait3A_80] : memref<2x128x128xf32, #tpu.memory_space<vmem>> -> memref<1x128x128xf32, #tpu.memory_space<vmem>>
      %dma_wait3A_82 = tpu.memref_squeeze %dma_wait3A_81 : memref<1x128x128xf32, #tpu.memory_space<vmem>> -> memref<128x128xf32, #tpu.memory_space<vmem>>
      %dma_wait3A_83 = arith.constant 0 : i32
      %dma_wait3A_84 = tpu.memref_slice %arg5[%add3A_77, %dma_wait3A_83] : memref<25x128xi32, #tpu.memory_space<vmem>> -> memref<1x128xi32, #tpu.memory_space<vmem>>
      %dma_wait3A_85 = tpu.memref_squeeze %dma_wait3A_84 : memref<1x128xi32, #tpu.memory_space<vmem>> -> memref<128xi32, #tpu.memory_space<vmem>>
      %dma_wait3A_86 = arith.constant 0 : i32
      %dma_wait3A_87 = arith.constant 0 : i32
      %dma_wait3A_88 = tpu.memref_slice %arg3[%dma_wait3A_86, %dma_wait3A_87] : memref<100000x128xf32, #tpu.memory_space<hbm>> -> memref<100000x128xf32, #tpu.memory_space<hbm>>
      tpu.wait_indirect_dma semaphore(%arg8 : memref<!tpu.dma_semaphore, #tpu.memory_space<semaphore_mem>>) src(%dma_wait3A_88 : memref<100000x128xf32, #tpu.memory_space<hbm>>) dst(%dma_wait3A_82 : memref<128x128xf32, #tpu.memory_space<vmem>>)
      %add3A_89 = arith.constant 1 : i32
      %add3A_90 = arith.addi %mul3A_34, %add3A_89 : i32
      %mul3A_91 = arith.constant 128 : i32
      %mul3A_92 = arith.muli %add3A_90, %mul3A_91 : i32
      %add3A_93 = arith.addi %mul3A_2, %mul3A_92 : i32
      %run_scoped3A_94 = arith.constant 1 : i32
      "tpu.region"() ({
        %run_scoped3A_95 = tpu.sem_alloc : memref<!tpu.dma_semaphore, #tpu.memory_space<semaphore_mem>>
        %dma_start3A_96 = arith.constant 0 : i32
        %dma_start3A_97 = arith.constant 0 : i32
        %dma_start3A_98 = tpu.memref_slice %arg6[%run_scoped3A_94, %dma_start3A_96, %dma_start3A_97] : memref<2x128x128xf32, #tpu.memory_space<vmem>> -> memref<1x128x128xf32, #tpu.memory_space<vmem>>
        %dma_start3A_99 = tpu.memref_squeeze %dma_start3A_98 : memref<1x128x128xf32, #tpu.memory_space<vmem>> -> memref<128x128xf32, #tpu.memory_space<vmem>>
        %dma_start3A_100 = arith.constant 0 : i32
        %dma_start3A_101 = tpu.memref_slice %arg4[%add3A_93, %dma_start3A_100] : memref<102400x128xf32, #tpu.memory_space<hbm>> -> memref<128x128xf32, #tpu.memory_space<hbm>>
        %dma_start3A_102 = arith.constant 0 : i32
        %dma_start3A_103 = tpu.memref_slice %arg4[%add3A_93, %dma_start3A_102] : memref<102400x128xf32, #tpu.memory_space<hbm>> -> memref<128x128xf32, #tpu.memory_space<hbm>>
        %dma_start3A_104 = arith.constant 0 : i32
        %dma_start3A_105 = arith.constant 0 : i32
        %dma_start3A_106 = tpu.memref_slice %arg6[%run_scoped3A_94, %dma_start3A_104, %dma_start3A_105] : memref<2x128x128xf32, #tpu.memory_space<vmem>> -> memref<1x128x128xf32, #tpu.memory_space<vmem>>
        %dma_start3A_107 = tpu.memref_squeeze %dma_start3A_106 : memref<1x128x128xf32, #tpu.memory_space<vmem>> -> memref<128x128xf32, #tpu.memory_space<vmem>>
        tpu.enqueue_dma source(%dma_start3A_107 : memref<128x128xf32, #tpu.memory_space<vmem>>) target(%dma_start3A_103 : memref<128x128xf32, #tpu.memory_space<hbm>>) target_semaphore(%run_scoped3A_95 : memref<!tpu.dma_semaphore, #tpu.memory_space<semaphore_mem>>)
        %dma_wait3A_108 = arith.constant 0 : i32
        %dma_wait3A_109 = arith.constant 0 : i32
        %dma_wait3A_110 = tpu.memref_slice %arg6[%run_scoped3A_94, %dma_wait3A_108, %dma_wait3A_109] : memref<2x128x128xf32, #tpu.memory_space<vmem>> -> memref<1x128x128xf32, #tpu.memory_space<vmem>>
        %dma_wait3A_111 = tpu.memref_squeeze %dma_wait3A_110 : memref<1x128x128xf32, #tpu.memory_space<vmem>> -> memref<128x128xf32, #tpu.memory_space<vmem>>
        %dma_wait3A_112 = arith.constant 0 : i32
        %dma_wait3A_113 = tpu.memref_slice %arg4[%add3A_93, %dma_wait3A_112] : memref<102400x128xf32, #tpu.memory_space<hbm>> -> memref<128x128xf32, #tpu.memory_space<hbm>>
        %dma_wait3A_114 = arith.constant 0 : i32
        %dma_wait3A_115 = tpu.memref_slice %arg4[%add3A_93, %dma_wait3A_114] : memref<102400x128xf32, #tpu.memory_space<hbm>> -> memref<128x128xf32, #tpu.memory_space<hbm>>
        %dma_wait3A_116 = arith.constant 0 : i32
        %dma_wait3A_117 = arith.constant 0 : i32
        %dma_wait3A_118 = tpu.memref_slice %arg6[%run_scoped3A_94, %dma_wait3A_116, %dma_wait3A_117] : memref<2x128x128xf32, #tpu.memory_space<vmem>> -> memref<1x128x128xf32, #tpu.memory_space<vmem>>
        %dma_wait3A_119 = tpu.memref_squeeze %dma_wait3A_118 : memref<1x128x128xf32, #tpu.memory_space<vmem>> -> memref<128x128xf32, #tpu.memory_space<vmem>>
        tpu.wait_dma2 semaphore(%run_scoped3A_95 : memref<!tpu.dma_semaphore, #tpu.memory_space<semaphore_mem>>) src(%dma_wait3A_119 : memref<128x128xf32, #tpu.memory_space<vmem>>) dst(%dma_wait3A_115 : memref<128x128xf32, #tpu.memory_space<hbm>>)
        tpu.yield
      }) : () -> ()
    }
    %scan3A_18 = arith.constant 12 : i32
    %dma_wait3A = arith.constant 24 : i32
    %dma_wait3A_19 = arith.constant 0 : i32
    %dma_wait3A_20 = arith.constant 0 : i32
    %dma_wait3A_21 = arith.constant 0 : i32
    %dma_wait3A_22 = tpu.memref_slice %arg6[%dma_wait3A_19, %dma_wait3A_20, %dma_wait3A_21] : memref<2x128x128xf32, #tpu.memory_space<vmem>> -> memref<1x128x128xf32, #tpu.memory_space<vmem>>
    %dma_wait3A_23 = tpu.memref_squeeze %dma_wait3A_22 : memref<1x128x128xf32, #tpu.memory_space<vmem>> -> memref<128x128xf32, #tpu.memory_space<vmem>>
    %dma_wait3A_24 = arith.constant 0 : i32
    %dma_wait3A_25 = tpu.memref_slice %arg5[%dma_wait3A, %dma_wait3A_24] : memref<25x128xi32, #tpu.memory_space<vmem>> -> memref<1x128xi32, #tpu.memory_space<vmem>>
    %dma_wait3A_26 = tpu.memref_squeeze %dma_wait3A_25 : memref<1x128xi32, #tpu.memory_space<vmem>> -> memref<128xi32, #tpu.memory_space<vmem>>
    %dma_wait3A_27 = arith.constant 0 : i32
    %dma_wait3A_28 = arith.constant 0 : i32
    %dma_wait3A_29 = tpu.memref_slice %arg3[%dma_wait3A_27, %dma_wait3A_28] : memref<100000x128xf32, #tpu.memory_space<hbm>> -> memref<100000x128xf32, #tpu.memory_space<hbm>>
    tpu.wait_indirect_dma semaphore(%arg7 : memref<!tpu.dma_semaphore, #tpu.memory_space<semaphore_mem>>) src(%dma_wait3A_29 : memref<100000x128xf32, #tpu.memory_space<hbm>>) dst(%dma_wait3A_23 : memref<128x128xf32, #tpu.memory_space<vmem>>)
    %add3A_30 = arith.constant 3072 : i32
    %add3A_31 = arith.addi %mul3A_2, %add3A_30 : i32
    %run_scoped3A = arith.constant 0 : i32
    "tpu.region"() ({
      %run_scoped3A_32 = tpu.sem_alloc : memref<!tpu.dma_semaphore, #tpu.memory_space<semaphore_mem>>
      %dma_start3A_33 = arith.constant 0 : i32
      %dma_start3A_34 = arith.constant 0 : i32
      %dma_start3A_35 = tpu.memref_slice %arg6[%run_scoped3A, %dma_start3A_33, %dma_start3A_34] : memref<2x128x128xf32, #tpu.memory_space<vmem>> -> memref<1x128x128xf32, #tpu.memory_space<vmem>>
      %dma_start3A_36 = tpu.memref_squeeze %dma_start3A_35 : memref<1x128x128xf32, #tpu.memory_space<vmem>> -> memref<128x128xf32, #tpu.memory_space<vmem>>
      %dma_start3A_37 = arith.constant 0 : i32
      %dma_start3A_38 = tpu.memref_slice %arg4[%add3A_31, %dma_start3A_37] : memref<102400x128xf32, #tpu.memory_space<hbm>> -> memref<128x128xf32, #tpu.memory_space<hbm>>
      %dma_start3A_39 = arith.constant 0 : i32
      %dma_start3A_40 = tpu.memref_slice %arg4[%add3A_31, %dma_start3A_39] : memref<102400x128xf32, #tpu.memory_space<hbm>> -> memref<128x128xf32, #tpu.memory_space<hbm>>
      %dma_start3A_41 = arith.constant 0 : i32
      %dma_start3A_42 = arith.constant 0 : i32
      %dma_start3A_43 = tpu.memref_slice %arg6[%run_scoped3A, %dma_start3A_41, %dma_start3A_42] : memref<2x128x128xf32, #tpu.memory_space<vmem>> -> memref<1x128x128xf32, #tpu.memory_space<vmem>>
      %dma_start3A_44 = tpu.memref_squeeze %dma_start3A_43 : memref<1x128x128xf32, #tpu.memory_space<vmem>> -> memref<128x128xf32, #tpu.memory_space<vmem>>
      tpu.enqueue_dma source(%dma_start3A_44 : memref<128x128xf32, #tpu.memory_space<vmem>>) target(%dma_start3A_40 : memref<128x128xf32, #tpu.memory_space<hbm>>) target_semaphore(%run_scoped3A_32 : memref<!tpu.dma_semaphore, #tpu.memory_space<semaphore_mem>>)
      %dma_wait3A_45 = arith.constant 0 : i32
      %dma_wait3A_46 = arith.constant 0 : i32
      %dma_wait3A_47 = tpu.memref_slice %arg6[%run_scoped3A, %dma_wait3A_45, %dma_wait3A_46] : memref<2x128x128xf32, #tpu.memory_space<vmem>> -> memref<1x128x128xf32, #tpu.memory_space<vmem>>
      %dma_wait3A_48 = tpu.memref_squeeze %dma_wait3A_47 : memref<1x128x128xf32, #tpu.memory_space<vmem>> -> memref<128x128xf32, #tpu.memory_space<vmem>>
      %dma_wait3A_49 = arith.constant 0 : i32
      %dma_wait3A_50 = tpu.memref_slice %arg4[%add3A_31, %dma_wait3A_49] : memref<102400x128xf32, #tpu.memory_space<hbm>> -> memref<128x128xf32, #tpu.memory_space<hbm>>
      %dma_wait3A_51 = arith.constant 0 : i32
      %dma_wait3A_52 = tpu.memref_slice %arg4[%add3A_31, %dma_wait3A_51] : memref<102400x128xf32, #tpu.memory_space<hbm>> -> memref<128x128xf32, #tpu.memory_space<hbm>>
      %dma_wait3A_53 = arith.constant 0 : i32
      %dma_wait3A_54 = arith.constant 0 : i32
      %dma_wait3A_55 = tpu.memref_slice %arg6[%run_scoped3A, %dma_wait3A_53, %dma_wait3A_54] : memref<2x128x128xf32, #tpu.memory_space<vmem>> -> memref<1x128x128xf32, #tpu.memory_space<vmem>>
      %dma_wait3A_56 = tpu.memref_squeeze %dma_wait3A_55 : memref<1x128x128xf32, #tpu.memory_space<vmem>> -> memref<128x128xf32, #tpu.memory_space<vmem>>
      tpu.wait_dma2 semaphore(%run_scoped3A_32 : memref<!tpu.dma_semaphore, #tpu.memory_space<semaphore_mem>>) src(%dma_wait3A_56 : memref<128x128xf32, #tpu.memory_space<vmem>>) dst(%dma_wait3A_52 : memref<128x128xf32, #tpu.memory_space<hbm>>)
      tpu.yield
    }) : () -> ()
    return
  }
}

#map = affine_map<(d0, d1) -> (0, 0, 0)>
#map1 = affine_map<(d0, d1) -> (0, 0)>
module attributes {stable_mosaic.version = 14 : i64} {
  func.func @k(%arg0: i32, %arg1: i32, %arg2: memref<32x25x128xi32, #tpu.memory_space<hbm>>, %arg3: memref<100000x128xf32, #tpu.memory_space<hbm>>, %arg4: memref<102400x128xf32, #tpu.memory_space<hbm>>, %arg5: memref<25x128xi32, #tpu.memory_space<vmem>>, %arg6: memref<2x128x128xf32, #tpu.memory_space<vmem>>, %arg7: memref<!tpu.dma_semaphore, #tpu.memory_space<semaphore_mem>>, %arg8: memref<!tpu.dma_semaphore, #tpu.memory_space<semaphore_mem>>) attributes {dimension_semantics = [#tpu.dimension_semantics<core_parallel>, #tpu.dimension_semantics<subcore_parallel>], iteration_bounds = array<i64: 2, 16>, scalar_prefetch = 0 : i64, scratch_operands = 4 : i64, tpu.core_type = #tpu.core_type<sc_vector_subcore>, window_params = [{transform_indices = #map}, {transform_indices = #map1}, {transform_indices = #map1}]} {
    %mul3A = arith.constant 2 : i32
    %mul3A_0 = arith.muli %arg1, %mul3A : i32
    %add3A = arith.addi %mul3A_0, %arg0 : i32
    "tpu.region"() ({
      %run_scoped3A_32 = tpu.sem_alloc : memref<!tpu.dma_semaphore, #tpu.memory_space<semaphore_mem>>
      %dma_start3A_33 = arith.constant 0 : i32
      %dma_start3A_34 = arith.constant 0 : i32
      %dma_start3A_35 = tpu.memref_slice %arg2[%add3A, %dma_start3A_33, %dma_start3A_34] : memref<32x25x128xi32, #tpu.memory_space<hbm>> -> memref<1x25x128xi32, #tpu.memory_space<hbm>>
      %dma_start3A_36 = tpu.memref_squeeze %dma_start3A_35 : memref<1x25x128xi32, #tpu.memory_space<hbm>> -> memref<25x128xi32, #tpu.memory_space<hbm>>
      %dma_start3A_37 = arith.constant 0 : i32
      %dma_start3A_38 = arith.constant 0 : i32
      %dma_start3A_39 = tpu.memref_slice %arg2[%add3A, %dma_start3A_37, %dma_start3A_38] : memref<32x25x128xi32, #tpu.memory_space<hbm>> -> memref<1x25x128xi32, #tpu.memory_space<hbm>>
      %dma_start3A_40 = tpu.memref_squeeze %dma_start3A_39 : memref<1x25x128xi32, #tpu.memory_space<hbm>> -> memref<25x128xi32, #tpu.memory_space<hbm>>
      tpu.enqueue_dma source(%dma_start3A_40 : memref<25x128xi32, #tpu.memory_space<hbm>>) target(%arg5 : memref<25x128xi32, #tpu.memory_space<vmem>>) target_semaphore(%run_scoped3A_32 : memref<!tpu.dma_semaphore, #tpu.memory_space<semaphore_mem>>)
      %dma_wait3A_41 = arith.constant 0 : i32
      %dma_wait3A_42 = arith.constant 0 : i32
      %dma_wait3A_43 = tpu.memref_slice %arg2[%add3A, %dma_wait3A_41, %dma_wait3A_42] : memref<32x25x128xi32, #tpu.memory_space<hbm>> -> memref<1x25x128xi32, #tpu.memory_space<hbm>>
      %dma_wait3A_44 = tpu.memref_squeeze %dma_wait3A_43 : memref<1x25x128xi32, #tpu.memory_space<hbm>> -> memref<25x128xi32, #tpu.memory_space<hbm>>
      %dma_wait3A_45 = arith.constant 0 : i32
      %dma_wait3A_46 = arith.constant 0 : i32
      %dma_wait3A_47 = tpu.memref_slice %arg2[%add3A, %dma_wait3A_45, %dma_wait3A_46] : memref<32x25x128xi32, #tpu.memory_space<hbm>> -> memref<1x25x128xi32, #tpu.memory_space<hbm>>
      %dma_wait3A_48 = tpu.memref_squeeze %dma_wait3A_47 : memref<1x25x128xi32, #tpu.memory_space<hbm>> -> memref<25x128xi32, #tpu.memory_space<hbm>>
      tpu.wait_dma2 semaphore(%run_scoped3A_32 : memref<!tpu.dma_semaphore, #tpu.memory_space<semaphore_mem>>) src(%dma_wait3A_48 : memref<25x128xi32, #tpu.memory_space<hbm>>) dst(%arg5 : memref<25x128xi32, #tpu.memory_space<vmem>>)
      tpu.yield
    }) : () -> ()
    %mul3A_1 = arith.constant 3200 : i32
    %mul3A_2 = arith.muli %add3A, %mul3A_1 : i32
    %dma_start3A = arith.constant 0 : i32
    %dma_start3A_3 = arith.constant 0 : i32
    %dma_start3A_4 = arith.constant 0 : i32
    %dma_start3A_5 = arith.constant 0 : i32
    %dma_start3A_6 = tpu.memref_slice %arg6[%dma_start3A_3, %dma_start3A_4, %dma_start3A_5] : memref<2x128x128xf32, #tpu.memory_space<vmem>> -> memref<1x128x128xf32, #tpu.memory_space<vmem>>
    %dma_start3A_7 = tpu.memref_squeeze %dma_start3A_6 : memref<1x128x128xf32, #tpu.memory_space<vmem>> -> memref<128x128xf32, #tpu.memory_space<vmem>>
    %dma_start3A_8 = arith.constant 0 : i32
    %dma_start3A_9 = tpu.memref_slice %arg5[%dma_start3A, %dma_start3A_8] : memref<25x128xi32, #tpu.memory_space<vmem>> -> memref<1x128xi32, #tpu.memory_space<vmem>>
    %dma_start3A_10 = tpu.memref_squeeze %dma_start3A_9 : memref<1x128xi32, #tpu.memory_space<vmem>> -> memref<128xi32, #tpu.memory_space<vmem>>
    %dma_start3A_11 = arith.constant 0 : i32
    %dma_start3A_12 = arith.constant 0 : i32
    %dma_start3A_13 = tpu.memref_slice %arg3[%dma_start3A_11, %dma_start3A_12] : memref<100000x128xf32, #tpu.memory_space<hbm>> -> memref<100000x128xf32, #tpu.memory_space<hbm>>
    tpu.enqueue_indirect_dma source(%dma_start3A_13 : memref<100000x128xf32, #tpu.memory_space<hbm>>) target(%dma_start3A_7 : memref<128x128xf32, #tpu.memory_space<vmem>>) offsets(%dma_start3A_10 : memref<128xi32, #tpu.memory_space<vmem>>) semaphore(%arg7 : memref<!tpu.dma_semaphore, #tpu.memory_space<semaphore_mem>>)
    %scan3A = arith.constant 0 : i32
    %scan3A_14 = arith.constant 0 : i32
    %scan3A_15 = arith.constant 12 : i32
    %scan3A_16 = arith.addi %scan3A_14, %scan3A_15 : i32
    %scan3A_17 = arith.constant 1 : i32
    scf.for %scan3A_32 = %scan3A_14 to %scan3A_16 step %scan3A_17  : i32 {
      %mul3A_33 = arith.constant 2 : i32
      %mul3A_34 = arith.muli %mul3A_33, %scan3A_32 : i32
      %add3A_35 = arith.constant 1 : i32
      %add3A_36 = arith.addi %mul3A_34, %add3A_35 : i32
      %dma_start3A_37 = arith.constant 1 : i32
      %dma_start3A_38 = arith.constant 0 : i32
      %dma_start3A_39 = arith.constant 0 : i32
      %dma_start3A_40 = tpu.memref_slice %arg6[%dma_start3A_37, %dma_start3A_38, %dma_start3A_39] : memref<2x128x128xf32, #tpu.memory_space<vmem>> -> memref<1x128x128xf32, #tpu.memory_space<vmem>>
      %dma_start3A_41 = tpu.memref_squeeze %dma_start3A_40 : memref<1x128x128xf32, #tpu.memory_space<vmem>> -> memref<128x128xf32, #tpu.memory_space<vmem>>
      %dma_start3A_42 = arith.constant 0 : i32
      %dma_start3A_43 = tpu.memref_slice %arg5[%add3A_36, %dma_start3A_42] : memref<25x128xi32, #tpu.memory_space<vmem>> -> memref<1x128xi32, #tpu.memory_space<vmem>>
      %dma_start3A_44 = tpu.memref_squeeze %dma_start3A_43 : memref<1x128xi32, #tpu.memory_space<vmem>> -> memref<128xi32, #tpu.memory_space<vmem>>
      %dma_start3A_45 = arith.constant 0 : i32
      %dma_start3A_46 = arith.constant 0 : i32
      %dma_start3A_47 = tpu.memref_slice %arg3[%dma_start3A_45, %dma_start3A_46] : memref<100000x128xf32, #tpu.memory_space<hbm>> -> memref<100000x128xf32, #tpu.memory_space<hbm>>
      tpu.enqueue_indirect_dma source(%dma_start3A_47 : memref<100000x128xf32, #tpu.memory_space<hbm>>) target(%dma_start3A_41 : memref<128x128xf32, #tpu.memory_space<vmem>>) offsets(%dma_start3A_44 : memref<128xi32, #tpu.memory_space<vmem>>) semaphore(%arg8 : memref<!tpu.dma_semaphore, #tpu.memory_space<semaphore_mem>>)
      %dma_wait3A_48 = arith.constant 0 : i32
      %dma_wait3A_49 = arith.constant 0 : i32
      %dma_wait3A_50 = arith.constant 0 : i32
      %dma_wait3A_51 = tpu.memref_slice %arg6[%dma_wait3A_48, %dma_wait3A_49, %dma_wait3A_50] : memref<2x128x128xf32, #tpu.memory_space<vmem>> -> memref<1x128x128xf32, #tpu.memory_space<vmem>>
      %dma_wait3A_52 = tpu.memref_squeeze %dma_wait3A_51 : memref<1x128x128xf32, #tpu.memory_space<vmem>> -> memref<128x128xf32, #tpu.memory_space<vmem>>
      %dma_wait3A_53 = arith.constant 0 : i32
      %dma_wait3A_54 = tpu.memref_slice %arg5[%mul3A_34, %dma_wait3A_53] : memref<25x128xi32, #tpu.memory_space<vmem>> -> memref<1x128xi32, #tpu.memory_space<vmem>>
      %dma_wait3A_55 = tpu.memref_squeeze %dma_wait3A_54 : memref<1x128xi32, #tpu.memory_space<vmem>> -> memref<128xi32, #tpu.memory_space<vmem>>
      %dma_wait3A_56 = arith.constant 0 : i32
      %dma_wait3A_57 = arith.constant 0 : i32
      %dma_wait3A_58 = tpu.memref_slice %arg3[%dma_wait3A_56, %dma_wait3A_57] : memref<100000x128xf32, #tpu.memory_space<hbm>> -> memref<100000x128xf32, #tpu.memory_space<hbm>>
      tpu.wait_indirect_dma semaphore(%arg7 : memref<!tpu.dma_semaphore, #tpu.memory_space<semaphore_mem>>) src(%dma_wait3A_58 : memref<100000x128xf32, #tpu.memory_space<hbm>>) dst(%dma_wait3A_52 : memref<128x128xf32, #tpu.memory_space<vmem>>)
      %mul3A_59 = arith.constant 128 : i32
      %mul3A_60 = arith.muli %mul3A_34, %mul3A_59 : i32
      %add3A_61 = arith.addi %mul3A_2, %mul3A_60 : i32
      %run_scoped3A_62 = arith.constant 0 : i32
      "tpu.region"() ({
        %run_scoped3A_95 = tpu.sem_alloc : memref<!tpu.dma_semaphore, #tpu.memory_space<semaphore_mem>>
        %dma_start3A_96 = arith.constant 0 : i32
        %dma_start3A_97 = arith.constant 0 : i32
        %dma_start3A_98 = tpu.memref_slice %arg6[%run_scoped3A_62, %dma_start3A_96, %dma_start3A_97] : memref<2x128x128xf32, #tpu.memory_space<vmem>> -> memref<1x128x128xf32, #tpu.memory_space<vmem>>
        %dma_start3A_99 = tpu.memref_squeeze %dma_start3A_98 : memref<1x128x128xf32, #tpu.memory_space<vmem>> -> memref<128x128xf32, #tpu.memory_space<vmem>>
        %dma_start3A_100 = arith.constant 0 : i32
        %dma_start3A_101 = tpu.memref_slice %arg4[%add3A_61, %dma_start3A_100] : memref<102400x128xf32, #tpu.memory_space<hbm>> -> memref<128x128xf32, #tpu.memory_space<hbm>>
        %dma_start3A_102 = arith.constant 0 : i32
        %dma_start3A_103 = tpu.memref_slice %arg4[%add3A_61, %dma_start3A_102] : memref<102400x128xf32, #tpu.memory_space<hbm>> -> memref<128x128xf32, #tpu.memory_space<hbm>>
        %dma_start3A_104 = arith.constant 0 : i32
        %dma_start3A_105 = arith.constant 0 : i32
        %dma_start3A_106 = tpu.memref_slice %arg6[%run_scoped3A_62, %dma_start3A_104, %dma_start3A_105] : memref<2x128x128xf32, #tpu.memory_space<vmem>> -> memref<1x128x128xf32, #tpu.memory_space<vmem>>
        %dma_start3A_107 = tpu.memref_squeeze %dma_start3A_106 : memref<1x128x128xf32, #tpu.memory_space<vmem>> -> memref<128x128xf32, #tpu.memory_space<vmem>>
        tpu.enqueue_dma source(%dma_start3A_107 : memref<128x128xf32, #tpu.memory_space<vmem>>) target(%dma_start3A_103 : memref<128x128xf32, #tpu.memory_space<hbm>>) target_semaphore(%run_scoped3A_95 : memref<!tpu.dma_semaphore, #tpu.memory_space<semaphore_mem>>)
        %dma_wait3A_108 = arith.constant 0 : i32
        %dma_wait3A_109 = arith.constant 0 : i32
        %dma_wait3A_110 = tpu.memref_slice %arg6[%run_scoped3A_62, %dma_wait3A_108, %dma_wait3A_109] : memref<2x128x128xf32, #tpu.memory_space<vmem>> -> memref<1x128x128xf32, #tpu.memory_space<vmem>>
        %dma_wait3A_111 = tpu.memref_squeeze %dma_wait3A_110 : memref<1x128x128xf32, #tpu.memory_space<vmem>> -> memref<128x128xf32, #tpu.memory_space<vmem>>
        %dma_wait3A_112 = arith.constant 0 : i32
        %dma_wait3A_113 = tpu.memref_slice %arg4[%add3A_61, %dma_wait3A_112] : memref<102400x128xf32, #tpu.memory_space<hbm>> -> memref<128x128xf32, #tpu.memory_space<hbm>>
        %dma_wait3A_114 = arith.constant 0 : i32
        %dma_wait3A_115 = tpu.memref_slice %arg4[%add3A_61, %dma_wait3A_114] : memref<102400x128xf32, #tpu.memory_space<hbm>> -> memref<128x128xf32, #tpu.memory_space<hbm>>
        %dma_wait3A_116 = arith.constant 0 : i32
        %dma_wait3A_117 = arith.constant 0 : i32
        %dma_wait3A_118 = tpu.memref_slice %arg6[%run_scoped3A_62, %dma_wait3A_116, %dma_wait3A_117] : memref<2x128x128xf32, #tpu.memory_space<vmem>> -> memref<1x128x128xf32, #tpu.memory_space<vmem>>
        %dma_wait3A_119 = tpu.memref_squeeze %dma_wait3A_118 : memref<1x128x128xf32, #tpu.memory_space<vmem>> -> memref<128x128xf32, #tpu.memory_space<vmem>>
        tpu.wait_dma2 semaphore(%run_scoped3A_95 : memref<!tpu.dma_semaphore, #tpu.memory_space<semaphore_mem>>) src(%dma_wait3A_119 : memref<128x128xf32, #tpu.memory_space<vmem>>) dst(%dma_wait3A_115 : memref<128x128xf32, #tpu.memory_space<hbm>>)
        tpu.yield
      }) : () -> ()
      %add3A_63 = arith.constant 2 : i32
      %add3A_64 = arith.addi %mul3A_34, %add3A_63 : i32
      %dma_start3A_65 = arith.constant 0 : i32
      %dma_start3A_66 = arith.constant 0 : i32
      %dma_start3A_67 = arith.constant 0 : i32
      %dma_start3A_68 = tpu.memref_slice %arg6[%dma_start3A_65, %dma_start3A_66, %dma_start3A_67] : memref<2x128x128xf32, #tpu.memory_space<vmem>> -> memref<1x128x128xf32, #tpu.memory_space<vmem>>
      %dma_start3A_69 = tpu.memref_squeeze %dma_start3A_68 : memref<1x128x128xf32, #tpu.memory_space<vmem>> -> memref<128x128xf32, #tpu.memory_space<vmem>>
      %dma_start3A_70 = arith.constant 0 : i32
      %dma_start3A_71 = tpu.memref_slice %arg5[%add3A_64, %dma_start3A_70] : memref<25x128xi32, #tpu.memory_space<vmem>> -> memref<1x128xi32, #tpu.memory_space<vmem>>
      %dma_start3A_72 = tpu.memref_squeeze %dma_start3A_71 : memref<1x128xi32, #tpu.memory_space<vmem>> -> memref<128xi32, #tpu.memory_space<vmem>>
      %dma_start3A_73 = arith.constant 0 : i32
      %dma_start3A_74 = arith.constant 0 : i32
      %dma_start3A_75 = tpu.memref_slice %arg3[%dma_start3A_73, %dma_start3A_74] : memref<100000x128xf32, #tpu.memory_space<hbm>> -> memref<100000x128xf32, #tpu.memory_space<hbm>>
      tpu.enqueue_indirect_dma source(%dma_start3A_75 : memref<100000x128xf32, #tpu.memory_space<hbm>>) target(%dma_start3A_69 : memref<128x128xf32, #tpu.memory_space<vmem>>) offsets(%dma_start3A_72 : memref<128xi32, #tpu.memory_space<vmem>>) semaphore(%arg7 : memref<!tpu.dma_semaphore, #tpu.memory_space<semaphore_mem>>)
      %add3A_76 = arith.constant 1 : i32
      %add3A_77 = arith.addi %mul3A_34, %add3A_76 : i32
      %dma_wait3A_78 = arith.constant 1 : i32
      %dma_wait3A_79 = arith.constant 0 : i32
      %dma_wait3A_80 = arith.constant 0 : i32
      %dma_wait3A_81 = tpu.memref_slice %arg6[%dma_wait3A_78, %dma_wait3A_79, %dma_wait3A_80] : memref<2x128x128xf32, #tpu.memory_space<vmem>> -> memref<1x128x128xf32, #tpu.memory_space<vmem>>
      %dma_wait3A_82 = tpu.memref_squeeze %dma_wait3A_81 : memref<1x128x128xf32, #tpu.memory_space<vmem>> -> memref<128x128xf32, #tpu.memory_space<vmem>>
      %dma_wait3A_83 = arith.constant 0 : i32
      %dma_wait3A_84 = tpu.memref_slice %arg5[%add3A_77, %dma_wait3A_83] : memref<25x128xi32, #tpu.memory_space<vmem>> -> memref<1x128xi32, #tpu.memory_space<vmem>>
      %dma_wait3A_85 = tpu.memref_squeeze %dma_wait3A_84 : memref<1x128xi32, #tpu.memory_space<vmem>> -> memref<128xi32, #tpu.memory_space<vmem>>
      %dma_wait3A_86 = arith.constant 0 : i32
      %dma_wait3A_87 = arith.constant 0 : i32
      %dma_wait3A_88 = tpu.memref_slice %arg3[%dma_wait3A_86, %dma_wait3A_87] : memref<100000x128xf32, #tpu.memory_space<hbm>> -> memref<100000x128xf32, #tpu.memory_space<hbm>>
      tpu.wait_indirect_dma semaphore(%arg8 : memref<!tpu.dma_semaphore, #tpu.memory_space<semaphore_mem>>) src(%dma_wait3A_88 : memref<100000x128xf32, #tpu.memory_space<hbm>>) dst(%dma_wait3A_82 : memref<128x128xf32, #tpu.memory_space<vmem>>)
      %add3A_89 = arith.constant 1 : i32
      %add3A_90 = arith.addi %mul3A_34, %add3A_89 : i32
      %mul3A_91 = arith.constant 128 : i32
      %mul3A_92 = arith.muli %add3A_90, %mul3A_91 : i32
      %add3A_93 = arith.addi %mul3A_2, %mul3A_92 : i32
      %run_scoped3A_94 = arith.constant 1 : i32
      "tpu.region"() ({
        %run_scoped3A_95 = tpu.sem_alloc : memref<!tpu.dma_semaphore, #tpu.memory_space<semaphore_mem>>
        %dma_start3A_96 = arith.constant 0 : i32
        %dma_start3A_97 = arith.constant 0 : i32
        %dma_start3A_98 = tpu.memref_slice %arg6[%run_scoped3A_94, %dma_start3A_96, %dma_start3A_97] : memref<2x128x128xf32, #tpu.memory_space<vmem>> -> memref<1x128x128xf32, #tpu.memory_space<vmem>>
        %dma_start3A_99 = tpu.memref_squeeze %dma_start3A_98 : memref<1x128x128xf32, #tpu.memory_space<vmem>> -> memref<128x128xf32, #tpu.memory_space<vmem>>
        %dma_start3A_100 = arith.constant 0 : i32
        %dma_start3A_101 = tpu.memref_slice %arg4[%add3A_93, %dma_start3A_100] : memref<102400x128xf32, #tpu.memory_space<hbm>> -> memref<128x128xf32, #tpu.memory_space<hbm>>
        %dma_start3A_102 = arith.constant 0 : i32
        %dma_start3A_103 = tpu.memref_slice %arg4[%add3A_93, %dma_start3A_102] : memref<102400x128xf32, #tpu.memory_space<hbm>> -> memref<128x128xf32, #tpu.memory_space<hbm>>
        %dma_start3A_104 = arith.constant 0 : i32
        %dma_start3A_105 = arith.constant 0 : i32
        %dma_start3A_106 = tpu.memref_slice %arg6[%run_scoped3A_94, %dma_start3A_104, %dma_start3A_105] : memref<2x128x128xf32, #tpu.memory_space<vmem>> -> memref<1x128x128xf32, #tpu.memory_space<vmem>>
        %dma_start3A_107 = tpu.memref_squeeze %dma_start3A_106 : memref<1x128x128xf32, #tpu.memory_space<vmem>> -> memref<128x128xf32, #tpu.memory_space<vmem>>
        tpu.enqueue_dma source(%dma_start3A_107 : memref<128x128xf32, #tpu.memory_space<vmem>>) target(%dma_start3A_103 : memref<128x128xf32, #tpu.memory_space<hbm>>) target_semaphore(%run_scoped3A_95 : memref<!tpu.dma_semaphore, #tpu.memory_space<semaphore_mem>>)
        %dma_wait3A_108 = arith.constant 0 : i32
        %dma_wait3A_109 = arith.constant 0 : i32
        %dma_wait3A_110 = tpu.memref_slice %arg6[%run_scoped3A_94, %dma_wait3A_108, %dma_wait3A_109] : memref<2x128x128xf32, #tpu.memory_space<vmem>> -> memref<1x128x128xf32, #tpu.memory_space<vmem>>
        %dma_wait3A_111 = tpu.memref_squeeze %dma_wait3A_110 : memref<1x128x128xf32, #tpu.memory_space<vmem>> -> memref<128x128xf32, #tpu.memory_space<vmem>>
        %dma_wait3A_112 = arith.constant 0 : i32
        %dma_wait3A_113 = tpu.memref_slice %arg4[%add3A_93, %dma_wait3A_112] : memref<102400x128xf32, #tpu.memory_space<hbm>> -> memref<128x128xf32, #tpu.memory_space<hbm>>
        %dma_wait3A_114 = arith.constant 0 : i32
        %dma_wait3A_115 = tpu.memref_slice %arg4[%add3A_93, %dma_wait3A_114] : memref<102400x128xf32, #tpu.memory_space<hbm>> -> memref<128x128xf32, #tpu.memory_space<hbm>>
        %dma_wait3A_116 = arith.constant 0 : i32
        %dma_wait3A_117 = arith.constant 0 : i32
        %dma_wait3A_118 = tpu.memref_slice %arg6[%run_scoped3A_94, %dma_wait3A_116, %dma_wait3A_117] : memref<2x128x128xf32, #tpu.memory_space<vmem>> -> memref<1x128x128xf32, #tpu.memory_space<vmem>>
        %dma_wait3A_119 = tpu.memref_squeeze %dma_wait3A_118 : memref<1x128x128xf32, #tpu.memory_space<vmem>> -> memref<128x128xf32, #tpu.memory_space<vmem>>
        tpu.wait_dma2 semaphore(%run_scoped3A_95 : memref<!tpu.dma_semaphore, #tpu.memory_space<semaphore_mem>>) src(%dma_wait3A_119 : memref<128x128xf32, #tpu.memory_space<vmem>>) dst(%dma_wait3A_115 : memref<128x128xf32, #tpu.memory_space<hbm>>)
        tpu.yield
      }) : () -> ()
    }
    %scan3A_18 = arith.constant 12 : i32
    %dma_wait3A = arith.constant 24 : i32
    %dma_wait3A_19 = arith.constant 0 : i32
    %dma_wait3A_20 = arith.constant 0 : i32
    %dma_wait3A_21 = arith.constant 0 : i32
    %dma_wait3A_22 = tpu.memref_slice %arg6[%dma_wait3A_19, %dma_wait3A_20, %dma_wait3A_21] : memref<2x128x128xf32, #tpu.memory_space<vmem>> -> memref<1x128x128xf32, #tpu.memory_space<vmem>>
    %dma_wait3A_23 = tpu.memref_squeeze %dma_wait3A_22 : memref<1x128x128xf32, #tpu.memory_space<vmem>> -> memref<128x128xf32, #tpu.memory_space<vmem>>
    %dma_wait3A_24 = arith.constant 0 : i32
    %dma_wait3A_25 = tpu.memref_slice %arg5[%dma_wait3A, %dma_wait3A_24] : memref<25x128xi32, #tpu.memory_space<vmem>> -> memref<1x128xi32, #tpu.memory_space<vmem>>
    %dma_wait3A_26 = tpu.memref_squeeze %dma_wait3A_25 : memref<1x128xi32, #tpu.memory_space<vmem>> -> memref<128xi32, #tpu.memory_space<vmem>>
    %dma_wait3A_27 = arith.constant 0 : i32
    %dma_wait3A_28 = arith.constant 0 : i32
    %dma_wait3A_29 = tpu.memref_slice %arg3[%dma_wait3A_27, %dma_wait3A_28] : memref<100000x128xf32, #tpu.memory_space<hbm>> -> memref<100000x128xf32, #tpu.memory_space<hbm>>
    tpu.wait_indirect_dma semaphore(%arg7 : memref<!tpu.dma_semaphore, #tpu.memory_space<semaphore_mem>>) src(%dma_wait3A_29 : memref<100000x128xf32, #tpu.memory_space<hbm>>) dst(%dma_wait3A_23 : memref<128x128xf32, #tpu.memory_space<vmem>>)
    %add3A_30 = arith.constant 3072 : i32
    %add3A_31 = arith.addi %mul3A_2, %add3A_30 : i32
    %run_scoped3A = arith.constant 0 : i32
    "tpu.region"() ({
      %run_scoped3A_32 = tpu.sem_alloc : memref<!tpu.dma_semaphore, #tpu.memory_space<semaphore_mem>>
      %dma_start3A_33 = arith.constant 0 : i32
      %dma_start3A_34 = arith.constant 0 : i32
      %dma_start3A_35 = tpu.memref_slice %arg6[%run_scoped3A, %dma_start3A_33, %dma_start3A_34] : memref<2x128x128xf32, #tpu.memory_space<vmem>> -> memref<1x128x128xf32, #tpu.memory_space<vmem>>
      %dma_start3A_36 = tpu.memref_squeeze %dma_start3A_35 : memref<1x128x128xf32, #tpu.memory_space<vmem>> -> memref<128x128xf32, #tpu.memory_space<vmem>>
      %dma_start3A_37 = arith.constant 0 : i32
      %dma_start3A_38 = tpu.memref_slice %arg4[%add3A_31, %dma_start3A_37] : memref<102400x128xf32, #tpu.memory_space<hbm>> -> memref<128x128xf32, #tpu.memory_space<hbm>>
      %dma_start3A_39 = arith.constant 0 : i32
      %dma_start3A_40 = tpu.memref_slice %arg4[%add3A_31, %dma_start3A_39] : memref<102400x128xf32, #tpu.memory_space<hbm>> -> memref<128x128xf32, #tpu.memory_space<hbm>>
      %dma_start3A_41 = arith.constant 0 : i32
      %dma_start3A_42 = arith.constant 0 : i32
      %dma_start3A_43 = tpu.memref_slice %arg6[%run_scoped3A, %dma_start3A_41, %dma_start3A_42] : memref<2x128x128xf32, #tpu.memory_space<vmem>> -> memref<1x128x128xf32, #tpu.memory_space<vmem>>
      %dma_start3A_44 = tpu.memref_squeeze %dma_start3A_43 : memref<1x128x128xf32, #tpu.memory_space<vmem>> -> memref<128x128xf32, #tpu.memory_space<vmem>>
      tpu.enqueue_dma source(%dma_start3A_44 : memref<128x128xf32, #tpu.memory_space<vmem>>) target(%dma_start3A_40 : memref<128x128xf32, #tpu.memory_space<hbm>>) target_semaphore(%run_scoped3A_32 : memref<!tpu.dma_semaphore, #tpu.memory_space<semaphore_mem>>)
      %dma_wait3A_45 = arith.constant 0 : i32
      %dma_wait3A_46 = arith.constant 0 : i32
      %dma_wait3A_47 = tpu.memref_slice %arg6[%run_scoped3A, %dma_wait3A_45, %dma_wait3A_46] : memref<2x128x128xf32, #tpu.memory_space<vmem>> -> memref<1x128x128xf32, #tpu.memory_space<vmem>>
      %dma_wait3A_48 = tpu.memref_squeeze %dma_wait3A_47 : memref<1x128x128xf32, #tpu.memory_space<vmem>> -> memref<128x128xf32, #tpu.memory_space<vmem>>
      %dma_wait3A_49 = arith.constant 0 : i32
      %dma_wait3A_50 = tpu.memref_slice %arg4[%add3A_31, %dma_wait3A_49] : memref<102400x128xf32, #tpu.memory_space<hbm>> -> memref<128x128xf32, #tpu.memory_space<hbm>>
      %dma_wait3A_51 = arith.constant 0 : i32
      %dma_wait3A_52 = tpu.memref_slice %arg4[%add3A_31, %dma_wait3A_51] : memref<102400x128xf32, #tpu.memory_space<hbm>> -> memref<128x128xf32, #tpu.memory_space<hbm>>
      %dma_wait3A_53 = arith.constant 0 : i32
      %dma_wait3A_54 = arith.constant 0 : i32
      %dma_wait3A_55 = tpu.memref_slice %arg6[%run_scoped3A, %dma_wait3A_53, %dma_wait3A_54] : memref<2x128x128xf32, #tpu.memory_space<vmem>> -> memref<1x128x128xf32, #tpu.memory_space<vmem>>
      %dma_wait3A_56 = tpu.memref_squeeze %dma_wait3A_55 : memref<1x128x128xf32, #tpu.memory_space<vmem>> -> memref<128x128xf32, #tpu.memory_space<vmem>>
      tpu.wait_dma2 semaphore(%run_scoped3A_32 : memref<!tpu.dma_semaphore, #tpu.memory_space<semaphore_mem>>) src(%dma_wait3A_56 : memref<128x128xf32, #tpu.memory_space<vmem>>) dst(%dma_wait3A_52 : memref<128x128xf32, #tpu.memory_space<hbm>>)
      tpu.yield
    }) : () -> ()
    return
  }
}

#map = affine_map<(d0, d1) -> (0, 0, 0)>
#map1 = affine_map<(d0, d1) -> (0, 0)>
module attributes {stable_mosaic.version = 14 : i64} {
  func.func @k(%arg0: i32, %arg1: i32, %arg2: memref<32x25x128xi32, #tpu.memory_space<hbm>>, %arg3: memref<100000x128xf32, #tpu.memory_space<hbm>>, %arg4: memref<102400x128xf32, #tpu.memory_space<hbm>>, %arg5: memref<25x128xi32, #tpu.memory_space<vmem>>, %arg6: memref<2x128x128xf32, #tpu.memory_space<vmem>>, %arg7: memref<!tpu.dma_semaphore, #tpu.memory_space<semaphore_mem>>, %arg8: memref<!tpu.dma_semaphore, #tpu.memory_space<semaphore_mem>>) attributes {dimension_semantics = [#tpu.dimension_semantics<core_parallel>, #tpu.dimension_semantics<subcore_parallel>], iteration_bounds = array<i64: 2, 16>, scalar_prefetch = 0 : i64, scratch_operands = 4 : i64, tpu.core_type = #tpu.core_type<sc_vector_subcore>, window_params = [{transform_indices = #map}, {transform_indices = #map1}, {transform_indices = #map1}]} {
    %mul3A = arith.constant 2 : i32
    %mul3A_0 = arith.muli %arg1, %mul3A : i32
    %add3A = arith.addi %mul3A_0, %arg0 : i32
    "tpu.region"() ({
      %run_scoped3A_32 = tpu.sem_alloc : memref<!tpu.dma_semaphore, #tpu.memory_space<semaphore_mem>>
      %dma_start3A_33 = arith.constant 0 : i32
      %dma_start3A_34 = arith.constant 0 : i32
      %dma_start3A_35 = tpu.memref_slice %arg2[%add3A, %dma_start3A_33, %dma_start3A_34] : memref<32x25x128xi32, #tpu.memory_space<hbm>> -> memref<1x25x128xi32, #tpu.memory_space<hbm>>
      %dma_start3A_36 = tpu.memref_squeeze %dma_start3A_35 : memref<1x25x128xi32, #tpu.memory_space<hbm>> -> memref<25x128xi32, #tpu.memory_space<hbm>>
      %dma_start3A_37 = arith.constant 0 : i32
      %dma_start3A_38 = arith.constant 0 : i32
      %dma_start3A_39 = tpu.memref_slice %arg2[%add3A, %dma_start3A_37, %dma_start3A_38] : memref<32x25x128xi32, #tpu.memory_space<hbm>> -> memref<1x25x128xi32, #tpu.memory_space<hbm>>
      %dma_start3A_40 = tpu.memref_squeeze %dma_start3A_39 : memref<1x25x128xi32, #tpu.memory_space<hbm>> -> memref<25x128xi32, #tpu.memory_space<hbm>>
      tpu.enqueue_dma source(%dma_start3A_40 : memref<25x128xi32, #tpu.memory_space<hbm>>) target(%arg5 : memref<25x128xi32, #tpu.memory_space<vmem>>) target_semaphore(%run_scoped3A_32 : memref<!tpu.dma_semaphore, #tpu.memory_space<semaphore_mem>>)
      %dma_wait3A_41 = arith.constant 0 : i32
      %dma_wait3A_42 = arith.constant 0 : i32
      %dma_wait3A_43 = tpu.memref_slice %arg2[%add3A, %dma_wait3A_41, %dma_wait3A_42] : memref<32x25x128xi32, #tpu.memory_space<hbm>> -> memref<1x25x128xi32, #tpu.memory_space<hbm>>
      %dma_wait3A_44 = tpu.memref_squeeze %dma_wait3A_43 : memref<1x25x128xi32, #tpu.memory_space<hbm>> -> memref<25x128xi32, #tpu.memory_space<hbm>>
      %dma_wait3A_45 = arith.constant 0 : i32
      %dma_wait3A_46 = arith.constant 0 : i32
      %dma_wait3A_47 = tpu.memref_slice %arg2[%add3A, %dma_wait3A_45, %dma_wait3A_46] : memref<32x25x128xi32, #tpu.memory_space<hbm>> -> memref<1x25x128xi32, #tpu.memory_space<hbm>>
      %dma_wait3A_48 = tpu.memref_squeeze %dma_wait3A_47 : memref<1x25x128xi32, #tpu.memory_space<hbm>> -> memref<25x128xi32, #tpu.memory_space<hbm>>
      tpu.wait_dma2 semaphore(%run_scoped3A_32 : memref<!tpu.dma_semaphore, #tpu.memory_space<semaphore_mem>>) src(%dma_wait3A_48 : memref<25x128xi32, #tpu.memory_space<hbm>>) dst(%arg5 : memref<25x128xi32, #tpu.memory_space<vmem>>)
      tpu.yield
    }) : () -> ()
    %mul3A_1 = arith.constant 3200 : i32
    %mul3A_2 = arith.muli %add3A, %mul3A_1 : i32
    %dma_start3A = arith.constant 0 : i32
    %dma_start3A_3 = arith.constant 0 : i32
    %dma_start3A_4 = arith.constant 0 : i32
    %dma_start3A_5 = arith.constant 0 : i32
    %dma_start3A_6 = tpu.memref_slice %arg6[%dma_start3A_3, %dma_start3A_4, %dma_start3A_5] : memref<2x128x128xf32, #tpu.memory_space<vmem>> -> memref<1x128x128xf32, #tpu.memory_space<vmem>>
    %dma_start3A_7 = tpu.memref_squeeze %dma_start3A_6 : memref<1x128x128xf32, #tpu.memory_space<vmem>> -> memref<128x128xf32, #tpu.memory_space<vmem>>
    %dma_start3A_8 = arith.constant 0 : i32
    %dma_start3A_9 = tpu.memref_slice %arg5[%dma_start3A, %dma_start3A_8] : memref<25x128xi32, #tpu.memory_space<vmem>> -> memref<1x128xi32, #tpu.memory_space<vmem>>
    %dma_start3A_10 = tpu.memref_squeeze %dma_start3A_9 : memref<1x128xi32, #tpu.memory_space<vmem>> -> memref<128xi32, #tpu.memory_space<vmem>>
    %dma_start3A_11 = arith.constant 0 : i32
    %dma_start3A_12 = arith.constant 0 : i32
    %dma_start3A_13 = tpu.memref_slice %arg3[%dma_start3A_11, %dma_start3A_12] : memref<100000x128xf32, #tpu.memory_space<hbm>> -> memref<100000x128xf32, #tpu.memory_space<hbm>>
    tpu.enqueue_indirect_dma source(%dma_start3A_13 : memref<100000x128xf32, #tpu.memory_space<hbm>>) target(%dma_start3A_7 : memref<128x128xf32, #tpu.memory_space<vmem>>) offsets(%dma_start3A_10 : memref<128xi32, #tpu.memory_space<vmem>>) semaphore(%arg7 : memref<!tpu.dma_semaphore, #tpu.memory_space<semaphore_mem>>)
    %scan3A = arith.constant 0 : i32
    %scan3A_14 = arith.constant 0 : i32
    %scan3A_15 = arith.constant 12 : i32
    %scan3A_16 = arith.addi %scan3A_14, %scan3A_15 : i32
    %scan3A_17 = arith.constant 1 : i32
    scf.for %scan3A_32 = %scan3A_14 to %scan3A_16 step %scan3A_17  : i32 {
      %mul3A_33 = arith.constant 2 : i32
      %mul3A_34 = arith.muli %mul3A_33, %scan3A_32 : i32
      %add3A_35 = arith.constant 1 : i32
      %add3A_36 = arith.addi %mul3A_34, %add3A_35 : i32
      %dma_start3A_37 = arith.constant 1 : i32
      %dma_start3A_38 = arith.constant 0 : i32
      %dma_start3A_39 = arith.constant 0 : i32
      %dma_start3A_40 = tpu.memref_slice %arg6[%dma_start3A_37, %dma_start3A_38, %dma_start3A_39] : memref<2x128x128xf32, #tpu.memory_space<vmem>> -> memref<1x128x128xf32, #tpu.memory_space<vmem>>
      %dma_start3A_41 = tpu.memref_squeeze %dma_start3A_40 : memref<1x128x128xf32, #tpu.memory_space<vmem>> -> memref<128x128xf32, #tpu.memory_space<vmem>>
      %dma_start3A_42 = arith.constant 0 : i32
      %dma_start3A_43 = tpu.memref_slice %arg5[%add3A_36, %dma_start3A_42] : memref<25x128xi32, #tpu.memory_space<vmem>> -> memref<1x128xi32, #tpu.memory_space<vmem>>
      %dma_start3A_44 = tpu.memref_squeeze %dma_start3A_43 : memref<1x128xi32, #tpu.memory_space<vmem>> -> memref<128xi32, #tpu.memory_space<vmem>>
      %dma_start3A_45 = arith.constant 0 : i32
      %dma_start3A_46 = arith.constant 0 : i32
      %dma_start3A_47 = tpu.memref_slice %arg3[%dma_start3A_45, %dma_start3A_46] : memref<100000x128xf32, #tpu.memory_space<hbm>> -> memref<100000x128xf32, #tpu.memory_space<hbm>>
      tpu.enqueue_indirect_dma source(%dma_start3A_47 : memref<100000x128xf32, #tpu.memory_space<hbm>>) target(%dma_start3A_41 : memref<128x128xf32, #tpu.memory_space<vmem>>) offsets(%dma_start3A_44 : memref<128xi32, #tpu.memory_space<vmem>>) semaphore(%arg8 : memref<!tpu.dma_semaphore, #tpu.memory_space<semaphore_mem>>)
      %dma_wait3A_48 = arith.constant 0 : i32
      %dma_wait3A_49 = arith.constant 0 : i32
      %dma_wait3A_50 = arith.constant 0 : i32
      %dma_wait3A_51 = tpu.memref_slice %arg6[%dma_wait3A_48, %dma_wait3A_49, %dma_wait3A_50] : memref<2x128x128xf32, #tpu.memory_space<vmem>> -> memref<1x128x128xf32, #tpu.memory_space<vmem>>
      %dma_wait3A_52 = tpu.memref_squeeze %dma_wait3A_51 : memref<1x128x128xf32, #tpu.memory_space<vmem>> -> memref<128x128xf32, #tpu.memory_space<vmem>>
      %dma_wait3A_53 = arith.constant 0 : i32
      %dma_wait3A_54 = tpu.memref_slice %arg5[%mul3A_34, %dma_wait3A_53] : memref<25x128xi32, #tpu.memory_space<vmem>> -> memref<1x128xi32, #tpu.memory_space<vmem>>
      %dma_wait3A_55 = tpu.memref_squeeze %dma_wait3A_54 : memref<1x128xi32, #tpu.memory_space<vmem>> -> memref<128xi32, #tpu.memory_space<vmem>>
      %dma_wait3A_56 = arith.constant 0 : i32
      %dma_wait3A_57 = arith.constant 0 : i32
      %dma_wait3A_58 = tpu.memref_slice %arg3[%dma_wait3A_56, %dma_wait3A_57] : memref<100000x128xf32, #tpu.memory_space<hbm>> -> memref<100000x128xf32, #tpu.memory_space<hbm>>
      tpu.wait_indirect_dma semaphore(%arg7 : memref<!tpu.dma_semaphore, #tpu.memory_space<semaphore_mem>>) src(%dma_wait3A_58 : memref<100000x128xf32, #tpu.memory_space<hbm>>) dst(%dma_wait3A_52 : memref<128x128xf32, #tpu.memory_space<vmem>>)
      %mul3A_59 = arith.constant 128 : i32
      %mul3A_60 = arith.muli %mul3A_34, %mul3A_59 : i32
      %add3A_61 = arith.addi %mul3A_2, %mul3A_60 : i32
      %run_scoped3A_62 = arith.constant 0 : i32
      "tpu.region"() ({
        %run_scoped3A_95 = tpu.sem_alloc : memref<!tpu.dma_semaphore, #tpu.memory_space<semaphore_mem>>
        %dma_start3A_96 = arith.constant 0 : i32
        %dma_start3A_97 = arith.constant 0 : i32
        %dma_start3A_98 = tpu.memref_slice %arg6[%run_scoped3A_62, %dma_start3A_96, %dma_start3A_97] : memref<2x128x128xf32, #tpu.memory_space<vmem>> -> memref<1x128x128xf32, #tpu.memory_space<vmem>>
        %dma_start3A_99 = tpu.memref_squeeze %dma_start3A_98 : memref<1x128x128xf32, #tpu.memory_space<vmem>> -> memref<128x128xf32, #tpu.memory_space<vmem>>
        %dma_start3A_100 = arith.constant 0 : i32
        %dma_start3A_101 = tpu.memref_slice %arg4[%add3A_61, %dma_start3A_100] : memref<102400x128xf32, #tpu.memory_space<hbm>> -> memref<128x128xf32, #tpu.memory_space<hbm>>
        %dma_start3A_102 = arith.constant 0 : i32
        %dma_start3A_103 = tpu.memref_slice %arg4[%add3A_61, %dma_start3A_102] : memref<102400x128xf32, #tpu.memory_space<hbm>> -> memref<128x128xf32, #tpu.memory_space<hbm>>
        %dma_start3A_104 = arith.constant 0 : i32
        %dma_start3A_105 = arith.constant 0 : i32
        %dma_start3A_106 = tpu.memref_slice %arg6[%run_scoped3A_62, %dma_start3A_104, %dma_start3A_105] : memref<2x128x128xf32, #tpu.memory_space<vmem>> -> memref<1x128x128xf32, #tpu.memory_space<vmem>>
        %dma_start3A_107 = tpu.memref_squeeze %dma_start3A_106 : memref<1x128x128xf32, #tpu.memory_space<vmem>> -> memref<128x128xf32, #tpu.memory_space<vmem>>
        tpu.enqueue_dma source(%dma_start3A_107 : memref<128x128xf32, #tpu.memory_space<vmem>>) target(%dma_start3A_103 : memref<128x128xf32, #tpu.memory_space<hbm>>) target_semaphore(%run_scoped3A_95 : memref<!tpu.dma_semaphore, #tpu.memory_space<semaphore_mem>>)
        %dma_wait3A_108 = arith.constant 0 : i32
        %dma_wait3A_109 = arith.constant 0 : i32
        %dma_wait3A_110 = tpu.memref_slice %arg6[%run_scoped3A_62, %dma_wait3A_108, %dma_wait3A_109] : memref<2x128x128xf32, #tpu.memory_space<vmem>> -> memref<1x128x128xf32, #tpu.memory_space<vmem>>
        %dma_wait3A_111 = tpu.memref_squeeze %dma_wait3A_110 : memref<1x128x128xf32, #tpu.memory_space<vmem>> -> memref<128x128xf32, #tpu.memory_space<vmem>>
        %dma_wait3A_112 = arith.constant 0 : i32
        %dma_wait3A_113 = tpu.memref_slice %arg4[%add3A_61, %dma_wait3A_112] : memref<102400x128xf32, #tpu.memory_space<hbm>> -> memref<128x128xf32, #tpu.memory_space<hbm>>
        %dma_wait3A_114 = arith.constant 0 : i32
        %dma_wait3A_115 = tpu.memref_slice %arg4[%add3A_61, %dma_wait3A_114] : memref<102400x128xf32, #tpu.memory_space<hbm>> -> memref<128x128xf32, #tpu.memory_space<hbm>>
        %dma_wait3A_116 = arith.constant 0 : i32
        %dma_wait3A_117 = arith.constant 0 : i32
        %dma_wait3A_118 = tpu.memref_slice %arg6[%run_scoped3A_62, %dma_wait3A_116, %dma_wait3A_117] : memref<2x128x128xf32, #tpu.memory_space<vmem>> -> memref<1x128x128xf32, #tpu.memory_space<vmem>>
        %dma_wait3A_119 = tpu.memref_squeeze %dma_wait3A_118 : memref<1x128x128xf32, #tpu.memory_space<vmem>> -> memref<128x128xf32, #tpu.memory_space<vmem>>
        tpu.wait_dma2 semaphore(%run_scoped3A_95 : memref<!tpu.dma_semaphore, #tpu.memory_space<semaphore_mem>>) src(%dma_wait3A_119 : memref<128x128xf32, #tpu.memory_space<vmem>>) dst(%dma_wait3A_115 : memref<128x128xf32, #tpu.memory_space<hbm>>)
        tpu.yield
      }) : () -> ()
      %add3A_63 = arith.constant 2 : i32
      %add3A_64 = arith.addi %mul3A_34, %add3A_63 : i32
      %dma_start3A_65 = arith.constant 0 : i32
      %dma_start3A_66 = arith.constant 0 : i32
      %dma_start3A_67 = arith.constant 0 : i32
      %dma_start3A_68 = tpu.memref_slice %arg6[%dma_start3A_65, %dma_start3A_66, %dma_start3A_67] : memref<2x128x128xf32, #tpu.memory_space<vmem>> -> memref<1x128x128xf32, #tpu.memory_space<vmem>>
      %dma_start3A_69 = tpu.memref_squeeze %dma_start3A_68 : memref<1x128x128xf32, #tpu.memory_space<vmem>> -> memref<128x128xf32, #tpu.memory_space<vmem>>
      %dma_start3A_70 = arith.constant 0 : i32
      %dma_start3A_71 = tpu.memref_slice %arg5[%add3A_64, %dma_start3A_70] : memref<25x128xi32, #tpu.memory_space<vmem>> -> memref<1x128xi32, #tpu.memory_space<vmem>>
      %dma_start3A_72 = tpu.memref_squeeze %dma_start3A_71 : memref<1x128xi32, #tpu.memory_space<vmem>> -> memref<128xi32, #tpu.memory_space<vmem>>
      %dma_start3A_73 = arith.constant 0 : i32
      %dma_start3A_74 = arith.constant 0 : i32
      %dma_start3A_75 = tpu.memref_slice %arg3[%dma_start3A_73, %dma_start3A_74] : memref<100000x128xf32, #tpu.memory_space<hbm>> -> memref<100000x128xf32, #tpu.memory_space<hbm>>
      tpu.enqueue_indirect_dma source(%dma_start3A_75 : memref<100000x128xf32, #tpu.memory_space<hbm>>) target(%dma_start3A_69 : memref<128x128xf32, #tpu.memory_space<vmem>>) offsets(%dma_start3A_72 : memref<128xi32, #tpu.memory_space<vmem>>) semaphore(%arg7 : memref<!tpu.dma_semaphore, #tpu.memory_space<semaphore_mem>>)
      %add3A_76 = arith.constant 1 : i32
      %add3A_77 = arith.addi %mul3A_34, %add3A_76 : i32
      %dma_wait3A_78 = arith.constant 1 : i32
      %dma_wait3A_79 = arith.constant 0 : i32
      %dma_wait3A_80 = arith.constant 0 : i32
      %dma_wait3A_81 = tpu.memref_slice %arg6[%dma_wait3A_78, %dma_wait3A_79, %dma_wait3A_80] : memref<2x128x128xf32, #tpu.memory_space<vmem>> -> memref<1x128x128xf32, #tpu.memory_space<vmem>>
      %dma_wait3A_82 = tpu.memref_squeeze %dma_wait3A_81 : memref<1x128x128xf32, #tpu.memory_space<vmem>> -> memref<128x128xf32, #tpu.memory_space<vmem>>
      %dma_wait3A_83 = arith.constant 0 : i32
      %dma_wait3A_84 = tpu.memref_slice %arg5[%add3A_77, %dma_wait3A_83] : memref<25x128xi32, #tpu.memory_space<vmem>> -> memref<1x128xi32, #tpu.memory_space<vmem>>
      %dma_wait3A_85 = tpu.memref_squeeze %dma_wait3A_84 : memref<1x128xi32, #tpu.memory_space<vmem>> -> memref<128xi32, #tpu.memory_space<vmem>>
      %dma_wait3A_86 = arith.constant 0 : i32
      %dma_wait3A_87 = arith.constant 0 : i32
      %dma_wait3A_88 = tpu.memref_slice %arg3[%dma_wait3A_86, %dma_wait3A_87] : memref<100000x128xf32, #tpu.memory_space<hbm>> -> memref<100000x128xf32, #tpu.memory_space<hbm>>
      tpu.wait_indirect_dma semaphore(%arg8 : memref<!tpu.dma_semaphore, #tpu.memory_space<semaphore_mem>>) src(%dma_wait3A_88 : memref<100000x128xf32, #tpu.memory_space<hbm>>) dst(%dma_wait3A_82 : memref<128x128xf32, #tpu.memory_space<vmem>>)
      %add3A_89 = arith.constant 1 : i32
      %add3A_90 = arith.addi %mul3A_34, %add3A_89 : i32
      %mul3A_91 = arith.constant 128 : i32
      %mul3A_92 = arith.muli %add3A_90, %mul3A_91 : i32
      %add3A_93 = arith.addi %mul3A_2, %mul3A_92 : i32
      %run_scoped3A_94 = arith.constant 1 : i32
      "tpu.region"() ({
        %run_scoped3A_95 = tpu.sem_alloc : memref<!tpu.dma_semaphore, #tpu.memory_space<semaphore_mem>>
        %dma_start3A_96 = arith.constant 0 : i32
        %dma_start3A_97 = arith.constant 0 : i32
        %dma_start3A_98 = tpu.memref_slice %arg6[%run_scoped3A_94, %dma_start3A_96, %dma_start3A_97] : memref<2x128x128xf32, #tpu.memory_space<vmem>> -> memref<1x128x128xf32, #tpu.memory_space<vmem>>
        %dma_start3A_99 = tpu.memref_squeeze %dma_start3A_98 : memref<1x128x128xf32, #tpu.memory_space<vmem>> -> memref<128x128xf32, #tpu.memory_space<vmem>>
        %dma_start3A_100 = arith.constant 0 : i32
        %dma_start3A_101 = tpu.memref_slice %arg4[%add3A_93, %dma_start3A_100] : memref<102400x128xf32, #tpu.memory_space<hbm>> -> memref<128x128xf32, #tpu.memory_space<hbm>>
        %dma_start3A_102 = arith.constant 0 : i32
        %dma_start3A_103 = tpu.memref_slice %arg4[%add3A_93, %dma_start3A_102] : memref<102400x128xf32, #tpu.memory_space<hbm>> -> memref<128x128xf32, #tpu.memory_space<hbm>>
        %dma_start3A_104 = arith.constant 0 : i32
        %dma_start3A_105 = arith.constant 0 : i32
        %dma_start3A_106 = tpu.memref_slice %arg6[%run_scoped3A_94, %dma_start3A_104, %dma_start3A_105] : memref<2x128x128xf32, #tpu.memory_space<vmem>> -> memref<1x128x128xf32, #tpu.memory_space<vmem>>
        %dma_start3A_107 = tpu.memref_squeeze %dma_start3A_106 : memref<1x128x128xf32, #tpu.memory_space<vmem>> -> memref<128x128xf32, #tpu.memory_space<vmem>>
        tpu.enqueue_dma source(%dma_start3A_107 : memref<128x128xf32, #tpu.memory_space<vmem>>) target(%dma_start3A_103 : memref<128x128xf32, #tpu.memory_space<hbm>>) target_semaphore(%run_scoped3A_95 : memref<!tpu.dma_semaphore, #tpu.memory_space<semaphore_mem>>)
        %dma_wait3A_108 = arith.constant 0 : i32
        %dma_wait3A_109 = arith.constant 0 : i32
        %dma_wait3A_110 = tpu.memref_slice %arg6[%run_scoped3A_94, %dma_wait3A_108, %dma_wait3A_109] : memref<2x128x128xf32, #tpu.memory_space<vmem>> -> memref<1x128x128xf32, #tpu.memory_space<vmem>>
        %dma_wait3A_111 = tpu.memref_squeeze %dma_wait3A_110 : memref<1x128x128xf32, #tpu.memory_space<vmem>> -> memref<128x128xf32, #tpu.memory_space<vmem>>
        %dma_wait3A_112 = arith.constant 0 : i32
        %dma_wait3A_113 = tpu.memref_slice %arg4[%add3A_93, %dma_wait3A_112] : memref<102400x128xf32, #tpu.memory_space<hbm>> -> memref<128x128xf32, #tpu.memory_space<hbm>>
        %dma_wait3A_114 = arith.constant 0 : i32
        %dma_wait3A_115 = tpu.memref_slice %arg4[%add3A_93, %dma_wait3A_114] : memref<102400x128xf32, #tpu.memory_space<hbm>> -> memref<128x128xf32, #tpu.memory_space<hbm>>
        %dma_wait3A_116 = arith.constant 0 : i32
        %dma_wait3A_117 = arith.constant 0 : i32
        %dma_wait3A_118 = tpu.memref_slice %arg6[%run_scoped3A_94, %dma_wait3A_116, %dma_wait3A_117] : memref<2x128x128xf32, #tpu.memory_space<vmem>> -> memref<1x128x128xf32, #tpu.memory_space<vmem>>
        %dma_wait3A_119 = tpu.memref_squeeze %dma_wait3A_118 : memref<1x128x128xf32, #tpu.memory_space<vmem>> -> memref<128x128xf32, #tpu.memory_space<vmem>>
        tpu.wait_dma2 semaphore(%run_scoped3A_95 : memref<!tpu.dma_semaphore, #tpu.memory_space<semaphore_mem>>) src(%dma_wait3A_119 : memref<128x128xf32, #tpu.memory_space<vmem>>) dst(%dma_wait3A_115 : memref<128x128xf32, #tpu.memory_space<hbm>>)
        tpu.yield
      }) : () -> ()
    }
    %scan3A_18 = arith.constant 12 : i32
    %dma_wait3A = arith.constant 24 : i32
    %dma_wait3A_19 = arith.constant 0 : i32
    %dma_wait3A_20 = arith.constant 0 : i32
    %dma_wait3A_21 = arith.constant 0 : i32
    %dma_wait3A_22 = tpu.memref_slice %arg6[%dma_wait3A_19, %dma_wait3A_20, %dma_wait3A_21] : memref<2x128x128xf32, #tpu.memory_space<vmem>> -> memref<1x128x128xf32, #tpu.memory_space<vmem>>
    %dma_wait3A_23 = tpu.memref_squeeze %dma_wait3A_22 : memref<1x128x128xf32, #tpu.memory_space<vmem>> -> memref<128x128xf32, #tpu.memory_space<vmem>>
    %dma_wait3A_24 = arith.constant 0 : i32
    %dma_wait3A_25 = tpu.memref_slice %arg5[%dma_wait3A, %dma_wait3A_24] : memref<25x128xi32, #tpu.memory_space<vmem>> -> memref<1x128xi32, #tpu.memory_space<vmem>>
    %dma_wait3A_26 = tpu.memref_squeeze %dma_wait3A_25 : memref<1x128xi32, #tpu.memory_space<vmem>> -> memref<128xi32, #tpu.memory_space<vmem>>
    %dma_wait3A_27 = arith.constant 0 : i32
    %dma_wait3A_28 = arith.constant 0 : i32
    %dma_wait3A_29 = tpu.memref_slice %arg3[%dma_wait3A_27, %dma_wait3A_28] : memref<100000x128xf32, #tpu.memory_space<hbm>> -> memref<100000x128xf32, #tpu.memory_space<hbm>>
    tpu.wait_indirect_dma semaphore(%arg7 : memref<!tpu.dma_semaphore, #tpu.memory_space<semaphore_mem>>) src(%dma_wait3A_29 : memref<100000x128xf32, #tpu.memory_space<hbm>>) dst(%dma_wait3A_23 : memref<128x128xf32, #tpu.memory_space<vmem>>)
    %add3A_30 = arith.constant 3072 : i32
    %add3A_31 = arith.addi %mul3A_2, %add3A_30 : i32
    %run_scoped3A = arith.constant 0 : i32
    "tpu.region"() ({
      %run_scoped3A_32 = tpu.sem_alloc : memref<!tpu.dma_semaphore, #tpu.memory_space<semaphore_mem>>
      %dma_start3A_33 = arith.constant 0 : i32
      %dma_start3A_34 = arith.constant 0 : i32
      %dma_start3A_35 = tpu.memref_slice %arg6[%run_scoped3A, %dma_start3A_33, %dma_start3A_34] : memref<2x128x128xf32, #tpu.memory_space<vmem>> -> memref<1x128x128xf32, #tpu.memory_space<vmem>>
      %dma_start3A_36 = tpu.memref_squeeze %dma_start3A_35 : memref<1x128x128xf32, #tpu.memory_space<vmem>> -> memref<128x128xf32, #tpu.memory_space<vmem>>
      %dma_start3A_37 = arith.constant 0 : i32
      %dma_start3A_38 = tpu.memref_slice %arg4[%add3A_31, %dma_start3A_37] : memref<102400x128xf32, #tpu.memory_space<hbm>> -> memref<128x128xf32, #tpu.memory_space<hbm>>
      %dma_start3A_39 = arith.constant 0 : i32
      %dma_start3A_40 = tpu.memref_slice %arg4[%add3A_31, %dma_start3A_39] : memref<102400x128xf32, #tpu.memory_space<hbm>> -> memref<128x128xf32, #tpu.memory_space<hbm>>
      %dma_start3A_41 = arith.constant 0 : i32
      %dma_start3A_42 = arith.constant 0 : i32
      %dma_start3A_43 = tpu.memref_slice %arg6[%run_scoped3A, %dma_start3A_41, %dma_start3A_42] : memref<2x128x128xf32, #tpu.memory_space<vmem>> -> memref<1x128x128xf32, #tpu.memory_space<vmem>>
      %dma_start3A_44 = tpu.memref_squeeze %dma_start3A_43 : memref<1x128x128xf32, #tpu.memory_space<vmem>> -> memref<128x128xf32, #tpu.memory_space<vmem>>
      tpu.enqueue_dma source(%dma_start3A_44 : memref<128x128xf32, #tpu.memory_space<vmem>>) target(%dma_start3A_40 : memref<128x128xf32, #tpu.memory_space<hbm>>) target_semaphore(%run_scoped3A_32 : memref<!tpu.dma_semaphore, #tpu.memory_space<semaphore_mem>>)
      %dma_wait3A_45 = arith.constant 0 : i32
      %dma_wait3A_46 = arith.constant 0 : i32
      %dma_wait3A_47 = tpu.memref_slice %arg6[%run_scoped3A, %dma_wait3A_45, %dma_wait3A_46] : memref<2x128x128xf32, #tpu.memory_space<vmem>> -> memref<1x128x128xf32, #tpu.memory_space<vmem>>
      %dma_wait3A_48 = tpu.memref_squeeze %dma_wait3A_47 : memref<1x128x128xf32, #tpu.memory_space<vmem>> -> memref<128x128xf32, #tpu.memory_space<vmem>>
      %dma_wait3A_49 = arith.constant 0 : i32
      %dma_wait3A_50 = tpu.memref_slice %arg4[%add3A_31, %dma_wait3A_49] : memref<102400x128xf32, #tpu.memory_space<hbm>> -> memref<128x128xf32, #tpu.memory_space<hbm>>
      %dma_wait3A_51 = arith.constant 0 : i32
      %dma_wait3A_52 = tpu.memref_slice %arg4[%add3A_31, %dma_wait3A_51] : memref<102400x128xf32, #tpu.memory_space<hbm>> -> memref<128x128xf32, #tpu.memory_space<hbm>>
      %dma_wait3A_53 = arith.constant 0 : i32
      %dma_wait3A_54 = arith.constant 0 : i32
      %dma_wait3A_55 = tpu.memref_slice %arg6[%run_scoped3A, %dma_wait3A_53, %dma_wait3A_54] : memref<2x128x128xf32, #tpu.memory_space<vmem>> -> memref<1x128x128xf32, #tpu.memory_space<vmem>>
      %dma_wait3A_56 = tpu.memref_squeeze %dma_wait3A_55 : memref<1x128x128xf32, #tpu.memory_space<vmem>> -> memref<128x128xf32, #tpu.memory_space<vmem>>
      tpu.wait_dma2 semaphore(%run_scoped3A_32 : memref<!tpu.dma_semaphore, #tpu.memory_space<semaphore_mem>>) src(%dma_wait3A_56 : memref<128x128xf32, #tpu.memory_space<vmem>>) dst(%dma_wait3A_52 : memref<128x128xf32, #tpu.memory_space<hbm>>)
      tpu.yield
    }) : () -> ()
    return
  }
}

#map = affine_map<(d0, d1) -> (0, 0, 0)>
#map1 = affine_map<(d0, d1) -> (0, 0)>
module attributes {stable_mosaic.version = 14 : i64} {
  func.func @k(%arg0: i32, %arg1: i32, %arg2: memref<32x25x128xi32, #tpu.memory_space<hbm>>, %arg3: memref<100000x128xf32, #tpu.memory_space<hbm>>, %arg4: memref<102400x128xf32, #tpu.memory_space<hbm>>, %arg5: memref<25x128xi32, #tpu.memory_space<vmem>>, %arg6: memref<2x128x128xf32, #tpu.memory_space<vmem>>, %arg7: memref<!tpu.dma_semaphore, #tpu.memory_space<semaphore_mem>>, %arg8: memref<!tpu.dma_semaphore, #tpu.memory_space<semaphore_mem>>) attributes {dimension_semantics = [#tpu.dimension_semantics<core_parallel>, #tpu.dimension_semantics<subcore_parallel>], iteration_bounds = array<i64: 2, 16>, scalar_prefetch = 0 : i64, scratch_operands = 4 : i64, tpu.core_type = #tpu.core_type<sc_vector_subcore>, window_params = [{transform_indices = #map}, {transform_indices = #map1}, {transform_indices = #map1}]} {
    %mul3A = arith.constant 2 : i32
    %mul3A_0 = arith.muli %arg1, %mul3A : i32
    %add3A = arith.addi %mul3A_0, %arg0 : i32
    "tpu.region"() ({
      %run_scoped3A_32 = tpu.sem_alloc : memref<!tpu.dma_semaphore, #tpu.memory_space<semaphore_mem>>
      %dma_start3A_33 = arith.constant 0 : i32
      %dma_start3A_34 = arith.constant 0 : i32
      %dma_start3A_35 = tpu.memref_slice %arg2[%add3A, %dma_start3A_33, %dma_start3A_34] : memref<32x25x128xi32, #tpu.memory_space<hbm>> -> memref<1x25x128xi32, #tpu.memory_space<hbm>>
      %dma_start3A_36 = tpu.memref_squeeze %dma_start3A_35 : memref<1x25x128xi32, #tpu.memory_space<hbm>> -> memref<25x128xi32, #tpu.memory_space<hbm>>
      %dma_start3A_37 = arith.constant 0 : i32
      %dma_start3A_38 = arith.constant 0 : i32
      %dma_start3A_39 = tpu.memref_slice %arg2[%add3A, %dma_start3A_37, %dma_start3A_38] : memref<32x25x128xi32, #tpu.memory_space<hbm>> -> memref<1x25x128xi32, #tpu.memory_space<hbm>>
      %dma_start3A_40 = tpu.memref_squeeze %dma_start3A_39 : memref<1x25x128xi32, #tpu.memory_space<hbm>> -> memref<25x128xi32, #tpu.memory_space<hbm>>
      tpu.enqueue_dma source(%dma_start3A_40 : memref<25x128xi32, #tpu.memory_space<hbm>>) target(%arg5 : memref<25x128xi32, #tpu.memory_space<vmem>>) target_semaphore(%run_scoped3A_32 : memref<!tpu.dma_semaphore, #tpu.memory_space<semaphore_mem>>)
      %dma_wait3A_41 = arith.constant 0 : i32
      %dma_wait3A_42 = arith.constant 0 : i32
      %dma_wait3A_43 = tpu.memref_slice %arg2[%add3A, %dma_wait3A_41, %dma_wait3A_42] : memref<32x25x128xi32, #tpu.memory_space<hbm>> -> memref<1x25x128xi32, #tpu.memory_space<hbm>>
      %dma_wait3A_44 = tpu.memref_squeeze %dma_wait3A_43 : memref<1x25x128xi32, #tpu.memory_space<hbm>> -> memref<25x128xi32, #tpu.memory_space<hbm>>
      %dma_wait3A_45 = arith.constant 0 : i32
      %dma_wait3A_46 = arith.constant 0 : i32
      %dma_wait3A_47 = tpu.memref_slice %arg2[%add3A, %dma_wait3A_45, %dma_wait3A_46] : memref<32x25x128xi32, #tpu.memory_space<hbm>> -> memref<1x25x128xi32, #tpu.memory_space<hbm>>
      %dma_wait3A_48 = tpu.memref_squeeze %dma_wait3A_47 : memref<1x25x128xi32, #tpu.memory_space<hbm>> -> memref<25x128xi32, #tpu.memory_space<hbm>>
      tpu.wait_dma2 semaphore(%run_scoped3A_32 : memref<!tpu.dma_semaphore, #tpu.memory_space<semaphore_mem>>) src(%dma_wait3A_48 : memref<25x128xi32, #tpu.memory_space<hbm>>) dst(%arg5 : memref<25x128xi32, #tpu.memory_space<vmem>>)
      tpu.yield
    }) : () -> ()
    %mul3A_1 = arith.constant 3200 : i32
    %mul3A_2 = arith.muli %add3A, %mul3A_1 : i32
    %dma_start3A = arith.constant 0 : i32
    %dma_start3A_3 = arith.constant 0 : i32
    %dma_start3A_4 = arith.constant 0 : i32
    %dma_start3A_5 = arith.constant 0 : i32
    %dma_start3A_6 = tpu.memref_slice %arg6[%dma_start3A_3, %dma_start3A_4, %dma_start3A_5] : memref<2x128x128xf32, #tpu.memory_space<vmem>> -> memref<1x128x128xf32, #tpu.memory_space<vmem>>
    %dma_start3A_7 = tpu.memref_squeeze %dma_start3A_6 : memref<1x128x128xf32, #tpu.memory_space<vmem>> -> memref<128x128xf32, #tpu.memory_space<vmem>>
    %dma_start3A_8 = arith.constant 0 : i32
    %dma_start3A_9 = tpu.memref_slice %arg5[%dma_start3A, %dma_start3A_8] : memref<25x128xi32, #tpu.memory_space<vmem>> -> memref<1x128xi32, #tpu.memory_space<vmem>>
    %dma_start3A_10 = tpu.memref_squeeze %dma_start3A_9 : memref<1x128xi32, #tpu.memory_space<vmem>> -> memref<128xi32, #tpu.memory_space<vmem>>
    %dma_start3A_11 = arith.constant 0 : i32
    %dma_start3A_12 = arith.constant 0 : i32
    %dma_start3A_13 = tpu.memref_slice %arg3[%dma_start3A_11, %dma_start3A_12] : memref<100000x128xf32, #tpu.memory_space<hbm>> -> memref<100000x128xf32, #tpu.memory_space<hbm>>
    tpu.enqueue_indirect_dma source(%dma_start3A_13 : memref<100000x128xf32, #tpu.memory_space<hbm>>) target(%dma_start3A_7 : memref<128x128xf32, #tpu.memory_space<vmem>>) offsets(%dma_start3A_10 : memref<128xi32, #tpu.memory_space<vmem>>) semaphore(%arg7 : memref<!tpu.dma_semaphore, #tpu.memory_space<semaphore_mem>>)
    %scan3A = arith.constant 0 : i32
    %scan3A_14 = arith.constant 0 : i32
    %scan3A_15 = arith.constant 12 : i32
    %scan3A_16 = arith.addi %scan3A_14, %scan3A_15 : i32
    %scan3A_17 = arith.constant 1 : i32
    scf.for %scan3A_32 = %scan3A_14 to %scan3A_16 step %scan3A_17  : i32 {
      %mul3A_33 = arith.constant 2 : i32
      %mul3A_34 = arith.muli %mul3A_33, %scan3A_32 : i32
      %add3A_35 = arith.constant 1 : i32
      %add3A_36 = arith.addi %mul3A_34, %add3A_35 : i32
      %dma_start3A_37 = arith.constant 1 : i32
      %dma_start3A_38 = arith.constant 0 : i32
      %dma_start3A_39 = arith.constant 0 : i32
      %dma_start3A_40 = tpu.memref_slice %arg6[%dma_start3A_37, %dma_start3A_38, %dma_start3A_39] : memref<2x128x128xf32, #tpu.memory_space<vmem>> -> memref<1x128x128xf32, #tpu.memory_space<vmem>>
      %dma_start3A_41 = tpu.memref_squeeze %dma_start3A_40 : memref<1x128x128xf32, #tpu.memory_space<vmem>> -> memref<128x128xf32, #tpu.memory_space<vmem>>
      %dma_start3A_42 = arith.constant 0 : i32
      %dma_start3A_43 = tpu.memref_slice %arg5[%add3A_36, %dma_start3A_42] : memref<25x128xi32, #tpu.memory_space<vmem>> -> memref<1x128xi32, #tpu.memory_space<vmem>>
      %dma_start3A_44 = tpu.memref_squeeze %dma_start3A_43 : memref<1x128xi32, #tpu.memory_space<vmem>> -> memref<128xi32, #tpu.memory_space<vmem>>
      %dma_start3A_45 = arith.constant 0 : i32
      %dma_start3A_46 = arith.constant 0 : i32
      %dma_start3A_47 = tpu.memref_slice %arg3[%dma_start3A_45, %dma_start3A_46] : memref<100000x128xf32, #tpu.memory_space<hbm>> -> memref<100000x128xf32, #tpu.memory_space<hbm>>
      tpu.enqueue_indirect_dma source(%dma_start3A_47 : memref<100000x128xf32, #tpu.memory_space<hbm>>) target(%dma_start3A_41 : memref<128x128xf32, #tpu.memory_space<vmem>>) offsets(%dma_start3A_44 : memref<128xi32, #tpu.memory_space<vmem>>) semaphore(%arg8 : memref<!tpu.dma_semaphore, #tpu.memory_space<semaphore_mem>>)
      %dma_wait3A_48 = arith.constant 0 : i32
      %dma_wait3A_49 = arith.constant 0 : i32
      %dma_wait3A_50 = arith.constant 0 : i32
      %dma_wait3A_51 = tpu.memref_slice %arg6[%dma_wait3A_48, %dma_wait3A_49, %dma_wait3A_50] : memref<2x128x128xf32, #tpu.memory_space<vmem>> -> memref<1x128x128xf32, #tpu.memory_space<vmem>>
      %dma_wait3A_52 = tpu.memref_squeeze %dma_wait3A_51 : memref<1x128x128xf32, #tpu.memory_space<vmem>> -> memref<128x128xf32, #tpu.memory_space<vmem>>
      %dma_wait3A_53 = arith.constant 0 : i32
      %dma_wait3A_54 = tpu.memref_slice %arg5[%mul3A_34, %dma_wait3A_53] : memref<25x128xi32, #tpu.memory_space<vmem>> -> memref<1x128xi32, #tpu.memory_space<vmem>>
      %dma_wait3A_55 = tpu.memref_squeeze %dma_wait3A_54 : memref<1x128xi32, #tpu.memory_space<vmem>> -> memref<128xi32, #tpu.memory_space<vmem>>
      %dma_wait3A_56 = arith.constant 0 : i32
      %dma_wait3A_57 = arith.constant 0 : i32
      %dma_wait3A_58 = tpu.memref_slice %arg3[%dma_wait3A_56, %dma_wait3A_57] : memref<100000x128xf32, #tpu.memory_space<hbm>> -> memref<100000x128xf32, #tpu.memory_space<hbm>>
      tpu.wait_indirect_dma semaphore(%arg7 : memref<!tpu.dma_semaphore, #tpu.memory_space<semaphore_mem>>) src(%dma_wait3A_58 : memref<100000x128xf32, #tpu.memory_space<hbm>>) dst(%dma_wait3A_52 : memref<128x128xf32, #tpu.memory_space<vmem>>)
      %mul3A_59 = arith.constant 128 : i32
      %mul3A_60 = arith.muli %mul3A_34, %mul3A_59 : i32
      %add3A_61 = arith.addi %mul3A_2, %mul3A_60 : i32
      %run_scoped3A_62 = arith.constant 0 : i32
      "tpu.region"() ({
        %run_scoped3A_95 = tpu.sem_alloc : memref<!tpu.dma_semaphore, #tpu.memory_space<semaphore_mem>>
        %dma_start3A_96 = arith.constant 0 : i32
        %dma_start3A_97 = arith.constant 0 : i32
        %dma_start3A_98 = tpu.memref_slice %arg6[%run_scoped3A_62, %dma_start3A_96, %dma_start3A_97] : memref<2x128x128xf32, #tpu.memory_space<vmem>> -> memref<1x128x128xf32, #tpu.memory_space<vmem>>
        %dma_start3A_99 = tpu.memref_squeeze %dma_start3A_98 : memref<1x128x128xf32, #tpu.memory_space<vmem>> -> memref<128x128xf32, #tpu.memory_space<vmem>>
        %dma_start3A_100 = arith.constant 0 : i32
        %dma_start3A_101 = tpu.memref_slice %arg4[%add3A_61, %dma_start3A_100] : memref<102400x128xf32, #tpu.memory_space<hbm>> -> memref<128x128xf32, #tpu.memory_space<hbm>>
        %dma_start3A_102 = arith.constant 0 : i32
        %dma_start3A_103 = tpu.memref_slice %arg4[%add3A_61, %dma_start3A_102] : memref<102400x128xf32, #tpu.memory_space<hbm>> -> memref<128x128xf32, #tpu.memory_space<hbm>>
        %dma_start3A_104 = arith.constant 0 : i32
        %dma_start3A_105 = arith.constant 0 : i32
        %dma_start3A_106 = tpu.memref_slice %arg6[%run_scoped3A_62, %dma_start3A_104, %dma_start3A_105] : memref<2x128x128xf32, #tpu.memory_space<vmem>> -> memref<1x128x128xf32, #tpu.memory_space<vmem>>
        %dma_start3A_107 = tpu.memref_squeeze %dma_start3A_106 : memref<1x128x128xf32, #tpu.memory_space<vmem>> -> memref<128x128xf32, #tpu.memory_space<vmem>>
        tpu.enqueue_dma source(%dma_start3A_107 : memref<128x128xf32, #tpu.memory_space<vmem>>) target(%dma_start3A_103 : memref<128x128xf32, #tpu.memory_space<hbm>>) target_semaphore(%run_scoped3A_95 : memref<!tpu.dma_semaphore, #tpu.memory_space<semaphore_mem>>)
        %dma_wait3A_108 = arith.constant 0 : i32
        %dma_wait3A_109 = arith.constant 0 : i32
        %dma_wait3A_110 = tpu.memref_slice %arg6[%run_scoped3A_62, %dma_wait3A_108, %dma_wait3A_109] : memref<2x128x128xf32, #tpu.memory_space<vmem>> -> memref<1x128x128xf32, #tpu.memory_space<vmem>>
        %dma_wait3A_111 = tpu.memref_squeeze %dma_wait3A_110 : memref<1x128x128xf32, #tpu.memory_space<vmem>> -> memref<128x128xf32, #tpu.memory_space<vmem>>
        %dma_wait3A_112 = arith.constant 0 : i32
        %dma_wait3A_113 = tpu.memref_slice %arg4[%add3A_61, %dma_wait3A_112] : memref<102400x128xf32, #tpu.memory_space<hbm>> -> memref<128x128xf32, #tpu.memory_space<hbm>>
        %dma_wait3A_114 = arith.constant 0 : i32
        %dma_wait3A_115 = tpu.memref_slice %arg4[%add3A_61, %dma_wait3A_114] : memref<102400x128xf32, #tpu.memory_space<hbm>> -> memref<128x128xf32, #tpu.memory_space<hbm>>
        %dma_wait3A_116 = arith.constant 0 : i32
        %dma_wait3A_117 = arith.constant 0 : i32
        %dma_wait3A_118 = tpu.memref_slice %arg6[%run_scoped3A_62, %dma_wait3A_116, %dma_wait3A_117] : memref<2x128x128xf32, #tpu.memory_space<vmem>> -> memref<1x128x128xf32, #tpu.memory_space<vmem>>
        %dma_wait3A_119 = tpu.memref_squeeze %dma_wait3A_118 : memref<1x128x128xf32, #tpu.memory_space<vmem>> -> memref<128x128xf32, #tpu.memory_space<vmem>>
        tpu.wait_dma2 semaphore(%run_scoped3A_95 : memref<!tpu.dma_semaphore, #tpu.memory_space<semaphore_mem>>) src(%dma_wait3A_119 : memref<128x128xf32, #tpu.memory_space<vmem>>) dst(%dma_wait3A_115 : memref<128x128xf32, #tpu.memory_space<hbm>>)
        tpu.yield
      }) : () -> ()
      %add3A_63 = arith.constant 2 : i32
      %add3A_64 = arith.addi %mul3A_34, %add3A_63 : i32
      %dma_start3A_65 = arith.constant 0 : i32
      %dma_start3A_66 = arith.constant 0 : i32
      %dma_start3A_67 = arith.constant 0 : i32
      %dma_start3A_68 = tpu.memref_slice %arg6[%dma_start3A_65, %dma_start3A_66, %dma_start3A_67] : memref<2x128x128xf32, #tpu.memory_space<vmem>> -> memref<1x128x128xf32, #tpu.memory_space<vmem>>
      %dma_start3A_69 = tpu.memref_squeeze %dma_start3A_68 : memref<1x128x128xf32, #tpu.memory_space<vmem>> -> memref<128x128xf32, #tpu.memory_space<vmem>>
      %dma_start3A_70 = arith.constant 0 : i32
      %dma_start3A_71 = tpu.memref_slice %arg5[%add3A_64, %dma_start3A_70] : memref<25x128xi32, #tpu.memory_space<vmem>> -> memref<1x128xi32, #tpu.memory_space<vmem>>
      %dma_start3A_72 = tpu.memref_squeeze %dma_start3A_71 : memref<1x128xi32, #tpu.memory_space<vmem>> -> memref<128xi32, #tpu.memory_space<vmem>>
      %dma_start3A_73 = arith.constant 0 : i32
      %dma_start3A_74 = arith.constant 0 : i32
      %dma_start3A_75 = tpu.memref_slice %arg3[%dma_start3A_73, %dma_start3A_74] : memref<100000x128xf32, #tpu.memory_space<hbm>> -> memref<100000x128xf32, #tpu.memory_space<hbm>>
      tpu.enqueue_indirect_dma source(%dma_start3A_75 : memref<100000x128xf32, #tpu.memory_space<hbm>>) target(%dma_start3A_69 : memref<128x128xf32, #tpu.memory_space<vmem>>) offsets(%dma_start3A_72 : memref<128xi32, #tpu.memory_space<vmem>>) semaphore(%arg7 : memref<!tpu.dma_semaphore, #tpu.memory_space<semaphore_mem>>)
      %add3A_76 = arith.constant 1 : i32
      %add3A_77 = arith.addi %mul3A_34, %add3A_76 : i32
      %dma_wait3A_78 = arith.constant 1 : i32
      %dma_wait3A_79 = arith.constant 0 : i32
      %dma_wait3A_80 = arith.constant 0 : i32
      %dma_wait3A_81 = tpu.memref_slice %arg6[%dma_wait3A_78, %dma_wait3A_79, %dma_wait3A_80] : memref<2x128x128xf32, #tpu.memory_space<vmem>> -> memref<1x128x128xf32, #tpu.memory_space<vmem>>
      %dma_wait3A_82 = tpu.memref_squeeze %dma_wait3A_81 : memref<1x128x128xf32, #tpu.memory_space<vmem>> -> memref<128x128xf32, #tpu.memory_space<vmem>>
      %dma_wait3A_83 = arith.constant 0 : i32
      %dma_wait3A_84 = tpu.memref_slice %arg5[%add3A_77, %dma_wait3A_83] : memref<25x128xi32, #tpu.memory_space<vmem>> -> memref<1x128xi32, #tpu.memory_space<vmem>>
      %dma_wait3A_85 = tpu.memref_squeeze %dma_wait3A_84 : memref<1x128xi32, #tpu.memory_space<vmem>> -> memref<128xi32, #tpu.memory_space<vmem>>
      %dma_wait3A_86 = arith.constant 0 : i32
      %dma_wait3A_87 = arith.constant 0 : i32
      %dma_wait3A_88 = tpu.memref_slice %arg3[%dma_wait3A_86, %dma_wait3A_87] : memref<100000x128xf32, #tpu.memory_space<hbm>> -> memref<100000x128xf32, #tpu.memory_space<hbm>>
      tpu.wait_indirect_dma semaphore(%arg8 : memref<!tpu.dma_semaphore, #tpu.memory_space<semaphore_mem>>) src(%dma_wait3A_88 : memref<100000x128xf32, #tpu.memory_space<hbm>>) dst(%dma_wait3A_82 : memref<128x128xf32, #tpu.memory_space<vmem>>)
      %add3A_89 = arith.constant 1 : i32
      %add3A_90 = arith.addi %mul3A_34, %add3A_89 : i32
      %mul3A_91 = arith.constant 128 : i32
      %mul3A_92 = arith.muli %add3A_90, %mul3A_91 : i32
      %add3A_93 = arith.addi %mul3A_2, %mul3A_92 : i32
      %run_scoped3A_94 = arith.constant 1 : i32
      "tpu.region"() ({
        %run_scoped3A_95 = tpu.sem_alloc : memref<!tpu.dma_semaphore, #tpu.memory_space<semaphore_mem>>
        %dma_start3A_96 = arith.constant 0 : i32
        %dma_start3A_97 = arith.constant 0 : i32
        %dma_start3A_98 = tpu.memref_slice %arg6[%run_scoped3A_94, %dma_start3A_96, %dma_start3A_97] : memref<2x128x128xf32, #tpu.memory_space<vmem>> -> memref<1x128x128xf32, #tpu.memory_space<vmem>>
        %dma_start3A_99 = tpu.memref_squeeze %dma_start3A_98 : memref<1x128x128xf32, #tpu.memory_space<vmem>> -> memref<128x128xf32, #tpu.memory_space<vmem>>
        %dma_start3A_100 = arith.constant 0 : i32
        %dma_start3A_101 = tpu.memref_slice %arg4[%add3A_93, %dma_start3A_100] : memref<102400x128xf32, #tpu.memory_space<hbm>> -> memref<128x128xf32, #tpu.memory_space<hbm>>
        %dma_start3A_102 = arith.constant 0 : i32
        %dma_start3A_103 = tpu.memref_slice %arg4[%add3A_93, %dma_start3A_102] : memref<102400x128xf32, #tpu.memory_space<hbm>> -> memref<128x128xf32, #tpu.memory_space<hbm>>
        %dma_start3A_104 = arith.constant 0 : i32
        %dma_start3A_105 = arith.constant 0 : i32
        %dma_start3A_106 = tpu.memref_slice %arg6[%run_scoped3A_94, %dma_start3A_104, %dma_start3A_105] : memref<2x128x128xf32, #tpu.memory_space<vmem>> -> memref<1x128x128xf32, #tpu.memory_space<vmem>>
        %dma_start3A_107 = tpu.memref_squeeze %dma_start3A_106 : memref<1x128x128xf32, #tpu.memory_space<vmem>> -> memref<128x128xf32, #tpu.memory_space<vmem>>
        tpu.enqueue_dma source(%dma_start3A_107 : memref<128x128xf32, #tpu.memory_space<vmem>>) target(%dma_start3A_103 : memref<128x128xf32, #tpu.memory_space<hbm>>) target_semaphore(%run_scoped3A_95 : memref<!tpu.dma_semaphore, #tpu.memory_space<semaphore_mem>>)
        %dma_wait3A_108 = arith.constant 0 : i32
        %dma_wait3A_109 = arith.constant 0 : i32
        %dma_wait3A_110 = tpu.memref_slice %arg6[%run_scoped3A_94, %dma_wait3A_108, %dma_wait3A_109] : memref<2x128x128xf32, #tpu.memory_space<vmem>> -> memref<1x128x128xf32, #tpu.memory_space<vmem>>
        %dma_wait3A_111 = tpu.memref_squeeze %dma_wait3A_110 : memref<1x128x128xf32, #tpu.memory_space<vmem>> -> memref<128x128xf32, #tpu.memory_space<vmem>>
        %dma_wait3A_112 = arith.constant 0 : i32
        %dma_wait3A_113 = tpu.memref_slice %arg4[%add3A_93, %dma_wait3A_112] : memref<102400x128xf32, #tpu.memory_space<hbm>> -> memref<128x128xf32, #tpu.memory_space<hbm>>
        %dma_wait3A_114 = arith.constant 0 : i32
        %dma_wait3A_115 = tpu.memref_slice %arg4[%add3A_93, %dma_wait3A_114] : memref<102400x128xf32, #tpu.memory_space<hbm>> -> memref<128x128xf32, #tpu.memory_space<hbm>>
        %dma_wait3A_116 = arith.constant 0 : i32
        %dma_wait3A_117 = arith.constant 0 : i32
        %dma_wait3A_118 = tpu.memref_slice %arg6[%run_scoped3A_94, %dma_wait3A_116, %dma_wait3A_117] : memref<2x128x128xf32, #tpu.memory_space<vmem>> -> memref<1x128x128xf32, #tpu.memory_space<vmem>>
        %dma_wait3A_119 = tpu.memref_squeeze %dma_wait3A_118 : memref<1x128x128xf32, #tpu.memory_space<vmem>> -> memref<128x128xf32, #tpu.memory_space<vmem>>
        tpu.wait_dma2 semaphore(%run_scoped3A_95 : memref<!tpu.dma_semaphore, #tpu.memory_space<semaphore_mem>>) src(%dma_wait3A_119 : memref<128x128xf32, #tpu.memory_space<vmem>>) dst(%dma_wait3A_115 : memref<128x128xf32, #tpu.memory_space<hbm>>)
        tpu.yield
      }) : () -> ()
    }
    %scan3A_18 = arith.constant 12 : i32
    %dma_wait3A = arith.constant 24 : i32
    %dma_wait3A_19 = arith.constant 0 : i32
    %dma_wait3A_20 = arith.constant 0 : i32
    %dma_wait3A_21 = arith.constant 0 : i32
    %dma_wait3A_22 = tpu.memref_slice %arg6[%dma_wait3A_19, %dma_wait3A_20, %dma_wait3A_21] : memref<2x128x128xf32, #tpu.memory_space<vmem>> -> memref<1x128x128xf32, #tpu.memory_space<vmem>>
    %dma_wait3A_23 = tpu.memref_squeeze %dma_wait3A_22 : memref<1x128x128xf32, #tpu.memory_space<vmem>> -> memref<128x128xf32, #tpu.memory_space<vmem>>
    %dma_wait3A_24 = arith.constant 0 : i32
    %dma_wait3A_25 = tpu.memref_slice %arg5[%dma_wait3A, %dma_wait3A_24] : memref<25x128xi32, #tpu.memory_space<vmem>> -> memref<1x128xi32, #tpu.memory_space<vmem>>
    %dma_wait3A_26 = tpu.memref_squeeze %dma_wait3A_25 : memref<1x128xi32, #tpu.memory_space<vmem>> -> memref<128xi32, #tpu.memory_space<vmem>>
    %dma_wait3A_27 = arith.constant 0 : i32
    %dma_wait3A_28 = arith.constant 0 : i32
    %dma_wait3A_29 = tpu.memref_slice %arg3[%dma_wait3A_27, %dma_wait3A_28] : memref<100000x128xf32, #tpu.memory_space<hbm>> -> memref<100000x128xf32, #tpu.memory_space<hbm>>
    tpu.wait_indirect_dma semaphore(%arg7 : memref<!tpu.dma_semaphore, #tpu.memory_space<semaphore_mem>>) src(%dma_wait3A_29 : memref<100000x128xf32, #tpu.memory_space<hbm>>) dst(%dma_wait3A_23 : memref<128x128xf32, #tpu.memory_space<vmem>>)
    %add3A_30 = arith.constant 3072 : i32
    %add3A_31 = arith.addi %mul3A_2, %add3A_30 : i32
    %run_scoped3A = arith.constant 0 : i32
    "tpu.region"() ({
      %run_scoped3A_32 = tpu.sem_alloc : memref<!tpu.dma_semaphore, #tpu.memory_space<semaphore_mem>>
      %dma_start3A_33 = arith.constant 0 : i32
      %dma_start3A_34 = arith.constant 0 : i32
      %dma_start3A_35 = tpu.memref_slice %arg6[%run_scoped3A, %dma_start3A_33, %dma_start3A_34] : memref<2x128x128xf32, #tpu.memory_space<vmem>> -> memref<1x128x128xf32, #tpu.memory_space<vmem>>
      %dma_start3A_36 = tpu.memref_squeeze %dma_start3A_35 : memref<1x128x128xf32, #tpu.memory_space<vmem>> -> memref<128x128xf32, #tpu.memory_space<vmem>>
      %dma_start3A_37 = arith.constant 0 : i32
      %dma_start3A_38 = tpu.memref_slice %arg4[%add3A_31, %dma_start3A_37] : memref<102400x128xf32, #tpu.memory_space<hbm>> -> memref<128x128xf32, #tpu.memory_space<hbm>>
      %dma_start3A_39 = arith.constant 0 : i32
      %dma_start3A_40 = tpu.memref_slice %arg4[%add3A_31, %dma_start3A_39] : memref<102400x128xf32, #tpu.memory_space<hbm>> -> memref<128x128xf32, #tpu.memory_space<hbm>>
      %dma_start3A_41 = arith.constant 0 : i32
      %dma_start3A_42 = arith.constant 0 : i32
      %dma_start3A_43 = tpu.memref_slice %arg6[%run_scoped3A, %dma_start3A_41, %dma_start3A_42] : memref<2x128x128xf32, #tpu.memory_space<vmem>> -> memref<1x128x128xf32, #tpu.memory_space<vmem>>
      %dma_start3A_44 = tpu.memref_squeeze %dma_start3A_43 : memref<1x128x128xf32, #tpu.memory_space<vmem>> -> memref<128x128xf32, #tpu.memory_space<vmem>>
      tpu.enqueue_dma source(%dma_start3A_44 : memref<128x128xf32, #tpu.memory_space<vmem>>) target(%dma_start3A_40 : memref<128x128xf32, #tpu.memory_space<hbm>>) target_semaphore(%run_scoped3A_32 : memref<!tpu.dma_semaphore, #tpu.memory_space<semaphore_mem>>)
      %dma_wait3A_45 = arith.constant 0 : i32
      %dma_wait3A_46 = arith.constant 0 : i32
      %dma_wait3A_47 = tpu.memref_slice %arg6[%run_scoped3A, %dma_wait3A_45, %dma_wait3A_46] : memref<2x128x128xf32, #tpu.memory_space<vmem>> -> memref<1x128x128xf32, #tpu.memory_space<vmem>>
      %dma_wait3A_48 = tpu.memref_squeeze %dma_wait3A_47 : memref<1x128x128xf32, #tpu.memory_space<vmem>> -> memref<128x128xf32, #tpu.memory_space<vmem>>
      %dma_wait3A_49 = arith.constant 0 : i32
      %dma_wait3A_50 = tpu.memref_slice %arg4[%add3A_31, %dma_wait3A_49] : memref<102400x128xf32, #tpu.memory_space<hbm>> -> memref<128x128xf32, #tpu.memory_space<hbm>>
      %dma_wait3A_51 = arith.constant 0 : i32
      %dma_wait3A_52 = tpu.memref_slice %arg4[%add3A_31, %dma_wait3A_51] : memref<102400x128xf32, #tpu.memory_space<hbm>> -> memref<128x128xf32, #tpu.memory_space<hbm>>
      %dma_wait3A_53 = arith.constant 0 : i32
      %dma_wait3A_54 = arith.constant 0 : i32
      %dma_wait3A_55 = tpu.memref_slice %arg6[%run_scoped3A, %dma_wait3A_53, %dma_wait3A_54] : memref<2x128x128xf32, #tpu.memory_space<vmem>> -> memref<1x128x128xf32, #tpu.memory_space<vmem>>
      %dma_wait3A_56 = tpu.memref_squeeze %dma_wait3A_55 : memref<1x128x128xf32, #tpu.memory_space<vmem>> -> memref<128x128xf32, #tpu.memory_space<vmem>>
      tpu.wait_dma2 semaphore(%run_scoped3A_32 : memref<!tpu.dma_semaphore, #tpu.memory_space<semaphore_mem>>) src(%dma_wait3A_56 : memref<128x128xf32, #tpu.memory_space<vmem>>) dst(%dma_wait3A_52 : memref<128x128xf32, #tpu.memory_space<hbm>>)
      tpu.yield
    }) : () -> ()
    return
  }
}

module attributes {stable_mosaic.version = 14 : i64} {
  func.func @body0(%arg0: i32, %arg1: memref<64x200x128xf32, #tpu.memory_space<vmem>>, %arg2: memref<64x128x200xf32, #tpu.memory_space<vmem>>) attributes {dimension_semantics = [#tpu.dimension_semantics<arbitrary>], iteration_bounds = array<i64: 8>, scalar_prefetch = 0 : i64, scratch_operands = 0 : i64, tpu.core_type = #tpu.core_type<tc>, window_params = [{transform_indices = @transform_0, window_bounds = array<i64: 64, 200, 128>}, {transform_indices = @transform_1, window_bounds = array<i64: 64, 128, 200>}]} {
    %get3A = arith.constant 0 : index
    %get3A_0 = arith.constant 0 : index
    %get3A_1 = arith.constant 0 : index
    %get3A_2 = vector.load %arg1[%get3A, %get3A_0, %get3A_1] : memref<64x200x128xf32, #tpu.memory_space<vmem>>, vector<64x200x128xf32>
    %transpose3A = tpu.transpose %get3A_2, [0, 2, 1] : vector<64x200x128xf32> -> vector<64x128x200xf32>
    %swap3A = arith.constant 0 : index
    %swap3A_3 = arith.constant 0 : index
    %swap3A_4 = arith.constant 0 : index
    %swap3A_5 = vector.load %arg2[%swap3A, %swap3A_3, %swap3A_4] : memref<64x128x200xf32, #tpu.memory_space<vmem>>, vector<64x128x200xf32>
    tpu.vector_store %arg2[%swap3A, %swap3A_3, %swap3A_4], %transpose3A {strides = array<i32>} : memref<64x128x200xf32, #tpu.memory_space<vmem>>, vector<64x128x200xf32>,
    return
  }
  func.func @transform_0(%arg0: i32) -> (i32, i32, i32) {
    %c0_i32 = arith.constant 0 : i32
    %c0_i32_0 = arith.constant 0 : i32
    %c0_i32_1 = arith.constant 0 : i32
    return %arg0, %c0_i32, %c0_i32_0 : i32, i32, i32
  }
  func.func @transform_1(%arg0: i32) -> (i32, i32, i32) {
    %add3A = arith.constant 0 : i32
    %add3A_0 = arith.addi %add3A, %arg0 : i32
    %c0_i32 = arith.constant 0 : i32
    %c0_i32_1 = arith.constant 0 : i32
    %c0_i32_2 = arith.constant 0 : i32
    return %add3A_0, %c0_i32, %c0_i32_1 : i32, i32, i32
  }
}

module attributes {stable_mosaic.version = 14 : i64} {
  func.func @body(%arg0: i32, %arg1: memref<4096x128x200xf32, #tpu.memory_space<any>>, %arg2: memref<64x200x128xf32, #tpu.memory_space<vmem>>, %arg3: memref<64x128x200xf32, #tpu.memory_space<vmem>>) attributes {dimension_semantics = [#tpu.dimension_semantics<arbitrary>], iteration_bounds = array<i64: 8>, scalar_prefetch = 0 : i64, scratch_operands = 0 : i64, tpu.core_type = #tpu.core_type<tc>, window_params = [{}, {transform_indices = @transform_1, window_bounds = array<i64: 64, 200, 128>}, {transform_indices = @transform_2, window_bounds = array<i64: 64, 128, 200>}]} {
    %get3A = arith.constant 0 : index
    %get3A_0 = arith.constant 0 : index
    %get3A_1 = arith.constant 0 : index
    %get3A_2 = vector.load %arg2[%get3A, %get3A_0, %get3A_1] : memref<64x200x128xf32, #tpu.memory_space<vmem>>, vector<64x200x128xf32>
    %transpose3A = tpu.transpose %get3A_2, [0, 2, 1] : vector<64x200x128xf32> -> vector<64x128x200xf32>
    %swap3A = arith.constant 0 : index
    %swap3A_3 = arith.constant 0 : index
    %swap3A_4 = arith.constant 0 : index
    %swap3A_5 = vector.load %arg3[%swap3A, %swap3A_3, %swap3A_4] : memref<64x128x200xf32, #tpu.memory_space<vmem>>, vector<64x128x200xf32>
    tpu.vector_store %arg3[%swap3A, %swap3A_3, %swap3A_4], %transpose3A {strides = array<i32>} : memref<64x128x200xf32, #tpu.memory_space<vmem>>, vector<64x128x200xf32>,
    return
  }
  func.func @transform_1(%arg0: i32) -> (i32, i32, i32) {
    %c0_i32 = arith.constant 0 : i32
    %c0_i32_0 = arith.constant 0 : i32
    %c0_i32_1 = arith.constant 0 : i32
    return %arg0, %c0_i32, %c0_i32_0 : i32, i32, i32
  }
  func.func @transform_2(%arg0: i32) -> (i32, i32, i32) {
    %add3A = arith.constant 8 : i32
    %add3A_0 = arith.addi %add3A, %arg0 : i32
    %c0_i32 = arith.constant 0 : i32
    %c0_i32_1 = arith.constant 0 : i32
    %c0_i32_2 = arith.constant 0 : i32
    return %add3A_0, %c0_i32, %c0_i32_1 : i32, i32, i32
  }
}

module attributes {stable_mosaic.version = 14 : i64} {
  func.func @body(%arg0: i32, %arg1: memref<4096x128x200xf32, #tpu.memory_space<any>>, %arg2: memref<64x200x128xf32, #tpu.memory_space<vmem>>, %arg3: memref<64x128x200xf32, #tpu.memory_space<vmem>>) attributes {dimension_semantics = [#tpu.dimension_semantics<arbitrary>], iteration_bounds = array<i64: 8>, scalar_prefetch = 0 : i64, scratch_operands = 0 : i64, tpu.core_type = #tpu.core_type<tc>, window_params = [{}, {transform_indices = @transform_1, window_bounds = array<i64: 64, 200, 128>}, {transform_indices = @transform_2, window_bounds = array<i64: 64, 128, 200>}]} {
    %get3A = arith.constant 0 : index
    %get3A_0 = arith.constant 0 : index
    %get3A_1 = arith.constant 0 : index
    %get3A_2 = vector.load %arg2[%get3A, %get3A_0, %get3A_1] : memref<64x200x128xf32, #tpu.memory_space<vmem>>, vector<64x200x128xf32>
    %transpose3A = tpu.transpose %get3A_2, [0, 2, 1] : vector<64x200x128xf32> -> vector<64x128x200xf32>
    %swap3A = arith.constant 0 : index
    %swap3A_3 = arith.constant 0 : index
    %swap3A_4 = arith.constant 0 : index
    %swap3A_5 = vector.load %arg3[%swap3A, %swap3A_3, %swap3A_4] : memref<64x128x200xf32, #tpu.memory_space<vmem>>, vector<64x128x200xf32>
    tpu.vector_store %arg3[%swap3A, %swap3A_3, %swap3A_4], %transpose3A {strides = array<i32>} : memref<64x128x200xf32, #tpu.memory_space<vmem>>, vector<64x128x200xf32>,
    return
  }
  func.func @transform_1(%arg0: i32) -> (i32, i32, i32) {
    %c0_i32 = arith.constant 0 : i32
    %c0_i32_0 = arith.constant 0 : i32
    %c0_i32_1 = arith.constant 0 : i32
    return %arg0, %c0_i32, %c0_i32_0 : i32, i32, i32
  }
  func.func @transform_2(%arg0: i32) -> (i32, i32, i32) {
    %add3A = arith.constant 16 : i32
    %add3A_0 = arith.addi %add3A, %arg0 : i32
    %c0_i32 = arith.constant 0 : i32
    %c0_i32_1 = arith.constant 0 : i32
    %c0_i32_2 = arith.constant 0 : i32
    return %add3A_0, %c0_i32, %c0_i32_1 : i32, i32, i32
  }
}

module attributes {stable_mosaic.version = 14 : i64} {
  func.func @body(%arg0: i32, %arg1: memref<4096x128x200xf32, #tpu.memory_space<any>>, %arg2: memref<64x200x128xf32, #tpu.memory_space<vmem>>, %arg3: memref<64x128x200xf32, #tpu.memory_space<vmem>>) attributes {dimension_semantics = [#tpu.dimension_semantics<arbitrary>], iteration_bounds = array<i64: 8>, scalar_prefetch = 0 : i64, scratch_operands = 0 : i64, tpu.core_type = #tpu.core_type<tc>, window_params = [{}, {transform_indices = @transform_1, window_bounds = array<i64: 64, 200, 128>}, {transform_indices = @transform_2, window_bounds = array<i64: 64, 128, 200>}]} {
    %get3A = arith.constant 0 : index
    %get3A_0 = arith.constant 0 : index
    %get3A_1 = arith.constant 0 : index
    %get3A_2 = vector.load %arg2[%get3A, %get3A_0, %get3A_1] : memref<64x200x128xf32, #tpu.memory_space<vmem>>, vector<64x200x128xf32>
    %transpose3A = tpu.transpose %get3A_2, [0, 2, 1] : vector<64x200x128xf32> -> vector<64x128x200xf32>
    %swap3A = arith.constant 0 : index
    %swap3A_3 = arith.constant 0 : index
    %swap3A_4 = arith.constant 0 : index
    %swap3A_5 = vector.load %arg3[%swap3A, %swap3A_3, %swap3A_4] : memref<64x128x200xf32, #tpu.memory_space<vmem>>, vector<64x128x200xf32>
    tpu.vector_store %arg3[%swap3A, %swap3A_3, %swap3A_4], %transpose3A {strides = array<i32>} : memref<64x128x200xf32, #tpu.memory_space<vmem>>, vector<64x128x200xf32>,
    return
  }
  func.func @transform_1(%arg0: i32) -> (i32, i32, i32) {
    %c0_i32 = arith.constant 0 : i32
    %c0_i32_0 = arith.constant 0 : i32
    %c0_i32_1 = arith.constant 0 : i32
    return %arg0, %c0_i32, %c0_i32_0 : i32, i32, i32
  }
  func.func @transform_2(%arg0: i32) -> (i32, i32, i32) {
    %add3A = arith.constant 24 : i32
    %add3A_0 = arith.addi %add3A, %arg0 : i32
    %c0_i32 = arith.constant 0 : i32
    %c0_i32_1 = arith.constant 0 : i32
    %c0_i32_2 = arith.constant 0 : i32
    return %add3A_0, %c0_i32, %c0_i32_1 : i32, i32, i32
  }
}

module attributes {stable_mosaic.version = 14 : i64} {
  func.func @body(%arg0: i32, %arg1: memref<4096x128x200xf32, #tpu.memory_space<any>>, %arg2: memref<64x200x128xf32, #tpu.memory_space<vmem>>, %arg3: memref<64x128x200xf32, #tpu.memory_space<vmem>>) attributes {dimension_semantics = [#tpu.dimension_semantics<arbitrary>], iteration_bounds = array<i64: 8>, scalar_prefetch = 0 : i64, scratch_operands = 0 : i64, tpu.core_type = #tpu.core_type<tc>, window_params = [{}, {transform_indices = @transform_1, window_bounds = array<i64: 64, 200, 128>}, {transform_indices = @transform_2, window_bounds = array<i64: 64, 128, 200>}]} {
    %get3A = arith.constant 0 : index
    %get3A_0 = arith.constant 0 : index
    %get3A_1 = arith.constant 0 : index
    %get3A_2 = vector.load %arg2[%get3A, %get3A_0, %get3A_1] : memref<64x200x128xf32, #tpu.memory_space<vmem>>, vector<64x200x128xf32>
    %transpose3A = tpu.transpose %get3A_2, [0, 2, 1] : vector<64x200x128xf32> -> vector<64x128x200xf32>
    %swap3A = arith.constant 0 : index
    %swap3A_3 = arith.constant 0 : index
    %swap3A_4 = arith.constant 0 : index
    %swap3A_5 = vector.load %arg3[%swap3A, %swap3A_3, %swap3A_4] : memref<64x128x200xf32, #tpu.memory_space<vmem>>, vector<64x128x200xf32>
    tpu.vector_store %arg3[%swap3A, %swap3A_3, %swap3A_4], %transpose3A {strides = array<i32>} : memref<64x128x200xf32, #tpu.memory_space<vmem>>, vector<64x128x200xf32>,
    return
  }
  func.func @transform_1(%arg0: i32) -> (i32, i32, i32) {
    %c0_i32 = arith.constant 0 : i32
    %c0_i32_0 = arith.constant 0 : i32
    %c0_i32_1 = arith.constant 0 : i32
    return %arg0, %c0_i32, %c0_i32_0 : i32, i32, i32
  }
  func.func @transform_2(%arg0: i32) -> (i32, i32, i32) {
    %add3A = arith.constant 32 : i32
    %add3A_0 = arith.addi %add3A, %arg0 : i32
    %c0_i32 = arith.constant 0 : i32
    %c0_i32_1 = arith.constant 0 : i32
    %c0_i32_2 = arith.constant 0 : i32
    return %add3A_0, %c0_i32, %c0_i32_1 : i32, i32, i32
  }
}

module attributes {stable_mosaic.version = 14 : i64} {
  func.func @body(%arg0: i32, %arg1: memref<4096x128x200xf32, #tpu.memory_space<any>>, %arg2: memref<64x200x128xf32, #tpu.memory_space<vmem>>, %arg3: memref<64x128x200xf32, #tpu.memory_space<vmem>>) attributes {dimension_semantics = [#tpu.dimension_semantics<arbitrary>], iteration_bounds = array<i64: 8>, scalar_prefetch = 0 : i64, scratch_operands = 0 : i64, tpu.core_type = #tpu.core_type<tc>, window_params = [{}, {transform_indices = @transform_1, window_bounds = array<i64: 64, 200, 128>}, {transform_indices = @transform_2, window_bounds = array<i64: 64, 128, 200>}]} {
    %get3A = arith.constant 0 : index
    %get3A_0 = arith.constant 0 : index
    %get3A_1 = arith.constant 0 : index
    %get3A_2 = vector.load %arg2[%get3A, %get3A_0, %get3A_1] : memref<64x200x128xf32, #tpu.memory_space<vmem>>, vector<64x200x128xf32>
    %transpose3A = tpu.transpose %get3A_2, [0, 2, 1] : vector<64x200x128xf32> -> vector<64x128x200xf32>
    %swap3A = arith.constant 0 : index
    %swap3A_3 = arith.constant 0 : index
    %swap3A_4 = arith.constant 0 : index
    %swap3A_5 = vector.load %arg3[%swap3A, %swap3A_3, %swap3A_4] : memref<64x128x200xf32, #tpu.memory_space<vmem>>, vector<64x128x200xf32>
    tpu.vector_store %arg3[%swap3A, %swap3A_3, %swap3A_4], %transpose3A {strides = array<i32>} : memref<64x128x200xf32, #tpu.memory_space<vmem>>, vector<64x128x200xf32>,
    return
  }
  func.func @transform_1(%arg0: i32) -> (i32, i32, i32) {
    %c0_i32 = arith.constant 0 : i32
    %c0_i32_0 = arith.constant 0 : i32
    %c0_i32_1 = arith.constant 0 : i32
    return %arg0, %c0_i32, %c0_i32_0 : i32, i32, i32
  }
  func.func @transform_2(%arg0: i32) -> (i32, i32, i32) {
    %add3A = arith.constant 40 : i32
    %add3A_0 = arith.addi %add3A, %arg0 : i32
    %c0_i32 = arith.constant 0 : i32
    %c0_i32_1 = arith.constant 0 : i32
    %c0_i32_2 = arith.constant 0 : i32
    return %add3A_0, %c0_i32, %c0_i32_1 : i32, i32, i32
  }
}

module attributes {stable_mosaic.version = 14 : i64} {
  func.func @body(%arg0: i32, %arg1: memref<4096x128x200xf32, #tpu.memory_space<any>>, %arg2: memref<64x200x128xf32, #tpu.memory_space<vmem>>, %arg3: memref<64x128x200xf32, #tpu.memory_space<vmem>>) attributes {dimension_semantics = [#tpu.dimension_semantics<arbitrary>], iteration_bounds = array<i64: 8>, scalar_prefetch = 0 : i64, scratch_operands = 0 : i64, tpu.core_type = #tpu.core_type<tc>, window_params = [{}, {transform_indices = @transform_1, window_bounds = array<i64: 64, 200, 128>}, {transform_indices = @transform_2, window_bounds = array<i64: 64, 128, 200>}]} {
    %get3A = arith.constant 0 : index
    %get3A_0 = arith.constant 0 : index
    %get3A_1 = arith.constant 0 : index
    %get3A_2 = vector.load %arg2[%get3A, %get3A_0, %get3A_1] : memref<64x200x128xf32, #tpu.memory_space<vmem>>, vector<64x200x128xf32>
    %transpose3A = tpu.transpose %get3A_2, [0, 2, 1] : vector<64x200x128xf32> -> vector<64x128x200xf32>
    %swap3A = arith.constant 0 : index
    %swap3A_3 = arith.constant 0 : index
    %swap3A_4 = arith.constant 0 : index
    %swap3A_5 = vector.load %arg3[%swap3A, %swap3A_3, %swap3A_4] : memref<64x128x200xf32, #tpu.memory_space<vmem>>, vector<64x128x200xf32>
    tpu.vector_store %arg3[%swap3A, %swap3A_3, %swap3A_4], %transpose3A {strides = array<i32>} : memref<64x128x200xf32, #tpu.memory_space<vmem>>, vector<64x128x200xf32>,
    return
  }
  func.func @transform_1(%arg0: i32) -> (i32, i32, i32) {
    %c0_i32 = arith.constant 0 : i32
    %c0_i32_0 = arith.constant 0 : i32
    %c0_i32_1 = arith.constant 0 : i32
    return %arg0, %c0_i32, %c0_i32_0 : i32, i32, i32
  }
  func.func @transform_2(%arg0: i32) -> (i32, i32, i32) {
    %add3A = arith.constant 48 : i32
    %add3A_0 = arith.addi %add3A, %arg0 : i32
    %c0_i32 = arith.constant 0 : i32
    %c0_i32_1 = arith.constant 0 : i32
    %c0_i32_2 = arith.constant 0 : i32
    return %add3A_0, %c0_i32, %c0_i32_1 : i32, i32, i32
  }
}

module attributes {stable_mosaic.version = 14 : i64} {
  func.func @body(%arg0: i32, %arg1: memref<4096x128x200xf32, #tpu.memory_space<any>>, %arg2: memref<64x200x128xf32, #tpu.memory_space<vmem>>, %arg3: memref<64x128x200xf32, #tpu.memory_space<vmem>>) attributes {dimension_semantics = [#tpu.dimension_semantics<arbitrary>], iteration_bounds = array<i64: 8>, scalar_prefetch = 0 : i64, scratch_operands = 0 : i64, tpu.core_type = #tpu.core_type<tc>, window_params = [{}, {transform_indices = @transform_1, window_bounds = array<i64: 64, 200, 128>}, {transform_indices = @transform_2, window_bounds = array<i64: 64, 128, 200>}]} {
    %get3A = arith.constant 0 : index
    %get3A_0 = arith.constant 0 : index
    %get3A_1 = arith.constant 0 : index
    %get3A_2 = vector.load %arg2[%get3A, %get3A_0, %get3A_1] : memref<64x200x128xf32, #tpu.memory_space<vmem>>, vector<64x200x128xf32>
    %transpose3A = tpu.transpose %get3A_2, [0, 2, 1] : vector<64x200x128xf32> -> vector<64x128x200xf32>
    %swap3A = arith.constant 0 : index
    %swap3A_3 = arith.constant 0 : index
    %swap3A_4 = arith.constant 0 : index
    %swap3A_5 = vector.load %arg3[%swap3A, %swap3A_3, %swap3A_4] : memref<64x128x200xf32, #tpu.memory_space<vmem>>, vector<64x128x200xf32>
    tpu.vector_store %arg3[%swap3A, %swap3A_3, %swap3A_4], %transpose3A {strides = array<i32>} : memref<64x128x200xf32, #tpu.memory_space<vmem>>, vector<64x128x200xf32>,
    return
  }
  func.func @transform_1(%arg0: i32) -> (i32, i32, i32) {
    %c0_i32 = arith.constant 0 : i32
    %c0_i32_0 = arith.constant 0 : i32
    %c0_i32_1 = arith.constant 0 : i32
    return %arg0, %c0_i32, %c0_i32_0 : i32, i32, i32
  }
  func.func @transform_2(%arg0: i32) -> (i32, i32, i32) {
    %add3A = arith.constant 56 : i32
    %add3A_0 = arith.addi %add3A, %arg0 : i32
    %c0_i32 = arith.constant 0 : i32
    %c0_i32_1 = arith.constant 0 : i32
    %c0_i32_2 = arith.constant 0 : i32
    return %add3A_0, %c0_i32, %c0_i32_1 : i32, i32, i32
  }
}

</mosaic_0001>

<sc_bundles>
// kernel: kernel.18.cloned.1.call-start
scs
__scs_entry_jumppad:
0x0: {  	(pc) =	sbr.rel $0x88, $3  }
0x1: {  	(tag) =	ssettag $0x0;
	lr =	simm.s32 $0x1  }
0x2: {  	[smem:$0x3F9F] =	sst lr;
	_ =	strace $0xD0000000  }
0x3: {  	_ = 	snop  }
0x4: {  	_ = 	snop  }
0x5: {  	_ = 	snop  }
0x6: {  	_ = 	snop  }
0x7: {  	_ = 	snop  }
__scs_overlays_trampoline_lowered:
0x8: {  	[smem:$0x3FAE] =	sst s0  }
0x9: {  	[smem:$0x3FAF] =	sst s1  }
0xa: {  	[smem:$0x3FB0] =	sst s2  }
0xb: {  	[smem:$0x3FB1] =	sst s3  }
0xc: {  	[smem:$0x3FB2] =	sst s4  }
0xd: {  	[smem:$0x3FB3] =	sst s5  }
0xe: {  	[smem:$0x3FB4] =	sst s6  }
0xf: {  	[smem:$0x3FB5] =	sst s7  }
0x10: {  	[smem:$0x3FB6] =	sst s8  }
0x11: {  	[smem:$0x3FB7] =	sst s9;
	s0 =	simm.s32 @!p0 $0x0  }
0x12: {  	s1 =	sld [smem:$0x3F9D];
	s0 =	simm.s32 @p0 $0x1  }
0x13: {  	[smem:$0x3FB8] =	sst s0;
	s0 =	simm.s32 @!p1 $0x0  }
0x14: {  	s2 =	sld [smem:$0x3F9C];
	s0 =	simm.s32 @p1 $0x1  }
0x15: {  	[smem:$0x3FB9] =	sst s0;
	s0 =	simm.s32 @!p2 $0x0  }
0x16: {  	s3 =	sld [smem:$0x3FDB];
	s0 =	simm.s32 @p2 $0x1  }
0x17: {  	s4 =	simm.s32 $0x1BF5;
	[smem:$0x3FBB] =	sst s0  }
0x18: {  	s0 =	sld [smem:$0x3F9E];
	_ =	swait.ge [sflag:s4], $0x0  }
0x19: {  	s7 =	sld [smem:$0x3F9F]  }
0x1a: {  	s8 =	sadd.s32 $0xFFFFE003, lr  }
0x1b: {  	s9 =	sadd.s32 $0xFFFFFEF7, lr;
	s5 =	simm.s32 $0xFFFFFFFF;
	p2 =	slt.u32 s8, $0xFFFFF086  }
0x1c: {  	p1 =	slt.u32 s9, $0xF7A;
	s5 =	simm.s32 @!p2 $0x0  }
0x1d: {  	s5 =	simm.s32 @p1 $0x1;
	p0 =	seq.s32 s7, s2  }
0x1e: {  	s7 =	smul.u32 @!p0 $0xF7A, s2;
	p2 =	seq.s32 @!p0 s5, $0x0  }
0x1f: {  	s9 =	smul.u32 $0xF7A, s1;
	s8 =	simm.s32 @!p0 $0x1BF5;
	p2 =	por !p2, p0  }
0x20: {  	[sflag:s8] =	ssyncset.s32 @!p0 $0xFFFFF086;
	s6 =	sadd.s32 @!p0 s3, s7;
	s7 =	simm.s32 @!p0 $0x108  }
0x21: {  	s3 =	sadd.s32 s3, s9;
	s6 =	sadd.s32 @!p0 $0x88, s6;
	s7 =	simm.s32 @p2 $0x1082  }
0x22: {  	[simem:s7], [sflag:s8] =	dma.local @!p0 [hbm:s6], $0xF7A  }
0x23: {  	s9 =	sor.u32 $0xD0000000, s2;
	s6 =	simm.s32 $0x108;
	_ =	swait.ge @!p0 [sflag:s8], $0x0  }
0x24: {  	s3 =	sadd.s32 $0x88, s3;
	s6 =	simm.s32 @!p1 $0x1082;
	[sflag:s4] =	ssyncset.s32 $0xFFFFF086  }
0x25: {  	[simem:s6], [sflag:s4] =	dma.local [hbm:s3], $0xF7A  }
0x26: {  	[smem:$0x3F9F] =	sst s1;
	(tag) =	ssettag s2;
	_ =	strace s9  }
0x27: {  	s1 =	sld [smem:$0x3FAF]  }
0x28: {  	s2 =	sld [smem:$0x3FB0]  }
0x29: {  	s4 =	sld [smem:$0x3FB2]  }
0x2a: {  	p0 =	seq.s32 s5, $0x0;
	s5 =	sld [smem:$0x3FB3]  }
0x2b: {  	s6 =	sld [smem:$0x3FB4]  }
0x2c: {  	s7 =	sld [smem:$0x3FB5]  }
0x2d: {  	s3 =	simm.s32 $0x108;
	s8 =	sld [smem:$0x3FB6]  }
0x2e: {  	s3 =	simm.s32 @!p0 $0x1082;
	s9 =	sld [smem:$0x3FB7]  }
0x2f: {  	lr =	sadd.s32 s0, s3;
	s0 =	sld [smem:$0x3FAE]  }
0x30: {  	s3 =	sld [smem:$0x3FB1]  }
0x31: {  	[smem:$0x3FBA] =	sst s10  }
0x32: {  	s10 =	sld [smem:$0x3FB8];
	_ =	sdelay $0x3  }
0x33: {  	p0 =	seq.s32 s10, $0x1;
	s10 =	sld [smem:$0x3FBA];
	_ =	sdelay $0x3  }
0x34: {  	[smem:$0x3FBA] =	sst s10  }
0x35: {  	s10 =	sld [smem:$0x3FB9];
	_ =	sdelay $0x3  }
0x36: {  	p1 =	seq.s32 s10, $0x1;
	s10 =	sld [smem:$0x3FBA];
	_ =	sdelay $0x3  }
0x37: {  	[smem:$0x3FBA] =	sst s10  }
0x38: {  	s10 =	sld [smem:$0x3FBB]  }
0x39: {  	_ = 	snop;
	(pc) =	sbr.ind lr, $3  }
0x3a: {  	_ = 	snop  }
0x3b: {  	_ = 	snop  }
0x3c: {  	p2 =	seq.s32 s10, $0x1;
	s10 =	sld [smem:$0x3FBA]  }
0x3d: {  	_ =	shalt  }
0x3e: {  	_ =	shalt  }
0x3f: {  	_ =	shalt  }
0x40: {  	_ =	shalt  }
0x41: {  	_ =	shalt  }
0x42: {  	_ =	shalt  }
0x43: {  	_ =	shalt  }
0x44: {  	_ =	shalt  }
0x45: {  	_ =	shalt  }
0x46: {  	_ =	shalt  }
0x47: {  	_ =	shalt  }
0x48: {  	_ =	shalt  }
0x49: {  	_ =	shalt  }
0x4a: {  	_ =	shalt  }
0x4b: {  	_ =	shalt  }
0x4c: {  	_ =	shalt  }
0x4d: {  	_ =	shalt  }
0x4e: {  	_ =	shalt  }
0x4f: {  	_ =	shalt  }
0x50: {  	_ =	shalt  }
0x51: {  	_ =	shalt  }
0x52: {  	_ =	shalt  }
0x53: {  	_ =	shalt  }
0x54: {  	_ =	shalt  }
0x55: {  	_ =	shalt  }
0x56: {  	_ =	shalt  }
0x57: {  	_ =	shalt  }
0x58: {  	_ =	shalt  }
0x59: {  	_ =	shalt  }
0x5a: {  	_ =	shalt  }
0x5b: {  	_ =	shalt  }
0x5c: {  	_ =	shalt  }
0x5d: {  	_ =	shalt  }
0x5e: {  	_ =	shalt  }
0x5f: {  	_ =	shalt  }
0x60: {  	_ =	shalt  }
0x61: {  	_ =	shalt  }
0x62: {  	_ =	shalt  }
0x63: {  	_ =	shalt  }
0x64: {  	_ =	shalt  }
0x65: {  	_ =	shalt  }
0x66: {  	_ =	shalt  }
0x67: {  	_ =	shalt  }
0x68: {  	_ =	shalt  }
0x69: {  	_ =	shalt  }
0x6a: {  	_ =	shalt  }
0x6b: {  	_ =	shalt  }
0x6c: {  	_ =	shalt  }
0x6d: {  	_ =	shalt  }
0x6e: {  	_ =	shalt  }
0x6f: {  	_ =	shalt  }
0x70: {  	_ =	shalt  }
0x71: {  	_ =	shalt  }
0x72: {  	_ =	shalt  }
0x73: {  	_ =	shalt  }
0x74: {  	_ =	shalt  }
0x75: {  	_ =	shalt  }
0x76: {  	_ =	shalt  }
0x77: {  	_ =	shalt  }
0x78: {  	_ =	shalt  }
0x79: {  	_ =	shalt  }
0x7a: {  	_ =	shalt  }
0x7b: {  	_ =	shalt  }
0x7c: {  	_ =	shalt  }
0x7d: {  	_ =	shalt  }
0x7e: {  	_ =	shalt  }
0x7f: {  	_ =	shalt  }
0x80: {  	_ =	shalt  }
0x81: {  	_ =	shalt  }
0x82: {  	_ =	shalt  }
0x83: {  	_ =	shalt  }
0x84: {  	_ =	shalt  }
0x85: {  	_ =	shalt  }
0x86: {  	_ =	shalt  }
0x87: {  	_ =	shalt  }
.Lfunc_end0:
.L_simem_size_0:
called_computation_lowered:
.L_overlay_start_0:
0x88: {  	s2 =	sld [smem:$0x3FD9]  }
0x89: {  	s3 =	sld [smem:$0x3FFE];
	_ =	sdelay $0x1  }
0x8a: {  	s1 =	srdreg.scid  }
0x8b: {  	s0 =	sand.u32 $0x1, s1  }
0x8c: {  	s17 =	sshll.u32 s0, $0xA;
	s2 =	sadd.s32 s3, s2  }
0x8d: {  	s2 =	sadd.s32 s2, s17  }
0x8e: {  	[smem:$0x3FC6] =	sst s2  }
0x8f: {  	_ = 	snop  }
0x90: {  	s2 =	sld [smem:$0x3FC8];
	(tm) =	ssettm $0x1  }
0x91: {  	s18 =	sld [smem:$0x3FFB];
	_ =	sdelay $0x3  }
0x92: {  	_ =	strace s18  }
0x93: {  	s3 =	sld [smem:$0x3FFC];
	_ =	sdelay $0x3  }
0x94: {  	_ =	strace s3  }
0x95: {  	s3 =	sld [smem:$0x3FFD];
	_ =	sdelay $0x3  }
0x96: {  	_ =	strace s3  }
0x97: {  	_ =	strace $0x8FFFFFFF  }
0x98: {  	s19 =	sld [smem:$0x3FDB];
	_ =	sdelay $0x1  }
0x99: {  	s4 =	simm.s32 $_scs_section_size  }
0x9a: {  	s5 =	simm.s32 $_size__tile_overlayer_lowered;
	s6 =	simm.s32 $_tile_overlayer_lowered  }
0x9b: {  	s22 =	simm.s32 $0x1BFF;
	s21 =	sshll.u32 s6, $0x1;
	s3 =	sadd.s32 s4, s19  }
0x9c: {  	s7 =	simm.s32 $0x0;
	s20 =	sshll.u32 s5, $0x1;
	s5 =	sadd.s32 s21, s3  }
0x9d: {  	[timem:s7], [sflag:s22] =	dma.local [hbm:s5], s20  }
0x9e: {  	_ =	swait.ge [sflag:s22], s20  }
0x9f: {  	s4 =	ssub.s32 $0x0, s20;
	[sflag:s22] =	ssyncset.done $0x0  }
0xa0: {  	[sflag:s22] =	ssyncadd.s32 s4;
	_ =	sdelay $0x1  }
0xa1: {  	s23 =	simm.s32 $0x1B8B  }
0xa2: {  	_ =	swait.ge [sflag:s23], $0x1  }
0xa3: {  	[sflag:s23] =	ssyncset.done $0x0  }
0xa4: {  	s25 =	simm.s32 $0x1B8E;
	s24 =	sld [smem:$0x3FFE];
	[sflag:s23] =	ssyncadd.s32 $0xFFFFFFFF  }
0xa5: {  	s26 =	simm.s32 $execute0_lowered;
	[smem:$0x3FD2] =	sst s25  }
0xa6: {  	s5 =	sshll.u32 s26, $0x1;
	_ =	strace $0x80000046;
	[dreg:$0x1] =	wrdreg $0xFFFFFFFF  }
0xa7: {  	s28 =	simm.s32 $_size_execute0_lowered;
	s3 =	sadd.s32 s3, s5;
	[dreg:$0x0] =	wrdreg $0x0  }
0xa8: {  	s5 =	sshll.u32 s28, $0x1;
	[dreg:$0x2] =	wrdreg s3  }
0xa9: {  	[dreg:$0x3] =	wrdreg s5  }
0xaa: {  	[dreg:$0x4] =	wrdreg $0xC0  }
0xab: {  	_ =	task [dreg:s7], $0x5FFFF  }
0xac: {  	[dreg:$0x1] =	wrdreg $0xFFFFFFFF  }
0xad: {  	[dreg:$0x0] =	wrdreg $0x60  }
0xae: {  	[dreg:$0x2] =	wrdreg s24  }
0xaf: {  	[dreg:$0x3] =	wrdreg s2  }
0xb0: {  	[dreg:$0x4] =	wrdreg $0x9  }
0xb1: {  	_ =	task.clear_ibuf [dreg:s7], $0x5FFFF;
	_ =	strace $0x90000046  }
0xb2: {  	s29 =	simm.s32 $0x9;
	_ =	strace $0x80000048  }
0xb3: {  	_ =	swait.ge [sflag:s29], $0x1  }
0xb4: {  	[sflag:s29] =	ssyncadd.s32 $0xFFFFFFFF  }
0xb5: {  	_ =	strace $0x90000048  }
0xb6: {  	_ =	sfence  }
0xb7: {  	s30 =	sld [smem:$0x0];
	_ =	sdelay $0x2  }
0xb8: {  	s31 =	sshll.u32 s1, $0xD;
	s1 =	sshrl.u32 s1, $0x2  }
0xb9: {  	s3 =	sand.u32 $0x4000, s31;
	s1 =	sadd.s32 s1, s30  }
0xba: {  	s0 =	sor.u32 s3, s0;
	s1 =	sshll.u32 s1, $0x11  }
0xbb: {  	s0 =	sor.u32 s1, s0  }
0xbc: {  	s0 =	sadd.s32 $0x8F2B, s0  }
0xbd: {  	[sflag:s0] =	ssyncadd.remote.s32 $0x1  }
0xbe: {  	_ =	sfence.sel $0xFFFF  }
0xbf: {  	[dreg:$0x0] =	wrdreg $0xFFFFFFFF;
	(pc) =	sbr.abs _section_cstart, $3  }
0xc0: {  	[dreg:$0x1] =	wrdreg $0xFFFFFFFF  }
0xc1: {  	_ =	task.clear_ibuf [dreg:s7], $0x2FFFF;
	_ =	strace $0x9FFFFFFF  }
0xc2: {  	(tm) =	ssettm $0x7FFFFFFF  }
0xc3: {  	_ =	shalt  }
tec
execute0_lowered:
.L_overlay_start_1:
0x0: {  	(tag) =	ssettag $0x1  }
0x1: {  	s4 =	rddreg [dreg:$0x0]  }
0x2: {  	s2 =	rddreg [dreg:$0x1]  }
0x3: {  	s0 =	rddreg [dreg:$0x2];
	s5 =	srdreg.scid  }
0x4: {  	s1 =	stileid.u32;
	s3 =	simm.s32 $0x0;
	s13 =	simm.s32 $0x1  }
0x5: {  	s14 =	simm.s32 $0x2;
	s15 =	simm.s32 $0x0;
	s9 =	smul.u32 $0xC8000, s1  }
0x6: {  	s5 =	sand.u32 $0x1, s5;
	s6 =	sshll.u32 s1, $0x1;
	s12 =	smul.u32 $0x19000, s1  }
0x7: {  	[smem:$0x7FF] =	sst s3;
	s10 =	sadd.s32 $0x6400, s4;
	s11 =	smul.u32 $0x64000, s5  }
0x8: {  	s6 =	sor.u32 s5, s6;
	_ =	strace $0x80000047;
	s28 =	smul.u32 $0xC800, s5  }
0x9: {  	s8 =	ssub.s32 $0x2, s5;
	s7 =	sshll.u32 s6, $0x9;
	s6 =	smul.u32 $0x64000, s6  }
0xa: {  	s26 =	sshrl.u32 s8, $0x1;
	s29 =	sadd.s32 s12, s10;
	s12 =	simm.s32 $0x5000  }
0xb: {  	s7 =	sadd.s32 s7, s4;
	s8 =	ssub.s32 s8, s26;
	s9 =	sadd.s32 s11, s9  }
0xc: {  	s31 =	sadd.s32 s28, s29;
	s11 =	simm.s32 $0x1000;
	s6 =	sshrl.u32 s6, $0x3  }
0xd: {  	s4 =	sadd.s32 $0x2400, s7;
	s30 =	sshrl.u32 s9, $0x3;
	s9 =	simm.s32 $0x3  }
0xe: {  	s6 =	sadd.s32 s10, s6;
	s7 =	sadd.s32 s30, s10;
	s10 =	simm.s32 $0x80  }
0xf: {  	s5 =	sadd.s32 $0xC000, s6;
	s6 =	smax.u32 s8, $0x1;
	s8 =	sadd.s32 $0x800, s31  }
.LBB2_1:
0x10: {  	[tilespmem:s3], [sflag:$0x3] =	stream.linear.gather [hbm4b:s4+s3], $0xC80, $0x38;
	[tilespmem:$0x9000] =	vst v63  }
0x11: {  	_ =	swait.ge [sflag:s9], $0xC80  }
0x12: {  	[sflag:s9] =	ssyncset.done $0x0  }
0x13: {  	[sflag:s9] =	ssyncadd.s32 $0xFFFFF380  }
0x14: {  	[tilespmem:s11], [sflag:$0x1] =	stream.indirect.gather [hbm4b:s2+s10], $0x80, s3, s10, $0xb8;
	[tilespmem:$0x9000] =	vst v63  }
0x15: {  	s16 =	simm.s32 $0x80  }
0x16: {  	[tilespmem:s12], [sflag:$0x2] =	stream.indirect.gather [hbm4b:s2+s10], $0x80, s16, s10, $0xb8;
	[tilespmem:$0x9000] =	vst v63  }
0x17: {  	_ =	swait.ge [sflag:s13], $0x4000  }
0x18: {  	[sflag:s13] =	ssyncset.done $0x0  }
0x19: {  	s29 =	sadd.s32 $0x0, s7;
	[sflag:s13] =	ssyncadd.s32 $0xFFFFC000  }
0x1a: {  	[hbm4b:s29+s3] =	stream.linear.scatter [tilespmem:s11], [sflag:$0x3], $0x4000, $0x38;
	[tilespmem:$0x9000] =	vst v63  }
0x1b: {  	_ =	swait.ge [sflag:s9], $0x4000  }
0x1c: {  	[sflag:s9] =	ssyncset.done $0x0  }
0x1d: {  	s30 =	simm.s32 $0x100;
	[sflag:s9] =	ssyncadd.s32 $0xFFFFC000  }
0x1e: {  	[tilespmem:s11], [sflag:$0x1] =	stream.indirect.gather [hbm4b:s2+s10], $0x80, s30, s10, $0xb8;
	[tilespmem:$0x9000] =	vst v63  }
0x1f: {  	_ =	swait.ge [sflag:s14], $0x4000  }
0x20: {  	[sflag:s14] =	ssyncset.done $0x0  }
0x21: {  	s31 =	sadd.s32 $0x0, s8;
	[sflag:s14] =	ssyncadd.s32 $0xFFFFC000  }
0x22: {  	[hbm4b:s31+s3] =	stream.linear.scatter [tilespmem:s12], [sflag:$0x3], $0x4000, $0x38;
	[tilespmem:$0x9000] =	vst v63  }
0x23: {  	s18 =	simm.s32 $0x2000;
	_ =	swait.ge [sflag:s9], $0x4000  }
0x24: {  	s17 =	simm.s32 $0x200;
	s16 =	simm.s32 $0x1000;
	[sflag:s9] =	ssyncset.done $0x0  }
.LBB2_2:
0x25: {  	p0 =	sne.s32 s18, $0xB000;
	s19 =	sadd.s32 $0xFFFFFF80, s17;
	[sflag:s9] =	ssyncadd.s32 $0xFFFFC000  }
0x26: {  	[tilespmem:s12], [sflag:$0x2] =	stream.indirect.gather [hbm4b:s2+s10], $0x80, s19, s10, $0xb8;
	[tilespmem:$0x9000] =	vst v63  }
0x27: {  	s19 =	smov.u32 s18;
	s18 =	sadd.s32 $0x1000, s18;
	_ =	swait.ge [sflag:s13], $0x4000  }
0x28: {  	[sflag:s13] =	ssyncset.done $0x0  }
0x29: {  	s20 =	sadd.s32 s16, s7;
	[sflag:s13] =	ssyncadd.s32 $0xFFFFC000  }
0x2a: {  	[hbm4b:s20+s3] =	stream.linear.scatter [tilespmem:s11], [sflag:$0x3], $0x4000, $0x38;
	[tilespmem:$0x9000] =	vst v63  }
0x2b: {  	_ =	swait.ge [sflag:s9], $0x4000  }
0x2c: {  	[sflag:s9] =	ssyncset.done $0x0  }
0x2d: {  	[sflag:s9] =	ssyncadd.s32 $0xFFFFC000  }
0x2e: {  	[tilespmem:s11], [sflag:$0x1] =	stream.indirect.gather [hbm4b:s2+s10], $0x80, s17, s10, $0xb8;
	[tilespmem:$0x9000] =	vst v63  }
0x2f: {  	_ =	swait.ge [sflag:s14], $0x4000  }
.Ltmp0:
0x30: {  	[sflag:s14] =	ssyncset.done $0x0;
	(pc) =	sbr.rel @p0 .LBB2_2-.Ltmp0, $4  }
0x31: {  	s20 =	sadd.s32 s16, s8;
	s16 =	smov.u32 s19;
	[sflag:s14] =	ssyncadd.s32 $0xFFFFC000  }
0x32: {  	[hbm4b:s20+s3] =	stream.linear.scatter [tilespmem:s12], [sflag:$0x3], $0x4000, $0x38;
	[tilespmem:$0x9000] =	vst v63  }
0x33: {  	_ =	swait.ge [sflag:s9], $0x4000  }
0x34: {  	s17 =	sadd.s32 $0x100, s17;
	[sflag:s9] =	ssyncset.done $0x0  }
0x35: {  	s18 =	sadd.s32 $0xFFFFFF80, s17;
	[sflag:s9] =	ssyncadd.s32 $0xFFFFC000  }
0x36: {  	[tilespmem:s12], [sflag:$0x2] =	stream.indirect.gather [hbm4b:s2+s10], $0x80, s18, s10, $0xb8;
	[tilespmem:$0x9000] =	vst v63  }
0x37: {  	_ =	swait.ge [sflag:s13], $0x4000  }
0x38: {  	[sflag:s13] =	ssyncset.done $0x0  }
0x39: {  	s30 =	sadd.s32 s16, s7;
	[sflag:s13] =	ssyncadd.s32 $0xFFFFC000  }
0x3a: {  	[hbm4b:s30+s3] =	stream.linear.scatter [tilespmem:s11], [sflag:$0x3], $0x4000, $0x38;
	[tilespmem:$0x9000] =	vst v63  }
0x3b: {  	_ =	swait.ge [sflag:s9], $0x4000  }
0x3c: {  	[sflag:s9] =	ssyncset.done $0x0  }
0x3d: {  	[sflag:s9] =	ssyncadd.s32 $0xFFFFC000  }
0x3e: {  	[tilespmem:s11], [sflag:$0x1] =	stream.indirect.gather [hbm4b:s2+s10], $0x80, s17, s10, $0xb8;
	[tilespmem:$0x9000] =	vst v63  }
0x3f: {  	_ =	swait.ge [sflag:s14], $0x4000  }
0x40: {  	[sflag:s14] =	ssyncset.done $0x0  }
0x41: {  	s31 =	sadd.s32 s16, s8;
	[sflag:s14] =	ssyncadd.s32 $0xFFFFC000  }
0x42: {  	[hbm4b:s31+s3] =	stream.linear.scatter [tilespmem:s12], [sflag:$0x3], $0x4000, $0x38;
	[tilespmem:$0x9000] =	vst v63  }
0x43: {  	_ =	swait.ge [sflag:s9], $0x4000  }
0x44: {  	[sflag:s9] =	ssyncset.done $0x0  }
0x45: {  	[sflag:s9] =	ssyncadd.s32 $0xFFFFC000  }
0x46: {  	s15 =	sadd.s32 $0x1, s15;
	_ =	swait.ge [sflag:s13], $0x4000  }
0x47: {  	p0 =	sne.s32 s15, s6;
	[sflag:s13] =	ssyncset.done $0x0  }
.Ltmp1:
0x48: {  	[sflag:s13] =	ssyncadd.s32 $0xFFFFC000;
	(pc) =	sbr.rel @p0 .LBB2_1-.Ltmp1, $4  }
0x49: {  	[hbm4b:s5+s3] =	stream.linear.scatter [tilespmem:s11], [sflag:$0x3], $0x4000, $0x38;
	[tilespmem:$0x9000] =	vst v63  }
0x4a: {  	_ =	swait.ge [sflag:s9], $0x4000  }
0x4b: {  	[sflag:s9] =	ssyncset.done $0x0  }
0x4c: {  	[sflag:s9] =	ssyncadd.s32 $0xFFFFC000  }
0x4d: {  	_ =	sfence.sel $0x180000  }
0x4e: {  	[bflag:$0x0] =	sbarrier.arrive $0xFFFF  }
0x4f: {  	p0 =	sne.s32 s1, $0x0;
	_ =	strace $0x90000047  }
0x50: {  	s0 =	sadd.s32 @!p0 $0x100000, s0;
	[bflag:$0x2] =	sbarrier.arrive $0xFFFF  }
0x51: {  	[sflag:s0] =	ssyncadd.tile.s32 @!p0 $0x1;
	_ =	shalt  }
.Lfunc_end2:
_tile_overlayer_lowered:
.L_overlay_start_2:
0x52: {  	(tag) =	ssettag $0x2  }
0x53: {  	s0 =	rddreg [dreg:$0x0];
	s2 =	stileid.u32  }
0x54: {  	s1 =	rddreg [dreg:$0x1];
	p0 =	sne.s32 s2, $0x0  }
0x55: {  	s3 =	rddreg [dreg:$0x2];
	[bflag:$0x3] =	sbarrier.arrive $0xFFFF;
	s2 =	simm.s32 @!p0 $0x1C03  }
0x56: {  	[timem:s3], [sflag:s2] =	dma.local @!p0 [hbm:s0], s1  }
0x57: {  	s0 =	simm.s32 @!p0 $0x3  }
0x58: {  	_ =	swait.ge @!p0 [sflag:s0], s1  }
0x59: {  	s1 =	ssub.s32 @!p0 $0x0, s1;
	[sflag:s0] =	ssyncset.done @!p0 $0x0  }
0x5a: {  	[sflag:s0] =	ssyncadd.s32 @!p0 s1  }
0x5b: {  	[bflag:$0x3] =	sbarrier.arrive $0xFFFF  }
0x5c: {  	_ =	shalt  }

// kernel: kernel.21.cloned.1.call-start
scs
__scs_entry_jumppad:
0x0: {  	(pc) =	sbr.rel $0x88, $3  }
0x1: {  	(tag) =	ssettag $0x0;
	lr =	simm.s32 $0x1  }
0x2: {  	[smem:$0x3F9F] =	sst lr;
	_ =	strace $0xD0000000  }
0x3: {  	_ = 	snop  }
0x4: {  	_ = 	snop  }
0x5: {  	_ = 	snop  }
0x6: {  	_ = 	snop  }
0x7: {  	_ = 	snop  }
__scs_overlays_trampoline_lowered:
0x8: {  	[smem:$0x3FAE] =	sst s0  }
0x9: {  	[smem:$0x3FAF] =	sst s1  }
0xa: {  	[smem:$0x3FB0] =	sst s2  }
0xb: {  	[smem:$0x3FB1] =	sst s3  }
0xc: {  	[smem:$0x3FB2] =	sst s4  }
0xd: {  	[smem:$0x3FB3] =	sst s5  }
0xe: {  	[smem:$0x3FB4] =	sst s6  }
0xf: {  	[smem:$0x3FB5] =	sst s7  }
0x10: {  	[smem:$0x3FB6] =	sst s8  }
0x11: {  	[smem:$0x3FB7] =	sst s9;
	s0 =	simm.s32 @!p0 $0x0  }
0x12: {  	s1 =	sld [smem:$0x3F9D];
	s0 =	simm.s32 @p0 $0x1  }
0x13: {  	[smem:$0x3FB8] =	sst s0;
	s0 =	simm.s32 @!p1 $0x0  }
0x14: {  	s2 =	sld [smem:$0x3F9C];
	s0 =	simm.s32 @p1 $0x1  }
0x15: {  	[smem:$0x3FB9] =	sst s0;
	s0 =	simm.s32 @!p2 $0x0  }
0x16: {  	s3 =	sld [smem:$0x3FDB];
	s0 =	simm.s32 @p2 $0x1  }
0x17: {  	s4 =	simm.s32 $0x1BF5;
	[smem:$0x3FBB] =	sst s0  }
0x18: {  	s0 =	sld [smem:$0x3F9E];
	_ =	swait.ge [sflag:s4], $0x0  }
0x19: {  	s7 =	sld [smem:$0x3F9F]  }
0x1a: {  	s8 =	sadd.s32 $0xFFFFE003, lr  }
0x1b: {  	s9 =	sadd.s32 $0xFFFFFEF7, lr;
	s5 =	simm.s32 $0xFFFFFFFF;
	p2 =	slt.u32 s8, $0xFFFFF086  }
0x1c: {  	p1 =	slt.u32 s9, $0xF7A;
	s5 =	simm.s32 @!p2 $0x0  }
0x1d: {  	s5 =	simm.s32 @p1 $0x1;
	p0 =	seq.s32 s7, s2  }
0x1e: {  	s7 =	smul.u32 @!p0 $0xF7A, s2;
	p2 =	seq.s32 @!p0 s5, $0x0  }
0x1f: {  	s9 =	smul.u32 $0xF7A, s1;
	s8 =	simm.s32 @!p0 $0x1BF5;
	p2 =	por !p2, p0  }
0x20: {  	[sflag:s8] =	ssyncset.s32 @!p0 $0xFFFFF086;
	s6 =	sadd.s32 @!p0 s3, s7;
	s7 =	simm.s32 @!p0 $0x108  }
0x21: {  	s3 =	sadd.s32 s3, s9;
	s6 =	sadd.s32 @!p0 $0x88, s6;
	s7 =	simm.s32 @p2 $0x1082  }
0x22: {  	[simem:s7], [sflag:s8] =	dma.local @!p0 [hbm:s6], $0xF7A  }
0x23: {  	s9 =	sor.u32 $0xD0000000, s2;
	s6 =	simm.s32 $0x108;
	_ =	swait.ge @!p0 [sflag:s8], $0x0  }
0x24: {  	s3 =	sadd.s32 $0x88, s3;
	s6 =	simm.s32 @!p1 $0x1082;
	[sflag:s4] =	ssyncset.s32 $0xFFFFF086  }
0x25: {  	[simem:s6], [sflag:s4] =	dma.local [hbm:s3], $0xF7A  }
0x26: {  	[smem:$0x3F9F] =	sst s1;
	(tag) =	ssettag s2;
	_ =	strace s9  }
0x27: {  	s1 =	sld [smem:$0x3FAF]  }
0x28: {  	s2 =	sld [smem:$0x3FB0]  }
0x29: {  	s4 =	sld [smem:$0x3FB2]  }
0x2a: {  	p0 =	seq.s32 s5, $0x0;
	s5 =	sld [smem:$0x3FB3]  }
0x2b: {  	s6 =	sld [smem:$0x3FB4]  }
0x2c: {  	s7 =	sld [smem:$0x3FB5]  }
0x2d: {  	s3 =	simm.s32 $0x108;
	s8 =	sld [smem:$0x3FB6]  }
0x2e: {  	s3 =	simm.s32 @!p0 $0x1082;
	s9 =	sld [smem:$0x3FB7]  }
0x2f: {  	lr =	sadd.s32 s0, s3;
	s0 =	sld [smem:$0x3FAE]  }
0x30: {  	s3 =	sld [smem:$0x3FB1]  }
0x31: {  	[smem:$0x3FBA] =	sst s10  }
0x32: {  	s10 =	sld [smem:$0x3FB8];
	_ =	sdelay $0x3  }
0x33: {  	p0 =	seq.s32 s10, $0x1;
	s10 =	sld [smem:$0x3FBA];
	_ =	sdelay $0x3  }
0x34: {  	[smem:$0x3FBA] =	sst s10  }
0x35: {  	s10 =	sld [smem:$0x3FB9];
	_ =	sdelay $0x3  }
0x36: {  	p1 =	seq.s32 s10, $0x1;
	s10 =	sld [smem:$0x3FBA];
	_ =	sdelay $0x3  }
0x37: {  	[smem:$0x3FBA] =	sst s10  }
0x38: {  	s10 =	sld [smem:$0x3FBB]  }
0x39: {  	_ = 	snop;
	(pc) =	sbr.ind lr, $3  }
0x3a: {  	_ = 	snop  }
0x3b: {  	_ = 	snop  }
0x3c: {  	p2 =	seq.s32 s10, $0x1;
	s10 =	sld [smem:$0x3FBA]  }
0x3d: {  	_ =	shalt  }
0x3e: {  	_ =	shalt  }
0x3f: {  	_ =	shalt  }
0x40: {  	_ =	shalt  }
0x41: {  	_ =	shalt  }
0x42: {  	_ =	shalt  }
0x43: {  	_ =	shalt  }
0x44: {  	_ =	shalt  }
0x45: {  	_ =	shalt  }
0x46: {  	_ =	shalt  }
0x47: {  	_ =	shalt  }
0x48: {  	_ =	shalt  }
0x49: {  	_ =	shalt  }
0x4a: {  	_ =	shalt  }
0x4b: {  	_ =	shalt  }
0x4c: {  	_ =	shalt  }
0x4d: {  	_ =	shalt  }
0x4e: {  	_ =	shalt  }
0x4f: {  	_ =	shalt  }
0x50: {  	_ =	shalt  }
0x51: {  	_ =	shalt  }
0x52: {  	_ =	shalt  }
0x53: {  	_ =	shalt  }
0x54: {  	_ =	shalt  }
0x55: {  	_ =	shalt  }
0x56: {  	_ =	shalt  }
0x57: {  	_ =	shalt  }
0x58: {  	_ =	shalt  }
0x59: {  	_ =	shalt  }
0x5a: {  	_ =	shalt  }
0x5b: {  	_ =	shalt  }
0x5c: {  	_ =	shalt  }
0x5d: {  	_ =	shalt  }
0x5e: {  	_ =	shalt  }
0x5f: {  	_ =	shalt  }
0x60: {  	_ =	shalt  }
0x61: {  	_ =	shalt  }
0x62: {  	_ =	shalt  }
0x63: {  	_ =	shalt  }
0x64: {  	_ =	shalt  }
0x65: {  	_ =	shalt  }
0x66: {  	_ =	shalt  }
0x67: {  	_ =	shalt  }
0x68: {  	_ =	shalt  }
0x69: {  	_ =	shalt  }
0x6a: {  	_ =	shalt  }
0x6b: {  	_ =	shalt  }
0x6c: {  	_ =	shalt  }
0x6d: {  	_ =	shalt  }
0x6e: {  	_ =	shalt  }
0x6f: {  	_ =	shalt  }
0x70: {  	_ =	shalt  }
0x71: {  	_ =	shalt  }
0x72: {  	_ =	shalt  }
0x73: {  	_ =	shalt  }
0x74: {  	_ =	shalt  }
0x75: {  	_ =	shalt  }
0x76: {  	_ =	shalt  }
0x77: {  	_ =	shalt  }
0x78: {  	_ =	shalt  }
0x79: {  	_ =	shalt  }
0x7a: {  	_ =	shalt  }
0x7b: {  	_ =	shalt  }
0x7c: {  	_ =	shalt  }
0x7d: {  	_ =	shalt  }
0x7e: {  	_ =	shalt  }
0x7f: {  	_ =	shalt  }
0x80: {  	_ =	shalt  }
0x81: {  	_ =	shalt  }
0x82: {  	_ =	shalt  }
0x83: {  	_ =	shalt  }
0x84: {  	_ =	shalt  }
0x85: {  	_ =	shalt  }
0x86: {  	_ =	shalt  }
0x87: {  	_ =	shalt  }
.Lfunc_end0:
.L_simem_size_0:
called_computation.1_lowered:
.L_overlay_start_0:
0x88: {  	s2 =	sld [smem:$0x3FD9]  }
0x89: {  	s3 =	sld [smem:$0x3FFE];
	_ =	sdelay $0x1  }
0x8a: {  	s1 =	srdreg.scid  }
0x8b: {  	s0 =	sand.u32 $0x1, s1  }
0x8c: {  	s17 =	sshll.u32 s0, $0xA;
	s2 =	sadd.s32 s3, s2  }
0x8d: {  	s2 =	sadd.s32 s2, s17  }
0x8e: {  	[smem:$0x3FC6] =	sst s2  }
0x8f: {  	_ = 	snop  }
0x90: {  	s18 =	sld [smem:$0x3FC8];
	(tm) =	ssettm $0x1  }
0x91: {  	s19 =	sld [smem:$0x3FFB];
	_ =	sdelay $0x3  }
0x92: {  	_ =	strace s19  }
0x93: {  	s2 =	sld [smem:$0x3FFC];
	_ =	sdelay $0x3  }
0x94: {  	_ =	strace s2  }
0x95: {  	s2 =	sld [smem:$0x3FFD];
	_ =	sdelay $0x3  }
0x96: {  	_ =	strace s2  }
0x97: {  	_ =	strace $0x8FFFFFFF  }
0x98: {  	s20 =	sld [smem:$0x3FDB];
	_ =	sdelay $0x1  }
0x99: {  	s4 =	simm.s32 $_scs_section_size  }
0x9a: {  	s5 =	simm.s32 $_size__tile_overlayer_lowered;
	s6 =	simm.s32 $_tile_overlayer_lowered  }
0x9b: {  	s7 =	simm.s32 $0x1BFF;
	s21 =	sshll.u32 s6, $0x1;
	s4 =	sadd.s32 s4, s20  }
0x9c: {  	s22 =	simm.s32 $0x0;
	s5 =	sshll.u32 s5, $0x1;
	s6 =	sadd.s32 s21, s4  }
0x9d: {  	[timem:s22], [sflag:s7] =	dma.local [hbm:s6], s5  }
0x9e: {  	_ =	swait.ge [sflag:s7], s5  }
0x9f: {  	s5 =	ssub.s32 $0x0, s5;
	[sflag:s7] =	ssyncset.done $0x0  }
0xa0: {  	[sflag:s7] =	ssyncadd.s32 s5;
	_ =	sdelay $0x1  }
0xa1: {  	s23 =	simm.s32 $0x1B8B  }
0xa2: {  	_ =	swait.ge [sflag:s23], $0x1  }
0xa3: {  	[sflag:s23] =	ssyncset.done $0x0  }
0xa4: {  	[sflag:s23] =	ssyncadd.s32 $0xFFFFFFFF  }
0xa5: {  	s5 =	sld [smem:$0x0]  }
0xa6: {  	s6 =	sand.u32 $0xFFFFFFFE, s1  }
0xa7: {  	p0 =	sne.s32 s1, s6  }
0xa8: {  	s6 =	sshll.u32 @p0 s6, $0xE  }
0xa9: {  	s6 =	sadd.s32 @p0 $0x11B8D, s6;
	s7 =	sshll.u32 @p0 s5, $0x11  }
0xaa: {  	s6 =	sor.u32 @p0 s7, s6  }
0xab: {  	[sflag:s6] =	ssyncadd.remote.s32 @p0 $0x1;
	_ =	sdelay $0x1  }
0xac: {  	s6 =	simm.s32 @p0 $0x1B8D  }
0xad: {  	_ =	swait.eq @p0 [sflag:s6], $0x1  }
0xae: {  	[sflag:s6] =	ssyncadd.s32 @p0 $0xFFFFFFFF  }
0xaf: {  	s7 =	sshll.u32 @!p0 s1, $0xE  }
0xb0: {  	s7 =	sor.u32 @!p0 $0x4000, s7;
	s6 =	simm.s32 @!p0 $0x1B8D  }
0xb1: {  	s5 =	sshll.u32 @!p0 s5, $0x11;
	s7 =	sadd.s32 @!p0 $0x11B8D, s7;
	_ =	swait.eq @!p0 [sflag:s6], $0x1  }
0xb2: {  	s5 =	sor.u32 @!p0 s5, s7;
	[sflag:s6] =	ssyncadd.s32 @!p0 $0xFFFFFFFF  }
0xb3: {  	s25 =	simm.s32 $0x1B8E;
	s24 =	sld [smem:$0x3FFE];
	[sflag:s5] =	ssyncadd.remote.s32 @!p0 $0x1  }
0xb4: {  	s26 =	simm.s32 $execute0_lowered;
	[smem:$0x3FD2] =	sst s25  }
0xb5: {  	s6 =	sshll.u32 s26, $0x1;
	_ =	strace $0x80000049;
	[dreg:$0x1] =	wrdreg $0xFFFFFFFF  }
0xb6: {  	s28 =	simm.s32 $_size_execute0_lowered;
	s4 =	sadd.s32 s4, s6;
	[dreg:$0x0] =	wrdreg $0x0  }
0xb7: {  	s6 =	sshll.u32 s28, $0x1;
	[dreg:$0x2] =	wrdreg s4  }
0xb8: {  	[dreg:$0x3] =	wrdreg s6  }
0xb9: {  	[dreg:$0x4] =	wrdreg $0xC0  }
0xba: {  	_ =	task [dreg:s22], $0x5FFFF  }
0xbb: {  	[dreg:$0x1] =	wrdreg $0xFFFFFFFF  }
0xbc: {  	[dreg:$0x0] =	wrdreg $0x60  }
0xbd: {  	[dreg:$0x2] =	wrdreg s24  }
0xbe: {  	[dreg:$0x3] =	wrdreg s18  }
0xbf: {  	[dreg:$0x4] =	wrdreg $0xA  }
0xc0: {  	_ =	task.clear_ibuf [dreg:s22], $0x5FFFF;
	_ =	strace $0x90000049  }
0xc1: {  	s29 =	simm.s32 $0xA;
	_ =	strace $0x8000004B  }
0xc2: {  	_ =	swait.ge [sflag:s29], $0x1  }
0xc3: {  	[sflag:s29] =	ssyncadd.s32 $0xFFFFFFFF  }
0xc4: {  	_ =	strace $0x9000004B  }
0xc5: {  	_ =	sfence  }
0xc6: {  	s30 =	sld [smem:$0x0];
	_ =	sdelay $0x2  }
0xc7: {  	s31 =	sshll.u32 s1, $0xD;
	s1 =	sshrl.u32 s1, $0x2  }
0xc8: {  	s4 =	sand.u32 $0x4000, s31;
	s1 =	sadd.s32 s1, s30  }
0xc9: {  	s0 =	sor.u32 s4, s0;
	s1 =	sshll.u32 s1, $0x11  }
0xca: {  	s0 =	sor.u32 s1, s0  }
0xcb: {  	s0 =	sadd.s32 $0x8F2B, s0  }
0xcc: {  	[sflag:s0] =	ssyncadd.remote.s32 $0x1  }
0xcd: {  	_ =	sfence.sel $0xFFFF  }
0xce: {  	[dreg:$0x0] =	wrdreg $0xFFFFFFFF;
	(pc) =	sbr.abs _section_cstart, $3  }
0xcf: {  	[dreg:$0x1] =	wrdreg $0xFFFFFFFF  }
0xd0: {  	_ =	task.clear_ibuf [dreg:s22], $0x2FFFF;
	_ =	strace $0x9FFFFFFF  }
0xd1: {  	(tm) =	ssettm $0x7FFFFFFF  }
tec
execute0_lowered:
.L_overlay_start_1:
0x0: {  	(tag) =	ssettag $0x1  }
0x1: {  	s4 =	rddreg [dreg:$0x0]  }
0x2: {  	s2 =	rddreg [dreg:$0x1]  }
0x3: {  	s0 =	rddreg [dreg:$0x2];
	s5 =	srdreg.scid  }
0x4: {  	s1 =	stileid.u32;
	s3 =	simm.s32 $0x0;
	s13 =	simm.s32 $0x1  }
0x5: {  	s14 =	simm.s32 $0x2;
	s15 =	simm.s32 $0x0;
	s9 =	smul.u32 $0xC8000, s1  }
0x6: {  	s5 =	sand.u32 $0x1, s5;
	s6 =	sshll.u32 s1, $0x1;
	s12 =	smul.u32 $0x19000, s1  }
0x7: {  	[smem:$0x7FF] =	sst s3;
	s10 =	sadd.s32 $0x1B2400, s4;
	s11 =	smul.u32 $0x64000, s5  }
0x8: {  	s6 =	sor.u32 s5, s6;
	_ =	strace $0x8000004A;
	s28 =	smul.u32 $0xC800, s5  }
0x9: {  	s8 =	ssub.s32 $0x2, s5;
	s7 =	sshll.u32 s6, $0x9;
	s6 =	smul.u32 $0x64000, s6  }
0xa: {  	s26 =	sshrl.u32 s8, $0x1;
	s29 =	sadd.s32 s12, s10;
	s12 =	simm.s32 $0x5000  }
0xb: {  	s7 =	sadd.s32 s7, s4;
	s8 =	ssub.s32 s8, s26;
	s9 =	sadd.s32 s11, s9  }
0xc: {  	s31 =	sadd.s32 s28, s29;
	s11 =	simm.s32 $0x1000;
	s6 =	sshrl.u32 s6, $0x3  }
0xd: {  	s4 =	sadd.s32 $0x196400, s7;
	s30 =	sshrl.u32 s9, $0x3;
	s9 =	simm.s32 $0x3  }
0xe: {  	s6 =	sadd.s32 s10, s6;
	s7 =	sadd.s32 s30, s10;
	s10 =	simm.s32 $0x80  }
0xf: {  	s5 =	sadd.s32 $0xC000, s6;
	s6 =	smax.u32 s8, $0x1;
	s8 =	sadd.s32 $0x800, s31  }
.LBB2_1:
0x10: {  	[tilespmem:s3], [sflag:$0x3] =	stream.linear.gather [hbm4b:s4+s3], $0xC80, $0x38;
	[tilespmem:$0x9000] =	vst v63  }
0x11: {  	_ =	swait.ge [sflag:s9], $0xC80  }
0x12: {  	[sflag:s9] =	ssyncset.done $0x0  }
0x13: {  	[sflag:s9] =	ssyncadd.s32 $0xFFFFF380  }
0x14: {  	[tilespmem:s11], [sflag:$0x1] =	stream.indirect.gather [hbm4b:s2+s10], $0x80, s3, s10, $0xb8;
	[tilespmem:$0x9000] =	vst v63  }
0x15: {  	s16 =	simm.s32 $0x80  }
0x16: {  	[tilespmem:s12], [sflag:$0x2] =	stream.indirect.gather [hbm4b:s2+s10], $0x80, s16, s10, $0xb8;
	[tilespmem:$0x9000] =	vst v63  }
0x17: {  	_ =	swait.ge [sflag:s13], $0x4000  }
0x18: {  	[sflag:s13] =	ssyncset.done $0x0  }
0x19: {  	s29 =	sadd.s32 $0x0, s7;
	[sflag:s13] =	ssyncadd.s32 $0xFFFFC000  }
0x1a: {  	[hbm4b:s29+s3] =	stream.linear.scatter [tilespmem:s11], [sflag:$0x3], $0x4000, $0x38;
	[tilespmem:$0x9000] =	vst v63  }
0x1b: {  	_ =	swait.ge [sflag:s9], $0x4000  }
0x1c: {  	[sflag:s9] =	ssyncset.done $0x0  }
0x1d: {  	s30 =	simm.s32 $0x100;
	[sflag:s9] =	ssyncadd.s32 $0xFFFFC000  }
0x1e: {  	[tilespmem:s11], [sflag:$0x1] =	stream.indirect.gather [hbm4b:s2+s10], $0x80, s30, s10, $0xb8;
	[tilespmem:$0x9000] =	vst v63  }
0x1f: {  	_ =	swait.ge [sflag:s14], $0x4000  }
0x20: {  	[sflag:s14] =	ssyncset.done $0x0  }
0x21: {  	s31 =	sadd.s32 $0x0, s8;
	[sflag:s14] =	ssyncadd.s32 $0xFFFFC000  }
0x22: {  	[hbm4b:s31+s3] =	stream.linear.scatter [tilespmem:s12], [sflag:$0x3], $0x4000, $0x38;
	[tilespmem:$0x9000] =	vst v63  }
0x23: {  	s18 =	simm.s32 $0x2000;
	_ =	swait.ge [sflag:s9], $0x4000  }
0x24: {  	s17 =	simm.s32 $0x200;
	s16 =	simm.s32 $0x1000;
	[sflag:s9] =	ssyncset.done $0x0  }
.LBB2_2:
0x25: {  	p0 =	sne.s32 s18, $0xB000;
	s19 =	sadd.s32 $0xFFFFFF80, s17;
	[sflag:s9] =	ssyncadd.s32 $0xFFFFC000  }
0x26: {  	[tilespmem:s12], [sflag:$0x2] =	stream.indirect.gather [hbm4b:s2+s10], $0x80, s19, s10, $0xb8;
	[tilespmem:$0x9000] =	vst v63  }
0x27: {  	s19 =	smov.u32 s18;
	s18 =	sadd.s32 $0x1000, s18;
	_ =	swait.ge [sflag:s13], $0x4000  }
0x28: {  	[sflag:s13] =	ssyncset.done $0x0  }
0x29: {  	s20 =	sadd.s32 s16, s7;
	[sflag:s13] =	ssyncadd.s32 $0xFFFFC000  }
0x2a: {  	[hbm4b:s20+s3] =	stream.linear.scatter [tilespmem:s11], [sflag:$0x3], $0x4000, $0x38;
	[tilespmem:$0x9000] =	vst v63  }
0x2b: {  	_ =	swait.ge [sflag:s9], $0x4000  }
0x2c: {  	[sflag:s9] =	ssyncset.done $0x0  }
0x2d: {  	[sflag:s9] =	ssyncadd.s32 $0xFFFFC000  }
0x2e: {  	[tilespmem:s11], [sflag:$0x1] =	stream.indirect.gather [hbm4b:s2+s10], $0x80, s17, s10, $0xb8;
	[tilespmem:$0x9000] =	vst v63  }
0x2f: {  	_ =	swait.ge [sflag:s14], $0x4000  }
.Ltmp0:
0x30: {  	[sflag:s14] =	ssyncset.done $0x0;
	(pc) =	sbr.rel @p0 .LBB2_2-.Ltmp0, $4  }
0x31: {  	s20 =	sadd.s32 s16, s8;
	s16 =	smov.u32 s19;
	[sflag:s14] =	ssyncadd.s32 $0xFFFFC000  }
0x32: {  	[hbm4b:s20+s3] =	stream.linear.scatter [tilespmem:s12], [sflag:$0x3], $0x4000, $0x38;
	[tilespmem:$0x9000] =	vst v63  }
0x33: {  	_ =	swait.ge [sflag:s9], $0x4000  }
0x34: {  	s17 =	sadd.s32 $0x100, s17;
	[sflag:s9] =	ssyncset.done $0x0  }
0x35: {  	s18 =	sadd.s32 $0xFFFFFF80, s17;
	[sflag:s9] =	ssyncadd.s32 $0xFFFFC000  }
0x36: {  	[tilespmem:s12], [sflag:$0x2] =	stream.indirect.gather [hbm4b:s2+s10], $0x80, s18, s10, $0xb8;
	[tilespmem:$0x9000] =	vst v63  }
0x37: {  	_ =	swait.ge [sflag:s13], $0x4000  }
0x38: {  	[sflag:s13] =	ssyncset.done $0x0  }
0x39: {  	s30 =	sadd.s32 s16, s7;
	[sflag:s13] =	ssyncadd.s32 $0xFFFFC000  }
0x3a: {  	[hbm4b:s30+s3] =	stream.linear.scatter [tilespmem:s11], [sflag:$0x3], $0x4000, $0x38;
	[tilespmem:$0x9000] =	vst v63  }
0x3b: {  	_ =	swait.ge [sflag:s9], $0x4000  }
0x3c: {  	[sflag:s9] =	ssyncset.done $0x0  }
0x3d: {  	[sflag:s9] =	ssyncadd.s32 $0xFFFFC000  }
0x3e: {  	[tilespmem:s11], [sflag:$0x1] =	stream.indirect.gather [hbm4b:s2+s10], $0x80, s17, s10, $0xb8;
	[tilespmem:$0x9000] =	vst v63  }
0x3f: {  	_ =	swait.ge [sflag:s14], $0x4000  }
0x40: {  	[sflag:s14] =	ssyncset.done $0x0  }
0x41: {  	s31 =	sadd.s32 s16, s8;
	[sflag:s14] =	ssyncadd.s32 $0xFFFFC000  }
0x42: {  	[hbm4b:s31+s3] =	stream.linear.scatter [tilespmem:s12], [sflag:$0x3], $0x4000, $0x38;
	[tilespmem:$0x9000] =	vst v63  }
0x43: {  	_ =	swait.ge [sflag:s9], $0x4000  }
0x44: {  	[sflag:s9] =	ssyncset.done $0x0  }
0x45: {  	[sflag:s9] =	ssyncadd.s32 $0xFFFFC000  }
0x46: {  	s15 =	sadd.s32 $0x1, s15;
	_ =	swait.ge [sflag:s13], $0x4000  }
0x47: {  	p0 =	sne.s32 s15, s6;
	[sflag:s13] =	ssyncset.done $0x0  }
.Ltmp1:
0x48: {  	[sflag:s13] =	ssyncadd.s32 $0xFFFFC000;
	(pc) =	sbr.rel @p0 .LBB2_1-.Ltmp1, $4  }
0x49: {  	[hbm4b:s5+s3] =	stream.linear.scatter [tilespmem:s11], [sflag:$0x3], $0x4000, $0x38;
	[tilespmem:$0x9000] =	vst v63  }
0x4a: {  	_ =	swait.ge [sflag:s9], $0x4000  }
0x4b: {  	[sflag:s9] =	ssyncset.done $0x0  }
0x4c: {  	[sflag:s9] =	ssyncadd.s32 $0xFFFFC000  }
0x4d: {  	_ =	sfence.sel $0x180000  }
0x4e: {  	[bflag:$0x0] =	sbarrier.arrive $0xFFFF  }
0x4f: {  	p0 =	sne.s32 s1, $0x0;
	_ =	strace $0x9000004A  }
0x50: {  	s0 =	sadd.s32 @!p0 $0x100000, s0;
	[bflag:$0x2] =	sbarrier.arrive $0xFFFF  }
0x51: {  	[sflag:s0] =	ssyncadd.tile.s32 @!p0 $0x1;
	_ =	shalt  }
.Lfunc_end2:
_tile_overlayer_lowered:
.L_overlay_start_2:
0x52: {  	(tag) =	ssettag $0x2  }
0x53: {  	s0 =	rddreg [dreg:$0x0];
	s2 =	stileid.u32  }
0x54: {  	s1 =	rddreg [dreg:$0x1];
	p0 =	sne.s32 s2, $0x0  }
0x55: {  	s3 =	rddreg [dreg:$0x2];
	[bflag:$0x3] =	sbarrier.arrive $0xFFFF;
	s2 =	simm.s32 @!p0 $0x1C03  }
0x56: {  	[timem:s3], [sflag:s2] =	dma.local @!p0 [hbm:s0], s1  }
0x57: {  	s0 =	simm.s32 @!p0 $0x3  }
0x58: {  	_ =	swait.ge @!p0 [sflag:s0], s1  }
0x59: {  	s1 =	ssub.s32 @!p0 $0x0, s1;
	[sflag:s0] =	ssyncset.done @!p0 $0x0  }
0x5a: {  	[sflag:s0] =	ssyncadd.s32 @!p0 s1  }
0x5b: {  	[bflag:$0x3] =	sbarrier.arrive $0xFFFF  }
0x5c: {  	_ =	shalt  }

// kernel: kernel.24.cloned.1.call-start
scs
__scs_entry_jumppad:
0x0: {  	(pc) =	sbr.rel $0x88, $3  }
0x1: {  	(tag) =	ssettag $0x0;
	lr =	simm.s32 $0x1  }
0x2: {  	[smem:$0x3F9F] =	sst lr;
	_ =	strace $0xD0000000  }
0x3: {  	_ = 	snop  }
0x4: {  	_ = 	snop  }
0x5: {  	_ = 	snop  }
0x6: {  	_ = 	snop  }
0x7: {  	_ = 	snop  }
__scs_overlays_trampoline_lowered:
0x8: {  	[smem:$0x3FAE] =	sst s0  }
0x9: {  	[smem:$0x3FAF] =	sst s1  }
0xa: {  	[smem:$0x3FB0] =	sst s2  }
0xb: {  	[smem:$0x3FB1] =	sst s3  }
0xc: {  	[smem:$0x3FB2] =	sst s4  }
0xd: {  	[smem:$0x3FB3] =	sst s5  }
0xe: {  	[smem:$0x3FB4] =	sst s6  }
0xf: {  	[smem:$0x3FB5] =	sst s7  }
0x10: {  	[smem:$0x3FB6] =	sst s8  }
0x11: {  	[smem:$0x3FB7] =	sst s9;
	s0 =	simm.s32 @!p0 $0x0  }
0x12: {  	s1 =	sld [smem:$0x3F9D];
	s0 =	simm.s32 @p0 $0x1  }
0x13: {  	[smem:$0x3FB8] =	sst s0;
	s0 =	simm.s32 @!p1 $0x0  }
0x14: {  	s2 =	sld [smem:$0x3F9C];
	s0 =	simm.s32 @p1 $0x1  }
0x15: {  	[smem:$0x3FB9] =	sst s0;
	s0 =	simm.s32 @!p2 $0x0  }
0x16: {  	s3 =	sld [smem:$0x3FDB];
	s0 =	simm.s32 @p2 $0x1  }
0x17: {  	s4 =	simm.s32 $0x1BF5;
	[smem:$0x3FBB] =	sst s0  }
0x18: {  	s0 =	sld [smem:$0x3F9E];
	_ =	swait.ge [sflag:s4], $0x0  }
0x19: {  	s7 =	sld [smem:$0x3F9F]  }
0x1a: {  	s8 =	sadd.s32 $0xFFFFE003, lr  }
0x1b: {  	s9 =	sadd.s32 $0xFFFFFEF7, lr;
	s5 =	simm.s32 $0xFFFFFFFF;
	p2 =	slt.u32 s8, $0xFFFFF086  }
0x1c: {  	p1 =	slt.u32 s9, $0xF7A;
	s5 =	simm.s32 @!p2 $0x0  }
0x1d: {  	s5 =	simm.s32 @p1 $0x1;
	p0 =	seq.s32 s7, s2  }
0x1e: {  	s7 =	smul.u32 @!p0 $0xF7A, s2;
	p2 =	seq.s32 @!p0 s5, $0x0  }
0x1f: {  	s9 =	smul.u32 $0xF7A, s1;
	s8 =	simm.s32 @!p0 $0x1BF5;
	p2 =	por !p2, p0  }
0x20: {  	[sflag:s8] =	ssyncset.s32 @!p0 $0xFFFFF086;
	s6 =	sadd.s32 @!p0 s3, s7;
	s7 =	simm.s32 @!p0 $0x108  }
0x21: {  	s3 =	sadd.s32 s3, s9;
	s6 =	sadd.s32 @!p0 $0x88, s6;
	s7 =	simm.s32 @p2 $0x1082  }
0x22: {  	[simem:s7], [sflag:s8] =	dma.local @!p0 [hbm:s6], $0xF7A  }
0x23: {  	s9 =	sor.u32 $0xD0000000, s2;
	s6 =	simm.s32 $0x108;
	_ =	swait.ge @!p0 [sflag:s8], $0x0  }
0x24: {  	s3 =	sadd.s32 $0x88, s3;
	s6 =	simm.s32 @!p1 $0x1082;
	[sflag:s4] =	ssyncset.s32 $0xFFFFF086  }
0x25: {  	[simem:s6], [sflag:s4] =	dma.local [hbm:s3], $0xF7A  }
0x26: {  	[smem:$0x3F9F] =	sst s1;
	(tag) =	ssettag s2;
	_ =	strace s9  }
0x27: {  	s1 =	sld [smem:$0x3FAF]  }
0x28: {  	s2 =	sld [smem:$0x3FB0]  }
0x29: {  	s4 =	sld [smem:$0x3FB2]  }
0x2a: {  	p0 =	seq.s32 s5, $0x0;
	s5 =	sld [smem:$0x3FB3]  }
0x2b: {  	s6 =	sld [smem:$0x3FB4]  }
0x2c: {  	s7 =	sld [smem:$0x3FB5]  }
0x2d: {  	s3 =	simm.s32 $0x108;
	s8 =	sld [smem:$0x3FB6]  }
0x2e: {  	s3 =	simm.s32 @!p0 $0x1082;
	s9 =	sld [smem:$0x3FB7]  }
0x2f: {  	lr =	sadd.s32 s0, s3;
	s0 =	sld [smem:$0x3FAE]  }
0x30: {  	s3 =	sld [smem:$0x3FB1]  }
0x31: {  	[smem:$0x3FBA] =	sst s10  }
0x32: {  	s10 =	sld [smem:$0x3FB8];
	_ =	sdelay $0x3  }
0x33: {  	p0 =	seq.s32 s10, $0x1;
	s10 =	sld [smem:$0x3FBA];
	_ =	sdelay $0x3  }
0x34: {  	[smem:$0x3FBA] =	sst s10  }
0x35: {  	s10 =	sld [smem:$0x3FB9];
	_ =	sdelay $0x3  }
0x36: {  	p1 =	seq.s32 s10, $0x1;
	s10 =	sld [smem:$0x3FBA];
	_ =	sdelay $0x3  }
0x37: {  	[smem:$0x3FBA] =	sst s10  }
0x38: {  	s10 =	sld [smem:$0x3FBB]  }
0x39: {  	_ = 	snop;
	(pc) =	sbr.ind lr, $3  }
0x3a: {  	_ = 	snop  }
0x3b: {  	_ = 	snop  }
0x3c: {  	p2 =	seq.s32 s10, $0x1;
	s10 =	sld [smem:$0x3FBA]  }
0x3d: {  	_ =	shalt  }
0x3e: {  	_ =	shalt  }
0x3f: {  	_ =	shalt  }
0x40: {  	_ =	shalt  }
0x41: {  	_ =	shalt  }
0x42: {  	_ =	shalt  }
0x43: {  	_ =	shalt  }
0x44: {  	_ =	shalt  }
0x45: {  	_ =	shalt  }
0x46: {  	_ =	shalt  }
0x47: {  	_ =	shalt  }
0x48: {  	_ =	shalt  }
0x49: {  	_ =	shalt  }
0x4a: {  	_ =	shalt  }
0x4b: {  	_ =	shalt  }
0x4c: {  	_ =	shalt  }
0x4d: {  	_ =	shalt  }
0x4e: {  	_ =	shalt  }
0x4f: {  	_ =	shalt  }
0x50: {  	_ =	shalt  }
0x51: {  	_ =	shalt  }
0x52: {  	_ =	shalt  }
0x53: {  	_ =	shalt  }
0x54: {  	_ =	shalt  }
0x55: {  	_ =	shalt  }
0x56: {  	_ =	shalt  }
0x57: {  	_ =	shalt  }
0x58: {  	_ =	shalt  }
0x59: {  	_ =	shalt  }
0x5a: {  	_ =	shalt  }
0x5b: {  	_ =	shalt  }
0x5c: {  	_ =	shalt  }
0x5d: {  	_ =	shalt  }
0x5e: {  	_ =	shalt  }
0x5f: {  	_ =	shalt  }
0x60: {  	_ =	shalt  }
0x61: {  	_ =	shalt  }
0x62: {  	_ =	shalt  }
0x63: {  	_ =	shalt  }
0x64: {  	_ =	shalt  }
0x65: {  	_ =	shalt  }
0x66: {  	_ =	shalt  }
0x67: {  	_ =	shalt  }
0x68: {  	_ =	shalt  }
0x69: {  	_ =	shalt  }
0x6a: {  	_ =	shalt  }
0x6b: {  	_ =	shalt  }
0x6c: {  	_ =	shalt  }
0x6d: {  	_ =	shalt  }
0x6e: {  	_ =	shalt  }
0x6f: {  	_ =	shalt  }
0x70: {  	_ =	shalt  }
0x71: {  	_ =	shalt  }
0x72: {  	_ =	shalt  }
0x73: {  	_ =	shalt  }
0x74: {  	_ =	shalt  }
0x75: {  	_ =	shalt  }
0x76: {  	_ =	shalt  }
0x77: {  	_ =	shalt  }
0x78: {  	_ =	shalt  }
0x79: {  	_ =	shalt  }
0x7a: {  	_ =	shalt  }
0x7b: {  	_ =	shalt  }
0x7c: {  	_ =	shalt  }
0x7d: {  	_ =	shalt  }
0x7e: {  	_ =	shalt  }
0x7f: {  	_ =	shalt  }
0x80: {  	_ =	shalt  }
0x81: {  	_ =	shalt  }
0x82: {  	_ =	shalt  }
0x83: {  	_ =	shalt  }
0x84: {  	_ =	shalt  }
0x85: {  	_ =	shalt  }
0x86: {  	_ =	shalt  }
0x87: {  	_ =	shalt  }
.Lfunc_end0:
.L_simem_size_0:
called_computation.2_lowered:
.L_overlay_start_0:
0x88: {  	s2 =	sld [smem:$0x3FD9]  }
0x89: {  	s3 =	sld [smem:$0x3FFE];
	_ =	sdelay $0x1  }
0x8a: {  	s1 =	srdreg.scid  }
0x8b: {  	s0 =	sand.u32 $0x1, s1  }
0x8c: {  	s17 =	sshll.u32 s0, $0xA;
	s2 =	sadd.s32 s3, s2  }
0x8d: {  	s2 =	sadd.s32 s2, s17  }
0x8e: {  	[smem:$0x3FC6] =	sst s2  }
0x8f: {  	_ = 	snop  }
0x90: {  	s18 =	sld [smem:$0x3FC8];
	(tm) =	ssettm $0x1  }
0x91: {  	s19 =	sld [smem:$0x3FFB];
	_ =	sdelay $0x3  }
0x92: {  	_ =	strace s19  }
0x93: {  	s2 =	sld [smem:$0x3FFC];
	_ =	sdelay $0x3  }
0x94: {  	_ =	strace s2  }
0x95: {  	s2 =	sld [smem:$0x3FFD];
	_ =	sdelay $0x3  }
0x96: {  	_ =	strace s2  }
0x97: {  	_ =	strace $0x8FFFFFFF  }
0x98: {  	s20 =	sld [smem:$0x3FDB];
	_ =	sdelay $0x1  }
0x99: {  	s4 =	simm.s32 $_scs_section_size  }
0x9a: {  	s5 =	simm.s32 $_size__tile_overlayer_lowered;
	s6 =	simm.s32 $_tile_overlayer_lowered  }
0x9b: {  	s7 =	simm.s32 $0x1BFF;
	s21 =	sshll.u32 s6, $0x1;
	s4 =	sadd.s32 s4, s20  }
0x9c: {  	s22 =	simm.s32 $0x0;
	s5 =	sshll.u32 s5, $0x1;
	s6 =	sadd.s32 s21, s4  }
0x9d: {  	[timem:s22], [sflag:s7] =	dma.local [hbm:s6], s5  }
0x9e: {  	_ =	swait.ge [sflag:s7], s5  }
0x9f: {  	s5 =	ssub.s32 $0x0, s5;
	[sflag:s7] =	ssyncset.done $0x0  }
0xa0: {  	[sflag:s7] =	ssyncadd.s32 s5;
	_ =	sdelay $0x1  }
0xa1: {  	s23 =	simm.s32 $0x1B8B  }
0xa2: {  	_ =	swait.ge [sflag:s23], $0x1  }
0xa3: {  	[sflag:s23] =	ssyncset.done $0x0  }
0xa4: {  	[sflag:s23] =	ssyncadd.s32 $0xFFFFFFFF  }
0xa5: {  	s5 =	sld [smem:$0x0]  }
0xa6: {  	s6 =	sand.u32 $0xFFFFFFFE, s1  }
0xa7: {  	p0 =	sne.s32 s1, s6  }
0xa8: {  	s6 =	sshll.u32 @p0 s6, $0xE  }
0xa9: {  	s6 =	sadd.s32 @p0 $0x11B8D, s6;
	s7 =	sshll.u32 @p0 s5, $0x11  }
0xaa: {  	s6 =	sor.u32 @p0 s7, s6  }
0xab: {  	[sflag:s6] =	ssyncadd.remote.s32 @p0 $0x1;
	_ =	sdelay $0x1  }
0xac: {  	s6 =	simm.s32 @p0 $0x1B8D  }
0xad: {  	_ =	swait.eq @p0 [sflag:s6], $0x1  }
0xae: {  	[sflag:s6] =	ssyncadd.s32 @p0 $0xFFFFFFFF  }
0xaf: {  	s7 =	sshll.u32 @!p0 s1, $0xE  }
0xb0: {  	s7 =	sor.u32 @!p0 $0x4000, s7;
	s6 =	simm.s32 @!p0 $0x1B8D  }
0xb1: {  	s5 =	sshll.u32 @!p0 s5, $0x11;
	s7 =	sadd.s32 @!p0 $0x11B8D, s7;
	_ =	swait.eq @!p0 [sflag:s6], $0x1  }
0xb2: {  	s5 =	sor.u32 @!p0 s5, s7;
	[sflag:s6] =	ssyncadd.s32 @!p0 $0xFFFFFFFF  }
0xb3: {  	s25 =	simm.s32 $0x1B8E;
	s24 =	sld [smem:$0x3FFE];
	[sflag:s5] =	ssyncadd.remote.s32 @!p0 $0x1  }
0xb4: {  	s26 =	simm.s32 $execute0_lowered;
	[smem:$0x3FD2] =	sst s25  }
0xb5: {  	s6 =	sshll.u32 s26, $0x1;
	_ =	strace $0x8000004C;
	[dreg:$0x1] =	wrdreg $0xFFFFFFFF  }
0xb6: {  	s28 =	simm.s32 $_size_execute0_lowered;
	s4 =	sadd.s32 s4, s6;
	[dreg:$0x0] =	wrdreg $0x0  }
0xb7: {  	s6 =	sshll.u32 s28, $0x1;
	[dreg:$0x2] =	wrdreg s4  }
0xb8: {  	[dreg:$0x3] =	wrdreg s6  }
0xb9: {  	[dreg:$0x4] =	wrdreg $0xC0  }
0xba: {  	_ =	task [dreg:s22], $0x5FFFF  }
0xbb: {  	[dreg:$0x1] =	wrdreg $0xFFFFFFFF  }
0xbc: {  	[dreg:$0x0] =	wrdreg $0x60  }
0xbd: {  	[dreg:$0x2] =	wrdreg s24  }
0xbe: {  	[dreg:$0x3] =	wrdreg s18  }
0xbf: {  	[dreg:$0x4] =	wrdreg $0xB  }
0xc0: {  	_ =	task.clear_ibuf [dreg:s22], $0x5FFFF;
	_ =	strace $0x9000004C  }
0xc1: {  	s29 =	simm.s32 $0xB;
	_ =	strace $0x8000004E  }
0xc2: {  	_ =	swait.ge [sflag:s29], $0x1  }
0xc3: {  	[sflag:s29] =	ssyncadd.s32 $0xFFFFFFFF  }
0xc4: {  	_ =	strace $0x9000004E  }
0xc5: {  	_ =	sfence  }
0xc6: {  	s30 =	sld [smem:$0x0];
	_ =	sdelay $0x2  }
0xc7: {  	s31 =	sshll.u32 s1, $0xD;
	s1 =	sshrl.u32 s1, $0x2  }
0xc8: {  	s4 =	sand.u32 $0x4000, s31;
	s1 =	sadd.s32 s1, s30  }
0xc9: {  	s0 =	sor.u32 s4, s0;
	s1 =	sshll.u32 s1, $0x11  }
0xca: {  	s0 =	sor.u32 s1, s0  }
0xcb: {  	s0 =	sadd.s32 $0x8F2B, s0  }
0xcc: {  	[sflag:s0] =	ssyncadd.remote.s32 $0x1  }
0xcd: {  	_ =	sfence.sel $0xFFFF  }
0xce: {  	[dreg:$0x0] =	wrdreg $0xFFFFFFFF;
	(pc) =	sbr.abs _section_cstart, $3  }
0xcf: {  	[dreg:$0x1] =	wrdreg $0xFFFFFFFF  }
0xd0: {  	_ =	task.clear_ibuf [dreg:s22], $0x2FFFF;
	_ =	strace $0x9FFFFFFF  }
0xd1: {  	(tm) =	ssettm $0x7FFFFFFF  }
tec
execute0_lowered:
.L_overlay_start_1:
0x0: {  	(tag) =	ssettag $0x1  }
0x1: {  	s4 =	rddreg [dreg:$0x0]  }
0x2: {  	s2 =	rddreg [dreg:$0x1]  }
0x3: {  	s0 =	rddreg [dreg:$0x2];
	s5 =	srdreg.scid  }
0x4: {  	s1 =	stileid.u32;
	s3 =	simm.s32 $0x0;
	s13 =	simm.s32 $0x1  }
0x5: {  	s14 =	simm.s32 $0x2;
	s15 =	simm.s32 $0x0;
	s9 =	smul.u32 $0xC8000, s1  }
0x6: {  	s5 =	sand.u32 $0x1, s5;
	s6 =	sshll.u32 s1, $0x1;
	s12 =	smul.u32 $0x19000, s1  }
0x7: {  	[smem:$0x7FF] =	sst s3;
	s10 =	sadd.s32 $0x342400, s4;
	s11 =	smul.u32 $0x64000, s5  }
0x8: {  	s6 =	sor.u32 s5, s6;
	_ =	strace $0x8000004D;
	s28 =	smul.u32 $0xC800, s5  }
0x9: {  	s8 =	ssub.s32 $0x2, s5;
	s7 =	sshll.u32 s6, $0x9;
	s6 =	smul.u32 $0x64000, s6  }
0xa: {  	s26 =	sshrl.u32 s8, $0x1;
	s29 =	sadd.s32 s12, s10;
	s12 =	simm.s32 $0x5000  }
0xb: {  	s7 =	sadd.s32 s7, s4;
	s8 =	ssub.s32 s8, s26;
	s9 =	sadd.s32 s11, s9  }
0xc: {  	s31 =	sadd.s32 s28, s29;
	s11 =	simm.s32 $0x1000;
	s6 =	sshrl.u32 s6, $0x3  }
0xd: {  	s4 =	sadd.s32 $0x19A400, s7;
	s30 =	sshrl.u32 s9, $0x3;
	s9 =	simm.s32 $0x3  }
0xe: {  	s6 =	sadd.s32 s10, s6;
	s7 =	sadd.s32 s30, s10;
	s10 =	simm.s32 $0x80  }
0xf: {  	s5 =	sadd.s32 $0xC000, s6;
	s6 =	smax.u32 s8, $0x1;
	s8 =	sadd.s32 $0x800, s31  }
.LBB2_1:
0x10: {  	[tilespmem:s3], [sflag:$0x3] =	stream.linear.gather [hbm4b:s4+s3], $0xC80, $0x38;
	[tilespmem:$0x9000] =	vst v63  }
0x11: {  	_ =	swait.ge [sflag:s9], $0xC80  }
0x12: {  	[sflag:s9] =	ssyncset.done $0x0  }
0x13: {  	[sflag:s9] =	ssyncadd.s32 $0xFFFFF380  }
0x14: {  	[tilespmem:s11], [sflag:$0x1] =	stream.indirect.gather [hbm4b:s2+s10], $0x80, s3, s10, $0xb8;
	[tilespmem:$0x9000] =	vst v63  }
0x15: {  	s16 =	simm.s32 $0x80  }
0x16: {  	[tilespmem:s12], [sflag:$0x2] =	stream.indirect.gather [hbm4b:s2+s10], $0x80, s16, s10, $0xb8;
	[tilespmem:$0x9000] =	vst v63  }
0x17: {  	_ =	swait.ge [sflag:s13], $0x4000  }
0x18: {  	[sflag:s13] =	ssyncset.done $0x0  }
0x19: {  	s29 =	sadd.s32 $0x0, s7;
	[sflag:s13] =	ssyncadd.s32 $0xFFFFC000  }
0x1a: {  	[hbm4b:s29+s3] =	stream.linear.scatter [tilespmem:s11], [sflag:$0x3], $0x4000, $0x38;
	[tilespmem:$0x9000] =	vst v63  }
0x1b: {  	_ =	swait.ge [sflag:s9], $0x4000  }
0x1c: {  	[sflag:s9] =	ssyncset.done $0x0  }
0x1d: {  	s30 =	simm.s32 $0x100;
	[sflag:s9] =	ssyncadd.s32 $0xFFFFC000  }
0x1e: {  	[tilespmem:s11], [sflag:$0x1] =	stream.indirect.gather [hbm4b:s2+s10], $0x80, s30, s10, $0xb8;
	[tilespmem:$0x9000] =	vst v63  }
0x1f: {  	_ =	swait.ge [sflag:s14], $0x4000  }
0x20: {  	[sflag:s14] =	ssyncset.done $0x0  }
0x21: {  	s31 =	sadd.s32 $0x0, s8;
	[sflag:s14] =	ssyncadd.s32 $0xFFFFC000  }
0x22: {  	[hbm4b:s31+s3] =	stream.linear.scatter [tilespmem:s12], [sflag:$0x3], $0x4000, $0x38;
	[tilespmem:$0x9000] =	vst v63  }
0x23: {  	s18 =	simm.s32 $0x2000;
	_ =	swait.ge [sflag:s9], $0x4000  }
0x24: {  	s17 =	simm.s32 $0x200;
	s16 =	simm.s32 $0x1000;
	[sflag:s9] =	ssyncset.done $0x0  }
.LBB2_2:
0x25: {  	p0 =	sne.s32 s18, $0xB000;
	s19 =	sadd.s32 $0xFFFFFF80, s17;
	[sflag:s9] =	ssyncadd.s32 $0xFFFFC000  }
0x26: {  	[tilespmem:s12], [sflag:$0x2] =	stream.indirect.gather [hbm4b:s2+s10], $0x80, s19, s10, $0xb8;
	[tilespmem:$0x9000] =	vst v63  }
0x27: {  	s19 =	smov.u32 s18;
	s18 =	sadd.s32 $0x1000, s18;
	_ =	swait.ge [sflag:s13], $0x4000  }
0x28: {  	[sflag:s13] =	ssyncset.done $0x0  }
0x29: {  	s20 =	sadd.s32 s16, s7;
	[sflag:s13] =	ssyncadd.s32 $0xFFFFC000  }
0x2a: {  	[hbm4b:s20+s3] =	stream.linear.scatter [tilespmem:s11], [sflag:$0x3], $0x4000, $0x38;
	[tilespmem:$0x9000] =	vst v63  }
0x2b: {  	_ =	swait.ge [sflag:s9], $0x4000  }
0x2c: {  	[sflag:s9] =	ssyncset.done $0x0  }
0x2d: {  	[sflag:s9] =	ssyncadd.s32 $0xFFFFC000  }
0x2e: {  	[tilespmem:s11], [sflag:$0x1] =	stream.indirect.gather [hbm4b:s2+s10], $0x80, s17, s10, $0xb8;
	[tilespmem:$0x9000] =	vst v63  }
0x2f: {  	_ =	swait.ge [sflag:s14], $0x4000  }
.Ltmp0:
0x30: {  	[sflag:s14] =	ssyncset.done $0x0;
	(pc) =	sbr.rel @p0 .LBB2_2-.Ltmp0, $4  }
0x31: {  	s20 =	sadd.s32 s16, s8;
	s16 =	smov.u32 s19;
	[sflag:s14] =	ssyncadd.s32 $0xFFFFC000  }
0x32: {  	[hbm4b:s20+s3] =	stream.linear.scatter [tilespmem:s12], [sflag:$0x3], $0x4000, $0x38;
	[tilespmem:$0x9000] =	vst v63  }
0x33: {  	_ =	swait.ge [sflag:s9], $0x4000  }
0x34: {  	s17 =	sadd.s32 $0x100, s17;
	[sflag:s9] =	ssyncset.done $0x0  }
0x35: {  	s18 =	sadd.s32 $0xFFFFFF80, s17;
	[sflag:s9] =	ssyncadd.s32 $0xFFFFC000  }
0x36: {  	[tilespmem:s12], [sflag:$0x2] =	stream.indirect.gather [hbm4b:s2+s10], $0x80, s18, s10, $0xb8;
	[tilespmem:$0x9000] =	vst v63  }
0x37: {  	_ =	swait.ge [sflag:s13], $0x4000  }
0x38: {  	[sflag:s13] =	ssyncset.done $0x0  }
0x39: {  	s30 =	sadd.s32 s16, s7;
	[sflag:s13] =	ssyncadd.s32 $0xFFFFC000  }
0x3a: {  	[hbm4b:s30+s3] =	stream.linear.scatter [tilespmem:s11], [sflag:$0x3], $0x4000, $0x38;
	[tilespmem:$0x9000] =	vst v63  }
0x3b: {  	_ =	swait.ge [sflag:s9], $0x4000  }
0x3c: {  	[sflag:s9] =	ssyncset.done $0x0  }
0x3d: {  	[sflag:s9] =	ssyncadd.s32 $0xFFFFC000  }
0x3e: {  	[tilespmem:s11], [sflag:$0x1] =	stream.indirect.gather [hbm4b:s2+s10], $0x80, s17, s10, $0xb8;
	[tilespmem:$0x9000] =	vst v63  }
0x3f: {  	_ =	swait.ge [sflag:s14], $0x4000  }
0x40: {  	[sflag:s14] =	ssyncset.done $0x0  }
0x41: {  	s31 =	sadd.s32 s16, s8;
	[sflag:s14] =	ssyncadd.s32 $0xFFFFC000  }
0x42: {  	[hbm4b:s31+s3] =	stream.linear.scatter [tilespmem:s12], [sflag:$0x3], $0x4000, $0x38;
	[tilespmem:$0x9000] =	vst v63  }
0x43: {  	_ =	swait.ge [sflag:s9], $0x4000  }
0x44: {  	[sflag:s9] =	ssyncset.done $0x0  }
0x45: {  	[sflag:s9] =	ssyncadd.s32 $0xFFFFC000  }
0x46: {  	s15 =	sadd.s32 $0x1, s15;
	_ =	swait.ge [sflag:s13], $0x4000  }
0x47: {  	p0 =	sne.s32 s15, s6;
	[sflag:s13] =	ssyncset.done $0x0  }
.Ltmp1:
0x48: {  	[sflag:s13] =	ssyncadd.s32 $0xFFFFC000;
	(pc) =	sbr.rel @p0 .LBB2_1-.Ltmp1, $4  }
0x49: {  	[hbm4b:s5+s3] =	stream.linear.scatter [tilespmem:s11], [sflag:$0x3], $0x4000, $0x38;
	[tilespmem:$0x9000] =	vst v63  }
0x4a: {  	_ =	swait.ge [sflag:s9], $0x4000  }
0x4b: {  	[sflag:s9] =	ssyncset.done $0x0  }
0x4c: {  	[sflag:s9] =	ssyncadd.s32 $0xFFFFC000  }
0x4d: {  	_ =	sfence.sel $0x180000  }
0x4e: {  	[bflag:$0x0] =	sbarrier.arrive $0xFFFF  }
0x4f: {  	p0 =	sne.s32 s1, $0x0;
	_ =	strace $0x9000004D  }
0x50: {  	s0 =	sadd.s32 @!p0 $0x100000, s0;
	[bflag:$0x2] =	sbarrier.arrive $0xFFFF  }
0x51: {  	[sflag:s0] =	ssyncadd.tile.s32 @!p0 $0x1;
	_ =	shalt  }
.Lfunc_end2:
_tile_overlayer_lowered:
.L_overlay_start_2:
0x52: {  	(tag) =	ssettag $0x2  }
0x53: {  	s0 =	rddreg [dreg:$0x0];
	s2 =	stileid.u32  }
0x54: {  	s1 =	rddreg [dreg:$0x1];
	p0 =	sne.s32 s2, $0x0  }
0x55: {  	s3 =	rddreg [dreg:$0x2];
	[bflag:$0x3] =	sbarrier.arrive $0xFFFF;
	s2 =	simm.s32 @!p0 $0x1C03  }
0x56: {  	[timem:s3], [sflag:s2] =	dma.local @!p0 [hbm:s0], s1  }
0x57: {  	s0 =	simm.s32 @!p0 $0x3  }
0x58: {  	_ =	swait.ge @!p0 [sflag:s0], s1  }
0x59: {  	s1 =	ssub.s32 @!p0 $0x0, s1;
	[sflag:s0] =	ssyncset.done @!p0 $0x0  }
0x5a: {  	[sflag:s0] =	ssyncadd.s32 @!p0 s1  }
0x5b: {  	[bflag:$0x3] =	sbarrier.arrive $0xFFFF  }
0x5c: {  	_ =	shalt  }

// kernel: kernel.27.cloned.1.call-start
scs
__scs_entry_jumppad:
0x0: {  	(pc) =	sbr.rel $0x88, $3  }
0x1: {  	(tag) =	ssettag $0x0;
	lr =	simm.s32 $0x1  }
0x2: {  	[smem:$0x3F9F] =	sst lr;
	_ =	strace $0xD0000000  }
0x3: {  	_ = 	snop  }
0x4: {  	_ = 	snop  }
0x5: {  	_ = 	snop  }
0x6: {  	_ = 	snop  }
0x7: {  	_ = 	snop  }
__scs_overlays_trampoline_lowered:
0x8: {  	[smem:$0x3FAE] =	sst s0  }
0x9: {  	[smem:$0x3FAF] =	sst s1  }
0xa: {  	[smem:$0x3FB0] =	sst s2  }
0xb: {  	[smem:$0x3FB1] =	sst s3  }
0xc: {  	[smem:$0x3FB2] =	sst s4  }
0xd: {  	[smem:$0x3FB3] =	sst s5  }
0xe: {  	[smem:$0x3FB4] =	sst s6  }
0xf: {  	[smem:$0x3FB5] =	sst s7  }
0x10: {  	[smem:$0x3FB6] =	sst s8  }
0x11: {  	[smem:$0x3FB7] =	sst s9;
	s0 =	simm.s32 @!p0 $0x0  }
0x12: {  	s1 =	sld [smem:$0x3F9D];
	s0 =	simm.s32 @p0 $0x1  }
0x13: {  	[smem:$0x3FB8] =	sst s0;
	s0 =	simm.s32 @!p1 $0x0  }
0x14: {  	s2 =	sld [smem:$0x3F9C];
	s0 =	simm.s32 @p1 $0x1  }
0x15: {  	[smem:$0x3FB9] =	sst s0;
	s0 =	simm.s32 @!p2 $0x0  }
0x16: {  	s3 =	sld [smem:$0x3FDB];
	s0 =	simm.s32 @p2 $0x1  }
0x17: {  	s4 =	simm.s32 $0x1BF5;
	[smem:$0x3FBB] =	sst s0  }
0x18: {  	s0 =	sld [smem:$0x3F9E];
	_ =	swait.ge [sflag:s4], $0x0  }
0x19: {  	s7 =	sld [smem:$0x3F9F]  }
0x1a: {  	s8 =	sadd.s32 $0xFFFFE003, lr  }
0x1b: {  	s9 =	sadd.s32 $0xFFFFFEF7, lr;
	s5 =	simm.s32 $0xFFFFFFFF;
	p2 =	slt.u32 s8, $0xFFFFF086  }
0x1c: {  	p1 =	slt.u32 s9, $0xF7A;
	s5 =	simm.s32 @!p2 $0x0  }
0x1d: {  	s5 =	simm.s32 @p1 $0x1;
	p0 =	seq.s32 s7, s2  }
0x1e: {  	s7 =	smul.u32 @!p0 $0xF7A, s2;
	p2 =	seq.s32 @!p0 s5, $0x0  }
0x1f: {  	s9 =	smul.u32 $0xF7A, s1;
	s8 =	simm.s32 @!p0 $0x1BF5;
	p2 =	por !p2, p0  }
0x20: {  	[sflag:s8] =	ssyncset.s32 @!p0 $0xFFFFF086;
	s6 =	sadd.s32 @!p0 s3, s7;
	s7 =	simm.s32 @!p0 $0x108  }
0x21: {  	s3 =	sadd.s32 s3, s9;
	s6 =	sadd.s32 @!p0 $0x88, s6;
	s7 =	simm.s32 @p2 $0x1082  }
0x22: {  	[simem:s7], [sflag:s8] =	dma.local @!p0 [hbm:s6], $0xF7A  }
0x23: {  	s9 =	sor.u32 $0xD0000000, s2;
	s6 =	simm.s32 $0x108;
	_ =	swait.ge @!p0 [sflag:s8], $0x0  }
0x24: {  	s3 =	sadd.s32 $0x88, s3;
	s6 =	simm.s32 @!p1 $0x1082;
	[sflag:s4] =	ssyncset.s32 $0xFFFFF086  }
0x25: {  	[simem:s6], [sflag:s4] =	dma.local [hbm:s3], $0xF7A  }
0x26: {  	[smem:$0x3F9F] =	sst s1;
	(tag) =	ssettag s2;
	_ =	strace s9  }
0x27: {  	s1 =	sld [smem:$0x3FAF]  }
0x28: {  	s2 =	sld [smem:$0x3FB0]  }
0x29: {  	s4 =	sld [smem:$0x3FB2]  }
0x2a: {  	p0 =	seq.s32 s5, $0x0;
	s5 =	sld [smem:$0x3FB3]  }
0x2b: {  	s6 =	sld [smem:$0x3FB4]  }
0x2c: {  	s7 =	sld [smem:$0x3FB5]  }
0x2d: {  	s3 =	simm.s32 $0x108;
	s8 =	sld [smem:$0x3FB6]  }
0x2e: {  	s3 =	simm.s32 @!p0 $0x1082;
	s9 =	sld [smem:$0x3FB7]  }
0x2f: {  	lr =	sadd.s32 s0, s3;
	s0 =	sld [smem:$0x3FAE]  }
0x30: {  	s3 =	sld [smem:$0x3FB1]  }
0x31: {  	[smem:$0x3FBA] =	sst s10  }
0x32: {  	s10 =	sld [smem:$0x3FB8];
	_ =	sdelay $0x3  }
0x33: {  	p0 =	seq.s32 s10, $0x1;
	s10 =	sld [smem:$0x3FBA];
	_ =	sdelay $0x3  }
0x34: {  	[smem:$0x3FBA] =	sst s10  }
0x35: {  	s10 =	sld [smem:$0x3FB9];
	_ =	sdelay $0x3  }
0x36: {  	p1 =	seq.s32 s10, $0x1;
	s10 =	sld [smem:$0x3FBA];
	_ =	sdelay $0x3  }
0x37: {  	[smem:$0x3FBA] =	sst s10  }
0x38: {  	s10 =	sld [smem:$0x3FBB]  }
0x39: {  	_ = 	snop;
	(pc) =	sbr.ind lr, $3  }
0x3a: {  	_ = 	snop  }
0x3b: {  	_ = 	snop  }
0x3c: {  	p2 =	seq.s32 s10, $0x1;
	s10 =	sld [smem:$0x3FBA]  }
0x3d: {  	_ =	shalt  }
0x3e: {  	_ =	shalt  }
0x3f: {  	_ =	shalt  }
0x40: {  	_ =	shalt  }
0x41: {  	_ =	shalt  }
0x42: {  	_ =	shalt  }
0x43: {  	_ =	shalt  }
0x44: {  	_ =	shalt  }
0x45: {  	_ =	shalt  }
0x46: {  	_ =	shalt  }
0x47: {  	_ =	shalt  }
0x48: {  	_ =	shalt  }
0x49: {  	_ =	shalt  }
0x4a: {  	_ =	shalt  }
0x4b: {  	_ =	shalt  }
0x4c: {  	_ =	shalt  }
0x4d: {  	_ =	shalt  }
0x4e: {  	_ =	shalt  }
0x4f: {  	_ =	shalt  }
0x50: {  	_ =	shalt  }
0x51: {  	_ =	shalt  }
0x52: {  	_ =	shalt  }
0x53: {  	_ =	shalt  }
0x54: {  	_ =	shalt  }
0x55: {  	_ =	shalt  }
0x56: {  	_ =	shalt  }
0x57: {  	_ =	shalt  }
0x58: {  	_ =	shalt  }
0x59: {  	_ =	shalt  }
0x5a: {  	_ =	shalt  }
0x5b: {  	_ =	shalt  }
0x5c: {  	_ =	shalt  }
0x5d: {  	_ =	shalt  }
0x5e: {  	_ =	shalt  }
0x5f: {  	_ =	shalt  }
0x60: {  	_ =	shalt  }
0x61: {  	_ =	shalt  }
0x62: {  	_ =	shalt  }
0x63: {  	_ =	shalt  }
0x64: {  	_ =	shalt  }
0x65: {  	_ =	shalt  }
0x66: {  	_ =	shalt  }
0x67: {  	_ =	shalt  }
0x68: {  	_ =	shalt  }
0x69: {  	_ =	shalt  }
0x6a: {  	_ =	shalt  }
0x6b: {  	_ =	shalt  }
0x6c: {  	_ =	shalt  }
0x6d: {  	_ =	shalt  }
0x6e: {  	_ =	shalt  }
0x6f: {  	_ =	shalt  }
0x70: {  	_ =	shalt  }
0x71: {  	_ =	shalt  }
0x72: {  	_ =	shalt  }
0x73: {  	_ =	shalt  }
0x74: {  	_ =	shalt  }
0x75: {  	_ =	shalt  }
0x76: {  	_ =	shalt  }
0x77: {  	_ =	shalt  }
0x78: {  	_ =	shalt  }
0x79: {  	_ =	shalt  }
0x7a: {  	_ =	shalt  }
0x7b: {  	_ =	shalt  }
0x7c: {  	_ =	shalt  }
0x7d: {  	_ =	shalt  }
0x7e: {  	_ =	shalt  }
0x7f: {  	_ =	shalt  }
0x80: {  	_ =	shalt  }
0x81: {  	_ =	shalt  }
0x82: {  	_ =	shalt  }
0x83: {  	_ =	shalt  }
0x84: {  	_ =	shalt  }
0x85: {  	_ =	shalt  }
0x86: {  	_ =	shalt  }
0x87: {  	_ =	shalt  }
.Lfunc_end0:
.L_simem_size_0:
called_computation.3_lowered:
.L_overlay_start_0:
0x88: {  	s2 =	sld [smem:$0x3FD9]  }
0x89: {  	s3 =	sld [smem:$0x3FFE];
	_ =	sdelay $0x1  }
0x8a: {  	s1 =	srdreg.scid  }
0x8b: {  	s0 =	sand.u32 $0x1, s1  }
0x8c: {  	s17 =	sshll.u32 s0, $0xA;
	s2 =	sadd.s32 s3, s2  }
0x8d: {  	s2 =	sadd.s32 s2, s17  }
0x8e: {  	[smem:$0x3FC6] =	sst s2  }
0x8f: {  	_ = 	snop  }
0x90: {  	s18 =	sld [smem:$0x3FC8];
	(tm) =	ssettm $0x1  }
0x91: {  	s19 =	sld [smem:$0x3FFB];
	_ =	sdelay $0x3  }
0x92: {  	_ =	strace s19  }
0x93: {  	s2 =	sld [smem:$0x3FFC];
	_ =	sdelay $0x3  }
0x94: {  	_ =	strace s2  }
0x95: {  	s2 =	sld [smem:$0x3FFD];
	_ =	sdelay $0x3  }
0x96: {  	_ =	strace s2  }
0x97: {  	_ =	strace $0x8FFFFFFF  }
0x98: {  	s20 =	sld [smem:$0x3FDB];
	_ =	sdelay $0x1  }
0x99: {  	s4 =	simm.s32 $_scs_section_size  }
0x9a: {  	s5 =	simm.s32 $_size__tile_overlayer_lowered;
	s6 =	simm.s32 $_tile_overlayer_lowered  }
0x9b: {  	s7 =	simm.s32 $0x1BFF;
	s21 =	sshll.u32 s6, $0x1;
	s4 =	sadd.s32 s4, s20  }
0x9c: {  	s22 =	simm.s32 $0x0;
	s5 =	sshll.u32 s5, $0x1;
	s6 =	sadd.s32 s21, s4  }
0x9d: {  	[timem:s22], [sflag:s7] =	dma.local [hbm:s6], s5  }
0x9e: {  	_ =	swait.ge [sflag:s7], s5  }
0x9f: {  	s5 =	ssub.s32 $0x0, s5;
	[sflag:s7] =	ssyncset.done $0x0  }
0xa0: {  	[sflag:s7] =	ssyncadd.s32 s5;
	_ =	sdelay $0x1  }
0xa1: {  	s23 =	simm.s32 $0x1B8B  }
0xa2: {  	_ =	swait.ge [sflag:s23], $0x1  }
0xa3: {  	[sflag:s23] =	ssyncset.done $0x0  }
0xa4: {  	[sflag:s23] =	ssyncadd.s32 $0xFFFFFFFF  }
0xa5: {  	s5 =	sld [smem:$0x0]  }
0xa6: {  	s6 =	sand.u32 $0xFFFFFFFE, s1  }
0xa7: {  	p0 =	sne.s32 s1, s6  }
0xa8: {  	s6 =	sshll.u32 @p0 s6, $0xE  }
0xa9: {  	s6 =	sadd.s32 @p0 $0x11B8D, s6;
	s7 =	sshll.u32 @p0 s5, $0x11  }
0xaa: {  	s6 =	sor.u32 @p0 s7, s6  }
0xab: {  	[sflag:s6] =	ssyncadd.remote.s32 @p0 $0x1;
	_ =	sdelay $0x1  }
0xac: {  	s6 =	simm.s32 @p0 $0x1B8D  }
0xad: {  	_ =	swait.eq @p0 [sflag:s6], $0x1  }
0xae: {  	[sflag:s6] =	ssyncadd.s32 @p0 $0xFFFFFFFF  }
0xaf: {  	s7 =	sshll.u32 @!p0 s1, $0xE  }
0xb0: {  	s7 =	sor.u32 @!p0 $0x4000, s7;
	s6 =	simm.s32 @!p0 $0x1B8D  }
0xb1: {  	s5 =	sshll.u32 @!p0 s5, $0x11;
	s7 =	sadd.s32 @!p0 $0x11B8D, s7;
	_ =	swait.eq @!p0 [sflag:s6], $0x1  }
0xb2: {  	s5 =	sor.u32 @!p0 s5, s7;
	[sflag:s6] =	ssyncadd.s32 @!p0 $0xFFFFFFFF  }
0xb3: {  	s25 =	simm.s32 $0x1B8E;
	s24 =	sld [smem:$0x3FFE];
	[sflag:s5] =	ssyncadd.remote.s32 @!p0 $0x1  }
0xb4: {  	s26 =	simm.s32 $execute0_lowered;
	[smem:$0x3FD2] =	sst s25  }
0xb5: {  	s6 =	sshll.u32 s26, $0x1;
	_ =	strace $0x8000004F;
	[dreg:$0x1] =	wrdreg $0xFFFFFFFF  }
0xb6: {  	s28 =	simm.s32 $_size_execute0_lowered;
	s4 =	sadd.s32 s4, s6;
	[dreg:$0x0] =	wrdreg $0x0  }
0xb7: {  	s6 =	sshll.u32 s28, $0x1;
	[dreg:$0x2] =	wrdreg s4  }
0xb8: {  	[dreg:$0x3] =	wrdreg s6  }
0xb9: {  	[dreg:$0x4] =	wrdreg $0xC0  }
0xba: {  	_ =	task [dreg:s22], $0x5FFFF  }
0xbb: {  	[dreg:$0x1] =	wrdreg $0xFFFFFFFF  }
0xbc: {  	[dreg:$0x0] =	wrdreg $0x60  }
0xbd: {  	[dreg:$0x2] =	wrdreg s24  }
0xbe: {  	[dreg:$0x3] =	wrdreg s18  }
0xbf: {  	[dreg:$0x4] =	wrdreg $0xC  }
0xc0: {  	_ =	task.clear_ibuf [dreg:s22], $0x5FFFF;
	_ =	strace $0x9000004F  }
0xc1: {  	s29 =	simm.s32 $0xC;
	_ =	strace $0x80000051  }
0xc2: {  	_ =	swait.ge [sflag:s29], $0x1  }
0xc3: {  	[sflag:s29] =	ssyncadd.s32 $0xFFFFFFFF  }
0xc4: {  	_ =	strace $0x90000051  }
0xc5: {  	_ =	sfence  }
0xc6: {  	s30 =	sld [smem:$0x0];
	_ =	sdelay $0x2  }
0xc7: {  	s31 =	sshll.u32 s1, $0xD;
	s1 =	sshrl.u32 s1, $0x2  }
0xc8: {  	s4 =	sand.u32 $0x4000, s31;
	s1 =	sadd.s32 s1, s30  }
0xc9: {  	s0 =	sor.u32 s4, s0;
	s1 =	sshll.u32 s1, $0x11  }
0xca: {  	s0 =	sor.u32 s1, s0  }
0xcb: {  	s0 =	sadd.s32 $0x8F2B, s0  }
0xcc: {  	[sflag:s0] =	ssyncadd.remote.s32 $0x1  }
0xcd: {  	_ =	sfence.sel $0xFFFF  }
0xce: {  	[dreg:$0x0] =	wrdreg $0xFFFFFFFF;
	(pc) =	sbr.abs _section_cstart, $3  }
0xcf: {  	[dreg:$0x1] =	wrdreg $0xFFFFFFFF  }
0xd0: {  	_ =	task.clear_ibuf [dreg:s22], $0x2FFFF;
	_ =	strace $0x9FFFFFFF  }
0xd1: {  	(tm) =	ssettm $0x7FFFFFFF  }
tec
execute0_lowered:
.L_overlay_start_1:
0x0: {  	(tag) =	ssettag $0x1  }
0x1: {  	s4 =	rddreg [dreg:$0x0]  }
0x2: {  	s2 =	rddreg [dreg:$0x1]  }
0x3: {  	s0 =	rddreg [dreg:$0x2];
	s5 =	srdreg.scid  }
0x4: {  	s1 =	stileid.u32;
	s3 =	simm.s32 $0x0;
	s13 =	simm.s32 $0x1  }
0x5: {  	s14 =	simm.s32 $0x2;
	s15 =	simm.s32 $0x0;
	s9 =	smul.u32 $0xC8000, s1  }
0x6: {  	s5 =	sand.u32 $0x1, s5;
	s6 =	sshll.u32 s1, $0x1;
	s12 =	smul.u32 $0x19000, s1  }
0x7: {  	[smem:$0x7FF] =	sst s3;
	s10 =	sadd.s32 $0x4D2400, s4;
	s11 =	smul.u32 $0x64000, s5  }
0x8: {  	s6 =	sor.u32 s5, s6;
	_ =	strace $0x80000050;
	s28 =	smul.u32 $0xC800, s5  }
0x9: {  	s8 =	ssub.s32 $0x2, s5;
	s7 =	sshll.u32 s6, $0x9;
	s6 =	smul.u32 $0x64000, s6  }
0xa: {  	s26 =	sshrl.u32 s8, $0x1;
	s29 =	sadd.s32 s12, s10;
	s12 =	simm.s32 $0x5000  }
0xb: {  	s7 =	sadd.s32 s7, s4;
	s8 =	ssub.s32 s8, s26;
	s9 =	sadd.s32 s11, s9  }
0xc: {  	s31 =	sadd.s32 s28, s29;
	s11 =	simm.s32 $0x1000;
	s6 =	sshrl.u32 s6, $0x3  }
0xd: {  	s4 =	sadd.s32 $0x19E400, s7;
	s30 =	sshrl.u32 s9, $0x3;
	s9 =	simm.s32 $0x3  }
0xe: {  	s6 =	sadd.s32 s10, s6;
	s7 =	sadd.s32 s30, s10;
	s10 =	simm.s32 $0x80  }
0xf: {  	s5 =	sadd.s32 $0xC000, s6;
	s6 =	smax.u32 s8, $0x1;
	s8 =	sadd.s32 $0x800, s31  }
.LBB2_1:
0x10: {  	[tilespmem:s3], [sflag:$0x3] =	stream.linear.gather [hbm4b:s4+s3], $0xC80, $0x38;
	[tilespmem:$0x9000] =	vst v63  }
0x11: {  	_ =	swait.ge [sflag:s9], $0xC80  }
0x12: {  	[sflag:s9] =	ssyncset.done $0x0  }
0x13: {  	[sflag:s9] =	ssyncadd.s32 $0xFFFFF380  }
0x14: {  	[tilespmem:s11], [sflag:$0x1] =	stream.indirect.gather [hbm4b:s2+s10], $0x80, s3, s10, $0xb8;
	[tilespmem:$0x9000] =	vst v63  }
0x15: {  	s16 =	simm.s32 $0x80  }
0x16: {  	[tilespmem:s12], [sflag:$0x2] =	stream.indirect.gather [hbm4b:s2+s10], $0x80, s16, s10, $0xb8;
	[tilespmem:$0x9000] =	vst v63  }
0x17: {  	_ =	swait.ge [sflag:s13], $0x4000  }
0x18: {  	[sflag:s13] =	ssyncset.done $0x0  }
0x19: {  	s29 =	sadd.s32 $0x0, s7;
	[sflag:s13] =	ssyncadd.s32 $0xFFFFC000  }
0x1a: {  	[hbm4b:s29+s3] =	stream.linear.scatter [tilespmem:s11], [sflag:$0x3], $0x4000, $0x38;
	[tilespmem:$0x9000] =	vst v63  }
0x1b: {  	_ =	swait.ge [sflag:s9], $0x4000  }
0x1c: {  	[sflag:s9] =	ssyncset.done $0x0  }
0x1d: {  	s30 =	simm.s32 $0x100;
	[sflag:s9] =	ssyncadd.s32 $0xFFFFC000  }
0x1e: {  	[tilespmem:s11], [sflag:$0x1] =	stream.indirect.gather [hbm4b:s2+s10], $0x80, s30, s10, $0xb8;
	[tilespmem:$0x9000] =	vst v63  }
0x1f: {  	_ =	swait.ge [sflag:s14], $0x4000  }
0x20: {  	[sflag:s14] =	ssyncset.done $0x0  }
0x21: {  	s31 =	sadd.s32 $0x0, s8;
	[sflag:s14] =	ssyncadd.s32 $0xFFFFC000  }
0x22: {  	[hbm4b:s31+s3] =	stream.linear.scatter [tilespmem:s12], [sflag:$0x3], $0x4000, $0x38;
	[tilespmem:$0x9000] =	vst v63  }
0x23: {  	s18 =	simm.s32 $0x2000;
	_ =	swait.ge [sflag:s9], $0x4000  }
0x24: {  	s17 =	simm.s32 $0x200;
	s16 =	simm.s32 $0x1000;
	[sflag:s9] =	ssyncset.done $0x0  }
.LBB2_2:
0x25: {  	p0 =	sne.s32 s18, $0xB000;
	s19 =	sadd.s32 $0xFFFFFF80, s17;
	[sflag:s9] =	ssyncadd.s32 $0xFFFFC000  }
0x26: {  	[tilespmem:s12], [sflag:$0x2] =	stream.indirect.gather [hbm4b:s2+s10], $0x80, s19, s10, $0xb8;
	[tilespmem:$0x9000] =	vst v63  }
0x27: {  	s19 =	smov.u32 s18;
	s18 =	sadd.s32 $0x1000, s18;
	_ =	swait.ge [sflag:s13], $0x4000  }
0x28: {  	[sflag:s13] =	ssyncset.done $0x0  }
0x29: {  	s20 =	sadd.s32 s16, s7;
	[sflag:s13] =	ssyncadd.s32 $0xFFFFC000  }
0x2a: {  	[hbm4b:s20+s3] =	stream.linear.scatter [tilespmem:s11], [sflag:$0x3], $0x4000, $0x38;
	[tilespmem:$0x9000] =	vst v63  }
0x2b: {  	_ =	swait.ge [sflag:s9], $0x4000  }
0x2c: {  	[sflag:s9] =	ssyncset.done $0x0  }
0x2d: {  	[sflag:s9] =	ssyncadd.s32 $0xFFFFC000  }
0x2e: {  	[tilespmem:s11], [sflag:$0x1] =	stream.indirect.gather [hbm4b:s2+s10], $0x80, s17, s10, $0xb8;
	[tilespmem:$0x9000] =	vst v63  }
0x2f: {  	_ =	swait.ge [sflag:s14], $0x4000  }
.Ltmp0:
0x30: {  	[sflag:s14] =	ssyncset.done $0x0;
	(pc) =	sbr.rel @p0 .LBB2_2-.Ltmp0, $4  }
0x31: {  	s20 =	sadd.s32 s16, s8;
	s16 =	smov.u32 s19;
	[sflag:s14] =	ssyncadd.s32 $0xFFFFC000  }
0x32: {  	[hbm4b:s20+s3] =	stream.linear.scatter [tilespmem:s12], [sflag:$0x3], $0x4000, $0x38;
	[tilespmem:$0x9000] =	vst v63  }
0x33: {  	_ =	swait.ge [sflag:s9], $0x4000  }
0x34: {  	s17 =	sadd.s32 $0x100, s17;
	[sflag:s9] =	ssyncset.done $0x0  }
0x35: {  	s18 =	sadd.s32 $0xFFFFFF80, s17;
	[sflag:s9] =	ssyncadd.s32 $0xFFFFC000  }
0x36: {  	[tilespmem:s12], [sflag:$0x2] =	stream.indirect.gather [hbm4b:s2+s10], $0x80, s18, s10, $0xb8;
	[tilespmem:$0x9000] =	vst v63  }
0x37: {  	_ =	swait.ge [sflag:s13], $0x4000  }
0x38: {  	[sflag:s13] =	ssyncset.done $0x0  }
0x39: {  	s30 =	sadd.s32 s16, s7;
	[sflag:s13] =	ssyncadd.s32 $0xFFFFC000  }
0x3a: {  	[hbm4b:s30+s3] =	stream.linear.scatter [tilespmem:s11], [sflag:$0x3], $0x4000, $0x38;
	[tilespmem:$0x9000] =	vst v63  }
0x3b: {  	_ =	swait.ge [sflag:s9], $0x4000  }
0x3c: {  	[sflag:s9] =	ssyncset.done $0x0  }
0x3d: {  	[sflag:s9] =	ssyncadd.s32 $0xFFFFC000  }
0x3e: {  	[tilespmem:s11], [sflag:$0x1] =	stream.indirect.gather [hbm4b:s2+s10], $0x80, s17, s10, $0xb8;
	[tilespmem:$0x9000] =	vst v63  }
0x3f: {  	_ =	swait.ge [sflag:s14], $0x4000  }
0x40: {  	[sflag:s14] =	ssyncset.done $0x0  }
0x41: {  	s31 =	sadd.s32 s16, s8;
	[sflag:s14] =	ssyncadd.s32 $0xFFFFC000  }
0x42: {  	[hbm4b:s31+s3] =	stream.linear.scatter [tilespmem:s12], [sflag:$0x3], $0x4000, $0x38;
	[tilespmem:$0x9000] =	vst v63  }
0x43: {  	_ =	swait.ge [sflag:s9], $0x4000  }
0x44: {  	[sflag:s9] =	ssyncset.done $0x0  }
0x45: {  	[sflag:s9] =	ssyncadd.s32 $0xFFFFC000  }
0x46: {  	s15 =	sadd.s32 $0x1, s15;
	_ =	swait.ge [sflag:s13], $0x4000  }
0x47: {  	p0 =	sne.s32 s15, s6;
	[sflag:s13] =	ssyncset.done $0x0  }
.Ltmp1:
0x48: {  	[sflag:s13] =	ssyncadd.s32 $0xFFFFC000;
	(pc) =	sbr.rel @p0 .LBB2_1-.Ltmp1, $4  }
0x49: {  	[hbm4b:s5+s3] =	stream.linear.scatter [tilespmem:s11], [sflag:$0x3], $0x4000, $0x38;
	[tilespmem:$0x9000] =	vst v63  }
0x4a: {  	_ =	swait.ge [sflag:s9], $0x4000  }
0x4b: {  	[sflag:s9] =	ssyncset.done $0x0  }
0x4c: {  	[sflag:s9] =	ssyncadd.s32 $0xFFFFC000  }
0x4d: {  	_ =	sfence.sel $0x180000  }
0x4e: {  	[bflag:$0x0] =	sbarrier.arrive $0xFFFF  }
0x4f: {  	p0 =	sne.s32 s1, $0x0;
	_ =	strace $0x90000050  }
0x50: {  	s0 =	sadd.s32 @!p0 $0x100000, s0;
	[bflag:$0x2] =	sbarrier.arrive $0xFFFF  }
0x51: {  	[sflag:s0] =	ssyncadd.tile.s32 @!p0 $0x1;
	_ =	shalt  }
.Lfunc_end2:
_tile_overlayer_lowered:
.L_overlay_start_2:
0x52: {  	(tag) =	ssettag $0x2  }
0x53: {  	s0 =	rddreg [dreg:$0x0];
	s2 =	stileid.u32  }
0x54: {  	s1 =	rddreg [dreg:$0x1];
	p0 =	sne.s32 s2, $0x0  }
0x55: {  	s3 =	rddreg [dreg:$0x2];
	[bflag:$0x3] =	sbarrier.arrive $0xFFFF;
	s2 =	simm.s32 @!p0 $0x1C03  }
0x56: {  	[timem:s3], [sflag:s2] =	dma.local @!p0 [hbm:s0], s1  }
0x57: {  	s0 =	simm.s32 @!p0 $0x3  }
0x58: {  	_ =	swait.ge @!p0 [sflag:s0], s1  }
0x59: {  	s1 =	ssub.s32 @!p0 $0x0, s1;
	[sflag:s0] =	ssyncset.done @!p0 $0x0  }
0x5a: {  	[sflag:s0] =	ssyncadd.s32 @!p0 s1  }
0x5b: {  	[bflag:$0x3] =	sbarrier.arrive $0xFFFF  }
0x5c: {  	_ =	shalt  }

// kernel: kernel.30.cloned.1.call-start
scs
__scs_entry_jumppad:
0x0: {  	(pc) =	sbr.rel $0x88, $3  }
0x1: {  	(tag) =	ssettag $0x0;
	lr =	simm.s32 $0x1  }
0x2: {  	[smem:$0x3F9F] =	sst lr;
	_ =	strace $0xD0000000  }
0x3: {  	_ = 	snop  }
0x4: {  	_ = 	snop  }
0x5: {  	_ = 	snop  }
0x6: {  	_ = 	snop  }
0x7: {  	_ = 	snop  }
__scs_overlays_trampoline_lowered:
0x8: {  	[smem:$0x3FAE] =	sst s0  }
0x9: {  	[smem:$0x3FAF] =	sst s1  }
0xa: {  	[smem:$0x3FB0] =	sst s2  }
0xb: {  	[smem:$0x3FB1] =	sst s3  }
0xc: {  	[smem:$0x3FB2] =	sst s4  }
0xd: {  	[smem:$0x3FB3] =	sst s5  }
0xe: {  	[smem:$0x3FB4] =	sst s6  }
0xf: {  	[smem:$0x3FB5] =	sst s7  }
0x10: {  	[smem:$0x3FB6] =	sst s8  }
0x11: {  	[smem:$0x3FB7] =	sst s9;
	s0 =	simm.s32 @!p0 $0x0  }
0x12: {  	s1 =	sld [smem:$0x3F9D];
	s0 =	simm.s32 @p0 $0x1  }
0x13: {  	[smem:$0x3FB8] =	sst s0;
	s0 =	simm.s32 @!p1 $0x0  }
0x14: {  	s2 =	sld [smem:$0x3F9C];
	s0 =	simm.s32 @p1 $0x1  }
0x15: {  	[smem:$0x3FB9] =	sst s0;
	s0 =	simm.s32 @!p2 $0x0  }
0x16: {  	s3 =	sld [smem:$0x3FDB];
	s0 =	simm.s32 @p2 $0x1  }
0x17: {  	s4 =	simm.s32 $0x1BF5;
	[smem:$0x3FBB] =	sst s0  }
0x18: {  	s0 =	sld [smem:$0x3F9E];
	_ =	swait.ge [sflag:s4], $0x0  }
0x19: {  	s7 =	sld [smem:$0x3F9F]  }
0x1a: {  	s8 =	sadd.s32 $0xFFFFE003, lr  }
0x1b: {  	s9 =	sadd.s32 $0xFFFFFEF7, lr;
	s5 =	simm.s32 $0xFFFFFFFF;
	p2 =	slt.u32 s8, $0xFFFFF086  }
0x1c: {  	p1 =	slt.u32 s9, $0xF7A;
	s5 =	simm.s32 @!p2 $0x0  }
0x1d: {  	s5 =	simm.s32 @p1 $0x1;
	p0 =	seq.s32 s7, s2  }
0x1e: {  	s7 =	smul.u32 @!p0 $0xF7A, s2;
	p2 =	seq.s32 @!p0 s5, $0x0  }
0x1f: {  	s9 =	smul.u32 $0xF7A, s1;
	s8 =	simm.s32 @!p0 $0x1BF5;
	p2 =	por !p2, p0  }
0x20: {  	[sflag:s8] =	ssyncset.s32 @!p0 $0xFFFFF086;
	s6 =	sadd.s32 @!p0 s3, s7;
	s7 =	simm.s32 @!p0 $0x108  }
0x21: {  	s3 =	sadd.s32 s3, s9;
	s6 =	sadd.s32 @!p0 $0x88, s6;
	s7 =	simm.s32 @p2 $0x1082  }
0x22: {  	[simem:s7], [sflag:s8] =	dma.local @!p0 [hbm:s6], $0xF7A  }
0x23: {  	s9 =	sor.u32 $0xD0000000, s2;
	s6 =	simm.s32 $0x108;
	_ =	swait.ge @!p0 [sflag:s8], $0x0  }
0x24: {  	s3 =	sadd.s32 $0x88, s3;
	s6 =	simm.s32 @!p1 $0x1082;
	[sflag:s4] =	ssyncset.s32 $0xFFFFF086  }
0x25: {  	[simem:s6], [sflag:s4] =	dma.local [hbm:s3], $0xF7A  }
0x26: {  	[smem:$0x3F9F] =	sst s1;
	(tag) =	ssettag s2;
	_ =	strace s9  }
0x27: {  	s1 =	sld [smem:$0x3FAF]  }
0x28: {  	s2 =	sld [smem:$0x3FB0]  }
0x29: {  	s4 =	sld [smem:$0x3FB2]  }
0x2a: {  	p0 =	seq.s32 s5, $0x0;
	s5 =	sld [smem:$0x3FB3]  }
0x2b: {  	s6 =	sld [smem:$0x3FB4]  }
0x2c: {  	s7 =	sld [smem:$0x3FB5]  }
0x2d: {  	s3 =	simm.s32 $0x108;
	s8 =	sld [smem:$0x3FB6]  }
0x2e: {  	s3 =	simm.s32 @!p0 $0x1082;
	s9 =	sld [smem:$0x3FB7]  }
0x2f: {  	lr =	sadd.s32 s0, s3;
	s0 =	sld [smem:$0x3FAE]  }
0x30: {  	s3 =	sld [smem:$0x3FB1]  }
0x31: {  	[smem:$0x3FBA] =	sst s10  }
0x32: {  	s10 =	sld [smem:$0x3FB8];
	_ =	sdelay $0x3  }
0x33: {  	p0 =	seq.s32 s10, $0x1;
	s10 =	sld [smem:$0x3FBA];
	_ =	sdelay $0x3  }
0x34: {  	[smem:$0x3FBA] =	sst s10  }
0x35: {  	s10 =	sld [smem:$0x3FB9];
	_ =	sdelay $0x3  }
0x36: {  	p1 =	seq.s32 s10, $0x1;
	s10 =	sld [smem:$0x3FBA];
	_ =	sdelay $0x3  }
0x37: {  	[smem:$0x3FBA] =	sst s10  }
0x38: {  	s10 =	sld [smem:$0x3FBB]  }
0x39: {  	_ = 	snop;
	(pc) =	sbr.ind lr, $3  }
0x3a: {  	_ = 	snop  }
0x3b: {  	_ = 	snop  }
0x3c: {  	p2 =	seq.s32 s10, $0x1;
	s10 =	sld [smem:$0x3FBA]  }
0x3d: {  	_ =	shalt  }
0x3e: {  	_ =	shalt  }
0x3f: {  	_ =	shalt  }
0x40: {  	_ =	shalt  }
0x41: {  	_ =	shalt  }
0x42: {  	_ =	shalt  }
0x43: {  	_ =	shalt  }
0x44: {  	_ =	shalt  }
0x45: {  	_ =	shalt  }
0x46: {  	_ =	shalt  }
0x47: {  	_ =	shalt  }
0x48: {  	_ =	shalt  }
0x49: {  	_ =	shalt  }
0x4a: {  	_ =	shalt  }
0x4b: {  	_ =	shalt  }
0x4c: {  	_ =	shalt  }
0x4d: {  	_ =	shalt  }
0x4e: {  	_ =	shalt  }
0x4f: {  	_ =	shalt  }
0x50: {  	_ =	shalt  }
0x51: {  	_ =	shalt  }
0x52: {  	_ =	shalt  }
0x53: {  	_ =	shalt  }
0x54: {  	_ =	shalt  }
0x55: {  	_ =	shalt  }
0x56: {  	_ =	shalt  }
0x57: {  	_ =	shalt  }
0x58: {  	_ =	shalt  }
0x59: {  	_ =	shalt  }
0x5a: {  	_ =	shalt  }
0x5b: {  	_ =	shalt  }
0x5c: {  	_ =	shalt  }
0x5d: {  	_ =	shalt  }
0x5e: {  	_ =	shalt  }
0x5f: {  	_ =	shalt  }
0x60: {  	_ =	shalt  }
0x61: {  	_ =	shalt  }
0x62: {  	_ =	shalt  }
0x63: {  	_ =	shalt  }
0x64: {  	_ =	shalt  }
0x65: {  	_ =	shalt  }
0x66: {  	_ =	shalt  }
0x67: {  	_ =	shalt  }
0x68: {  	_ =	shalt  }
0x69: {  	_ =	shalt  }
0x6a: {  	_ =	shalt  }
0x6b: {  	_ =	shalt  }
0x6c: {  	_ =	shalt  }
0x6d: {  	_ =	shalt  }
0x6e: {  	_ =	shalt  }
0x6f: {  	_ =	shalt  }
0x70: {  	_ =	shalt  }
0x71: {  	_ =	shalt  }
0x72: {  	_ =	shalt  }
0x73: {  	_ =	shalt  }
0x74: {  	_ =	shalt  }
0x75: {  	_ =	shalt  }
0x76: {  	_ =	shalt  }
0x77: {  	_ =	shalt  }
0x78: {  	_ =	shalt  }
0x79: {  	_ =	shalt  }
0x7a: {  	_ =	shalt  }
0x7b: {  	_ =	shalt  }
0x7c: {  	_ =	shalt  }
0x7d: {  	_ =	shalt  }
0x7e: {  	_ =	shalt  }
0x7f: {  	_ =	shalt  }
0x80: {  	_ =	shalt  }
0x81: {  	_ =	shalt  }
0x82: {  	_ =	shalt  }
0x83: {  	_ =	shalt  }
0x84: {  	_ =	shalt  }
0x85: {  	_ =	shalt  }
0x86: {  	_ =	shalt  }
0x87: {  	_ =	shalt  }
.Lfunc_end0:
.L_simem_size_0:
called_computation.4_lowered:
.L_overlay_start_0:
0x88: {  	s2 =	sld [smem:$0x3FD9]  }
0x89: {  	s3 =	sld [smem:$0x3FFE];
	_ =	sdelay $0x1  }
0x8a: {  	s1 =	srdreg.scid  }
0x8b: {  	s0 =	sand.u32 $0x1, s1  }
0x8c: {  	s17 =	sshll.u32 s0, $0xA;
	s2 =	sadd.s32 s3, s2  }
0x8d: {  	s2 =	sadd.s32 s2, s17  }
0x8e: {  	[smem:$0x3FC6] =	sst s2  }
0x8f: {  	_ = 	snop  }
0x90: {  	s18 =	sld [smem:$0x3FC8];
	(tm) =	ssettm $0x1  }
0x91: {  	s19 =	sld [smem:$0x3FFB];
	_ =	sdelay $0x3  }
0x92: {  	_ =	strace s19  }
0x93: {  	s2 =	sld [smem:$0x3FFC];
	_ =	sdelay $0x3  }
0x94: {  	_ =	strace s2  }
0x95: {  	s2 =	sld [smem:$0x3FFD];
	_ =	sdelay $0x3  }
0x96: {  	_ =	strace s2  }
0x97: {  	_ =	strace $0x8FFFFFFF  }
0x98: {  	s20 =	sld [smem:$0x3FDB];
	_ =	sdelay $0x1  }
0x99: {  	s4 =	simm.s32 $_scs_section_size  }
0x9a: {  	s5 =	simm.s32 $_size__tile_overlayer_lowered;
	s6 =	simm.s32 $_tile_overlayer_lowered  }
0x9b: {  	s7 =	simm.s32 $0x1BFF;
	s21 =	sshll.u32 s6, $0x1;
	s4 =	sadd.s32 s4, s20  }
0x9c: {  	s22 =	simm.s32 $0x0;
	s5 =	sshll.u32 s5, $0x1;
	s6 =	sadd.s32 s21, s4  }
0x9d: {  	[timem:s22], [sflag:s7] =	dma.local [hbm:s6], s5  }
0x9e: {  	_ =	swait.ge [sflag:s7], s5  }
0x9f: {  	s5 =	ssub.s32 $0x0, s5;
	[sflag:s7] =	ssyncset.done $0x0  }
0xa0: {  	[sflag:s7] =	ssyncadd.s32 s5;
	_ =	sdelay $0x1  }
0xa1: {  	s23 =	simm.s32 $0x1B8B  }
0xa2: {  	_ =	swait.ge [sflag:s23], $0x1  }
0xa3: {  	[sflag:s23] =	ssyncset.done $0x0  }
0xa4: {  	[sflag:s23] =	ssyncadd.s32 $0xFFFFFFFF  }
0xa5: {  	s5 =	sld [smem:$0x0]  }
0xa6: {  	s6 =	sand.u32 $0xFFFFFFFE, s1  }
0xa7: {  	p0 =	sne.s32 s1, s6  }
0xa8: {  	s6 =	sshll.u32 @p0 s6, $0xE  }
0xa9: {  	s6 =	sadd.s32 @p0 $0x11B8D, s6;
	s7 =	sshll.u32 @p0 s5, $0x11  }
0xaa: {  	s6 =	sor.u32 @p0 s7, s6  }
0xab: {  	[sflag:s6] =	ssyncadd.remote.s32 @p0 $0x1;
	_ =	sdelay $0x1  }
0xac: {  	s6 =	simm.s32 @p0 $0x1B8D  }
0xad: {  	_ =	swait.eq @p0 [sflag:s6], $0x1  }
0xae: {  	[sflag:s6] =	ssyncadd.s32 @p0 $0xFFFFFFFF  }
0xaf: {  	s7 =	sshll.u32 @!p0 s1, $0xE  }
0xb0: {  	s7 =	sor.u32 @!p0 $0x4000, s7;
	s6 =	simm.s32 @!p0 $0x1B8D  }
0xb1: {  	s5 =	sshll.u32 @!p0 s5, $0x11;
	s7 =	sadd.s32 @!p0 $0x11B8D, s7;
	_ =	swait.eq @!p0 [sflag:s6], $0x1  }
0xb2: {  	s5 =	sor.u32 @!p0 s5, s7;
	[sflag:s6] =	ssyncadd.s32 @!p0 $0xFFFFFFFF  }
0xb3: {  	s25 =	simm.s32 $0x1B8E;
	s24 =	sld [smem:$0x3FFE];
	[sflag:s5] =	ssyncadd.remote.s32 @!p0 $0x1  }
0xb4: {  	s26 =	simm.s32 $execute0_lowered;
	[smem:$0x3FD2] =	sst s25  }
0xb5: {  	s6 =	sshll.u32 s26, $0x1;
	_ =	strace $0x80000052;
	[dreg:$0x1] =	wrdreg $0xFFFFFFFF  }
0xb6: {  	s28 =	simm.s32 $_size_execute0_lowered;
	s4 =	sadd.s32 s4, s6;
	[dreg:$0x0] =	wrdreg $0x0  }
0xb7: {  	s6 =	sshll.u32 s28, $0x1;
	[dreg:$0x2] =	wrdreg s4  }
0xb8: {  	[dreg:$0x3] =	wrdreg s6  }
0xb9: {  	[dreg:$0x4] =	wrdreg $0xC0  }
0xba: {  	_ =	task [dreg:s22], $0x5FFFF  }
0xbb: {  	[dreg:$0x1] =	wrdreg $0xFFFFFFFF  }
0xbc: {  	[dreg:$0x0] =	wrdreg $0x60  }
0xbd: {  	[dreg:$0x2] =	wrdreg s24  }
0xbe: {  	[dreg:$0x3] =	wrdreg s18  }
0xbf: {  	[dreg:$0x4] =	wrdreg $0xD  }
0xc0: {  	_ =	task.clear_ibuf [dreg:s22], $0x5FFFF;
	_ =	strace $0x90000052  }
0xc1: {  	s29 =	simm.s32 $0xD;
	_ =	strace $0x80000054  }
0xc2: {  	_ =	swait.ge [sflag:s29], $0x1  }
0xc3: {  	[sflag:s29] =	ssyncadd.s32 $0xFFFFFFFF  }
0xc4: {  	_ =	strace $0x90000054  }
0xc5: {  	_ =	sfence  }
0xc6: {  	s30 =	sld [smem:$0x0];
	_ =	sdelay $0x2  }
0xc7: {  	s31 =	sshll.u32 s1, $0xD;
	s1 =	sshrl.u32 s1, $0x2  }
0xc8: {  	s4 =	sand.u32 $0x4000, s31;
	s1 =	sadd.s32 s1, s30  }
0xc9: {  	s0 =	sor.u32 s4, s0;
	s1 =	sshll.u32 s1, $0x11  }
0xca: {  	s0 =	sor.u32 s1, s0  }
0xcb: {  	s0 =	sadd.s32 $0x8F2B, s0  }
0xcc: {  	[sflag:s0] =	ssyncadd.remote.s32 $0x1  }
0xcd: {  	_ =	sfence.sel $0xFFFF  }
0xce: {  	[dreg:$0x0] =	wrdreg $0xFFFFFFFF;
	(pc) =	sbr.abs _section_cstart, $3  }
0xcf: {  	[dreg:$0x1] =	wrdreg $0xFFFFFFFF  }
0xd0: {  	_ =	task.clear_ibuf [dreg:s22], $0x2FFFF;
	_ =	strace $0x9FFFFFFF  }
0xd1: {  	(tm) =	ssettm $0x7FFFFFFF  }
tec
execute0_lowered:
.L_overlay_start_1:
0x0: {  	(tag) =	ssettag $0x1  }
0x1: {  	s4 =	rddreg [dreg:$0x0]  }
0x2: {  	s2 =	rddreg [dreg:$0x1]  }
0x3: {  	s0 =	rddreg [dreg:$0x2];
	s5 =	srdreg.scid  }
0x4: {  	s1 =	stileid.u32;
	s3 =	simm.s32 $0x0;
	s13 =	simm.s32 $0x1  }
0x5: {  	s14 =	simm.s32 $0x2;
	s15 =	simm.s32 $0x0;
	s9 =	smul.u32 $0xC8000, s1  }
0x6: {  	s5 =	sand.u32 $0x1, s5;
	s6 =	sshll.u32 s1, $0x1;
	s12 =	smul.u32 $0x19000, s1  }
0x7: {  	[smem:$0x7FF] =	sst s3;
	s10 =	sadd.s32 $0x662400, s4;
	s11 =	smul.u32 $0x64000, s5  }
0x8: {  	s6 =	sor.u32 s5, s6;
	_ =	strace $0x80000053;
	s28 =	smul.u32 $0xC800, s5  }
0x9: {  	s8 =	ssub.s32 $0x2, s5;
	s7 =	sshll.u32 s6, $0x9;
	s6 =	smul.u32 $0x64000, s6  }
0xa: {  	s26 =	sshrl.u32 s8, $0x1;
	s29 =	sadd.s32 s12, s10;
	s12 =	simm.s32 $0x5000  }
0xb: {  	s7 =	sadd.s32 s7, s4;
	s8 =	ssub.s32 s8, s26;
	s9 =	sadd.s32 s11, s9  }
0xc: {  	s31 =	sadd.s32 s28, s29;
	s11 =	simm.s32 $0x1000;
	s6 =	sshrl.u32 s6, $0x3  }
0xd: {  	s4 =	sadd.s32 $0x1A2400, s7;
	s30 =	sshrl.u32 s9, $0x3;
	s9 =	simm.s32 $0x3  }
0xe: {  	s6 =	sadd.s32 s10, s6;
	s7 =	sadd.s32 s30, s10;
	s10 =	simm.s32 $0x80  }
0xf: {  	s5 =	sadd.s32 $0xC000, s6;
	s6 =	smax.u32 s8, $0x1;
	s8 =	sadd.s32 $0x800, s31  }
.LBB2_1:
0x10: {  	[tilespmem:s3], [sflag:$0x3] =	stream.linear.gather [hbm4b:s4+s3], $0xC80, $0x38;
	[tilespmem:$0x9000] =	vst v63  }
0x11: {  	_ =	swait.ge [sflag:s9], $0xC80  }
0x12: {  	[sflag:s9] =	ssyncset.done $0x0  }
0x13: {  	[sflag:s9] =	ssyncadd.s32 $0xFFFFF380  }
0x14: {  	[tilespmem:s11], [sflag:$0x1] =	stream.indirect.gather [hbm4b:s2+s10], $0x80, s3, s10, $0xb8;
	[tilespmem:$0x9000] =	vst v63  }
0x15: {  	s16 =	simm.s32 $0x80  }
0x16: {  	[tilespmem:s12], [sflag:$0x2] =	stream.indirect.gather [hbm4b:s2+s10], $0x80, s16, s10, $0xb8;
	[tilespmem:$0x9000] =	vst v63  }
0x17: {  	_ =	swait.ge [sflag:s13], $0x4000  }
0x18: {  	[sflag:s13] =	ssyncset.done $0x0  }
0x19: {  	s29 =	sadd.s32 $0x0, s7;
	[sflag:s13] =	ssyncadd.s32 $0xFFFFC000  }
0x1a: {  	[hbm4b:s29+s3] =	stream.linear.scatter [tilespmem:s11], [sflag:$0x3], $0x4000, $0x38;
	[tilespmem:$0x9000] =	vst v63  }
0x1b: {  	_ =	swait.ge [sflag:s9], $0x4000  }
0x1c: {  	[sflag:s9] =	ssyncset.done $0x0  }
0x1d: {  	s30 =	simm.s32 $0x100;
	[sflag:s9] =	ssyncadd.s32 $0xFFFFC000  }
0x1e: {  	[tilespmem:s11], [sflag:$0x1] =	stream.indirect.gather [hbm4b:s2+s10], $0x80, s30, s10, $0xb8;
	[tilespmem:$0x9000] =	vst v63  }
0x1f: {  	_ =	swait.ge [sflag:s14], $0x4000  }
0x20: {  	[sflag:s14] =	ssyncset.done $0x0  }
0x21: {  	s31 =	sadd.s32 $0x0, s8;
	[sflag:s14] =	ssyncadd.s32 $0xFFFFC000  }
0x22: {  	[hbm4b:s31+s3] =	stream.linear.scatter [tilespmem:s12], [sflag:$0x3], $0x4000, $0x38;
	[tilespmem:$0x9000] =	vst v63  }
0x23: {  	s18 =	simm.s32 $0x2000;
	_ =	swait.ge [sflag:s9], $0x4000  }
0x24: {  	s17 =	simm.s32 $0x200;
	s16 =	simm.s32 $0x1000;
	[sflag:s9] =	ssyncset.done $0x0  }
.LBB2_2:
0x25: {  	p0 =	sne.s32 s18, $0xB000;
	s19 =	sadd.s32 $0xFFFFFF80, s17;
	[sflag:s9] =	ssyncadd.s32 $0xFFFFC000  }
0x26: {  	[tilespmem:s12], [sflag:$0x2] =	stream.indirect.gather [hbm4b:s2+s10], $0x80, s19, s10, $0xb8;
	[tilespmem:$0x9000] =	vst v63  }
0x27: {  	s19 =	smov.u32 s18;
	s18 =	sadd.s32 $0x1000, s18;
	_ =	swait.ge [sflag:s13], $0x4000  }
0x28: {  	[sflag:s13] =	ssyncset.done $0x0  }
0x29: {  	s20 =	sadd.s32 s16, s7;
	[sflag:s13] =	ssyncadd.s32 $0xFFFFC000  }
0x2a: {  	[hbm4b:s20+s3] =	stream.linear.scatter [tilespmem:s11], [sflag:$0x3], $0x4000, $0x38;
	[tilespmem:$0x9000] =	vst v63  }
0x2b: {  	_ =	swait.ge [sflag:s9], $0x4000  }
0x2c: {  	[sflag:s9] =	ssyncset.done $0x0  }
0x2d: {  	[sflag:s9] =	ssyncadd.s32 $0xFFFFC000  }
0x2e: {  	[tilespmem:s11], [sflag:$0x1] =	stream.indirect.gather [hbm4b:s2+s10], $0x80, s17, s10, $0xb8;
	[tilespmem:$0x9000] =	vst v63  }
0x2f: {  	_ =	swait.ge [sflag:s14], $0x4000  }
.Ltmp0:
0x30: {  	[sflag:s14] =	ssyncset.done $0x0;
	(pc) =	sbr.rel @p0 .LBB2_2-.Ltmp0, $4  }
0x31: {  	s20 =	sadd.s32 s16, s8;
	s16 =	smov.u32 s19;
	[sflag:s14] =	ssyncadd.s32 $0xFFFFC000  }
0x32: {  	[hbm4b:s20+s3] =	stream.linear.scatter [tilespmem:s12], [sflag:$0x3], $0x4000, $0x38;
	[tilespmem:$0x9000] =	vst v63  }
0x33: {  	_ =	swait.ge [sflag:s9], $0x4000  }
0x34: {  	s17 =	sadd.s32 $0x100, s17;
	[sflag:s9] =	ssyncset.done $0x0  }
0x35: {  	s18 =	sadd.s32 $0xFFFFFF80, s17;
	[sflag:s9] =	ssyncadd.s32 $0xFFFFC000  }
0x36: {  	[tilespmem:s12], [sflag:$0x2] =	stream.indirect.gather [hbm4b:s2+s10], $0x80, s18, s10, $0xb8;
	[tilespmem:$0x9000] =	vst v63  }
0x37: {  	_ =	swait.ge [sflag:s13], $0x4000  }
0x38: {  	[sflag:s13] =	ssyncset.done $0x0  }
0x39: {  	s30 =	sadd.s32 s16, s7;
	[sflag:s13] =	ssyncadd.s32 $0xFFFFC000  }
0x3a: {  	[hbm4b:s30+s3] =	stream.linear.scatter [tilespmem:s11], [sflag:$0x3], $0x4000, $0x38;
	[tilespmem:$0x9000] =	vst v63  }
0x3b: {  	_ =	swait.ge [sflag:s9], $0x4000  }
0x3c: {  	[sflag:s9] =	ssyncset.done $0x0  }
0x3d: {  	[sflag:s9] =	ssyncadd.s32 $0xFFFFC000  }
0x3e: {  	[tilespmem:s11], [sflag:$0x1] =	stream.indirect.gather [hbm4b:s2+s10], $0x80, s17, s10, $0xb8;
	[tilespmem:$0x9000] =	vst v63  }
0x3f: {  	_ =	swait.ge [sflag:s14], $0x4000  }
0x40: {  	[sflag:s14] =	ssyncset.done $0x0  }
0x41: {  	s31 =	sadd.s32 s16, s8;
	[sflag:s14] =	ssyncadd.s32 $0xFFFFC000  }
0x42: {  	[hbm4b:s31+s3] =	stream.linear.scatter [tilespmem:s12], [sflag:$0x3], $0x4000, $0x38;
	[tilespmem:$0x9000] =	vst v63  }
0x43: {  	_ =	swait.ge [sflag:s9], $0x4000  }
0x44: {  	[sflag:s9] =	ssyncset.done $0x0  }
0x45: {  	[sflag:s9] =	ssyncadd.s32 $0xFFFFC000  }
0x46: {  	s15 =	sadd.s32 $0x1, s15;
	_ =	swait.ge [sflag:s13], $0x4000  }
0x47: {  	p0 =	sne.s32 s15, s6;
	[sflag:s13] =	ssyncset.done $0x0  }
.Ltmp1:
0x48: {  	[sflag:s13] =	ssyncadd.s32 $0xFFFFC000;
	(pc) =	sbr.rel @p0 .LBB2_1-.Ltmp1, $4  }
0x49: {  	[hbm4b:s5+s3] =	stream.linear.scatter [tilespmem:s11], [sflag:$0x3], $0x4000, $0x38;
	[tilespmem:$0x9000] =	vst v63  }
0x4a: {  	_ =	swait.ge [sflag:s9], $0x4000  }
0x4b: {  	[sflag:s9] =	ssyncset.done $0x0  }
0x4c: {  	[sflag:s9] =	ssyncadd.s32 $0xFFFFC000  }
0x4d: {  	_ =	sfence.sel $0x180000  }
0x4e: {  	[bflag:$0x0] =	sbarrier.arrive $0xFFFF  }
0x4f: {  	p0 =	sne.s32 s1, $0x0;
	_ =	strace $0x90000053  }
0x50: {  	s0 =	sadd.s32 @!p0 $0x100000, s0;
	[bflag:$0x2] =	sbarrier.arrive $0xFFFF  }
0x51: {  	[sflag:s0] =	ssyncadd.tile.s32 @!p0 $0x1;
	_ =	shalt  }
.Lfunc_end2:
_tile_overlayer_lowered:
.L_overlay_start_2:
0x52: {  	(tag) =	ssettag $0x2  }
0x53: {  	s0 =	rddreg [dreg:$0x0];
	s2 =	stileid.u32  }
0x54: {  	s1 =	rddreg [dreg:$0x1];
	p0 =	sne.s32 s2, $0x0  }
0x55: {  	s3 =	rddreg [dreg:$0x2];
	[bflag:$0x3] =	sbarrier.arrive $0xFFFF;
	s2 =	simm.s32 @!p0 $0x1C03  }
0x56: {  	[timem:s3], [sflag:s2] =	dma.local @!p0 [hbm:s0], s1  }
0x57: {  	s0 =	simm.s32 @!p0 $0x3  }
0x58: {  	_ =	swait.ge @!p0 [sflag:s0], s1  }
0x59: {  	s1 =	ssub.s32 @!p0 $0x0, s1;
	[sflag:s0] =	ssyncset.done @!p0 $0x0  }
0x5a: {  	[sflag:s0] =	ssyncadd.s32 @!p0 s1  }
0x5b: {  	[bflag:$0x3] =	sbarrier.arrive $0xFFFF  }
0x5c: {  	_ =	shalt  }

// kernel: kernel.33.cloned.1.call-start
scs
__scs_entry_jumppad:
0x0: {  	(pc) =	sbr.rel $0x88, $3  }
0x1: {  	(tag) =	ssettag $0x0;
	lr =	simm.s32 $0x1  }
0x2: {  	[smem:$0x3F9F] =	sst lr;
	_ =	strace $0xD0000000  }
0x3: {  	_ = 	snop  }
0x4: {  	_ = 	snop  }
0x5: {  	_ = 	snop  }
0x6: {  	_ = 	snop  }
0x7: {  	_ = 	snop  }
__scs_overlays_trampoline_lowered:
0x8: {  	[smem:$0x3FAE] =	sst s0  }
0x9: {  	[smem:$0x3FAF] =	sst s1  }
0xa: {  	[smem:$0x3FB0] =	sst s2  }
0xb: {  	[smem:$0x3FB1] =	sst s3  }
0xc: {  	[smem:$0x3FB2] =	sst s4  }
0xd: {  	[smem:$0x3FB3] =	sst s5  }
0xe: {  	[smem:$0x3FB4] =	sst s6  }
0xf: {  	[smem:$0x3FB5] =	sst s7  }
0x10: {  	[smem:$0x3FB6] =	sst s8  }
0x11: {  	[smem:$0x3FB7] =	sst s9;
	s0 =	simm.s32 @!p0 $0x0  }
0x12: {  	s1 =	sld [smem:$0x3F9D];
	s0 =	simm.s32 @p0 $0x1  }
0x13: {  	[smem:$0x3FB8] =	sst s0;
	s0 =	simm.s32 @!p1 $0x0  }
0x14: {  	s2 =	sld [smem:$0x3F9C];
	s0 =	simm.s32 @p1 $0x1  }
0x15: {  	[smem:$0x3FB9] =	sst s0;
	s0 =	simm.s32 @!p2 $0x0  }
0x16: {  	s3 =	sld [smem:$0x3FDB];
	s0 =	simm.s32 @p2 $0x1  }
0x17: {  	s4 =	simm.s32 $0x1BF5;
	[smem:$0x3FBB] =	sst s0  }
0x18: {  	s0 =	sld [smem:$0x3F9E];
	_ =	swait.ge [sflag:s4], $0x0  }
0x19: {  	s7 =	sld [smem:$0x3F9F]  }
0x1a: {  	s8 =	sadd.s32 $0xFFFFE003, lr  }
0x1b: {  	s9 =	sadd.s32 $0xFFFFFEF7, lr;
	s5 =	simm.s32 $0xFFFFFFFF;
	p2 =	slt.u32 s8, $0xFFFFF086  }
0x1c: {  	p1 =	slt.u32 s9, $0xF7A;
	s5 =	simm.s32 @!p2 $0x0  }
0x1d: {  	s5 =	simm.s32 @p1 $0x1;
	p0 =	seq.s32 s7, s2  }
0x1e: {  	s7 =	smul.u32 @!p0 $0xF7A, s2;
	p2 =	seq.s32 @!p0 s5, $0x0  }
0x1f: {  	s9 =	smul.u32 $0xF7A, s1;
	s8 =	simm.s32 @!p0 $0x1BF5;
	p2 =	por !p2, p0  }
0x20: {  	[sflag:s8] =	ssyncset.s32 @!p0 $0xFFFFF086;
	s6 =	sadd.s32 @!p0 s3, s7;
	s7 =	simm.s32 @!p0 $0x108  }
0x21: {  	s3 =	sadd.s32 s3, s9;
	s6 =	sadd.s32 @!p0 $0x88, s6;
	s7 =	simm.s32 @p2 $0x1082  }
0x22: {  	[simem:s7], [sflag:s8] =	dma.local @!p0 [hbm:s6], $0xF7A  }
0x23: {  	s9 =	sor.u32 $0xD0000000, s2;
	s6 =	simm.s32 $0x108;
	_ =	swait.ge @!p0 [sflag:s8], $0x0  }
0x24: {  	s3 =	sadd.s32 $0x88, s3;
	s6 =	simm.s32 @!p1 $0x1082;
	[sflag:s4] =	ssyncset.s32 $0xFFFFF086  }
0x25: {  	[simem:s6], [sflag:s4] =	dma.local [hbm:s3], $0xF7A  }
0x26: {  	[smem:$0x3F9F] =	sst s1;
	(tag) =	ssettag s2;
	_ =	strace s9  }
0x27: {  	s1 =	sld [smem:$0x3FAF]  }
0x28: {  	s2 =	sld [smem:$0x3FB0]  }
0x29: {  	s4 =	sld [smem:$0x3FB2]  }
0x2a: {  	p0 =	seq.s32 s5, $0x0;
	s5 =	sld [smem:$0x3FB3]  }
0x2b: {  	s6 =	sld [smem:$0x3FB4]  }
0x2c: {  	s7 =	sld [smem:$0x3FB5]  }
0x2d: {  	s3 =	simm.s32 $0x108;
	s8 =	sld [smem:$0x3FB6]  }
0x2e: {  	s3 =	simm.s32 @!p0 $0x1082;
	s9 =	sld [smem:$0x3FB7]  }
0x2f: {  	lr =	sadd.s32 s0, s3;
	s0 =	sld [smem:$0x3FAE]  }
0x30: {  	s3 =	sld [smem:$0x3FB1]  }
0x31: {  	[smem:$0x3FBA] =	sst s10  }
0x32: {  	s10 =	sld [smem:$0x3FB8];
	_ =	sdelay $0x3  }
0x33: {  	p0 =	seq.s32 s10, $0x1;
	s10 =	sld [smem:$0x3FBA];
	_ =	sdelay $0x3  }
0x34: {  	[smem:$0x3FBA] =	sst s10  }
0x35: {  	s10 =	sld [smem:$0x3FB9];
	_ =	sdelay $0x3  }
0x36: {  	p1 =	seq.s32 s10, $0x1;
	s10 =	sld [smem:$0x3FBA];
	_ =	sdelay $0x3  }
0x37: {  	[smem:$0x3FBA] =	sst s10  }
0x38: {  	s10 =	sld [smem:$0x3FBB]  }
0x39: {  	_ = 	snop;
	(pc) =	sbr.ind lr, $3  }
0x3a: {  	_ = 	snop  }
0x3b: {  	_ = 	snop  }
0x3c: {  	p2 =	seq.s32 s10, $0x1;
	s10 =	sld [smem:$0x3FBA]  }
0x3d: {  	_ =	shalt  }
0x3e: {  	_ =	shalt  }
0x3f: {  	_ =	shalt  }
0x40: {  	_ =	shalt  }
0x41: {  	_ =	shalt  }
0x42: {  	_ =	shalt  }
0x43: {  	_ =	shalt  }
0x44: {  	_ =	shalt  }
0x45: {  	_ =	shalt  }
0x46: {  	_ =	shalt  }
0x47: {  	_ =	shalt  }
0x48: {  	_ =	shalt  }
0x49: {  	_ =	shalt  }
0x4a: {  	_ =	shalt  }
0x4b: {  	_ =	shalt  }
0x4c: {  	_ =	shalt  }
0x4d: {  	_ =	shalt  }
0x4e: {  	_ =	shalt  }
0x4f: {  	_ =	shalt  }
0x50: {  	_ =	shalt  }
0x51: {  	_ =	shalt  }
0x52: {  	_ =	shalt  }
0x53: {  	_ =	shalt  }
0x54: {  	_ =	shalt  }
0x55: {  	_ =	shalt  }
0x56: {  	_ =	shalt  }
0x57: {  	_ =	shalt  }
0x58: {  	_ =	shalt  }
0x59: {  	_ =	shalt  }
0x5a: {  	_ =	shalt  }
0x5b: {  	_ =	shalt  }
0x5c: {  	_ =	shalt  }
0x5d: {  	_ =	shalt  }
0x5e: {  	_ =	shalt  }
0x5f: {  	_ =	shalt  }
0x60: {  	_ =	shalt  }
0x61: {  	_ =	shalt  }
0x62: {  	_ =	shalt  }
0x63: {  	_ =	shalt  }
0x64: {  	_ =	shalt  }
0x65: {  	_ =	shalt  }
0x66: {  	_ =	shalt  }
0x67: {  	_ =	shalt  }
0x68: {  	_ =	shalt  }
0x69: {  	_ =	shalt  }
0x6a: {  	_ =	shalt  }
0x6b: {  	_ =	shalt  }
0x6c: {  	_ =	shalt  }
0x6d: {  	_ =	shalt  }
0x6e: {  	_ =	shalt  }
0x6f: {  	_ =	shalt  }
0x70: {  	_ =	shalt  }
0x71: {  	_ =	shalt  }
0x72: {  	_ =	shalt  }
0x73: {  	_ =	shalt  }
0x74: {  	_ =	shalt  }
0x75: {  	_ =	shalt  }
0x76: {  	_ =	shalt  }
0x77: {  	_ =	shalt  }
0x78: {  	_ =	shalt  }
0x79: {  	_ =	shalt  }
0x7a: {  	_ =	shalt  }
0x7b: {  	_ =	shalt  }
0x7c: {  	_ =	shalt  }
0x7d: {  	_ =	shalt  }
0x7e: {  	_ =	shalt  }
0x7f: {  	_ =	shalt  }
0x80: {  	_ =	shalt  }
0x81: {  	_ =	shalt  }
0x82: {  	_ =	shalt  }
0x83: {  	_ =	shalt  }
0x84: {  	_ =	shalt  }
0x85: {  	_ =	shalt  }
0x86: {  	_ =	shalt  }
0x87: {  	_ =	shalt  }
.Lfunc_end0:
.L_simem_size_0:
called_computation.5_lowered:
.L_overlay_start_0:
0x88: {  	s2 =	sld [smem:$0x3FD9]  }
0x89: {  	s3 =	sld [smem:$0x3FFE];
	_ =	sdelay $0x1  }
0x8a: {  	s1 =	srdreg.scid  }
0x8b: {  	s0 =	sand.u32 $0x1, s1  }
0x8c: {  	s17 =	sshll.u32 s0, $0xA;
	s2 =	sadd.s32 s3, s2  }
0x8d: {  	s2 =	sadd.s32 s2, s17  }
0x8e: {  	[smem:$0x3FC6] =	sst s2  }
0x8f: {  	_ = 	snop  }
0x90: {  	s18 =	sld [smem:$0x3FC8];
	(tm) =	ssettm $0x1  }
0x91: {  	s19 =	sld [smem:$0x3FFB];
	_ =	sdelay $0x3  }
0x92: {  	_ =	strace s19  }
0x93: {  	s2 =	sld [smem:$0x3FFC];
	_ =	sdelay $0x3  }
0x94: {  	_ =	strace s2  }
0x95: {  	s2 =	sld [smem:$0x3FFD];
	_ =	sdelay $0x3  }
0x96: {  	_ =	strace s2  }
0x97: {  	_ =	strace $0x8FFFFFFF  }
0x98: {  	s20 =	sld [smem:$0x3FDB];
	_ =	sdelay $0x1  }
0x99: {  	s4 =	simm.s32 $_scs_section_size  }
0x9a: {  	s5 =	simm.s32 $_size__tile_overlayer_lowered;
	s6 =	simm.s32 $_tile_overlayer_lowered  }
0x9b: {  	s7 =	simm.s32 $0x1BFF;
	s21 =	sshll.u32 s6, $0x1;
	s4 =	sadd.s32 s4, s20  }
0x9c: {  	s22 =	simm.s32 $0x0;
	s5 =	sshll.u32 s5, $0x1;
	s6 =	sadd.s32 s21, s4  }
0x9d: {  	[timem:s22], [sflag:s7] =	dma.local [hbm:s6], s5  }
0x9e: {  	_ =	swait.ge [sflag:s7], s5  }
0x9f: {  	s5 =	ssub.s32 $0x0, s5;
	[sflag:s7] =	ssyncset.done $0x0  }
0xa0: {  	[sflag:s7] =	ssyncadd.s32 s5;
	_ =	sdelay $0x1  }
0xa1: {  	s23 =	simm.s32 $0x1B8B  }
0xa2: {  	_ =	swait.ge [sflag:s23], $0x1  }
0xa3: {  	[sflag:s23] =	ssyncset.done $0x0  }
0xa4: {  	[sflag:s23] =	ssyncadd.s32 $0xFFFFFFFF  }
0xa5: {  	s5 =	sld [smem:$0x0]  }
0xa6: {  	s6 =	sand.u32 $0xFFFFFFFE, s1  }
0xa7: {  	p0 =	sne.s32 s1, s6  }
0xa8: {  	s6 =	sshll.u32 @p0 s6, $0xE  }
0xa9: {  	s6 =	sadd.s32 @p0 $0x11B8D, s6;
	s7 =	sshll.u32 @p0 s5, $0x11  }
0xaa: {  	s6 =	sor.u32 @p0 s7, s6  }
0xab: {  	[sflag:s6] =	ssyncadd.remote.s32 @p0 $0x1;
	_ =	sdelay $0x1  }
0xac: {  	s6 =	simm.s32 @p0 $0x1B8D  }
0xad: {  	_ =	swait.eq @p0 [sflag:s6], $0x1  }
0xae: {  	[sflag:s6] =	ssyncadd.s32 @p0 $0xFFFFFFFF  }
0xaf: {  	s7 =	sshll.u32 @!p0 s1, $0xE  }
0xb0: {  	s7 =	sor.u32 @!p0 $0x4000, s7;
	s6 =	simm.s32 @!p0 $0x1B8D  }
0xb1: {  	s5 =	sshll.u32 @!p0 s5, $0x11;
	s7 =	sadd.s32 @!p0 $0x11B8D, s7;
	_ =	swait.eq @!p0 [sflag:s6], $0x1  }
0xb2: {  	s5 =	sor.u32 @!p0 s5, s7;
	[sflag:s6] =	ssyncadd.s32 @!p0 $0xFFFFFFFF  }
0xb3: {  	s25 =	simm.s32 $0x1B8E;
	s24 =	sld [smem:$0x3FFE];
	[sflag:s5] =	ssyncadd.remote.s32 @!p0 $0x1  }
0xb4: {  	s26 =	simm.s32 $execute0_lowered;
	[smem:$0x3FD2] =	sst s25  }
0xb5: {  	s6 =	sshll.u32 s26, $0x1;
	_ =	strace $0x80000055;
	[dreg:$0x1] =	wrdreg $0xFFFFFFFF  }
0xb6: {  	s28 =	simm.s32 $_size_execute0_lowered;
	s4 =	sadd.s32 s4, s6;
	[dreg:$0x0] =	wrdreg $0x0  }
0xb7: {  	s6 =	sshll.u32 s28, $0x1;
	[dreg:$0x2] =	wrdreg s4  }
0xb8: {  	[dreg:$0x3] =	wrdreg s6  }
0xb9: {  	[dreg:$0x4] =	wrdreg $0xC0  }
0xba: {  	_ =	task [dreg:s22], $0x5FFFF  }
0xbb: {  	[dreg:$0x1] =	wrdreg $0xFFFFFFFF  }
0xbc: {  	[dreg:$0x0] =	wrdreg $0x60  }
0xbd: {  	[dreg:$0x2] =	wrdreg s24  }
0xbe: {  	[dreg:$0x3] =	wrdreg s18  }
0xbf: {  	[dreg:$0x4] =	wrdreg $0xE  }
0xc0: {  	_ =	task.clear_ibuf [dreg:s22], $0x5FFFF;
	_ =	strace $0x90000055  }
0xc1: {  	s29 =	simm.s32 $0xE;
	_ =	strace $0x80000057  }
0xc2: {  	_ =	swait.ge [sflag:s29], $0x1  }
0xc3: {  	[sflag:s29] =	ssyncadd.s32 $0xFFFFFFFF  }
0xc4: {  	_ =	strace $0x90000057  }
0xc5: {  	_ =	sfence  }
0xc6: {  	s30 =	sld [smem:$0x0];
	_ =	sdelay $0x2  }
0xc7: {  	s31 =	sshll.u32 s1, $0xD;
	s1 =	sshrl.u32 s1, $0x2  }
0xc8: {  	s4 =	sand.u32 $0x4000, s31;
	s1 =	sadd.s32 s1, s30  }
0xc9: {  	s0 =	sor.u32 s4, s0;
	s1 =	sshll.u32 s1, $0x11  }
0xca: {  	s0 =	sor.u32 s1, s0  }
0xcb: {  	s0 =	sadd.s32 $0x8F2B, s0  }
0xcc: {  	[sflag:s0] =	ssyncadd.remote.s32 $0x1  }
0xcd: {  	_ =	sfence.sel $0xFFFF  }
0xce: {  	[dreg:$0x0] =	wrdreg $0xFFFFFFFF;
	(pc) =	sbr.abs _section_cstart, $3  }
0xcf: {  	[dreg:$0x1] =	wrdreg $0xFFFFFFFF  }
0xd0: {  	_ =	task.clear_ibuf [dreg:s22], $0x2FFFF;
	_ =	strace $0x9FFFFFFF  }
0xd1: {  	(tm) =	ssettm $0x7FFFFFFF  }
tec
execute0_lowered:
.L_overlay_start_1:
0x0: {  	(tag) =	ssettag $0x1  }
0x1: {  	s4 =	rddreg [dreg:$0x0]  }
0x2: {  	s2 =	rddreg [dreg:$0x1]  }
0x3: {  	s0 =	rddreg [dreg:$0x2];
	s5 =	srdreg.scid  }
0x4: {  	s1 =	stileid.u32;
	s3 =	simm.s32 $0x0;
	s13 =	simm.s32 $0x1  }
0x5: {  	s14 =	simm.s32 $0x2;
	s15 =	simm.s32 $0x0;
	s9 =	smul.u32 $0xC8000, s1  }
0x6: {  	s5 =	sand.u32 $0x1, s5;
	s6 =	sshll.u32 s1, $0x1;
	s12 =	smul.u32 $0x19000, s1  }
0x7: {  	[smem:$0x7FF] =	sst s3;
	s10 =	sadd.s32 $0x7F2400, s4;
	s11 =	smul.u32 $0x64000, s5  }
0x8: {  	s6 =	sor.u32 s5, s6;
	_ =	strace $0x80000056;
	s28 =	smul.u32 $0xC800, s5  }
0x9: {  	s8 =	ssub.s32 $0x2, s5;
	s7 =	sshll.u32 s6, $0x9;
	s6 =	smul.u32 $0x64000, s6  }
0xa: {  	s26 =	sshrl.u32 s8, $0x1;
	s29 =	sadd.s32 s12, s10;
	s12 =	simm.s32 $0x5000  }
0xb: {  	s7 =	sadd.s32 s7, s4;
	s8 =	ssub.s32 s8, s26;
	s9 =	sadd.s32 s11, s9  }
0xc: {  	s31 =	sadd.s32 s28, s29;
	s11 =	simm.s32 $0x1000;
	s6 =	sshrl.u32 s6, $0x3  }
0xd: {  	s4 =	sadd.s32 $0x1A6400, s7;
	s30 =	sshrl.u32 s9, $0x3;
	s9 =	simm.s32 $0x3  }
0xe: {  	s6 =	sadd.s32 s10, s6;
	s7 =	sadd.s32 s30, s10;
	s10 =	simm.s32 $0x80  }
0xf: {  	s5 =	sadd.s32 $0xC000, s6;
	s6 =	smax.u32 s8, $0x1;
	s8 =	sadd.s32 $0x800, s31  }
.LBB2_1:
0x10: {  	[tilespmem:s3], [sflag:$0x3] =	stream.linear.gather [hbm4b:s4+s3], $0xC80, $0x38;
	[tilespmem:$0x9000] =	vst v63  }
0x11: {  	_ =	swait.ge [sflag:s9], $0xC80  }
0x12: {  	[sflag:s9] =	ssyncset.done $0x0  }
0x13: {  	[sflag:s9] =	ssyncadd.s32 $0xFFFFF380  }
0x14: {  	[tilespmem:s11], [sflag:$0x1] =	stream.indirect.gather [hbm4b:s2+s10], $0x80, s3, s10, $0xb8;
	[tilespmem:$0x9000] =	vst v63  }
0x15: {  	s16 =	simm.s32 $0x80  }
0x16: {  	[tilespmem:s12], [sflag:$0x2] =	stream.indirect.gather [hbm4b:s2+s10], $0x80, s16, s10, $0xb8;
	[tilespmem:$0x9000] =	vst v63  }
0x17: {  	_ =	swait.ge [sflag:s13], $0x4000  }
0x18: {  	[sflag:s13] =	ssyncset.done $0x0  }
0x19: {  	s29 =	sadd.s32 $0x0, s7;
	[sflag:s13] =	ssyncadd.s32 $0xFFFFC000  }
0x1a: {  	[hbm4b:s29+s3] =	stream.linear.scatter [tilespmem:s11], [sflag:$0x3], $0x4000, $0x38;
	[tilespmem:$0x9000] =	vst v63  }
0x1b: {  	_ =	swait.ge [sflag:s9], $0x4000  }
0x1c: {  	[sflag:s9] =	ssyncset.done $0x0  }
0x1d: {  	s30 =	simm.s32 $0x100;
	[sflag:s9] =	ssyncadd.s32 $0xFFFFC000  }
0x1e: {  	[tilespmem:s11], [sflag:$0x1] =	stream.indirect.gather [hbm4b:s2+s10], $0x80, s30, s10, $0xb8;
	[tilespmem:$0x9000] =	vst v63  }
0x1f: {  	_ =	swait.ge [sflag:s14], $0x4000  }
0x20: {  	[sflag:s14] =	ssyncset.done $0x0  }
0x21: {  	s31 =	sadd.s32 $0x0, s8;
	[sflag:s14] =	ssyncadd.s32 $0xFFFFC000  }
0x22: {  	[hbm4b:s31+s3] =	stream.linear.scatter [tilespmem:s12], [sflag:$0x3], $0x4000, $0x38;
	[tilespmem:$0x9000] =	vst v63  }
0x23: {  	s18 =	simm.s32 $0x2000;
	_ =	swait.ge [sflag:s9], $0x4000  }
0x24: {  	s17 =	simm.s32 $0x200;
	s16 =	simm.s32 $0x1000;
	[sflag:s9] =	ssyncset.done $0x0  }
.LBB2_2:
0x25: {  	p0 =	sne.s32 s18, $0xB000;
	s19 =	sadd.s32 $0xFFFFFF80, s17;
	[sflag:s9] =	ssyncadd.s32 $0xFFFFC000  }
0x26: {  	[tilespmem:s12], [sflag:$0x2] =	stream.indirect.gather [hbm4b:s2+s10], $0x80, s19, s10, $0xb8;
	[tilespmem:$0x9000] =	vst v63  }
0x27: {  	s19 =	smov.u32 s18;
	s18 =	sadd.s32 $0x1000, s18;
	_ =	swait.ge [sflag:s13], $0x4000  }
0x28: {  	[sflag:s13] =	ssyncset.done $0x0  }
0x29: {  	s20 =	sadd.s32 s16, s7;
	[sflag:s13] =	ssyncadd.s32 $0xFFFFC000  }
0x2a: {  	[hbm4b:s20+s3] =	stream.linear.scatter [tilespmem:s11], [sflag:$0x3], $0x4000, $0x38;
	[tilespmem:$0x9000] =	vst v63  }
0x2b: {  	_ =	swait.ge [sflag:s9], $0x4000  }
0x2c: {  	[sflag:s9] =	ssyncset.done $0x0  }
0x2d: {  	[sflag:s9] =	ssyncadd.s32 $0xFFFFC000  }
0x2e: {  	[tilespmem:s11], [sflag:$0x1] =	stream.indirect.gather [hbm4b:s2+s10], $0x80, s17, s10, $0xb8;
	[tilespmem:$0x9000] =	vst v63  }
0x2f: {  	_ =	swait.ge [sflag:s14], $0x4000  }
.Ltmp0:
0x30: {  	[sflag:s14] =	ssyncset.done $0x0;
	(pc) =	sbr.rel @p0 .LBB2_2-.Ltmp0, $4  }
0x31: {  	s20 =	sadd.s32 s16, s8;
	s16 =	smov.u32 s19;
	[sflag:s14] =	ssyncadd.s32 $0xFFFFC000  }
0x32: {  	[hbm4b:s20+s3] =	stream.linear.scatter [tilespmem:s12], [sflag:$0x3], $0x4000, $0x38;
	[tilespmem:$0x9000] =	vst v63  }
0x33: {  	_ =	swait.ge [sflag:s9], $0x4000  }
0x34: {  	s17 =	sadd.s32 $0x100, s17;
	[sflag:s9] =	ssyncset.done $0x0  }
0x35: {  	s18 =	sadd.s32 $0xFFFFFF80, s17;
	[sflag:s9] =	ssyncadd.s32 $0xFFFFC000  }
0x36: {  	[tilespmem:s12], [sflag:$0x2] =	stream.indirect.gather [hbm4b:s2+s10], $0x80, s18, s10, $0xb8;
	[tilespmem:$0x9000] =	vst v63  }
0x37: {  	_ =	swait.ge [sflag:s13], $0x4000  }
0x38: {  	[sflag:s13] =	ssyncset.done $0x0  }
0x39: {  	s30 =	sadd.s32 s16, s7;
	[sflag:s13] =	ssyncadd.s32 $0xFFFFC000  }
0x3a: {  	[hbm4b:s30+s3] =	stream.linear.scatter [tilespmem:s11], [sflag:$0x3], $0x4000, $0x38;
	[tilespmem:$0x9000] =	vst v63  }
0x3b: {  	_ =	swait.ge [sflag:s9], $0x4000  }
0x3c: {  	[sflag:s9] =	ssyncset.done $0x0  }
0x3d: {  	[sflag:s9] =	ssyncadd.s32 $0xFFFFC000  }
0x3e: {  	[tilespmem:s11], [sflag:$0x1] =	stream.indirect.gather [hbm4b:s2+s10], $0x80, s17, s10, $0xb8;
	[tilespmem:$0x9000] =	vst v63  }
0x3f: {  	_ =	swait.ge [sflag:s14], $0x4000  }
0x40: {  	[sflag:s14] =	ssyncset.done $0x0  }
0x41: {  	s31 =	sadd.s32 s16, s8;
	[sflag:s14] =	ssyncadd.s32 $0xFFFFC000  }
0x42: {  	[hbm4b:s31+s3] =	stream.linear.scatter [tilespmem:s12], [sflag:$0x3], $0x4000, $0x38;
	[tilespmem:$0x9000] =	vst v63  }
0x43: {  	_ =	swait.ge [sflag:s9], $0x4000  }
0x44: {  	[sflag:s9] =	ssyncset.done $0x0  }
0x45: {  	[sflag:s9] =	ssyncadd.s32 $0xFFFFC000  }
0x46: {  	s15 =	sadd.s32 $0x1, s15;
	_ =	swait.ge [sflag:s13], $0x4000  }
0x47: {  	p0 =	sne.s32 s15, s6;
	[sflag:s13] =	ssyncset.done $0x0  }
.Ltmp1:
0x48: {  	[sflag:s13] =	ssyncadd.s32 $0xFFFFC000;
	(pc) =	sbr.rel @p0 .LBB2_1-.Ltmp1, $4  }
0x49: {  	[hbm4b:s5+s3] =	stream.linear.scatter [tilespmem:s11], [sflag:$0x3], $0x4000, $0x38;
	[tilespmem:$0x9000] =	vst v63  }
0x4a: {  	_ =	swait.ge [sflag:s9], $0x4000  }
0x4b: {  	[sflag:s9] =	ssyncset.done $0x0  }
0x4c: {  	[sflag:s9] =	ssyncadd.s32 $0xFFFFC000  }
0x4d: {  	_ =	sfence.sel $0x180000  }
0x4e: {  	[bflag:$0x0] =	sbarrier.arrive $0xFFFF  }
0x4f: {  	p0 =	sne.s32 s1, $0x0;
	_ =	strace $0x90000056  }
0x50: {  	s0 =	sadd.s32 @!p0 $0x100000, s0;
	[bflag:$0x2] =	sbarrier.arrive $0xFFFF  }
0x51: {  	[sflag:s0] =	ssyncadd.tile.s32 @!p0 $0x1;
	_ =	shalt  }
.Lfunc_end2:
_tile_overlayer_lowered:
.L_overlay_start_2:
0x52: {  	(tag) =	ssettag $0x2  }
0x53: {  	s0 =	rddreg [dreg:$0x0];
	s2 =	stileid.u32  }
0x54: {  	s1 =	rddreg [dreg:$0x1];
	p0 =	sne.s32 s2, $0x0  }
0x55: {  	s3 =	rddreg [dreg:$0x2];
	[bflag:$0x3] =	sbarrier.arrive $0xFFFF;
	s2 =	simm.s32 @!p0 $0x1C03  }
0x56: {  	[timem:s3], [sflag:s2] =	dma.local @!p0 [hbm:s0], s1  }
0x57: {  	s0 =	simm.s32 @!p0 $0x3  }
0x58: {  	_ =	swait.ge @!p0 [sflag:s0], s1  }
0x59: {  	s1 =	ssub.s32 @!p0 $0x0, s1;
	[sflag:s0] =	ssyncset.done @!p0 $0x0  }
0x5a: {  	[sflag:s0] =	ssyncadd.s32 @!p0 s1  }
0x5b: {  	[bflag:$0x3] =	sbarrier.arrive $0xFFFF  }
0x5c: {  	_ =	shalt  }

// kernel: kernel.36.cloned.1.call-start
scs
__scs_entry_jumppad:
0x0: {  	(pc) =	sbr.rel $0x88, $3  }
0x1: {  	(tag) =	ssettag $0x0;
	lr =	simm.s32 $0x1  }
0x2: {  	[smem:$0x3F9F] =	sst lr;
	_ =	strace $0xD0000000  }
0x3: {  	_ = 	snop  }
0x4: {  	_ = 	snop  }
0x5: {  	_ = 	snop  }
0x6: {  	_ = 	snop  }
0x7: {  	_ = 	snop  }
__scs_overlays_trampoline_lowered:
0x8: {  	[smem:$0x3FAE] =	sst s0  }
0x9: {  	[smem:$0x3FAF] =	sst s1  }
0xa: {  	[smem:$0x3FB0] =	sst s2  }
0xb: {  	[smem:$0x3FB1] =	sst s3  }
0xc: {  	[smem:$0x3FB2] =	sst s4  }
0xd: {  	[smem:$0x3FB3] =	sst s5  }
0xe: {  	[smem:$0x3FB4] =	sst s6  }
0xf: {  	[smem:$0x3FB5] =	sst s7  }
0x10: {  	[smem:$0x3FB6] =	sst s8  }
0x11: {  	[smem:$0x3FB7] =	sst s9;
	s0 =	simm.s32 @!p0 $0x0  }
0x12: {  	s1 =	sld [smem:$0x3F9D];
	s0 =	simm.s32 @p0 $0x1  }
0x13: {  	[smem:$0x3FB8] =	sst s0;
	s0 =	simm.s32 @!p1 $0x0  }
0x14: {  	s2 =	sld [smem:$0x3F9C];
	s0 =	simm.s32 @p1 $0x1  }
0x15: {  	[smem:$0x3FB9] =	sst s0;
	s0 =	simm.s32 @!p2 $0x0  }
0x16: {  	s3 =	sld [smem:$0x3FDB];
	s0 =	simm.s32 @p2 $0x1  }
0x17: {  	s4 =	simm.s32 $0x1BF5;
	[smem:$0x3FBB] =	sst s0  }
0x18: {  	s0 =	sld [smem:$0x3F9E];
	_ =	swait.ge [sflag:s4], $0x0  }
0x19: {  	s7 =	sld [smem:$0x3F9F]  }
0x1a: {  	s8 =	sadd.s32 $0xFFFFE003, lr  }
0x1b: {  	s9 =	sadd.s32 $0xFFFFFEF7, lr;
	s5 =	simm.s32 $0xFFFFFFFF;
	p2 =	slt.u32 s8, $0xFFFFF086  }
0x1c: {  	p1 =	slt.u32 s9, $0xF7A;
	s5 =	simm.s32 @!p2 $0x0  }
0x1d: {  	s5 =	simm.s32 @p1 $0x1;
	p0 =	seq.s32 s7, s2  }
0x1e: {  	s7 =	smul.u32 @!p0 $0xF7A, s2;
	p2 =	seq.s32 @!p0 s5, $0x0  }
0x1f: {  	s9 =	smul.u32 $0xF7A, s1;
	s8 =	simm.s32 @!p0 $0x1BF5;
	p2 =	por !p2, p0  }
0x20: {  	[sflag:s8] =	ssyncset.s32 @!p0 $0xFFFFF086;
	s6 =	sadd.s32 @!p0 s3, s7;
	s7 =	simm.s32 @!p0 $0x108  }
0x21: {  	s3 =	sadd.s32 s3, s9;
	s6 =	sadd.s32 @!p0 $0x88, s6;
	s7 =	simm.s32 @p2 $0x1082  }
0x22: {  	[simem:s7], [sflag:s8] =	dma.local @!p0 [hbm:s6], $0xF7A  }
0x23: {  	s9 =	sor.u32 $0xD0000000, s2;
	s6 =	simm.s32 $0x108;
	_ =	swait.ge @!p0 [sflag:s8], $0x0  }
0x24: {  	s3 =	sadd.s32 $0x88, s3;
	s6 =	simm.s32 @!p1 $0x1082;
	[sflag:s4] =	ssyncset.s32 $0xFFFFF086  }
0x25: {  	[simem:s6], [sflag:s4] =	dma.local [hbm:s3], $0xF7A  }
0x26: {  	[smem:$0x3F9F] =	sst s1;
	(tag) =	ssettag s2;
	_ =	strace s9  }
0x27: {  	s1 =	sld [smem:$0x3FAF]  }
0x28: {  	s2 =	sld [smem:$0x3FB0]  }
0x29: {  	s4 =	sld [smem:$0x3FB2]  }
0x2a: {  	p0 =	seq.s32 s5, $0x0;
	s5 =	sld [smem:$0x3FB3]  }
0x2b: {  	s6 =	sld [smem:$0x3FB4]  }
0x2c: {  	s7 =	sld [smem:$0x3FB5]  }
0x2d: {  	s3 =	simm.s32 $0x108;
	s8 =	sld [smem:$0x3FB6]  }
0x2e: {  	s3 =	simm.s32 @!p0 $0x1082;
	s9 =	sld [smem:$0x3FB7]  }
0x2f: {  	lr =	sadd.s32 s0, s3;
	s0 =	sld [smem:$0x3FAE]  }
0x30: {  	s3 =	sld [smem:$0x3FB1]  }
0x31: {  	[smem:$0x3FBA] =	sst s10  }
0x32: {  	s10 =	sld [smem:$0x3FB8];
	_ =	sdelay $0x3  }
0x33: {  	p0 =	seq.s32 s10, $0x1;
	s10 =	sld [smem:$0x3FBA];
	_ =	sdelay $0x3  }
0x34: {  	[smem:$0x3FBA] =	sst s10  }
0x35: {  	s10 =	sld [smem:$0x3FB9];
	_ =	sdelay $0x3  }
0x36: {  	p1 =	seq.s32 s10, $0x1;
	s10 =	sld [smem:$0x3FBA];
	_ =	sdelay $0x3  }
0x37: {  	[smem:$0x3FBA] =	sst s10  }
0x38: {  	s10 =	sld [smem:$0x3FBB]  }
0x39: {  	_ = 	snop;
	(pc) =	sbr.ind lr, $3  }
0x3a: {  	_ = 	snop  }
0x3b: {  	_ = 	snop  }
0x3c: {  	p2 =	seq.s32 s10, $0x1;
	s10 =	sld [smem:$0x3FBA]  }
0x3d: {  	_ =	shalt  }
0x3e: {  	_ =	shalt  }
0x3f: {  	_ =	shalt  }
0x40: {  	_ =	shalt  }
0x41: {  	_ =	shalt  }
0x42: {  	_ =	shalt  }
0x43: {  	_ =	shalt  }
0x44: {  	_ =	shalt  }
0x45: {  	_ =	shalt  }
0x46: {  	_ =	shalt  }
0x47: {  	_ =	shalt  }
0x48: {  	_ =	shalt  }
0x49: {  	_ =	shalt  }
0x4a: {  	_ =	shalt  }
0x4b: {  	_ =	shalt  }
0x4c: {  	_ =	shalt  }
0x4d: {  	_ =	shalt  }
0x4e: {  	_ =	shalt  }
0x4f: {  	_ =	shalt  }
0x50: {  	_ =	shalt  }
0x51: {  	_ =	shalt  }
0x52: {  	_ =	shalt  }
0x53: {  	_ =	shalt  }
0x54: {  	_ =	shalt  }
0x55: {  	_ =	shalt  }
0x56: {  	_ =	shalt  }
0x57: {  	_ =	shalt  }
0x58: {  	_ =	shalt  }
0x59: {  	_ =	shalt  }
0x5a: {  	_ =	shalt  }
0x5b: {  	_ =	shalt  }
0x5c: {  	_ =	shalt  }
0x5d: {  	_ =	shalt  }
0x5e: {  	_ =	shalt  }
0x5f: {  	_ =	shalt  }
0x60: {  	_ =	shalt  }
0x61: {  	_ =	shalt  }
0x62: {  	_ =	shalt  }
0x63: {  	_ =	shalt  }
0x64: {  	_ =	shalt  }
0x65: {  	_ =	shalt  }
0x66: {  	_ =	shalt  }
0x67: {  	_ =	shalt  }
0x68: {  	_ =	shalt  }
0x69: {  	_ =	shalt  }
0x6a: {  	_ =	shalt  }
0x6b: {  	_ =	shalt  }
0x6c: {  	_ =	shalt  }
0x6d: {  	_ =	shalt  }
0x6e: {  	_ =	shalt  }
0x6f: {  	_ =	shalt  }
0x70: {  	_ =	shalt  }
0x71: {  	_ =	shalt  }
0x72: {  	_ =	shalt  }
0x73: {  	_ =	shalt  }
0x74: {  	_ =	shalt  }
0x75: {  	_ =	shalt  }
0x76: {  	_ =	shalt  }
0x77: {  	_ =	shalt  }
0x78: {  	_ =	shalt  }
0x79: {  	_ =	shalt  }
0x7a: {  	_ =	shalt  }
0x7b: {  	_ =	shalt  }
0x7c: {  	_ =	shalt  }
0x7d: {  	_ =	shalt  }
0x7e: {  	_ =	shalt  }
0x7f: {  	_ =	shalt  }
0x80: {  	_ =	shalt  }
0x81: {  	_ =	shalt  }
0x82: {  	_ =	shalt  }
0x83: {  	_ =	shalt  }
0x84: {  	_ =	shalt  }
0x85: {  	_ =	shalt  }
0x86: {  	_ =	shalt  }
0x87: {  	_ =	shalt  }
.Lfunc_end0:
.L_simem_size_0:
called_computation.6_lowered:
.L_overlay_start_0:
0x88: {  	s2 =	sld [smem:$0x3FD9]  }
0x89: {  	s3 =	sld [smem:$0x3FFE];
	_ =	sdelay $0x1  }
0x8a: {  	s1 =	srdreg.scid  }
0x8b: {  	s0 =	sand.u32 $0x1, s1  }
0x8c: {  	s17 =	sshll.u32 s0, $0xA;
	s2 =	sadd.s32 s3, s2  }
0x8d: {  	s2 =	sadd.s32 s2, s17  }
0x8e: {  	[smem:$0x3FC6] =	sst s2  }
0x8f: {  	_ = 	snop  }
0x90: {  	s18 =	sld [smem:$0x3FC8];
	(tm) =	ssettm $0x1  }
0x91: {  	s19 =	sld [smem:$0x3FFB];
	_ =	sdelay $0x3  }
0x92: {  	_ =	strace s19  }
0x93: {  	s2 =	sld [smem:$0x3FFC];
	_ =	sdelay $0x3  }
0x94: {  	_ =	strace s2  }
0x95: {  	s2 =	sld [smem:$0x3FFD];
	_ =	sdelay $0x3  }
0x96: {  	_ =	strace s2  }
0x97: {  	_ =	strace $0x8FFFFFFF  }
0x98: {  	s20 =	sld [smem:$0x3FDB];
	_ =	sdelay $0x1  }
0x99: {  	s4 =	simm.s32 $_scs_section_size  }
0x9a: {  	s5 =	simm.s32 $_size__tile_overlayer_lowered;
	s6 =	simm.s32 $_tile_overlayer_lowered  }
0x9b: {  	s7 =	simm.s32 $0x1BFF;
	s21 =	sshll.u32 s6, $0x1;
	s4 =	sadd.s32 s4, s20  }
0x9c: {  	s22 =	simm.s32 $0x0;
	s5 =	sshll.u32 s5, $0x1;
	s6 =	sadd.s32 s21, s4  }
0x9d: {  	[timem:s22], [sflag:s7] =	dma.local [hbm:s6], s5  }
0x9e: {  	_ =	swait.ge [sflag:s7], s5  }
0x9f: {  	s5 =	ssub.s32 $0x0, s5;
	[sflag:s7] =	ssyncset.done $0x0  }
0xa0: {  	[sflag:s7] =	ssyncadd.s32 s5;
	_ =	sdelay $0x1  }
0xa1: {  	s23 =	simm.s32 $0x1B8B  }
0xa2: {  	_ =	swait.ge [sflag:s23], $0x1  }
0xa3: {  	[sflag:s23] =	ssyncset.done $0x0  }
0xa4: {  	[sflag:s23] =	ssyncadd.s32 $0xFFFFFFFF  }
0xa5: {  	s5 =	sld [smem:$0x0]  }
0xa6: {  	s6 =	sand.u32 $0xFFFFFFFE, s1  }
0xa7: {  	p0 =	sne.s32 s1, s6  }
0xa8: {  	s6 =	sshll.u32 @p0 s6, $0xE  }
0xa9: {  	s6 =	sadd.s32 @p0 $0x11B8D, s6;
	s7 =	sshll.u32 @p0 s5, $0x11  }
0xaa: {  	s6 =	sor.u32 @p0 s7, s6  }
0xab: {  	[sflag:s6] =	ssyncadd.remote.s32 @p0 $0x1;
	_ =	sdelay $0x1  }
0xac: {  	s6 =	simm.s32 @p0 $0x1B8D  }
0xad: {  	_ =	swait.eq @p0 [sflag:s6], $0x1  }
0xae: {  	[sflag:s6] =	ssyncadd.s32 @p0 $0xFFFFFFFF  }
0xaf: {  	s7 =	sshll.u32 @!p0 s1, $0xE  }
0xb0: {  	s7 =	sor.u32 @!p0 $0x4000, s7;
	s6 =	simm.s32 @!p0 $0x1B8D  }
0xb1: {  	s5 =	sshll.u32 @!p0 s5, $0x11;
	s7 =	sadd.s32 @!p0 $0x11B8D, s7;
	_ =	swait.eq @!p0 [sflag:s6], $0x1  }
0xb2: {  	s5 =	sor.u32 @!p0 s5, s7;
	[sflag:s6] =	ssyncadd.s32 @!p0 $0xFFFFFFFF  }
0xb3: {  	s25 =	simm.s32 $0x1B8E;
	s24 =	sld [smem:$0x3FFE];
	[sflag:s5] =	ssyncadd.remote.s32 @!p0 $0x1  }
0xb4: {  	s26 =	simm.s32 $execute0_lowered;
	[smem:$0x3FD2] =	sst s25  }
0xb5: {  	s6 =	sshll.u32 s26, $0x1;
	_ =	strace $0x80000058;
	[dreg:$0x1] =	wrdreg $0xFFFFFFFF  }
0xb6: {  	s28 =	simm.s32 $_size_execute0_lowered;
	s4 =	sadd.s32 s4, s6;
	[dreg:$0x0] =	wrdreg $0x0  }
0xb7: {  	s6 =	sshll.u32 s28, $0x1;
	[dreg:$0x2] =	wrdreg s4  }
0xb8: {  	[dreg:$0x3] =	wrdreg s6  }
0xb9: {  	[dreg:$0x4] =	wrdreg $0xC0  }
0xba: {  	_ =	task [dreg:s22], $0x5FFFF  }
0xbb: {  	[dreg:$0x1] =	wrdreg $0xFFFFFFFF  }
0xbc: {  	[dreg:$0x0] =	wrdreg $0x60  }
0xbd: {  	[dreg:$0x2] =	wrdreg s24  }
0xbe: {  	[dreg:$0x3] =	wrdreg s18  }
0xbf: {  	[dreg:$0x4] =	wrdreg $0xF  }
0xc0: {  	_ =	task.clear_ibuf [dreg:s22], $0x5FFFF;
	_ =	strace $0x90000058  }
0xc1: {  	s29 =	simm.s32 $0xF;
	_ =	strace $0x8000005A  }
0xc2: {  	_ =	swait.ge [sflag:s29], $0x1  }
0xc3: {  	[sflag:s29] =	ssyncadd.s32 $0xFFFFFFFF  }
0xc4: {  	_ =	strace $0x9000005A  }
0xc5: {  	_ =	sfence  }
0xc6: {  	s30 =	sld [smem:$0x0];
	_ =	sdelay $0x2  }
0xc7: {  	s31 =	sshll.u32 s1, $0xD;
	s1 =	sshrl.u32 s1, $0x2  }
0xc8: {  	s4 =	sand.u32 $0x4000, s31;
	s1 =	sadd.s32 s1, s30  }
0xc9: {  	s0 =	sor.u32 s4, s0;
	s1 =	sshll.u32 s1, $0x11  }
0xca: {  	s0 =	sor.u32 s1, s0  }
0xcb: {  	s0 =	sadd.s32 $0x8F2B, s0  }
0xcc: {  	[sflag:s0] =	ssyncadd.remote.s32 $0x1  }
0xcd: {  	_ =	sfence.sel $0xFFFF  }
0xce: {  	[dreg:$0x0] =	wrdreg $0xFFFFFFFF;
	(pc) =	sbr.abs _section_cstart, $3  }
0xcf: {  	[dreg:$0x1] =	wrdreg $0xFFFFFFFF  }
0xd0: {  	_ =	task.clear_ibuf [dreg:s22], $0x2FFFF;
	_ =	strace $0x9FFFFFFF  }
0xd1: {  	(tm) =	ssettm $0x7FFFFFFF  }
tec
execute0_lowered:
.L_overlay_start_1:
0x0: {  	(tag) =	ssettag $0x1  }
0x1: {  	s4 =	rddreg [dreg:$0x0]  }
0x2: {  	s2 =	rddreg [dreg:$0x1]  }
0x3: {  	s0 =	rddreg [dreg:$0x2];
	s5 =	srdreg.scid  }
0x4: {  	s1 =	stileid.u32;
	s3 =	simm.s32 $0x0;
	s13 =	simm.s32 $0x1  }
0x5: {  	s14 =	simm.s32 $0x2;
	s15 =	simm.s32 $0x0;
	s9 =	smul.u32 $0xC8000, s1  }
0x6: {  	s5 =	sand.u32 $0x1, s5;
	s6 =	sshll.u32 s1, $0x1;
	s12 =	smul.u32 $0x19000, s1  }
0x7: {  	[smem:$0x7FF] =	sst s3;
	s10 =	sadd.s32 $0x982400, s4;
	s11 =	smul.u32 $0x64000, s5  }
0x8: {  	s6 =	sor.u32 s5, s6;
	_ =	strace $0x80000059;
	s28 =	smul.u32 $0xC800, s5  }
0x9: {  	s8 =	ssub.s32 $0x2, s5;
	s7 =	sshll.u32 s6, $0x9;
	s6 =	smul.u32 $0x64000, s6  }
0xa: {  	s26 =	sshrl.u32 s8, $0x1;
	s29 =	sadd.s32 s12, s10;
	s12 =	simm.s32 $0x5000  }
0xb: {  	s7 =	sadd.s32 s7, s4;
	s8 =	ssub.s32 s8, s26;
	s9 =	sadd.s32 s11, s9  }
0xc: {  	s31 =	sadd.s32 s28, s29;
	s11 =	simm.s32 $0x1000;
	s6 =	sshrl.u32 s6, $0x3  }
0xd: {  	s4 =	sadd.s32 $0x1AA400, s7;
	s30 =	sshrl.u32 s9, $0x3;
	s9 =	simm.s32 $0x3  }
0xe: {  	s6 =	sadd.s32 s10, s6;
	s7 =	sadd.s32 s30, s10;
	s10 =	simm.s32 $0x80  }
0xf: {  	s5 =	sadd.s32 $0xC000, s6;
	s6 =	smax.u32 s8, $0x1;
	s8 =	sadd.s32 $0x800, s31  }
.LBB2_1:
0x10: {  	[tilespmem:s3], [sflag:$0x3] =	stream.linear.gather [hbm4b:s4+s3], $0xC80, $0x38;
	[tilespmem:$0x9000] =	vst v63  }
0x11: {  	_ =	swait.ge [sflag:s9], $0xC80  }
0x12: {  	[sflag:s9] =	ssyncset.done $0x0  }
0x13: {  	[sflag:s9] =	ssyncadd.s32 $0xFFFFF380  }
0x14: {  	[tilespmem:s11], [sflag:$0x1] =	stream.indirect.gather [hbm4b:s2+s10], $0x80, s3, s10, $0xb8;
	[tilespmem:$0x9000] =	vst v63  }
0x15: {  	s16 =	simm.s32 $0x80  }
0x16: {  	[tilespmem:s12], [sflag:$0x2] =	stream.indirect.gather [hbm4b:s2+s10], $0x80, s16, s10, $0xb8;
	[tilespmem:$0x9000] =	vst v63  }
0x17: {  	_ =	swait.ge [sflag:s13], $0x4000  }
0x18: {  	[sflag:s13] =	ssyncset.done $0x0  }
0x19: {  	s29 =	sadd.s32 $0x0, s7;
	[sflag:s13] =	ssyncadd.s32 $0xFFFFC000  }
0x1a: {  	[hbm4b:s29+s3] =	stream.linear.scatter [tilespmem:s11], [sflag:$0x3], $0x4000, $0x38;
	[tilespmem:$0x9000] =	vst v63  }
0x1b: {  	_ =	swait.ge [sflag:s9], $0x4000  }
0x1c: {  	[sflag:s9] =	ssyncset.done $0x0  }
0x1d: {  	s30 =	simm.s32 $0x100;
	[sflag:s9] =	ssyncadd.s32 $0xFFFFC000  }
0x1e: {  	[tilespmem:s11], [sflag:$0x1] =	stream.indirect.gather [hbm4b:s2+s10], $0x80, s30, s10, $0xb8;
	[tilespmem:$0x9000] =	vst v63  }
0x1f: {  	_ =	swait.ge [sflag:s14], $0x4000  }
0x20: {  	[sflag:s14] =	ssyncset.done $0x0  }
0x21: {  	s31 =	sadd.s32 $0x0, s8;
	[sflag:s14] =	ssyncadd.s32 $0xFFFFC000  }
0x22: {  	[hbm4b:s31+s3] =	stream.linear.scatter [tilespmem:s12], [sflag:$0x3], $0x4000, $0x38;
	[tilespmem:$0x9000] =	vst v63  }
0x23: {  	s18 =	simm.s32 $0x2000;
	_ =	swait.ge [sflag:s9], $0x4000  }
0x24: {  	s17 =	simm.s32 $0x200;
	s16 =	simm.s32 $0x1000;
	[sflag:s9] =	ssyncset.done $0x0  }
.LBB2_2:
0x25: {  	p0 =	sne.s32 s18, $0xB000;
	s19 =	sadd.s32 $0xFFFFFF80, s17;
	[sflag:s9] =	ssyncadd.s32 $0xFFFFC000  }
0x26: {  	[tilespmem:s12], [sflag:$0x2] =	stream.indirect.gather [hbm4b:s2+s10], $0x80, s19, s10, $0xb8;
	[tilespmem:$0x9000] =	vst v63  }
0x27: {  	s19 =	smov.u32 s18;
	s18 =	sadd.s32 $0x1000, s18;
	_ =	swait.ge [sflag:s13], $0x4000  }
0x28: {  	[sflag:s13] =	ssyncset.done $0x0  }
0x29: {  	s20 =	sadd.s32 s16, s7;
	[sflag:s13] =	ssyncadd.s32 $0xFFFFC000  }
0x2a: {  	[hbm4b:s20+s3] =	stream.linear.scatter [tilespmem:s11], [sflag:$0x3], $0x4000, $0x38;
	[tilespmem:$0x9000] =	vst v63  }
0x2b: {  	_ =	swait.ge [sflag:s9], $0x4000  }
0x2c: {  	[sflag:s9] =	ssyncset.done $0x0  }
0x2d: {  	[sflag:s9] =	ssyncadd.s32 $0xFFFFC000  }
0x2e: {  	[tilespmem:s11], [sflag:$0x1] =	stream.indirect.gather [hbm4b:s2+s10], $0x80, s17, s10, $0xb8;
	[tilespmem:$0x9000] =	vst v63  }
0x2f: {  	_ =	swait.ge [sflag:s14], $0x4000  }
.Ltmp0:
0x30: {  	[sflag:s14] =	ssyncset.done $0x0;
	(pc) =	sbr.rel @p0 .LBB2_2-.Ltmp0, $4  }
0x31: {  	s20 =	sadd.s32 s16, s8;
	s16 =	smov.u32 s19;
	[sflag:s14] =	ssyncadd.s32 $0xFFFFC000  }
0x32: {  	[hbm4b:s20+s3] =	stream.linear.scatter [tilespmem:s12], [sflag:$0x3], $0x4000, $0x38;
	[tilespmem:$0x9000] =	vst v63  }
0x33: {  	_ =	swait.ge [sflag:s9], $0x4000  }
0x34: {  	s17 =	sadd.s32 $0x100, s17;
	[sflag:s9] =	ssyncset.done $0x0  }
0x35: {  	s18 =	sadd.s32 $0xFFFFFF80, s17;
	[sflag:s9] =	ssyncadd.s32 $0xFFFFC000  }
0x36: {  	[tilespmem:s12], [sflag:$0x2] =	stream.indirect.gather [hbm4b:s2+s10], $0x80, s18, s10, $0xb8;
	[tilespmem:$0x9000] =	vst v63  }
0x37: {  	_ =	swait.ge [sflag:s13], $0x4000  }
0x38: {  	[sflag:s13] =	ssyncset.done $0x0  }
0x39: {  	s30 =	sadd.s32 s16, s7;
	[sflag:s13] =	ssyncadd.s32 $0xFFFFC000  }
0x3a: {  	[hbm4b:s30+s3] =	stream.linear.scatter [tilespmem:s11], [sflag:$0x3], $0x4000, $0x38;
	[tilespmem:$0x9000] =	vst v63  }
0x3b: {  	_ =	swait.ge [sflag:s9], $0x4000  }
0x3c: {  	[sflag:s9] =	ssyncset.done $0x0  }
0x3d: {  	[sflag:s9] =	ssyncadd.s32 $0xFFFFC000  }
0x3e: {  	[tilespmem:s11], [sflag:$0x1] =	stream.indirect.gather [hbm4b:s2+s10], $0x80, s17, s10, $0xb8;
	[tilespmem:$0x9000] =	vst v63  }
0x3f: {  	_ =	swait.ge [sflag:s14], $0x4000  }
0x40: {  	[sflag:s14] =	ssyncset.done $0x0  }
0x41: {  	s31 =	sadd.s32 s16, s8;
	[sflag:s14] =	ssyncadd.s32 $0xFFFFC000  }
0x42: {  	[hbm4b:s31+s3] =	stream.linear.scatter [tilespmem:s12], [sflag:$0x3], $0x4000, $0x38;
	[tilespmem:$0x9000] =	vst v63  }
0x43: {  	_ =	swait.ge [sflag:s9], $0x4000  }
0x44: {  	[sflag:s9] =	ssyncset.done $0x0  }
0x45: {  	[sflag:s9] =	ssyncadd.s32 $0xFFFFC000  }
0x46: {  	s15 =	sadd.s32 $0x1, s15;
	_ =	swait.ge [sflag:s13], $0x4000  }
0x47: {  	p0 =	sne.s32 s15, s6;
	[sflag:s13] =	ssyncset.done $0x0  }
.Ltmp1:
0x48: {  	[sflag:s13] =	ssyncadd.s32 $0xFFFFC000;
	(pc) =	sbr.rel @p0 .LBB2_1-.Ltmp1, $4  }
0x49: {  	[hbm4b:s5+s3] =	stream.linear.scatter [tilespmem:s11], [sflag:$0x3], $0x4000, $0x38;
	[tilespmem:$0x9000] =	vst v63  }
0x4a: {  	_ =	swait.ge [sflag:s9], $0x4000  }
0x4b: {  	[sflag:s9] =	ssyncset.done $0x0  }
0x4c: {  	[sflag:s9] =	ssyncadd.s32 $0xFFFFC000  }
0x4d: {  	_ =	sfence.sel $0x180000  }
0x4e: {  	[bflag:$0x0] =	sbarrier.arrive $0xFFFF  }
0x4f: {  	p0 =	sne.s32 s1, $0x0;
	_ =	strace $0x90000059  }
0x50: {  	s0 =	sadd.s32 @!p0 $0x100000, s0;
	[bflag:$0x2] =	sbarrier.arrive $0xFFFF  }
0x51: {  	[sflag:s0] =	ssyncadd.tile.s32 @!p0 $0x1;
	_ =	shalt  }
.Lfunc_end2:
_tile_overlayer_lowered:
.L_overlay_start_2:
0x52: {  	(tag) =	ssettag $0x2  }
0x53: {  	s0 =	rddreg [dreg:$0x0];
	s2 =	stileid.u32  }
0x54: {  	s1 =	rddreg [dreg:$0x1];
	p0 =	sne.s32 s2, $0x0  }
0x55: {  	s3 =	rddreg [dreg:$0x2];
	[bflag:$0x3] =	sbarrier.arrive $0xFFFF;
	s2 =	simm.s32 @!p0 $0x1C03  }
0x56: {  	[timem:s3], [sflag:s2] =	dma.local @!p0 [hbm:s0], s1  }
0x57: {  	s0 =	simm.s32 @!p0 $0x3  }
0x58: {  	_ =	swait.ge @!p0 [sflag:s0], s1  }
0x59: {  	s1 =	ssub.s32 @!p0 $0x0, s1;
	[sflag:s0] =	ssyncset.done @!p0 $0x0  }
0x5a: {  	[sflag:s0] =	ssyncadd.s32 @!p0 s1  }
0x5b: {  	[bflag:$0x3] =	sbarrier.arrive $0xFFFF  }
0x5c: {  	_ =	shalt  }

// kernel: kernel.39.cloned.1.call-start
scs
__scs_entry_jumppad:
0x0: {  	(pc) =	sbr.rel $0x88, $3  }
0x1: {  	(tag) =	ssettag $0x0;
	lr =	simm.s32 $0x1  }
0x2: {  	[smem:$0x3F9F] =	sst lr;
	_ =	strace $0xD0000000  }
0x3: {  	_ = 	snop  }
0x4: {  	_ = 	snop  }
0x5: {  	_ = 	snop  }
0x6: {  	_ = 	snop  }
0x7: {  	_ = 	snop  }
__scs_overlays_trampoline_lowered:
0x8: {  	[smem:$0x3FAE] =	sst s0  }
0x9: {  	[smem:$0x3FAF] =	sst s1  }
0xa: {  	[smem:$0x3FB0] =	sst s2  }
0xb: {  	[smem:$0x3FB1] =	sst s3  }
0xc: {  	[smem:$0x3FB2] =	sst s4  }
0xd: {  	[smem:$0x3FB3] =	sst s5  }
0xe: {  	[smem:$0x3FB4] =	sst s6  }
0xf: {  	[smem:$0x3FB5] =	sst s7  }
0x10: {  	[smem:$0x3FB6] =	sst s8  }
0x11: {  	[smem:$0x3FB7] =	sst s9;
	s0 =	simm.s32 @!p0 $0x0  }
0x12: {  	s1 =	sld [smem:$0x3F9D];
	s0 =	simm.s32 @p0 $0x1  }
0x13: {  	[smem:$0x3FB8] =	sst s0;
	s0 =	simm.s32 @!p1 $0x0  }
0x14: {  	s2 =	sld [smem:$0x3F9C];
	s0 =	simm.s32 @p1 $0x1  }
0x15: {  	[smem:$0x3FB9] =	sst s0;
	s0 =	simm.s32 @!p2 $0x0  }
0x16: {  	s3 =	sld [smem:$0x3FDB];
	s0 =	simm.s32 @p2 $0x1  }
0x17: {  	s4 =	simm.s32 $0x1BF5;
	[smem:$0x3FBB] =	sst s0  }
0x18: {  	s0 =	sld [smem:$0x3F9E];
	_ =	swait.ge [sflag:s4], $0x0  }
0x19: {  	s7 =	sld [smem:$0x3F9F]  }
0x1a: {  	s8 =	sadd.s32 $0xFFFFE003, lr  }
0x1b: {  	s9 =	sadd.s32 $0xFFFFFEF7, lr;
	s5 =	simm.s32 $0xFFFFFFFF;
	p2 =	slt.u32 s8, $0xFFFFF086  }
0x1c: {  	p1 =	slt.u32 s9, $0xF7A;
	s5 =	simm.s32 @!p2 $0x0  }
0x1d: {  	s5 =	simm.s32 @p1 $0x1;
	p0 =	seq.s32 s7, s2  }
0x1e: {  	s7 =	smul.u32 @!p0 $0xF7A, s2;
	p2 =	seq.s32 @!p0 s5, $0x0  }
0x1f: {  	s9 =	smul.u32 $0xF7A, s1;
	s8 =	simm.s32 @!p0 $0x1BF5;
	p2 =	por !p2, p0  }
0x20: {  	[sflag:s8] =	ssyncset.s32 @!p0 $0xFFFFF086;
	s6 =	sadd.s32 @!p0 s3, s7;
	s7 =	simm.s32 @!p0 $0x108  }
0x21: {  	s3 =	sadd.s32 s3, s9;
	s6 =	sadd.s32 @!p0 $0x88, s6;
	s7 =	simm.s32 @p2 $0x1082  }
0x22: {  	[simem:s7], [sflag:s8] =	dma.local @!p0 [hbm:s6], $0xF7A  }
0x23: {  	s9 =	sor.u32 $0xD0000000, s2;
	s6 =	simm.s32 $0x108;
	_ =	swait.ge @!p0 [sflag:s8], $0x0  }
0x24: {  	s3 =	sadd.s32 $0x88, s3;
	s6 =	simm.s32 @!p1 $0x1082;
	[sflag:s4] =	ssyncset.s32 $0xFFFFF086  }
0x25: {  	[simem:s6], [sflag:s4] =	dma.local [hbm:s3], $0xF7A  }
0x26: {  	[smem:$0x3F9F] =	sst s1;
	(tag) =	ssettag s2;
	_ =	strace s9  }
0x27: {  	s1 =	sld [smem:$0x3FAF]  }
0x28: {  	s2 =	sld [smem:$0x3FB0]  }
0x29: {  	s4 =	sld [smem:$0x3FB2]  }
0x2a: {  	p0 =	seq.s32 s5, $0x0;
	s5 =	sld [smem:$0x3FB3]  }
0x2b: {  	s6 =	sld [smem:$0x3FB4]  }
0x2c: {  	s7 =	sld [smem:$0x3FB5]  }
0x2d: {  	s3 =	simm.s32 $0x108;
	s8 =	sld [smem:$0x3FB6]  }
0x2e: {  	s3 =	simm.s32 @!p0 $0x1082;
	s9 =	sld [smem:$0x3FB7]  }
0x2f: {  	lr =	sadd.s32 s0, s3;
	s0 =	sld [smem:$0x3FAE]  }
0x30: {  	s3 =	sld [smem:$0x3FB1]  }
0x31: {  	[smem:$0x3FBA] =	sst s10  }
0x32: {  	s10 =	sld [smem:$0x3FB8];
	_ =	sdelay $0x3  }
0x33: {  	p0 =	seq.s32 s10, $0x1;
	s10 =	sld [smem:$0x3FBA];
	_ =	sdelay $0x3  }
0x34: {  	[smem:$0x3FBA] =	sst s10  }
0x35: {  	s10 =	sld [smem:$0x3FB9];
	_ =	sdelay $0x3  }
0x36: {  	p1 =	seq.s32 s10, $0x1;
	s10 =	sld [smem:$0x3FBA];
	_ =	sdelay $0x3  }
0x37: {  	[smem:$0x3FBA] =	sst s10  }
0x38: {  	s10 =	sld [smem:$0x3FBB]  }
0x39: {  	_ = 	snop;
	(pc) =	sbr.ind lr, $3  }
0x3a: {  	_ = 	snop  }
0x3b: {  	_ = 	snop  }
0x3c: {  	p2 =	seq.s32 s10, $0x1;
	s10 =	sld [smem:$0x3FBA]  }
0x3d: {  	_ =	shalt  }
0x3e: {  	_ =	shalt  }
0x3f: {  	_ =	shalt  }
0x40: {  	_ =	shalt  }
0x41: {  	_ =	shalt  }
0x42: {  	_ =	shalt  }
0x43: {  	_ =	shalt  }
0x44: {  	_ =	shalt  }
0x45: {  	_ =	shalt  }
0x46: {  	_ =	shalt  }
0x47: {  	_ =	shalt  }
0x48: {  	_ =	shalt  }
0x49: {  	_ =	shalt  }
0x4a: {  	_ =	shalt  }
0x4b: {  	_ =	shalt  }
0x4c: {  	_ =	shalt  }
0x4d: {  	_ =	shalt  }
0x4e: {  	_ =	shalt  }
0x4f: {  	_ =	shalt  }
0x50: {  	_ =	shalt  }
0x51: {  	_ =	shalt  }
0x52: {  	_ =	shalt  }
0x53: {  	_ =	shalt  }
0x54: {  	_ =	shalt  }
0x55: {  	_ =	shalt  }
0x56: {  	_ =	shalt  }
0x57: {  	_ =	shalt  }
0x58: {  	_ =	shalt  }
0x59: {  	_ =	shalt  }
0x5a: {  	_ =	shalt  }
0x5b: {  	_ =	shalt  }
0x5c: {  	_ =	shalt  }
0x5d: {  	_ =	shalt  }
0x5e: {  	_ =	shalt  }
0x5f: {  	_ =	shalt  }
0x60: {  	_ =	shalt  }
0x61: {  	_ =	shalt  }
0x62: {  	_ =	shalt  }
0x63: {  	_ =	shalt  }
0x64: {  	_ =	shalt  }
0x65: {  	_ =	shalt  }
0x66: {  	_ =	shalt  }
0x67: {  	_ =	shalt  }
0x68: {  	_ =	shalt  }
0x69: {  	_ =	shalt  }
0x6a: {  	_ =	shalt  }
0x6b: {  	_ =	shalt  }
0x6c: {  	_ =	shalt  }
0x6d: {  	_ =	shalt  }
0x6e: {  	_ =	shalt  }
0x6f: {  	_ =	shalt  }
0x70: {  	_ =	shalt  }
0x71: {  	_ =	shalt  }
0x72: {  	_ =	shalt  }
0x73: {  	_ =	shalt  }
0x74: {  	_ =	shalt  }
0x75: {  	_ =	shalt  }
0x76: {  	_ =	shalt  }
0x77: {  	_ =	shalt  }
0x78: {  	_ =	shalt  }
0x79: {  	_ =	shalt  }
0x7a: {  	_ =	shalt  }
0x7b: {  	_ =	shalt  }
0x7c: {  	_ =	shalt  }
0x7d: {  	_ =	shalt  }
0x7e: {  	_ =	shalt  }
0x7f: {  	_ =	shalt  }
0x80: {  	_ =	shalt  }
0x81: {  	_ =	shalt  }
0x82: {  	_ =	shalt  }
0x83: {  	_ =	shalt  }
0x84: {  	_ =	shalt  }
0x85: {  	_ =	shalt  }
0x86: {  	_ =	shalt  }
0x87: {  	_ =	shalt  }
.Lfunc_end0:
.L_simem_size_0:
called_computation.7_lowered:
.L_overlay_start_0:
0x88: {  	s2 =	sld [smem:$0x3FD9]  }
0x89: {  	s3 =	sld [smem:$0x3FFE];
	_ =	sdelay $0x1  }
0x8a: {  	s1 =	srdreg.scid  }
0x8b: {  	s0 =	sand.u32 $0x1, s1  }
0x8c: {  	s17 =	sshll.u32 s0, $0xA;
	s2 =	sadd.s32 s3, s2  }
0x8d: {  	s2 =	sadd.s32 s2, s17  }
0x8e: {  	[smem:$0x3FC6] =	sst s2  }
0x8f: {  	_ = 	snop  }
0x90: {  	s18 =	sld [smem:$0x3FC8]  }
0x91: {  	s4 =	sld [smem:$0x3FD0];
	(tm) =	ssettm $0x1  }
0x92: {  	s19 =	sld [smem:$0x3FFB];
	_ =	sdelay $0x3  }
0x93: {  	_ =	strace s19  }
0x94: {  	s2 =	sld [smem:$0x3FFC];
	_ =	sdelay $0x3  }
0x95: {  	_ =	strace s2  }
0x96: {  	s2 =	sld [smem:$0x3FFD];
	_ =	sdelay $0x3  }
0x97: {  	_ =	strace s2  }
0x98: {  	_ =	strace $0x8FFFFFFF  }
0x99: {  	s20 =	sld [smem:$0x3FDB];
	_ =	sdelay $0x1  }
0x9a: {  	s5 =	simm.s32 $_scs_section_size  }
0x9b: {  	s6 =	simm.s32 $_size__tile_overlayer_lowered;
	s7 =	simm.s32 $_tile_overlayer_lowered  }
0x9c: {  	s8 =	simm.s32 $0x1BFF;
	s21 =	sshll.u32 s7, $0x1;
	s5 =	sadd.s32 s5, s20  }
0x9d: {  	s22 =	simm.s32 $0x0;
	s6 =	sshll.u32 s6, $0x1;
	s7 =	sadd.s32 s21, s5  }
0x9e: {  	[timem:s22], [sflag:s8] =	dma.local [hbm:s7], s6  }
0x9f: {  	_ =	swait.ge [sflag:s8], s6  }
0xa0: {  	s6 =	ssub.s32 $0x0, s6;
	[sflag:s8] =	ssyncset.done $0x0  }
0xa1: {  	[sflag:s8] =	ssyncadd.s32 s6;
	_ =	sdelay $0x1  }
0xa2: {  	s23 =	simm.s32 $0x1B8B  }
0xa3: {  	_ =	swait.ge [sflag:s23], $0x1  }
0xa4: {  	[sflag:s23] =	ssyncset.done $0x0  }
0xa5: {  	[sflag:s23] =	ssyncadd.s32 $0xFFFFFFFF  }
0xa6: {  	s6 =	sld [smem:$0x0]  }
0xa7: {  	s7 =	sand.u32 $0xFFFFFFFE, s1  }
0xa8: {  	p0 =	sne.s32 s1, s7  }
0xa9: {  	s7 =	sshll.u32 @p0 s7, $0xE  }
0xaa: {  	s7 =	sadd.s32 @p0 $0x11B8D, s7;
	s8 =	sshll.u32 @p0 s6, $0x11  }
0xab: {  	s7 =	sor.u32 @p0 s8, s7  }
0xac: {  	[sflag:s7] =	ssyncadd.remote.s32 @p0 $0x1;
	_ =	sdelay $0x1  }
0xad: {  	s7 =	simm.s32 @p0 $0x1B8D  }
0xae: {  	_ =	swait.eq @p0 [sflag:s7], $0x1  }
0xaf: {  	[sflag:s7] =	ssyncadd.s32 @p0 $0xFFFFFFFF  }
0xb0: {  	s8 =	sshll.u32 @!p0 s1, $0xE  }
0xb1: {  	s8 =	sor.u32 @!p0 $0x4000, s8;
	s7 =	simm.s32 @!p0 $0x1B8D  }
0xb2: {  	s6 =	sshll.u32 @!p0 s6, $0x11;
	s8 =	sadd.s32 @!p0 $0x11B8D, s8;
	_ =	swait.eq @!p0 [sflag:s7], $0x1  }
0xb3: {  	s6 =	sor.u32 @!p0 s6, s8;
	[sflag:s7] =	ssyncadd.s32 @!p0 $0xFFFFFFFF  }
0xb4: {  	s25 =	simm.s32 $0x1B8E;
	s24 =	sld [smem:$0x3FFE];
	[sflag:s6] =	ssyncadd.remote.s32 @!p0 $0x1  }
0xb5: {  	s26 =	simm.s32 $execute0_lowered;
	[smem:$0x3FD2] =	sst s25  }
0xb6: {  	s7 =	sshll.u32 s26, $0x1;
	_ =	strace $0x8000005B;
	[dreg:$0x1] =	wrdreg $0xFFFFFFFF  }
0xb7: {  	s28 =	simm.s32 $_size_execute0_lowered;
	s5 =	sadd.s32 s5, s7;
	[dreg:$0x0] =	wrdreg $0x0  }
0xb8: {  	s7 =	sshll.u32 s28, $0x1;
	[dreg:$0x2] =	wrdreg s5  }
0xb9: {  	[dreg:$0x3] =	wrdreg s7  }
0xba: {  	[dreg:$0x4] =	wrdreg $0xC0  }
0xbb: {  	_ =	task [dreg:s22], $0x5FFFF  }
0xbc: {  	[dreg:$0x1] =	wrdreg $0xFFFFFFFF  }
0xbd: {  	[dreg:$0x0] =	wrdreg $0x60  }
0xbe: {  	[dreg:$0x2] =	wrdreg s24  }
0xbf: {  	[dreg:$0x3] =	wrdreg s18  }
0xc0: {  	[dreg:$0x4] =	wrdreg s4  }
0xc1: {  	[dreg:$0x5] =	wrdreg $0x10  }
0xc2: {  	_ =	task.clear_ibuf [dreg:s22], $0x6FFFF;
	_ =	strace $0x9000005B  }
0xc3: {  	s29 =	simm.s32 $0x10;
	_ =	strace $0x8000005D  }
0xc4: {  	_ =	swait.ge [sflag:s29], $0x1  }
0xc5: {  	[sflag:s29] =	ssyncadd.s32 $0xFFFFFFFF  }
0xc6: {  	_ =	strace $0x9000005D  }
0xc7: {  	_ =	sfence  }
0xc8: {  	s30 =	sld [smem:$0x0];
	_ =	sdelay $0x2  }
0xc9: {  	s31 =	sshll.u32 s1, $0xD;
	s1 =	sshrl.u32 s1, $0x2  }
0xca: {  	s4 =	sand.u32 $0x4000, s31;
	s1 =	sadd.s32 s1, s30  }
0xcb: {  	s0 =	sor.u32 s4, s0;
	s1 =	sshll.u32 s1, $0x11  }
0xcc: {  	s0 =	sor.u32 s1, s0  }
0xcd: {  	s0 =	sadd.s32 $0x8F2B, s0  }
0xce: {  	[sflag:s0] =	ssyncadd.remote.s32 $0x1  }
0xcf: {  	_ =	sfence.sel $0xFFFF  }
0xd0: {  	[dreg:$0x0] =	wrdreg $0xFFFFFFFF;
	(pc) =	sbr.abs _section_cstart, $3  }
0xd1: {  	[dreg:$0x1] =	wrdreg $0xFFFFFFFF  }
0xd2: {  	_ =	task.clear_ibuf [dreg:s22], $0x2FFFF;
	_ =	strace $0x9FFFFFFF  }
0xd3: {  	(tm) =	ssettm $0x7FFFFFFF  }
tec
execute0_lowered:
.L_overlay_start_1:
0x0: {  	(tag) =	ssettag $0x1  }
0x1: {  	s4 =	rddreg [dreg:$0x0]  }
0x2: {  	s2 =	rddreg [dreg:$0x1]  }
0x3: {  	s7 =	rddreg [dreg:$0x2]  }
0x4: {  	s0 =	rddreg [dreg:$0x3]  }
0x5: {  	s5 =	srdreg.scid;
	s1 =	stileid.u32;
	s3 =	simm.s32 $0x0  }
0x6: {  	s13 =	simm.s32 $0x1;
	s14 =	simm.s32 $0x2;
	s15 =	simm.s32 $0x0  }
0x7: {  	s5 =	sand.u32 $0x1, s5;
	s6 =	sshll.u32 s1, $0x1;
	s10 =	smul.u32 $0xC8000, s1  }
0x8: {  	[smem:$0x7FF] =	sst s3;
	s30 =	smul.u32 $0x19000, s1;
	s6 =	sor.u32 s5, s6  }
0x9: {  	_ =	strace $0x8000005C;
	s9 =	ssub.s32 $0x2, s5;
	s11 =	smul.u32 $0x64000, s5  }
0xa: {  	s8 =	smul.u32 $0x64000, s6;
	s6 =	sshll.u32 s6, $0x9;
	s29 =	sshrl.u32 s9, $0x1  }
0xb: {  	s12 =	smul.u32 $0xC800, s5;
	s4 =	sadd.s32 s6, s4;
	s6 =	ssub.s32 s9, s29  }
0xc: {  	s31 =	sadd.s32 s11, s10;
	s9 =	sadd.s32 s30, s7;
	s10 =	simm.s32 $0x80  }
0xd: {  	s11 =	simm.s32 $0x1000;
	s8 =	sshrl.u32 s8, $0x3;
	s4 =	sadd.s32 $0x1AE400, s4  }
0xe: {  	s6 =	smax.u32 s6, $0x1;
	s9 =	sadd.s32 s12, s9;
	s8 =	sadd.s32 s7, s8  }
0xf: {  	s12 =	simm.s32 $0x5000;
	s5 =	sadd.s32 $0xC000, s8;
	s8 =	sshrl.u32 s31, $0x3  }
0x10: {  	s7 =	sadd.s32 s8, s7;
	s8 =	sadd.s32 $0x800, s9;
	s9 =	simm.s32 $0x3  }
.LBB2_1:
0x11: {  	[tilespmem:s3], [sflag:$0x3] =	stream.linear.gather [hbm4b:s4+s3], $0xC80, $0x38;
	[tilespmem:$0x9000] =	vst v63  }
0x12: {  	_ =	swait.ge [sflag:s9], $0xC80  }
0x13: {  	[sflag:s9] =	ssyncset.done $0x0  }
0x14: {  	[sflag:s9] =	ssyncadd.s32 $0xFFFFF380  }
0x15: {  	[tilespmem:s11], [sflag:$0x1] =	stream.indirect.gather [hbm4b:s2+s10], $0x80, s3, s10, $0xb8;
	[tilespmem:$0x9000] =	vst v63  }
0x16: {  	s16 =	simm.s32 $0x80  }
0x17: {  	[tilespmem:s12], [sflag:$0x2] =	stream.indirect.gather [hbm4b:s2+s10], $0x80, s16, s10, $0xb8;
	[tilespmem:$0x9000] =	vst v63  }
0x18: {  	_ =	swait.ge [sflag:s13], $0x4000  }
0x19: {  	[sflag:s13] =	ssyncset.done $0x0  }
0x1a: {  	s29 =	sadd.s32 $0x0, s7;
	[sflag:s13] =	ssyncadd.s32 $0xFFFFC000  }
0x1b: {  	[hbm4b:s29+s3] =	stream.linear.scatter [tilespmem:s11], [sflag:$0x3], $0x4000, $0x38;
	[tilespmem:$0x9000] =	vst v63  }
0x1c: {  	_ =	swait.ge [sflag:s9], $0x4000  }
0x1d: {  	[sflag:s9] =	ssyncset.done $0x0  }
0x1e: {  	s30 =	simm.s32 $0x100;
	[sflag:s9] =	ssyncadd.s32 $0xFFFFC000  }
0x1f: {  	[tilespmem:s11], [sflag:$0x1] =	stream.indirect.gather [hbm4b:s2+s10], $0x80, s30, s10, $0xb8;
	[tilespmem:$0x9000] =	vst v63  }
0x20: {  	_ =	swait.ge [sflag:s14], $0x4000  }
0x21: {  	[sflag:s14] =	ssyncset.done $0x0  }
0x22: {  	s31 =	sadd.s32 $0x0, s8;
	[sflag:s14] =	ssyncadd.s32 $0xFFFFC000  }
0x23: {  	[hbm4b:s31+s3] =	stream.linear.scatter [tilespmem:s12], [sflag:$0x3], $0x4000, $0x38;
	[tilespmem:$0x9000] =	vst v63  }
0x24: {  	s18 =	simm.s32 $0x2000;
	_ =	swait.ge [sflag:s9], $0x4000  }
0x25: {  	s17 =	simm.s32 $0x200;
	s16 =	simm.s32 $0x1000;
	[sflag:s9] =	ssyncset.done $0x0  }
.LBB2_2:
0x26: {  	p0 =	sne.s32 s18, $0xB000;
	s19 =	sadd.s32 $0xFFFFFF80, s17;
	[sflag:s9] =	ssyncadd.s32 $0xFFFFC000  }
0x27: {  	[tilespmem:s12], [sflag:$0x2] =	stream.indirect.gather [hbm4b:s2+s10], $0x80, s19, s10, $0xb8;
	[tilespmem:$0x9000] =	vst v63  }
0x28: {  	s19 =	smov.u32 s18;
	s18 =	sadd.s32 $0x1000, s18;
	_ =	swait.ge [sflag:s13], $0x4000  }
0x29: {  	[sflag:s13] =	ssyncset.done $0x0  }
0x2a: {  	s20 =	sadd.s32 s16, s7;
	[sflag:s13] =	ssyncadd.s32 $0xFFFFC000  }
0x2b: {  	[hbm4b:s20+s3] =	stream.linear.scatter [tilespmem:s11], [sflag:$0x3], $0x4000, $0x38;
	[tilespmem:$0x9000] =	vst v63  }
0x2c: {  	_ =	swait.ge [sflag:s9], $0x4000  }
0x2d: {  	[sflag:s9] =	ssyncset.done $0x0  }
0x2e: {  	[sflag:s9] =	ssyncadd.s32 $0xFFFFC000  }
0x2f: {  	[tilespmem:s11], [sflag:$0x1] =	stream.indirect.gather [hbm4b:s2+s10], $0x80, s17, s10, $0xb8;
	[tilespmem:$0x9000] =	vst v63  }
0x30: {  	_ =	swait.ge [sflag:s14], $0x4000  }
.Ltmp0:
0x31: {  	[sflag:s14] =	ssyncset.done $0x0;
	(pc) =	sbr.rel @p0 .LBB2_2-.Ltmp0, $4  }
0x32: {  	s20 =	sadd.s32 s16, s8;
	s16 =	smov.u32 s19;
	[sflag:s14] =	ssyncadd.s32 $0xFFFFC000  }
0x33: {  	[hbm4b:s20+s3] =	stream.linear.scatter [tilespmem:s12], [sflag:$0x3], $0x4000, $0x38;
	[tilespmem:$0x9000] =	vst v63  }
0x34: {  	_ =	swait.ge [sflag:s9], $0x4000  }
0x35: {  	s17 =	sadd.s32 $0x100, s17;
	[sflag:s9] =	ssyncset.done $0x0  }
0x36: {  	s18 =	sadd.s32 $0xFFFFFF80, s17;
	[sflag:s9] =	ssyncadd.s32 $0xFFFFC000  }
0x37: {  	[tilespmem:s12], [sflag:$0x2] =	stream.indirect.gather [hbm4b:s2+s10], $0x80, s18, s10, $0xb8;
	[tilespmem:$0x9000] =	vst v63  }
0x38: {  	_ =	swait.ge [sflag:s13], $0x4000  }
0x39: {  	[sflag:s13] =	ssyncset.done $0x0  }
0x3a: {  	s30 =	sadd.s32 s16, s7;
	[sflag:s13] =	ssyncadd.s32 $0xFFFFC000  }
0x3b: {  	[hbm4b:s30+s3] =	stream.linear.scatter [tilespmem:s11], [sflag:$0x3], $0x4000, $0x38;
	[tilespmem:$0x9000] =	vst v63  }
0x3c: {  	_ =	swait.ge [sflag:s9], $0x4000  }
0x3d: {  	[sflag:s9] =	ssyncset.done $0x0  }
0x3e: {  	[sflag:s9] =	ssyncadd.s32 $0xFFFFC000  }
0x3f: {  	[tilespmem:s11], [sflag:$0x1] =	stream.indirect.gather [hbm4b:s2+s10], $0x80, s17, s10, $0xb8;
	[tilespmem:$0x9000] =	vst v63  }
0x40: {  	_ =	swait.ge [sflag:s14], $0x4000  }
0x41: {  	[sflag:s14] =	ssyncset.done $0x0  }
0x42: {  	s31 =	sadd.s32 s16, s8;
	[sflag:s14] =	ssyncadd.s32 $0xFFFFC000  }
0x43: {  	[hbm4b:s31+s3] =	stream.linear.scatter [tilespmem:s12], [sflag:$0x3], $0x4000, $0x38;
	[tilespmem:$0x9000] =	vst v63  }
0x44: {  	_ =	swait.ge [sflag:s9], $0x4000  }
0x45: {  	[sflag:s9] =	ssyncset.done $0x0  }
0x46: {  	[sflag:s9] =	ssyncadd.s32 $0xFFFFC000  }
0x47: {  	s15 =	sadd.s32 $0x1, s15;
	_ =	swait.ge [sflag:s13], $0x4000  }
0x48: {  	p0 =	sne.s32 s15, s6;
	[sflag:s13] =	ssyncset.done $0x0  }
.Ltmp1:
0x49: {  	[sflag:s13] =	ssyncadd.s32 $0xFFFFC000;
	(pc) =	sbr.rel @p0 .LBB2_1-.Ltmp1, $4  }
0x4a: {  	[hbm4b:s5+s3] =	stream.linear.scatter [tilespmem:s11], [sflag:$0x3], $0x4000, $0x38;
	[tilespmem:$0x9000] =	vst v63  }
0x4b: {  	_ =	swait.ge [sflag:s9], $0x4000  }
0x4c: {  	[sflag:s9] =	ssyncset.done $0x0  }
0x4d: {  	[sflag:s9] =	ssyncadd.s32 $0xFFFFC000  }
0x4e: {  	_ =	sfence.sel $0x180000  }
0x4f: {  	[bflag:$0x0] =	sbarrier.arrive $0xFFFF  }
0x50: {  	p0 =	sne.s32 s1, $0x0;
	_ =	strace $0x9000005C  }
0x51: {  	s0 =	sadd.s32 @!p0 $0x100000, s0;
	[bflag:$0x2] =	sbarrier.arrive $0xFFFF  }
0x52: {  	[sflag:s0] =	ssyncadd.tile.s32 @!p0 $0x1;
	_ =	shalt  }
.Lfunc_end2:
_tile_overlayer_lowered:
.L_overlay_start_2:
0x53: {  	(tag) =	ssettag $0x2  }
0x54: {  	s0 =	rddreg [dreg:$0x0];
	s2 =	stileid.u32  }
0x55: {  	s1 =	rddreg [dreg:$0x1];
	p0 =	sne.s32 s2, $0x0  }
0x56: {  	s3 =	rddreg [dreg:$0x2];
	[bflag:$0x3] =	sbarrier.arrive $0xFFFF;
	s2 =	simm.s32 @!p0 $0x1C03  }
0x57: {  	[timem:s3], [sflag:s2] =	dma.local @!p0 [hbm:s0], s1  }
0x58: {  	s0 =	simm.s32 @!p0 $0x3  }
0x59: {  	_ =	swait.ge @!p0 [sflag:s0], s1  }
0x5a: {  	s1 =	ssub.s32 @!p0 $0x0, s1;
	[sflag:s0] =	ssyncset.done @!p0 $0x0  }
0x5b: {  	[sflag:s0] =	ssyncadd.s32 @!p0 s1  }
0x5c: {  	[bflag:$0x3] =	sbarrier.arrive $0xFFFF  }
0x5d: {  	_ =	shalt  }

</sc_bundles>
